<compile_context>
chip_gen: v7x
topology: tpu7x:2x2x1
jax: 0.10.2.dev20260603
libtpu: 0.0.44.dev20260713+nightly
codegen_flags: <defaults>
</compile_context>

<pallas_src>
import functools

import jax
import jax.numpy as jnp
from jax import lax
from jax.experimental import pallas as pl
from jax.experimental.pallas import tpu as pltpu
from jax.experimental.pallas import tpu_sc as plsc

NC = 2
NS = 16
LANES = 128


def _chunking(K: int):
    C = 1
    return C, K // C, C * LANES


@functools.lru_cache(maxsize=None)
def _make_seg_sum(K: int, D: int, SEG: int):
    RPT = SEG // NS
    C, KC, CH = _chunking(K)
    NB = max(1, min(8, KC, (256 * 1024) // (CH * D * 4)))
    R_FULL = KC // NB
    REM = KC - R_FULL * NB
    mesh = plsc.VectorSubcoreMesh(
        core_axis_name="c", subcore_axis_name="s", num_cores=NC, num_subcores=NS
    )

    @functools.partial(
        pl.kernel,
        out_type=jax.ShapeDtypeStruct((NC, SEG, D), jnp.float32),
        mesh=mesh,
        compiler_params=pltpu.CompilerParams(use_tc_tiling_on_sc=False),
        scratch_types=[
            pltpu.VMEM((K, LANES), jnp.int32),
            pltpu.VMEM((KC, CH), jnp.int32),
            pltpu.VMEM((NB, C * LANES, D), jnp.float32),
            pltpu.VMEM_SHARED((SEG, D), jnp.float32),
            pltpu.SemaphoreType.DMA((NB,)),
            pltpu.SemaphoreType.DMA((NB,)),
        ],
    )
    def seg_sum(table, src3, dst3, zeros, out, src_v, dst_v, rows_v, acc_sh,
                gsem, ssem):
        cid = lax.axis_index("c")
        sid = lax.axis_index("s")
        pltpu.sync_copy(zeros, acc_sh.at[pl.ds(sid * RPT, RPT)])
        pltpu.sync_copy(src3.at[cid, sid], src_v)
        pltpu.sync_copy(dst3.at[cid, sid], dst_v)
        plsc.subcore_barrier()

        def gather(j, b):
            return pltpu.async_copy(
                table.at[src_v.at[j]], rows_v.at[b], gsem.at[b]
            )

        for b in range(NB):
            gather(b, b)

        def round_body(r, carry):
            base = r * NB
            for b in range(NB):
                pltpu.make_async_copy(
                    table.at[src_v.at[base + b]], rows_v.at[b], gsem.at[b],
                ).wait()
                pltpu.sync_copy(
                    rows_v.at[b], acc_sh.at[dst_v.at[base + b]], add=True
                )
                nxt = base + NB + b

                @pl.when(nxt < KC)
                def _():
                    gather(nxt, b)

            return carry

        lax.fori_loop(0, R_FULL, round_body, 0, unroll=False)

        for b in range(REM):
            j = R_FULL * NB + b
            pltpu.make_async_copy(
                table.at[src_v.at[j]], rows_v.at[b], gsem.at[b]
            ).wait()
            pltpu.sync_copy(
                rows_v.at[b], acc_sh.at[dst_v.at[j]], add=True
            )

        plsc.subcore_barrier()
        pltpu.sync_copy(
            acc_sh.at[pl.ds(sid * RPT, RPT)], out.at[cid, pl.ds(sid * RPT, RPT)]
        )

    return seg_sum


def _pad_indices(idx, count, pad_base, K):
    total = NC * NS * K * LANES
    pad_len = total - count
    fill = pad_base + (jnp.arange(pad_len, dtype=jnp.int32) % LANES)
    idx = jnp.concatenate([idx, fill])
    return idx.reshape(NC, NS, K * LANES)


def _seg_sum_partials(table, src3, dst3, K, SEG):
    D = table.shape[1]
    _, KC, CH = _chunking(K)
    zeros = jnp.zeros((SEG // NS, D), dtype=jnp.float32)
    return _make_seg_sum(K, D, SEG)(
        table, src3.reshape(NC, NS, K, LANES), dst3.reshape(NC, NS, KC, CH), zeros
    )


def _proj_body(x_ref, w_ref, o_ref):
    o_ref[...] = jnp.dot(x_ref[...], w_ref[...], preferred_element_type=jnp.float32)


def _mlp_body(n_rows, h_ref, p_ref, wa_ref, ba_ref, wb_ref, bb_ref, g_ref, bt_ref, o_ref):
    agg = p_ref[0, :n_rows, :] + p_ref[1, :n_rows, :]
    z = jnp.maximum(h_ref[...] + agg + ba_ref[...], 0.0)
    t = jnp.dot(z, wb_ref[...], preferred_element_type=jnp.float32) + bb_ref[...]
    o_ref[...] = jnp.maximum(t * g_ref[...] + bt_ref[...], 0.0)


def _mlp2_pool_head_body(n_rows, n_graphs, h_ref, p_ref, wa_ref, ba_ref,
                         wb_ref, bb_ref, g_ref, bt_ref, batch_ref, w5_ref,
                         b5_ref, o_ref):
    agg = p_ref[0, :n_rows, :] + p_ref[1, :n_rows, :]
    z = jnp.maximum(
        jnp.dot(h_ref[...] + agg, wa_ref[...], preferred_element_type=jnp.float32)
        + ba_ref[...],
        0.0,
    )
    t = jnp.dot(z, wb_ref[...], preferred_element_type=jnp.float32) + bb_ref[...]
    h2 = jnp.maximum(t * g_ref[...] + bt_ref[...], 0.0)
    gid = lax.broadcasted_iota(jnp.int32, (1, n_graphs), 1)
    oneh = (batch_ref[...] == gid).astype(jnp.float32)
    pooled = lax.dot_general(
        oneh, h2, (((0,), (0,)), ((), ())),
        preferred_element_type=jnp.float32,
    )
    o_ref[...] = (
        jnp.dot(pooled, w5_ref[...], preferred_element_type=jnp.float32)
        + b5_ref[...]
    )


def _ceil_to(v, m):
    return -(-v // m) * m


def kernel(x, edge_index, batch, W1, b1, W2, b2, bn1_g, bn1_b,
           W3, b3, W4, b4, bn2_g, bn2_b, W5, b5):
    N, D = x.shape
    E = edge_index.shape[1]
    G = 512

    f32 = jnp.float32
    src = edge_index[0]
    dst = edge_index[1]

    K_e = -(-E // (NC * NS * LANES))
    SEG_n = _ceil_to(N + LANES, NS * 8)
    src3 = _pad_indices(src, E, 0, K_e)
    dst3 = _pad_indices(dst, E, N, K_e)

    s1 = (bn1_g / jnp.sqrt(1.0 + 1e-5)).reshape(1, -1)
    s2 = (bn2_g / jnp.sqrt(1.0 + 1e-5)).reshape(1, -1)
    b1r, b2r = b1.reshape(1, -1), b2.reshape(1, -1)
    b3r, b4r = b3.reshape(1, -1), b4.reshape(1, -1)
    bt1, bt2 = bn1_b.reshape(1, -1), bn2_b.reshape(1, -1)
    b5r = b5.reshape(1, -1)

    H1 = W1.shape[1]
    H2 = W4.shape[1]

    y1 = pl.pallas_call(
        _proj_body, out_shape=jax.ShapeDtypeStruct((N, H1), f32)
    )(x, W1)

    p1 = _seg_sum_partials(y1, src3, dst3, K_e, SEG_n)

    h1 = pl.pallas_call(
        functools.partial(_mlp_body, N), out_shape=jax.ShapeDtypeStruct((N, H1), f32)
    )(y1, p1, W1, b1r, W2, b2r, s1, bt1)

    p2 = _seg_sum_partials(h1, src3, dst3, K_e, SEG_n)

    out = pl.pallas_call(
        functools.partial(_mlp2_pool_head_body, N, G),
        out_shape=jax.ShapeDtypeStruct((G, 1), f32),
    )(h1, p2, W3, b3r, W4, b4r, s2, bt2, batch.reshape(N, 1), W5, b5r)

    return out[:, 0]

# --- scband reference (transcript-rebuilt; emitter-appended) ---
"""Pipeline reference for scband-my-ginregression-43207370998179 (READ-ONLY COPY).

The authoritative reference and input builder live on the scoring server;
editing this copy changes nothing except your own understanding.
"""

import jax, jax.numpy as jnp
import numpy as np

N = 10000
E = 320000
D = 128
G = 512


def setup_inputs(seed: int = 0) -> dict:
    key = jax.random.key(seed)
    ks = jax.random.split(key, 20)
    x = jax.random.normal(ks[0], (N, D), dtype=jnp.float32)
    edge_index = jax.random.randint(ks[1], (2, E), 0, N, dtype=jnp.int32)
    batch = jnp.sort(jax.random.randint(ks[2], (N,), 0, G, dtype=jnp.int32))
    # conv1 MLP: Linear(128->32), ReLU, Linear(32->32), BN(32), ReLU, Dropout(eval=identity)
    W1 = jax.random.normal(ks[3], (D, 32), dtype=jnp.float32) * 0.1
    b1 = jnp.zeros((32,), dtype=jnp.float32)
    W2 = jax.random.normal(ks[4], (32, 32), dtype=jnp.float32) * 0.1
    b2 = jnp.zeros((32,), dtype=jnp.float32)
    bn1_g = jnp.ones((32,), dtype=jnp.float32)
    bn1_b = jnp.zeros((32,), dtype=jnp.float32)
    # conv2 MLP: Linear(32->64), ReLU, Linear(64->64), BN(64), ReLU, Dropout
    W3 = jax.random.normal(ks[5], (32, 64), dtype=jnp.float32) * 0.1
    b3 = jnp.zeros((64,), dtype=jnp.float32)
    W4 = jax.random.normal(ks[6], (64, 64), dtype=jnp.float32) * 0.1
    b4 = jnp.zeros((64,), dtype=jnp.float32)
    bn2_g = jnp.ones((64,), dtype=jnp.float32)
    bn2_b = jnp.zeros((64,), dtype=jnp.float32)
    # final mlp: Linear(64->1)
    W5 = jax.random.normal(ks[7], (64, 1), dtype=jnp.float32) * 0.1
    b5 = jnp.zeros((1,), dtype=jnp.float32)
    return {"x": x, "edge_index": edge_index, "batch": batch,
            "W1": W1, "b1": b1, "W2": W2, "b2": b2, "bn1_g": bn1_g, "bn1_b": bn1_b,
            "W3": W3, "b3": b3, "W4": W4, "b4": b4, "bn2_g": bn2_g, "bn2_b": bn2_b,
            "W5": W5, "b5": b5}


def _gin_conv(h, src, dst, Wa, ba, Wb, bb, g, beta):
    # GINConv with eps=0: out = MLP((1+eps)*x + sum_{j in N(i)} x_j)
    agg = jax.ops.segment_sum(jnp.take(h, src, axis=0), dst, num_segments=N)
    z = h + agg
    z = jnp.maximum(z @ Wa + ba, 0.0)
    z = z @ Wb + bb
    # BatchNorm1d in eval mode with running_mean=0, running_var=1
    z = z * (g / jnp.sqrt(1.0 + 1e-5)) + beta
    z = jnp.maximum(z, 0.0)
    # Dropout(0.5) is identity in eval mode
    return z


def reference(x, edge_index, batch, W1, b1, W2, b2, bn1_g, bn1_b,
              W3, b3, W4, b4, bn2_g, bn2_b, W5, b5):
    src = edge_index[0]
    dst = edge_index[1]
    h = _gin_conv(x, src, dst, W1, b1, W2, b2, bn1_g, bn1_b)
    h = _gin_conv(h, src, dst, W3, b3, W4, b4, bn2_g, bn2_b)
    pooled = jax.ops.segment_sum(h, batch, num_segments=G)
    out = (pooled @ W5 + b5)[:, 0]
    return out

if __name__ == "__main__":
    import jax
    _d = setup_inputs()
    print(jax.jit(kernel)(*tuple(_d.values())))

</pallas_src>

<mosaic_0001>
#map = affine_map<(d0, d1) -> (0, 0)>
#map1 = affine_map<(d0, d1) -> (0, 0, 0, 0)>
#map2 = affine_map<(d0, d1) -> (0, 0, 0)>
module attributes {stable_mosaic.version = 14 : i64} {
  func.func @seg_sum(%arg0: i32, %arg1: i32, %arg2: memref<10000x32xf32, #tpu.memory_space<hbm>>, %arg3: memref<2x16x79x128xi32, #tpu.memory_space<hbm>>, %arg4: memref<2x16x79x128xi32, #tpu.memory_space<hbm>>, %arg5: memref<640x32xf32, #tpu.memory_space<hbm>>, %arg6: memref<2x10240x32xf32, #tpu.memory_space<hbm>>, %arg7: memref<79x128xi32, #tpu.memory_space<vmem>>, %arg8: memref<79x128xi32, #tpu.memory_space<vmem>>, %arg9: memref<8x128x32xf32, #tpu.memory_space<vmem>>, %arg10: memref<10240x32xf32, #tpu.memory_space<vmem_shared>>, %arg11: memref<8x!tpu.dma_semaphore, #tpu.memory_space<semaphore_mem>>, %arg12: memref<8x!tpu.dma_semaphore, #tpu.memory_space<semaphore_mem>>) attributes {dimension_semantics = [#tpu.dimension_semantics<core_parallel>, #tpu.dimension_semantics<subcore_parallel>], iteration_bounds = array<i64: 2, 16>, scalar_prefetch = 0 : i64, scratch_operands = 6 : i64, tpu.core_type = #tpu.core_type<sc_vector_subcore>, window_params = [{transform_indices = #map}, {transform_indices = #map1}, {transform_indices = #map1}, {transform_indices = #map}, {transform_indices = #map2}]} {
    %mul3A = arith.constant 640 : i32
    %mul3A_0 = arith.muli %arg1, %mul3A : i32
    "tpu.region"() ({
      %run_scoped3A_247 = tpu.sem_alloc : memref<!tpu.dma_semaphore, #tpu.memory_space<semaphore_mem>>
      %dma_start3A_248 = arith.constant 0 : i32
      %dma_start3A_249 = tpu.memref_slice %arg10[%mul3A_0, %dma_start3A_248] : memref<10240x32xf32, #tpu.memory_space<vmem_shared>> -> memref<640x32xf32, #tpu.memory_space<vmem_shared>>
      tpu.enqueue_dma source(%arg5 : memref<640x32xf32, #tpu.memory_space<hbm>>) target(%dma_start3A_249 : memref<640x32xf32, #tpu.memory_space<vmem_shared>>) target_semaphore(%run_scoped3A_247 : memref<!tpu.dma_semaphore, #tpu.memory_space<semaphore_mem>>)
      %dma_wait3A_250 = arith.constant 0 : i32
      %dma_wait3A_251 = tpu.memref_slice %arg10[%mul3A_0, %dma_wait3A_250] : memref<10240x32xf32, #tpu.memory_space<vmem_shared>> -> memref<640x32xf32, #tpu.memory_space<vmem_shared>>
      tpu.wait_dma2 semaphore(%run_scoped3A_247 : memref<!tpu.dma_semaphore, #tpu.memory_space<semaphore_mem>>) src(%arg5 : memref<640x32xf32, #tpu.memory_space<hbm>>) dst(%dma_wait3A_251 : memref<640x32xf32, #tpu.memory_space<vmem_shared>>)
      tpu.yield
    }) : () -> ()
    "tpu.region"() ({
      %run_scoped3A_247 = tpu.sem_alloc : memref<!tpu.dma_semaphore, #tpu.memory_space<semaphore_mem>>
      %dma_start3A_248 = arith.constant 0 : i32
      %dma_start3A_249 = arith.constant 0 : i32
      %dma_start3A_250 = tpu.memref_slice %arg3[%arg0, %arg1, %dma_start3A_248, %dma_start3A_249] : memref<2x16x79x128xi32, #tpu.memory_space<hbm>> -> memref<1x1x79x128xi32, #tpu.memory_space<hbm>>
      %dma_start3A_251 = tpu.memref_squeeze %dma_start3A_250 : memref<1x1x79x128xi32, #tpu.memory_space<hbm>> -> memref<79x128xi32, #tpu.memory_space<hbm>>
      %dma_start3A_252 = arith.constant 0 : i32
      %dma_start3A_253 = arith.constant 0 : i32
      %dma_start3A_254 = tpu.memref_slice %arg3[%arg0, %arg1, %dma_start3A_252, %dma_start3A_253] : memref<2x16x79x128xi32, #tpu.memory_space<hbm>> -> memref<1x1x79x128xi32, #tpu.memory_space<hbm>>
      %dma_start3A_255 = tpu.memref_squeeze %dma_start3A_254 : memref<1x1x79x128xi32, #tpu.memory_space<hbm>> -> memref<79x128xi32, #tpu.memory_space<hbm>>
      tpu.enqueue_dma source(%dma_start3A_255 : memref<79x128xi32, #tpu.memory_space<hbm>>) target(%arg7 : memref<79x128xi32, #tpu.memory_space<vmem>>) target_semaphore(%run_scoped3A_247 : memref<!tpu.dma_semaphore, #tpu.memory_space<semaphore_mem>>)
      %dma_wait3A_256 = arith.constant 0 : i32
      %dma_wait3A_257 = arith.constant 0 : i32
      %dma_wait3A_258 = tpu.memref_slice %arg3[%arg0, %arg1, %dma_wait3A_256, %dma_wait3A_257] : memref<2x16x79x128xi32, #tpu.memory_space<hbm>> -> memref<1x1x79x128xi32, #tpu.memory_space<hbm>>
      %dma_wait3A_259 = tpu.memref_squeeze %dma_wait3A_258 : memref<1x1x79x128xi32, #tpu.memory_space<hbm>> -> memref<79x128xi32, #tpu.memory_space<hbm>>
      %dma_wait3A_260 = arith.constant 0 : i32
      %dma_wait3A_261 = arith.constant 0 : i32
      %dma_wait3A_262 = tpu.memref_slice %arg3[%arg0, %arg1, %dma_wait3A_260, %dma_wait3A_261] : memref<2x16x79x128xi32, #tpu.memory_space<hbm>> -> memref<1x1x79x128xi32, #tpu.memory_space<hbm>>
      %dma_wait3A_263 = tpu.memref_squeeze %dma_wait3A_262 : memref<1x1x79x128xi32, #tpu.memory_space<hbm>> -> memref<79x128xi32, #tpu.memory_space<hbm>>
      tpu.wait_dma2 semaphore(%run_scoped3A_247 : memref<!tpu.dma_semaphore, #tpu.memory_space<semaphore_mem>>) src(%dma_wait3A_263 : memref<79x128xi32, #tpu.memory_space<hbm>>) dst(%arg7 : memref<79x128xi32, #tpu.memory_space<vmem>>)
      tpu.yield
    }) : () -> ()
    "tpu.region"() ({
      %run_scoped3A_247 = tpu.sem_alloc : memref<!tpu.dma_semaphore, #tpu.memory_space<semaphore_mem>>
      %dma_start3A_248 = arith.constant 0 : i32
      %dma_start3A_249 = arith.constant 0 : i32
      %dma_start3A_250 = tpu.memref_slice %arg4[%arg0, %arg1, %dma_start3A_248, %dma_start3A_249] : memref<2x16x79x128xi32, #tpu.memory_space<hbm>> -> memref<1x1x79x128xi32, #tpu.memory_space<hbm>>
      %dma_start3A_251 = tpu.memref_squeeze %dma_start3A_250 : memref<1x1x79x128xi32, #tpu.memory_space<hbm>> -> memref<79x128xi32, #tpu.memory_space<hbm>>
      %dma_start3A_252 = arith.constant 0 : i32
      %dma_start3A_253 = arith.constant 0 : i32
      %dma_start3A_254 = tpu.memref_slice %arg4[%arg0, %arg1, %dma_start3A_252, %dma_start3A_253] : memref<2x16x79x128xi32, #tpu.memory_space<hbm>> -> memref<1x1x79x128xi32, #tpu.memory_space<hbm>>
      %dma_start3A_255 = tpu.memref_squeeze %dma_start3A_254 : memref<1x1x79x128xi32, #tpu.memory_space<hbm>> -> memref<79x128xi32, #tpu.memory_space<hbm>>
      tpu.enqueue_dma source(%dma_start3A_255 : memref<79x128xi32, #tpu.memory_space<hbm>>) target(%arg8 : memref<79x128xi32, #tpu.memory_space<vmem>>) target_semaphore(%run_scoped3A_247 : memref<!tpu.dma_semaphore, #tpu.memory_space<semaphore_mem>>)
      %dma_wait3A_256 = arith.constant 0 : i32
      %dma_wait3A_257 = arith.constant 0 : i32
      %dma_wait3A_258 = tpu.memref_slice %arg4[%arg0, %arg1, %dma_wait3A_256, %dma_wait3A_257] : memref<2x16x79x128xi32, #tpu.memory_space<hbm>> -> memref<1x1x79x128xi32, #tpu.memory_space<hbm>>
      %dma_wait3A_259 = tpu.memref_squeeze %dma_wait3A_258 : memref<1x1x79x128xi32, #tpu.memory_space<hbm>> -> memref<79x128xi32, #tpu.memory_space<hbm>>
      %dma_wait3A_260 = arith.constant 0 : i32
      %dma_wait3A_261 = arith.constant 0 : i32
      %dma_wait3A_262 = tpu.memref_slice %arg4[%arg0, %arg1, %dma_wait3A_260, %dma_wait3A_261] : memref<2x16x79x128xi32, #tpu.memory_space<hbm>> -> memref<1x1x79x128xi32, #tpu.memory_space<hbm>>
      %dma_wait3A_263 = tpu.memref_squeeze %dma_wait3A_262 : memref<1x1x79x128xi32, #tpu.memory_space<hbm>> -> memref<79x128xi32, #tpu.memory_space<hbm>>
      tpu.wait_dma2 semaphore(%run_scoped3A_247 : memref<!tpu.dma_semaphore, #tpu.memory_space<semaphore_mem>>) src(%dma_wait3A_263 : memref<79x128xi32, #tpu.memory_space<hbm>>) dst(%arg8 : memref<79x128xi32, #tpu.memory_space<vmem>>)
      tpu.yield
    }) : () -> ()
    %barrier3A = arith.constant 0 : index
    tpu.barrier barrier_id(%barrier3A)
    %dma_start3A = arith.constant 0 : i32
    %dma_start3A_1 = arith.constant 0 : i32
    %dma_start3A_2 = arith.constant 0 : i32
    %dma_start3A_3 = arith.constant 0 : i32
    %dma_start3A_4 = arith.constant 0 : i32
    %dma_start3A_5 = tpu.memref_slice %arg9[%dma_start3A_1, %dma_start3A_3, %dma_start3A_4] : memref<8x128x32xf32, #tpu.memory_space<vmem>> -> memref<1x128x32xf32, #tpu.memory_space<vmem>>
    %dma_start3A_6 = tpu.memref_squeeze %dma_start3A_5 : memref<1x128x32xf32, #tpu.memory_space<vmem>> -> memref<128x32xf32, #tpu.memory_space<vmem>>
    %dma_start3A_7 = arith.constant 0 : i32
    %dma_start3A_8 = tpu.memref_slice %arg7[%dma_start3A, %dma_start3A_7] : memref<79x128xi32, #tpu.memory_space<vmem>> -> memref<1x128xi32, #tpu.memory_space<vmem>>
    %dma_start3A_9 = tpu.memref_squeeze %dma_start3A_8 : memref<1x128xi32, #tpu.memory_space<vmem>> -> memref<128xi32, #tpu.memory_space<vmem>>
    %dma_start3A_10 = arith.constant 0 : i32
    %dma_start3A_11 = arith.constant 0 : i32
    %dma_start3A_12 = tpu.memref_slice %arg2[%dma_start3A_10, %dma_start3A_11] : memref<10000x32xf32, #tpu.memory_space<hbm>> -> memref<10000x32xf32, #tpu.memory_space<hbm>>
    %dma_start3A_13 = tpu.memref_slice %arg11[%dma_start3A_2] : memref<8x!tpu.dma_semaphore, #tpu.memory_space<semaphore_mem>> -> memref<1x!tpu.dma_semaphore, #tpu.memory_space<semaphore_mem>>
    %dma_start3A_14 = tpu.memref_squeeze %dma_start3A_13 : memref<1x!tpu.dma_semaphore, #tpu.memory_space<semaphore_mem>> -> memref<!tpu.dma_semaphore, #tpu.memory_space<semaphore_mem>>
    tpu.enqueue_indirect_dma source(%dma_start3A_12 : memref<10000x32xf32, #tpu.memory_space<hbm>>) target(%dma_start3A_6 : memref<128x32xf32, #tpu.memory_space<vmem>>) offsets(%dma_start3A_9 : memref<128xi32, #tpu.memory_space<vmem>>) semaphore(%dma_start3A_14 : memref<!tpu.dma_semaphore, #tpu.memory_space<semaphore_mem>>)
    %dma_start3A_15 = arith.constant 1 : i32
    %dma_start3A_16 = arith.constant 1 : i32
    %dma_start3A_17 = arith.constant 1 : i32
    %dma_start3A_18 = arith.constant 0 : i32
    %dma_start3A_19 = arith.constant 0 : i32
    %dma_start3A_20 = tpu.memref_slice %arg9[%dma_start3A_16, %dma_start3A_18, %dma_start3A_19] : memref<8x128x32xf32, #tpu.memory_space<vmem>> -> memref<1x128x32xf32, #tpu.memory_space<vmem>>
    %dma_start3A_21 = tpu.memref_squeeze %dma_start3A_20 : memref<1x128x32xf32, #tpu.memory_space<vmem>> -> memref<128x32xf32, #tpu.memory_space<vmem>>
    %dma_start3A_22 = arith.constant 0 : i32
    %dma_start3A_23 = tpu.memref_slice %arg7[%dma_start3A_15, %dma_start3A_22] : memref<79x128xi32, #tpu.memory_space<vmem>> -> memref<1x128xi32, #tpu.memory_space<vmem>>
    %dma_start3A_24 = tpu.memref_squeeze %dma_start3A_23 : memref<1x128xi32, #tpu.memory_space<vmem>> -> memref<128xi32, #tpu.memory_space<vmem>>
    %dma_start3A_25 = arith.constant 0 : i32
    %dma_start3A_26 = arith.constant 0 : i32
    %dma_start3A_27 = tpu.memref_slice %arg2[%dma_start3A_25, %dma_start3A_26] : memref<10000x32xf32, #tpu.memory_space<hbm>> -> memref<10000x32xf32, #tpu.memory_space<hbm>>
    %dma_start3A_28 = tpu.memref_slice %arg11[%dma_start3A_17] : memref<8x!tpu.dma_semaphore, #tpu.memory_space<semaphore_mem>> -> memref<1x!tpu.dma_semaphore, #tpu.memory_space<semaphore_mem>>
    %dma_start3A_29 = tpu.memref_squeeze %dma_start3A_28 : memref<1x!tpu.dma_semaphore, #tpu.memory_space<semaphore_mem>> -> memref<!tpu.dma_semaphore, #tpu.memory_space<semaphore_mem>>
    tpu.enqueue_indirect_dma source(%dma_start3A_27 : memref<10000x32xf32, #tpu.memory_space<hbm>>) target(%dma_start3A_21 : memref<128x32xf32, #tpu.memory_space<vmem>>) offsets(%dma_start3A_24 : memref<128xi32, #tpu.memory_space<vmem>>) semaphore(%dma_start3A_29 : memref<!tpu.dma_semaphore, #tpu.memory_space<semaphore_mem>>)
    %dma_start3A_30 = arith.constant 2 : i32
    %dma_start3A_31 = arith.constant 2 : i32
    %dma_start3A_32 = arith.constant 2 : i32
    %dma_start3A_33 = arith.constant 0 : i32
    %dma_start3A_34 = arith.constant 0 : i32
    %dma_start3A_35 = tpu.memref_slice %arg9[%dma_start3A_31, %dma_start3A_33, %dma_start3A_34] : memref<8x128x32xf32, #tpu.memory_space<vmem>> -> memref<1x128x32xf32, #tpu.memory_space<vmem>>
    %dma_start3A_36 = tpu.memref_squeeze %dma_start3A_35 : memref<1x128x32xf32, #tpu.memory_space<vmem>> -> memref<128x32xf32, #tpu.memory_space<vmem>>
    %dma_start3A_37 = arith.constant 0 : i32
    %dma_start3A_38 = tpu.memref_slice %arg7[%dma_start3A_30, %dma_start3A_37] : memref<79x128xi32, #tpu.memory_space<vmem>> -> memref<1x128xi32, #tpu.memory_space<vmem>>
    %dma_start3A_39 = tpu.memref_squeeze %dma_start3A_38 : memref<1x128xi32, #tpu.memory_space<vmem>> -> memref<128xi32, #tpu.memory_space<vmem>>
    %dma_start3A_40 = arith.constant 0 : i32
    %dma_start3A_41 = arith.constant 0 : i32
    %dma_start3A_42 = tpu.memref_slice %arg2[%dma_start3A_40, %dma_start3A_41] : memref<10000x32xf32, #tpu.memory_space<hbm>> -> memref<10000x32xf32, #tpu.memory_space<hbm>>
    %dma_start3A_43 = tpu.memref_slice %arg11[%dma_start3A_32] : memref<8x!tpu.dma_semaphore, #tpu.memory_space<semaphore_mem>> -> memref<1x!tpu.dma_semaphore, #tpu.memory_space<semaphore_mem>>
    %dma_start3A_44 = tpu.memref_squeeze %dma_start3A_43 : memref<1x!tpu.dma_semaphore, #tpu.memory_space<semaphore_mem>> -> memref<!tpu.dma_semaphore, #tpu.memory_space<semaphore_mem>>
    tpu.enqueue_indirect_dma source(%dma_start3A_42 : memref<10000x32xf32, #tpu.memory_space<hbm>>) target(%dma_start3A_36 : memref<128x32xf32, #tpu.memory_space<vmem>>) offsets(%dma_start3A_39 : memref<128xi32, #tpu.memory_space<vmem>>) semaphore(%dma_start3A_44 : memref<!tpu.dma_semaphore, #tpu.memory_space<semaphore_mem>>)
    %dma_start3A_45 = arith.constant 3 : i32
    %dma_start3A_46 = arith.constant 3 : i32
    %dma_start3A_47 = arith.constant 3 : i32
    %dma_start3A_48 = arith.constant 0 : i32
    %dma_start3A_49 = arith.constant 0 : i32
    %dma_start3A_50 = tpu.memref_slice %arg9[%dma_start3A_46, %dma_start3A_48, %dma_start3A_49] : memref<8x128x32xf32, #tpu.memory_space<vmem>> -> memref<1x128x32xf32, #tpu.memory_space<vmem>>
    %dma_start3A_51 = tpu.memref_squeeze %dma_start3A_50 : memref<1x128x32xf32, #tpu.memory_space<vmem>> -> memref<128x32xf32, #tpu.memory_space<vmem>>
    %dma_start3A_52 = arith.constant 0 : i32
    %dma_start3A_53 = tpu.memref_slice %arg7[%dma_start3A_45, %dma_start3A_52] : memref<79x128xi32, #tpu.memory_space<vmem>> -> memref<1x128xi32, #tpu.memory_space<vmem>>
    %dma_start3A_54 = tpu.memref_squeeze %dma_start3A_53 : memref<1x128xi32, #tpu.memory_space<vmem>> -> memref<128xi32, #tpu.memory_space<vmem>>
    %dma_start3A_55 = arith.constant 0 : i32
    %dma_start3A_56 = arith.constant 0 : i32
    %dma_start3A_57 = tpu.memref_slice %arg2[%dma_start3A_55, %dma_start3A_56] : memref<10000x32xf32, #tpu.memory_space<hbm>> -> memref<10000x32xf32, #tpu.memory_space<hbm>>
    %dma_start3A_58 = tpu.memref_slice %arg11[%dma_start3A_47] : memref<8x!tpu.dma_semaphore, #tpu.memory_space<semaphore_mem>> -> memref<1x!tpu.dma_semaphore, #tpu.memory_space<semaphore_mem>>
    %dma_start3A_59 = tpu.memref_squeeze %dma_start3A_58 : memref<1x!tpu.dma_semaphore, #tpu.memory_space<semaphore_mem>> -> memref<!tpu.dma_semaphore, #tpu.memory_space<semaphore_mem>>
    tpu.enqueue_indirect_dma source(%dma_start3A_57 : memref<10000x32xf32, #tpu.memory_space<hbm>>) target(%dma_start3A_51 : memref<128x32xf32, #tpu.memory_space<vmem>>) offsets(%dma_start3A_54 : memref<128xi32, #tpu.memory_space<vmem>>) semaphore(%dma_start3A_59 : memref<!tpu.dma_semaphore, #tpu.memory_space<semaphore_mem>>)
    %dma_start3A_60 = arith.constant 4 : i32
    %dma_start3A_61 = arith.constant 4 : i32
    %dma_start3A_62 = arith.constant 4 : i32
    %dma_start3A_63 = arith.constant 0 : i32
    %dma_start3A_64 = arith.constant 0 : i32
    %dma_start3A_65 = tpu.memref_slice %arg9[%dma_start3A_61, %dma_start3A_63, %dma_start3A_64] : memref<8x128x32xf32, #tpu.memory_space<vmem>> -> memref<1x128x32xf32, #tpu.memory_space<vmem>>
    %dma_start3A_66 = tpu.memref_squeeze %dma_start3A_65 : memref<1x128x32xf32, #tpu.memory_space<vmem>> -> memref<128x32xf32, #tpu.memory_space<vmem>>
    %dma_start3A_67 = arith.constant 0 : i32
    %dma_start3A_68 = tpu.memref_slice %arg7[%dma_start3A_60, %dma_start3A_67] : memref<79x128xi32, #tpu.memory_space<vmem>> -> memref<1x128xi32, #tpu.memory_space<vmem>>
    %dma_start3A_69 = tpu.memref_squeeze %dma_start3A_68 : memref<1x128xi32, #tpu.memory_space<vmem>> -> memref<128xi32, #tpu.memory_space<vmem>>
    %dma_start3A_70 = arith.constant 0 : i32
    %dma_start3A_71 = arith.constant 0 : i32
    %dma_start3A_72 = tpu.memref_slice %arg2[%dma_start3A_70, %dma_start3A_71] : memref<10000x32xf32, #tpu.memory_space<hbm>> -> memref<10000x32xf32, #tpu.memory_space<hbm>>
    %dma_start3A_73 = tpu.memref_slice %arg11[%dma_start3A_62] : memref<8x!tpu.dma_semaphore, #tpu.memory_space<semaphore_mem>> -> memref<1x!tpu.dma_semaphore, #tpu.memory_space<semaphore_mem>>
    %dma_start3A_74 = tpu.memref_squeeze %dma_start3A_73 : memref<1x!tpu.dma_semaphore, #tpu.memory_space<semaphore_mem>> -> memref<!tpu.dma_semaphore, #tpu.memory_space<semaphore_mem>>
    tpu.enqueue_indirect_dma source(%dma_start3A_72 : memref<10000x32xf32, #tpu.memory_space<hbm>>) target(%dma_start3A_66 : memref<128x32xf32, #tpu.memory_space<vmem>>) offsets(%dma_start3A_69 : memref<128xi32, #tpu.memory_space<vmem>>) semaphore(%dma_start3A_74 : memref<!tpu.dma_semaphore, #tpu.memory_space<semaphore_mem>>)
    %dma_start3A_75 = arith.constant 5 : i32
    %dma_start3A_76 = arith.constant 5 : i32
    %dma_start3A_77 = arith.constant 5 : i32
    %dma_start3A_78 = arith.constant 0 : i32
    %dma_start3A_79 = arith.constant 0 : i32
    %dma_start3A_80 = tpu.memref_slice %arg9[%dma_start3A_76, %dma_start3A_78, %dma_start3A_79] : memref<8x128x32xf32, #tpu.memory_space<vmem>> -> memref<1x128x32xf32, #tpu.memory_space<vmem>>
    %dma_start3A_81 = tpu.memref_squeeze %dma_start3A_80 : memref<1x128x32xf32, #tpu.memory_space<vmem>> -> memref<128x32xf32, #tpu.memory_space<vmem>>
    %dma_start3A_82 = arith.constant 0 : i32
    %dma_start3A_83 = tpu.memref_slice %arg7[%dma_start3A_75, %dma_start3A_82] : memref<79x128xi32, #tpu.memory_space<vmem>> -> memref<1x128xi32, #tpu.memory_space<vmem>>
    %dma_start3A_84 = tpu.memref_squeeze %dma_start3A_83 : memref<1x128xi32, #tpu.memory_space<vmem>> -> memref<128xi32, #tpu.memory_space<vmem>>
    %dma_start3A_85 = arith.constant 0 : i32
    %dma_start3A_86 = arith.constant 0 : i32
    %dma_start3A_87 = tpu.memref_slice %arg2[%dma_start3A_85, %dma_start3A_86] : memref<10000x32xf32, #tpu.memory_space<hbm>> -> memref<10000x32xf32, #tpu.memory_space<hbm>>
    %dma_start3A_88 = tpu.memref_slice %arg11[%dma_start3A_77] : memref<8x!tpu.dma_semaphore, #tpu.memory_space<semaphore_mem>> -> memref<1x!tpu.dma_semaphore, #tpu.memory_space<semaphore_mem>>
    %dma_start3A_89 = tpu.memref_squeeze %dma_start3A_88 : memref<1x!tpu.dma_semaphore, #tpu.memory_space<semaphore_mem>> -> memref<!tpu.dma_semaphore, #tpu.memory_space<semaphore_mem>>
    tpu.enqueue_indirect_dma source(%dma_start3A_87 : memref<10000x32xf32, #tpu.memory_space<hbm>>) target(%dma_start3A_81 : memref<128x32xf32, #tpu.memory_space<vmem>>) offsets(%dma_start3A_84 : memref<128xi32, #tpu.memory_space<vmem>>) semaphore(%dma_start3A_89 : memref<!tpu.dma_semaphore, #tpu.memory_space<semaphore_mem>>)
    %dma_start3A_90 = arith.constant 6 : i32
    %dma_start3A_91 = arith.constant 6 : i32
    %dma_start3A_92 = arith.constant 6 : i32
    %dma_start3A_93 = arith.constant 0 : i32
    %dma_start3A_94 = arith.constant 0 : i32
    %dma_start3A_95 = tpu.memref_slice %arg9[%dma_start3A_91, %dma_start3A_93, %dma_start3A_94] : memref<8x128x32xf32, #tpu.memory_space<vmem>> -> memref<1x128x32xf32, #tpu.memory_space<vmem>>
    %dma_start3A_96 = tpu.memref_squeeze %dma_start3A_95 : memref<1x128x32xf32, #tpu.memory_space<vmem>> -> memref<128x32xf32, #tpu.memory_space<vmem>>
    %dma_start3A_97 = arith.constant 0 : i32
    %dma_start3A_98 = tpu.memref_slice %arg7[%dma_start3A_90, %dma_start3A_97] : memref<79x128xi32, #tpu.memory_space<vmem>> -> memref<1x128xi32, #tpu.memory_space<vmem>>
    %dma_start3A_99 = tpu.memref_squeeze %dma_start3A_98 : memref<1x128xi32, #tpu.memory_space<vmem>> -> memref<128xi32, #tpu.memory_space<vmem>>
    %dma_start3A_100 = arith.constant 0 : i32
    %dma_start3A_101 = arith.constant 0 : i32
    %dma_start3A_102 = tpu.memref_slice %arg2[%dma_start3A_100, %dma_start3A_101] : memref<10000x32xf32, #tpu.memory_space<hbm>> -> memref<10000x32xf32, #tpu.memory_space<hbm>>
    %dma_start3A_103 = tpu.memref_slice %arg11[%dma_start3A_92] : memref<8x!tpu.dma_semaphore, #tpu.memory_space<semaphore_mem>> -> memref<1x!tpu.dma_semaphore, #tpu.memory_space<semaphore_mem>>
    %dma_start3A_104 = tpu.memref_squeeze %dma_start3A_103 : memref<1x!tpu.dma_semaphore, #tpu.memory_space<semaphore_mem>> -> memref<!tpu.dma_semaphore, #tpu.memory_space<semaphore_mem>>
    tpu.enqueue_indirect_dma source(%dma_start3A_102 : memref<10000x32xf32, #tpu.memory_space<hbm>>) target(%dma_start3A_96 : memref<128x32xf32, #tpu.memory_space<vmem>>) offsets(%dma_start3A_99 : memref<128xi32, #tpu.memory_space<vmem>>) semaphore(%dma_start3A_104 : memref<!tpu.dma_semaphore, #tpu.memory_space<semaphore_mem>>)
    %dma_start3A_105 = arith.constant 7 : i32
    %dma_start3A_106 = arith.constant 7 : i32
    %dma_start3A_107 = arith.constant 7 : i32
    %dma_start3A_108 = arith.constant 0 : i32
    %dma_start3A_109 = arith.constant 0 : i32
    %dma_start3A_110 = tpu.memref_slice %arg9[%dma_start3A_106, %dma_start3A_108, %dma_start3A_109] : memref<8x128x32xf32, #tpu.memory_space<vmem>> -> memref<1x128x32xf32, #tpu.memory_space<vmem>>
    %dma_start3A_111 = tpu.memref_squeeze %dma_start3A_110 : memref<1x128x32xf32, #tpu.memory_space<vmem>> -> memref<128x32xf32, #tpu.memory_space<vmem>>
    %dma_start3A_112 = arith.constant 0 : i32
    %dma_start3A_113 = tpu.memref_slice %arg7[%dma_start3A_105, %dma_start3A_112] : memref<79x128xi32, #tpu.memory_space<vmem>> -> memref<1x128xi32, #tpu.memory_space<vmem>>
    %dma_start3A_114 = tpu.memref_squeeze %dma_start3A_113 : memref<1x128xi32, #tpu.memory_space<vmem>> -> memref<128xi32, #tpu.memory_space<vmem>>
    %dma_start3A_115 = arith.constant 0 : i32
    %dma_start3A_116 = arith.constant 0 : i32
    %dma_start3A_117 = tpu.memref_slice %arg2[%dma_start3A_115, %dma_start3A_116] : memref<10000x32xf32, #tpu.memory_space<hbm>> -> memref<10000x32xf32, #tpu.memory_space<hbm>>
    %dma_start3A_118 = tpu.memref_slice %arg11[%dma_start3A_107] : memref<8x!tpu.dma_semaphore, #tpu.memory_space<semaphore_mem>> -> memref<1x!tpu.dma_semaphore, #tpu.memory_space<semaphore_mem>>
    %dma_start3A_119 = tpu.memref_squeeze %dma_start3A_118 : memref<1x!tpu.dma_semaphore, #tpu.memory_space<semaphore_mem>> -> memref<!tpu.dma_semaphore, #tpu.memory_space<semaphore_mem>>
    tpu.enqueue_indirect_dma source(%dma_start3A_117 : memref<10000x32xf32, #tpu.memory_space<hbm>>) target(%dma_start3A_111 : memref<128x32xf32, #tpu.memory_space<vmem>>) offsets(%dma_start3A_114 : memref<128xi32, #tpu.memory_space<vmem>>) semaphore(%dma_start3A_119 : memref<!tpu.dma_semaphore, #tpu.memory_space<semaphore_mem>>)
    %scan3A = arith.constant 0 : i32
    %scan3A_120 = arith.constant 0 : i32
    %scan3A_121 = arith.constant 9 : i32
    %scan3A_122 = arith.addi %scan3A_120, %scan3A_121 : i32
    %scan3A_123 = arith.constant 1 : i32
    scf.for %scan3A_247 = %scan3A_120 to %scan3A_122 step %scan3A_123  : i32 {
      %mul3A_248 = arith.constant 8 : i32
      %mul3A_249 = arith.muli %scan3A_247, %mul3A_248 : i32
      %add3A = arith.constant 0 : i32
      %add3A_250 = arith.addi %mul3A_249, %add3A : i32
      %dma_wait3A_251 = arith.constant 0 : i32
      %dma_wait3A_252 = arith.constant 0 : i32
      %dma_wait3A_253 = arith.constant 0 : i32
      %dma_wait3A_254 = arith.constant 0 : i32
      %dma_wait3A_255 = tpu.memref_slice %arg9[%dma_wait3A_251, %dma_wait3A_253, %dma_wait3A_254] : memref<8x128x32xf32, #tpu.memory_space<vmem>> -> memref<1x128x32xf32, #tpu.memory_space<vmem>>
      %dma_wait3A_256 = tpu.memref_squeeze %dma_wait3A_255 : memref<1x128x32xf32, #tpu.memory_space<vmem>> -> memref<128x32xf32, #tpu.memory_space<vmem>>
      %dma_wait3A_257 = arith.constant 0 : i32
      %dma_wait3A_258 = tpu.memref_slice %arg7[%add3A_250, %dma_wait3A_257] : memref<79x128xi32, #tpu.memory_space<vmem>> -> memref<1x128xi32, #tpu.memory_space<vmem>>
      %dma_wait3A_259 = tpu.memref_squeeze %dma_wait3A_258 : memref<1x128xi32, #tpu.memory_space<vmem>> -> memref<128xi32, #tpu.memory_space<vmem>>
      %dma_wait3A_260 = arith.constant 0 : i32
      %dma_wait3A_261 = arith.constant 0 : i32
      %dma_wait3A_262 = tpu.memref_slice %arg2[%dma_wait3A_260, %dma_wait3A_261] : memref<10000x32xf32, #tpu.memory_space<hbm>> -> memref<10000x32xf32, #tpu.memory_space<hbm>>
      %dma_wait3A_263 = tpu.memref_slice %arg11[%dma_wait3A_252] : memref<8x!tpu.dma_semaphore, #tpu.memory_space<semaphore_mem>> -> memref<1x!tpu.dma_semaphore, #tpu.memory_space<semaphore_mem>>
      %dma_wait3A_264 = tpu.memref_squeeze %dma_wait3A_263 : memref<1x!tpu.dma_semaphore, #tpu.memory_space<semaphore_mem>> -> memref<!tpu.dma_semaphore, #tpu.memory_space<semaphore_mem>>
      tpu.wait_indirect_dma semaphore(%dma_wait3A_264 : memref<!tpu.dma_semaphore, #tpu.memory_space<semaphore_mem>>) src(%dma_wait3A_262 : memref<10000x32xf32, #tpu.memory_space<hbm>>) dst(%dma_wait3A_256 : memref<128x32xf32, #tpu.memory_space<vmem>>)
      %add3A_265 = arith.constant 0 : i32
      %add3A_266 = arith.addi %mul3A_249, %add3A_265 : i32
      %run_scoped3A_267 = arith.constant 0 : i32
      "tpu.region"() ({
        %run_scoped3A_470 = tpu.sem_alloc : memref<!tpu.dma_semaphore, #tpu.memory_space<semaphore_mem>>
        %dma_start3A_471 = arith.constant 0 : i32
        %dma_start3A_472 = arith.constant 0 : i32
        %dma_start3A_473 = tpu.memref_slice %arg9[%run_scoped3A_267, %dma_start3A_471, %dma_start3A_472] : memref<8x128x32xf32, #tpu.memory_space<vmem>> -> memref<1x128x32xf32, #tpu.memory_space<vmem>>
        %dma_start3A_474 = tpu.memref_squeeze %dma_start3A_473 : memref<1x128x32xf32, #tpu.memory_space<vmem>> -> memref<128x32xf32, #tpu.memory_space<vmem>>
        %dma_start3A_475 = arith.constant 0 : i32
        %dma_start3A_476 = tpu.memref_slice %arg8[%add3A_266, %dma_start3A_475] : memref<79x128xi32, #tpu.memory_space<vmem>> -> memref<1x128xi32, #tpu.memory_space<vmem>>
        %dma_start3A_477 = tpu.memref_squeeze %dma_start3A_476 : memref<1x128xi32, #tpu.memory_space<vmem>> -> memref<128xi32, #tpu.memory_space<vmem>>
        %dma_start3A_478 = arith.constant 0 : i32
        %dma_start3A_479 = arith.constant 0 : i32
        %dma_start3A_480 = tpu.memref_slice %arg10[%dma_start3A_478, %dma_start3A_479] : memref<10240x32xf32, #tpu.memory_space<vmem_shared>> -> memref<10240x32xf32, #tpu.memory_space<vmem_shared>>
        tpu.enqueue_indirect_dma source(%dma_start3A_474 : memref<128x32xf32, #tpu.memory_space<vmem>>) target(%dma_start3A_480 : memref<10240x32xf32, #tpu.memory_space<vmem_shared>>) offsets(%dma_start3A_477 : memref<128xi32, #tpu.memory_space<vmem>>) semaphore(%run_scoped3A_470 : memref<!tpu.dma_semaphore, #tpu.memory_space<semaphore_mem>>) {add = true}
        %dma_wait3A_481 = arith.constant 0 : i32
        %dma_wait3A_482 = arith.constant 0 : i32
        %dma_wait3A_483 = tpu.memref_slice %arg9[%run_scoped3A_267, %dma_wait3A_481, %dma_wait3A_482] : memref<8x128x32xf32, #tpu.memory_space<vmem>> -> memref<1x128x32xf32, #tpu.memory_space<vmem>>
        %dma_wait3A_484 = tpu.memref_squeeze %dma_wait3A_483 : memref<1x128x32xf32, #tpu.memory_space<vmem>> -> memref<128x32xf32, #tpu.memory_space<vmem>>
        %dma_wait3A_485 = arith.constant 0 : i32
        %dma_wait3A_486 = tpu.memref_slice %arg8[%add3A_266, %dma_wait3A_485] : memref<79x128xi32, #tpu.memory_space<vmem>> -> memref<1x128xi32, #tpu.memory_space<vmem>>
        %dma_wait3A_487 = tpu.memref_squeeze %dma_wait3A_486 : memref<1x128xi32, #tpu.memory_space<vmem>> -> memref<128xi32, #tpu.memory_space<vmem>>
        %dma_wait3A_488 = arith.constant 0 : i32
        %dma_wait3A_489 = arith.constant 0 : i32
        %dma_wait3A_490 = tpu.memref_slice %arg10[%dma_wait3A_488, %dma_wait3A_489] : memref<10240x32xf32, #tpu.memory_space<vmem_shared>> -> memref<10240x32xf32, #tpu.memory_space<vmem_shared>>
        tpu.wait_indirect_dma semaphore(%run_scoped3A_470 : memref<!tpu.dma_semaphore, #tpu.memory_space<semaphore_mem>>) src(%dma_wait3A_484 : memref<128x32xf32, #tpu.memory_space<vmem>>) dst(%dma_wait3A_490 : memref<10240x32xf32, #tpu.memory_space<vmem_shared>>)
        tpu.yield
      }) : () -> ()
      %add3A_268 = arith.constant 8 : i32
      %add3A_269 = arith.addi %mul3A_249, %add3A_268 : i32
      %add3A_270 = arith.constant 0 : i32
      %add3A_271 = arith.addi %add3A_269, %add3A_270 : i32
      %lt3A = arith.constant 79 : i32
      %lt3A_272 = arith.cmpi slt, %add3A_271, %lt3A : i32
      %convert_element_type3A = arith.extui %lt3A_272 : i1 to i32
      %cond3A = arith.constant 0 : i32
      %cond3A_273 = arith.cmpi ne, %convert_element_type3A, %cond3A : i32
      scf.if %cond3A_273 {
        %dma_start3A_470 = arith.constant 0 : i32
        %dma_start3A_471 = arith.constant 0 : i32
        %dma_start3A_472 = arith.constant 0 : i32
        %dma_start3A_473 = arith.constant 0 : i32
        %dma_start3A_474 = tpu.memref_slice %arg9[%dma_start3A_470, %dma_start3A_472, %dma_start3A_473] : memref<8x128x32xf32, #tpu.memory_space<vmem>> -> memref<1x128x32xf32, #tpu.memory_space<vmem>>
        %dma_start3A_475 = tpu.memref_squeeze %dma_start3A_474 : memref<1x128x32xf32, #tpu.memory_space<vmem>> -> memref<128x32xf32, #tpu.memory_space<vmem>>
        %dma_start3A_476 = arith.constant 0 : i32
        %dma_start3A_477 = tpu.memref_slice %arg7[%add3A_271, %dma_start3A_476] : memref<79x128xi32, #tpu.memory_space<vmem>> -> memref<1x128xi32, #tpu.memory_space<vmem>>
        %dma_start3A_478 = tpu.memref_squeeze %dma_start3A_477 : memref<1x128xi32, #tpu.memory_space<vmem>> -> memref<128xi32, #tpu.memory_space<vmem>>
        %dma_start3A_479 = arith.constant 0 : i32
        %dma_start3A_480 = arith.constant 0 : i32
        %dma_start3A_481 = tpu.memref_slice %arg2[%dma_start3A_479, %dma_start3A_480] : memref<10000x32xf32, #tpu.memory_space<hbm>> -> memref<10000x32xf32, #tpu.memory_space<hbm>>
        %dma_start3A_482 = tpu.memref_slice %arg11[%dma_start3A_471] : memref<8x!tpu.dma_semaphore, #tpu.memory_space<semaphore_mem>> -> memref<1x!tpu.dma_semaphore, #tpu.memory_space<semaphore_mem>>
        %dma_start3A_483 = tpu.memref_squeeze %dma_start3A_482 : memref<1x!tpu.dma_semaphore, #tpu.memory_space<semaphore_mem>> -> memref<!tpu.dma_semaphore, #tpu.memory_space<semaphore_mem>>
        tpu.enqueue_indirect_dma source(%dma_start3A_481 : memref<10000x32xf32, #tpu.memory_space<hbm>>) target(%dma_start3A_475 : memref<128x32xf32, #tpu.memory_space<vmem>>) offsets(%dma_start3A_478 : memref<128xi32, #tpu.memory_space<vmem>>) semaphore(%dma_start3A_483 : memref<!tpu.dma_semaphore, #tpu.memory_space<semaphore_mem>>)
      } else {
      }
      %add3A_274 = arith.constant 1 : i32
      %add3A_275 = arith.addi %mul3A_249, %add3A_274 : i32
      %dma_wait3A_276 = arith.constant 1 : i32
      %dma_wait3A_277 = arith.constant 1 : i32
      %dma_wait3A_278 = arith.constant 0 : i32
      %dma_wait3A_279 = arith.constant 0 : i32
      %dma_wait3A_280 = tpu.memref_slice %arg9[%dma_wait3A_276, %dma_wait3A_278, %dma_wait3A_279] : memref<8x128x32xf32, #tpu.memory_space<vmem>> -> memref<1x128x32xf32, #tpu.memory_space<vmem>>
      %dma_wait3A_281 = tpu.memref_squeeze %dma_wait3A_280 : memref<1x128x32xf32, #tpu.memory_space<vmem>> -> memref<128x32xf32, #tpu.memory_space<vmem>>
      %dma_wait3A_282 = arith.constant 0 : i32
      %dma_wait3A_283 = tpu.memref_slice %arg7[%add3A_275, %dma_wait3A_282] : memref<79x128xi32, #tpu.memory_space<vmem>> -> memref<1x128xi32, #tpu.memory_space<vmem>>
      %dma_wait3A_284 = tpu.memref_squeeze %dma_wait3A_283 : memref<1x128xi32, #tpu.memory_space<vmem>> -> memref<128xi32, #tpu.memory_space<vmem>>
      %dma_wait3A_285 = arith.constant 0 : i32
      %dma_wait3A_286 = arith.constant 0 : i32
      %dma_wait3A_287 = tpu.memref_slice %arg2[%dma_wait3A_285, %dma_wait3A_286] : memref<10000x32xf32, #tpu.memory_space<hbm>> -> memref<10000x32xf32, #tpu.memory_space<hbm>>
      %dma_wait3A_288 = tpu.memref_slice %arg11[%dma_wait3A_277] : memref<8x!tpu.dma_semaphore, #tpu.memory_space<semaphore_mem>> -> memref<1x!tpu.dma_semaphore, #tpu.memory_space<semaphore_mem>>
      %dma_wait3A_289 = tpu.memref_squeeze %dma_wait3A_288 : memref<1x!tpu.dma_semaphore, #tpu.memory_space<semaphore_mem>> -> memref<!tpu.dma_semaphore, #tpu.memory_space<semaphore_mem>>
      tpu.wait_indirect_dma semaphore(%dma_wait3A_289 : memref<!tpu.dma_semaphore, #tpu.memory_space<semaphore_mem>>) src(%dma_wait3A_287 : memref<10000x32xf32, #tpu.memory_space<hbm>>) dst(%dma_wait3A_281 : memref<128x32xf32, #tpu.memory_space<vmem>>)
      %add3A_290 = arith.constant 1 : i32
      %add3A_291 = arith.addi %mul3A_249, %add3A_290 : i32
      %run_scoped3A_292 = arith.constant 1 : i32
      "tpu.region"() ({
        %run_scoped3A_470 = tpu.sem_alloc : memref<!tpu.dma_semaphore, #tpu.memory_space<semaphore_mem>>
        %dma_start3A_471 = arith.constant 0 : i32
        %dma_start3A_472 = arith.constant 0 : i32
        %dma_start3A_473 = tpu.memref_slice %arg9[%run_scoped3A_292, %dma_start3A_471, %dma_start3A_472] : memref<8x128x32xf32, #tpu.memory_space<vmem>> -> memref<1x128x32xf32, #tpu.memory_space<vmem>>
        %dma_start3A_474 = tpu.memref_squeeze %dma_start3A_473 : memref<1x128x32xf32, #tpu.memory_space<vmem>> -> memref<128x32xf32, #tpu.memory_space<vmem>>
        %dma_start3A_475 = arith.constant 0 : i32
        %dma_start3A_476 = tpu.memref_slice %arg8[%add3A_291, %dma_start3A_475] : memref<79x128xi32, #tpu.memory_space<vmem>> -> memref<1x128xi32, #tpu.memory_space<vmem>>
        %dma_start3A_477 = tpu.memref_squeeze %dma_start3A_476 : memref<1x128xi32, #tpu.memory_space<vmem>> -> memref<128xi32, #tpu.memory_space<vmem>>
        %dma_start3A_478 = arith.constant 0 : i32
        %dma_start3A_479 = arith.constant 0 : i32
        %dma_start3A_480 = tpu.memref_slice %arg10[%dma_start3A_478, %dma_start3A_479] : memref<10240x32xf32, #tpu.memory_space<vmem_shared>> -> memref<10240x32xf32, #tpu.memory_space<vmem_shared>>
        tpu.enqueue_indirect_dma source(%dma_start3A_474 : memref<128x32xf32, #tpu.memory_space<vmem>>) target(%dma_start3A_480 : memref<10240x32xf32, #tpu.memory_space<vmem_shared>>) offsets(%dma_start3A_477 : memref<128xi32, #tpu.memory_space<vmem>>) semaphore(%run_scoped3A_470 : memref<!tpu.dma_semaphore, #tpu.memory_space<semaphore_mem>>) {add = true}
        %dma_wait3A_481 = arith.constant 0 : i32
        %dma_wait3A_482 = arith.constant 0 : i32
        %dma_wait3A_483 = tpu.memref_slice %arg9[%run_scoped3A_292, %dma_wait3A_481, %dma_wait3A_482] : memref<8x128x32xf32, #tpu.memory_space<vmem>> -> memref<1x128x32xf32, #tpu.memory_space<vmem>>
        %dma_wait3A_484 = tpu.memref_squeeze %dma_wait3A_483 : memref<1x128x32xf32, #tpu.memory_space<vmem>> -> memref<128x32xf32, #tpu.memory_space<vmem>>
        %dma_wait3A_485 = arith.constant 0 : i32
        %dma_wait3A_486 = tpu.memref_slice %arg8[%add3A_291, %dma_wait3A_485] : memref<79x128xi32, #tpu.memory_space<vmem>> -> memref<1x128xi32, #tpu.memory_space<vmem>>
        %dma_wait3A_487 = tpu.memref_squeeze %dma_wait3A_486 : memref<1x128xi32, #tpu.memory_space<vmem>> -> memref<128xi32, #tpu.memory_space<vmem>>
        %dma_wait3A_488 = arith.constant 0 : i32
        %dma_wait3A_489 = arith.constant 0 : i32
        %dma_wait3A_490 = tpu.memref_slice %arg10[%dma_wait3A_488, %dma_wait3A_489] : memref<10240x32xf32, #tpu.memory_space<vmem_shared>> -> memref<10240x32xf32, #tpu.memory_space<vmem_shared>>
        tpu.wait_indirect_dma semaphore(%run_scoped3A_470 : memref<!tpu.dma_semaphore, #tpu.memory_space<semaphore_mem>>) src(%dma_wait3A_484 : memref<128x32xf32, #tpu.memory_space<vmem>>) dst(%dma_wait3A_490 : memref<10240x32xf32, #tpu.memory_space<vmem_shared>>)
        tpu.yield
      }) : () -> ()
      %add3A_293 = arith.constant 8 : i32
      %add3A_294 = arith.addi %mul3A_249, %add3A_293 : i32
      %add3A_295 = arith.constant 1 : i32
      %add3A_296 = arith.addi %add3A_294, %add3A_295 : i32
      %lt3A_297 = arith.constant 79 : i32
      %lt3A_298 = arith.cmpi slt, %add3A_296, %lt3A_297 : i32
      %convert_element_type3A_299 = arith.extui %lt3A_298 : i1 to i32
      %cond3A_300 = arith.constant 0 : i32
      %cond3A_301 = arith.cmpi ne, %convert_element_type3A_299, %cond3A_300 : i32
      scf.if %cond3A_301 {
        %dma_start3A_470 = arith.constant 1 : i32
        %dma_start3A_471 = arith.constant 1 : i32
        %dma_start3A_472 = arith.constant 0 : i32
        %dma_start3A_473 = arith.constant 0 : i32
        %dma_start3A_474 = tpu.memref_slice %arg9[%dma_start3A_470, %dma_start3A_472, %dma_start3A_473] : memref<8x128x32xf32, #tpu.memory_space<vmem>> -> memref<1x128x32xf32, #tpu.memory_space<vmem>>
        %dma_start3A_475 = tpu.memref_squeeze %dma_start3A_474 : memref<1x128x32xf32, #tpu.memory_space<vmem>> -> memref<128x32xf32, #tpu.memory_space<vmem>>
        %dma_start3A_476 = arith.constant 0 : i32
        %dma_start3A_477 = tpu.memref_slice %arg7[%add3A_296, %dma_start3A_476] : memref<79x128xi32, #tpu.memory_space<vmem>> -> memref<1x128xi32, #tpu.memory_space<vmem>>
        %dma_start3A_478 = tpu.memref_squeeze %dma_start3A_477 : memref<1x128xi32, #tpu.memory_space<vmem>> -> memref<128xi32, #tpu.memory_space<vmem>>
        %dma_start3A_479 = arith.constant 0 : i32
        %dma_start3A_480 = arith.constant 0 : i32
        %dma_start3A_481 = tpu.memref_slice %arg2[%dma_start3A_479, %dma_start3A_480] : memref<10000x32xf32, #tpu.memory_space<hbm>> -> memref<10000x32xf32, #tpu.memory_space<hbm>>
        %dma_start3A_482 = tpu.memref_slice %arg11[%dma_start3A_471] : memref<8x!tpu.dma_semaphore, #tpu.memory_space<semaphore_mem>> -> memref<1x!tpu.dma_semaphore, #tpu.memory_space<semaphore_mem>>
        %dma_start3A_483 = tpu.memref_squeeze %dma_start3A_482 : memref<1x!tpu.dma_semaphore, #tpu.memory_space<semaphore_mem>> -> memref<!tpu.dma_semaphore, #tpu.memory_space<semaphore_mem>>
        tpu.enqueue_indirect_dma source(%dma_start3A_481 : memref<10000x32xf32, #tpu.memory_space<hbm>>) target(%dma_start3A_475 : memref<128x32xf32, #tpu.memory_space<vmem>>) offsets(%dma_start3A_478 : memref<128xi32, #tpu.memory_space<vmem>>) semaphore(%dma_start3A_483 : memref<!tpu.dma_semaphore, #tpu.memory_space<semaphore_mem>>)
      } else {
      }
      %add3A_302 = arith.constant 2 : i32
      %add3A_303 = arith.addi %mul3A_249, %add3A_302 : i32
      %dma_wait3A_304 = arith.constant 2 : i32
      %dma_wait3A_305 = arith.constant 2 : i32
      %dma_wait3A_306 = arith.constant 0 : i32
      %dma_wait3A_307 = arith.constant 0 : i32
      %dma_wait3A_308 = tpu.memref_slice %arg9[%dma_wait3A_304, %dma_wait3A_306, %dma_wait3A_307] : memref<8x128x32xf32, #tpu.memory_space<vmem>> -> memref<1x128x32xf32, #tpu.memory_space<vmem>>
      %dma_wait3A_309 = tpu.memref_squeeze %dma_wait3A_308 : memref<1x128x32xf32, #tpu.memory_space<vmem>> -> memref<128x32xf32, #tpu.memory_space<vmem>>
      %dma_wait3A_310 = arith.constant 0 : i32
      %dma_wait3A_311 = tpu.memref_slice %arg7[%add3A_303, %dma_wait3A_310] : memref<79x128xi32, #tpu.memory_space<vmem>> -> memref<1x128xi32, #tpu.memory_space<vmem>>
      %dma_wait3A_312 = tpu.memref_squeeze %dma_wait3A_311 : memref<1x128xi32, #tpu.memory_space<vmem>> -> memref<128xi32, #tpu.memory_space<vmem>>
      %dma_wait3A_313 = arith.constant 0 : i32
      %dma_wait3A_314 = arith.constant 0 : i32
      %dma_wait3A_315 = tpu.memref_slice %arg2[%dma_wait3A_313, %dma_wait3A_314] : memref<10000x32xf32, #tpu.memory_space<hbm>> -> memref<10000x32xf32, #tpu.memory_space<hbm>>
      %dma_wait3A_316 = tpu.memref_slice %arg11[%dma_wait3A_305] : memref<8x!tpu.dma_semaphore, #tpu.memory_space<semaphore_mem>> -> memref<1x!tpu.dma_semaphore, #tpu.memory_space<semaphore_mem>>
      %dma_wait3A_317 = tpu.memref_squeeze %dma_wait3A_316 : memref<1x!tpu.dma_semaphore, #tpu.memory_space<semaphore_mem>> -> memref<!tpu.dma_semaphore, #tpu.memory_space<semaphore_mem>>
      tpu.wait_indirect_dma semaphore(%dma_wait3A_317 : memref<!tpu.dma_semaphore, #tpu.memory_space<semaphore_mem>>) src(%dma_wait3A_315 : memref<10000x32xf32, #tpu.memory_space<hbm>>) dst(%dma_wait3A_309 : memref<128x32xf32, #tpu.memory_space<vmem>>)
      %add3A_318 = arith.constant 2 : i32
      %add3A_319 = arith.addi %mul3A_249, %add3A_318 : i32
      %run_scoped3A_320 = arith.constant 2 : i32
      "tpu.region"() ({
        %run_scoped3A_470 = tpu.sem_alloc : memref<!tpu.dma_semaphore, #tpu.memory_space<semaphore_mem>>
        %dma_start3A_471 = arith.constant 0 : i32
        %dma_start3A_472 = arith.constant 0 : i32
        %dma_start3A_473 = tpu.memref_slice %arg9[%run_scoped3A_320, %dma_start3A_471, %dma_start3A_472] : memref<8x128x32xf32, #tpu.memory_space<vmem>> -> memref<1x128x32xf32, #tpu.memory_space<vmem>>
        %dma_start3A_474 = tpu.memref_squeeze %dma_start3A_473 : memref<1x128x32xf32, #tpu.memory_space<vmem>> -> memref<128x32xf32, #tpu.memory_space<vmem>>
        %dma_start3A_475 = arith.constant 0 : i32
        %dma_start3A_476 = tpu.memref_slice %arg8[%add3A_319, %dma_start3A_475] : memref<79x128xi32, #tpu.memory_space<vmem>> -> memref<1x128xi32, #tpu.memory_space<vmem>>
        %dma_start3A_477 = tpu.memref_squeeze %dma_start3A_476 : memref<1x128xi32, #tpu.memory_space<vmem>> -> memref<128xi32, #tpu.memory_space<vmem>>
        %dma_start3A_478 = arith.constant 0 : i32
        %dma_start3A_479 = arith.constant 0 : i32
        %dma_start3A_480 = tpu.memref_slice %arg10[%dma_start3A_478, %dma_start3A_479] : memref<10240x32xf32, #tpu.memory_space<vmem_shared>> -> memref<10240x32xf32, #tpu.memory_space<vmem_shared>>
        tpu.enqueue_indirect_dma source(%dma_start3A_474 : memref<128x32xf32, #tpu.memory_space<vmem>>) target(%dma_start3A_480 : memref<10240x32xf32, #tpu.memory_space<vmem_shared>>) offsets(%dma_start3A_477 : memref<128xi32, #tpu.memory_space<vmem>>) semaphore(%run_scoped3A_470 : memref<!tpu.dma_semaphore, #tpu.memory_space<semaphore_mem>>) {add = true}
        %dma_wait3A_481 = arith.constant 0 : i32
        %dma_wait3A_482 = arith.constant 0 : i32
        %dma_wait3A_483 = tpu.memref_slice %arg9[%run_scoped3A_320, %dma_wait3A_481, %dma_wait3A_482] : memref<8x128x32xf32, #tpu.memory_space<vmem>> -> memref<1x128x32xf32, #tpu.memory_space<vmem>>
        %dma_wait3A_484 = tpu.memref_squeeze %dma_wait3A_483 : memref<1x128x32xf32, #tpu.memory_space<vmem>> -> memref<128x32xf32, #tpu.memory_space<vmem>>
        %dma_wait3A_485 = arith.constant 0 : i32
        %dma_wait3A_486 = tpu.memref_slice %arg8[%add3A_319, %dma_wait3A_485] : memref<79x128xi32, #tpu.memory_space<vmem>> -> memref<1x128xi32, #tpu.memory_space<vmem>>
        %dma_wait3A_487 = tpu.memref_squeeze %dma_wait3A_486 : memref<1x128xi32, #tpu.memory_space<vmem>> -> memref<128xi32, #tpu.memory_space<vmem>>
        %dma_wait3A_488 = arith.constant 0 : i32
        %dma_wait3A_489 = arith.constant 0 : i32
        %dma_wait3A_490 = tpu.memref_slice %arg10[%dma_wait3A_488, %dma_wait3A_489] : memref<10240x32xf32, #tpu.memory_space<vmem_shared>> -> memref<10240x32xf32, #tpu.memory_space<vmem_shared>>
        tpu.wait_indirect_dma semaphore(%run_scoped3A_470 : memref<!tpu.dma_semaphore, #tpu.memory_space<semaphore_mem>>) src(%dma_wait3A_484 : memref<128x32xf32, #tpu.memory_space<vmem>>) dst(%dma_wait3A_490 : memref<10240x32xf32, #tpu.memory_space<vmem_shared>>)
        tpu.yield
      }) : () -> ()
      %add3A_321 = arith.constant 8 : i32
      %add3A_322 = arith.addi %mul3A_249, %add3A_321 : i32
      %add3A_323 = arith.constant 2 : i32
      %add3A_324 = arith.addi %add3A_322, %add3A_323 : i32
      %lt3A_325 = arith.constant 79 : i32
      %lt3A_326 = arith.cmpi slt, %add3A_324, %lt3A_325 : i32
      %convert_element_type3A_327 = arith.extui %lt3A_326 : i1 to i32
      %cond3A_328 = arith.constant 0 : i32
      %cond3A_329 = arith.cmpi ne, %convert_element_type3A_327, %cond3A_328 : i32
      scf.if %cond3A_329 {
        %dma_start3A_470 = arith.constant 2 : i32
        %dma_start3A_471 = arith.constant 2 : i32
        %dma_start3A_472 = arith.constant 0 : i32
        %dma_start3A_473 = arith.constant 0 : i32
        %dma_start3A_474 = tpu.memref_slice %arg9[%dma_start3A_470, %dma_start3A_472, %dma_start3A_473] : memref<8x128x32xf32, #tpu.memory_space<vmem>> -> memref<1x128x32xf32, #tpu.memory_space<vmem>>
        %dma_start3A_475 = tpu.memref_squeeze %dma_start3A_474 : memref<1x128x32xf32, #tpu.memory_space<vmem>> -> memref<128x32xf32, #tpu.memory_space<vmem>>
        %dma_start3A_476 = arith.constant 0 : i32
        %dma_start3A_477 = tpu.memref_slice %arg7[%add3A_324, %dma_start3A_476] : memref<79x128xi32, #tpu.memory_space<vmem>> -> memref<1x128xi32, #tpu.memory_space<vmem>>
        %dma_start3A_478 = tpu.memref_squeeze %dma_start3A_477 : memref<1x128xi32, #tpu.memory_space<vmem>> -> memref<128xi32, #tpu.memory_space<vmem>>
        %dma_start3A_479 = arith.constant 0 : i32
        %dma_start3A_480 = arith.constant 0 : i32
        %dma_start3A_481 = tpu.memref_slice %arg2[%dma_start3A_479, %dma_start3A_480] : memref<10000x32xf32, #tpu.memory_space<hbm>> -> memref<10000x32xf32, #tpu.memory_space<hbm>>
        %dma_start3A_482 = tpu.memref_slice %arg11[%dma_start3A_471] : memref<8x!tpu.dma_semaphore, #tpu.memory_space<semaphore_mem>> -> memref<1x!tpu.dma_semaphore, #tpu.memory_space<semaphore_mem>>
        %dma_start3A_483 = tpu.memref_squeeze %dma_start3A_482 : memref<1x!tpu.dma_semaphore, #tpu.memory_space<semaphore_mem>> -> memref<!tpu.dma_semaphore, #tpu.memory_space<semaphore_mem>>
        tpu.enqueue_indirect_dma source(%dma_start3A_481 : memref<10000x32xf32, #tpu.memory_space<hbm>>) target(%dma_start3A_475 : memref<128x32xf32, #tpu.memory_space<vmem>>) offsets(%dma_start3A_478 : memref<128xi32, #tpu.memory_space<vmem>>) semaphore(%dma_start3A_483 : memref<!tpu.dma_semaphore, #tpu.memory_space<semaphore_mem>>)
      } else {
      }
      %add3A_330 = arith.constant 3 : i32
      %add3A_331 = arith.addi %mul3A_249, %add3A_330 : i32
      %dma_wait3A_332 = arith.constant 3 : i32
      %dma_wait3A_333 = arith.constant 3 : i32
      %dma_wait3A_334 = arith.constant 0 : i32
      %dma_wait3A_335 = arith.constant 0 : i32
      %dma_wait3A_336 = tpu.memref_slice %arg9[%dma_wait3A_332, %dma_wait3A_334, %dma_wait3A_335] : memref<8x128x32xf32, #tpu.memory_space<vmem>> -> memref<1x128x32xf32, #tpu.memory_space<vmem>>
      %dma_wait3A_337 = tpu.memref_squeeze %dma_wait3A_336 : memref<1x128x32xf32, #tpu.memory_space<vmem>> -> memref<128x32xf32, #tpu.memory_space<vmem>>
      %dma_wait3A_338 = arith.constant 0 : i32
      %dma_wait3A_339 = tpu.memref_slice %arg7[%add3A_331, %dma_wait3A_338] : memref<79x128xi32, #tpu.memory_space<vmem>> -> memref<1x128xi32, #tpu.memory_space<vmem>>
      %dma_wait3A_340 = tpu.memref_squeeze %dma_wait3A_339 : memref<1x128xi32, #tpu.memory_space<vmem>> -> memref<128xi32, #tpu.memory_space<vmem>>
      %dma_wait3A_341 = arith.constant 0 : i32
      %dma_wait3A_342 = arith.constant 0 : i32
      %dma_wait3A_343 = tpu.memref_slice %arg2[%dma_wait3A_341, %dma_wait3A_342] : memref<10000x32xf32, #tpu.memory_space<hbm>> -> memref<10000x32xf32, #tpu.memory_space<hbm>>
      %dma_wait3A_344 = tpu.memref_slice %arg11[%dma_wait3A_333] : memref<8x!tpu.dma_semaphore, #tpu.memory_space<semaphore_mem>> -> memref<1x!tpu.dma_semaphore, #tpu.memory_space<semaphore_mem>>
      %dma_wait3A_345 = tpu.memref_squeeze %dma_wait3A_344 : memref<1x!tpu.dma_semaphore, #tpu.memory_space<semaphore_mem>> -> memref<!tpu.dma_semaphore, #tpu.memory_space<semaphore_mem>>
      tpu.wait_indirect_dma semaphore(%dma_wait3A_345 : memref<!tpu.dma_semaphore, #tpu.memory_space<semaphore_mem>>) src(%dma_wait3A_343 : memref<10000x32xf32, #tpu.memory_space<hbm>>) dst(%dma_wait3A_337 : memref<128x32xf32, #tpu.memory_space<vmem>>)
      %add3A_346 = arith.constant 3 : i32
      %add3A_347 = arith.addi %mul3A_249, %add3A_346 : i32
      %run_scoped3A_348 = arith.constant 3 : i32
      "tpu.region"() ({
        %run_scoped3A_470 = tpu.sem_alloc : memref<!tpu.dma_semaphore, #tpu.memory_space<semaphore_mem>>
        %dma_start3A_471 = arith.constant 0 : i32
        %dma_start3A_472 = arith.constant 0 : i32
        %dma_start3A_473 = tpu.memref_slice %arg9[%run_scoped3A_348, %dma_start3A_471, %dma_start3A_472] : memref<8x128x32xf32, #tpu.memory_space<vmem>> -> memref<1x128x32xf32, #tpu.memory_space<vmem>>
        %dma_start3A_474 = tpu.memref_squeeze %dma_start3A_473 : memref<1x128x32xf32, #tpu.memory_space<vmem>> -> memref<128x32xf32, #tpu.memory_space<vmem>>
        %dma_start3A_475 = arith.constant 0 : i32
        %dma_start3A_476 = tpu.memref_slice %arg8[%add3A_347, %dma_start3A_475] : memref<79x128xi32, #tpu.memory_space<vmem>> -> memref<1x128xi32, #tpu.memory_space<vmem>>
        %dma_start3A_477 = tpu.memref_squeeze %dma_start3A_476 : memref<1x128xi32, #tpu.memory_space<vmem>> -> memref<128xi32, #tpu.memory_space<vmem>>
        %dma_start3A_478 = arith.constant 0 : i32
        %dma_start3A_479 = arith.constant 0 : i32
        %dma_start3A_480 = tpu.memref_slice %arg10[%dma_start3A_478, %dma_start3A_479] : memref<10240x32xf32, #tpu.memory_space<vmem_shared>> -> memref<10240x32xf32, #tpu.memory_space<vmem_shared>>
        tpu.enqueue_indirect_dma source(%dma_start3A_474 : memref<128x32xf32, #tpu.memory_space<vmem>>) target(%dma_start3A_480 : memref<10240x32xf32, #tpu.memory_space<vmem_shared>>) offsets(%dma_start3A_477 : memref<128xi32, #tpu.memory_space<vmem>>) semaphore(%run_scoped3A_470 : memref<!tpu.dma_semaphore, #tpu.memory_space<semaphore_mem>>) {add = true}
        %dma_wait3A_481 = arith.constant 0 : i32
        %dma_wait3A_482 = arith.constant 0 : i32
        %dma_wait3A_483 = tpu.memref_slice %arg9[%run_scoped3A_348, %dma_wait3A_481, %dma_wait3A_482] : memref<8x128x32xf32, #tpu.memory_space<vmem>> -> memref<1x128x32xf32, #tpu.memory_space<vmem>>
        %dma_wait3A_484 = tpu.memref_squeeze %dma_wait3A_483 : memref<1x128x32xf32, #tpu.memory_space<vmem>> -> memref<128x32xf32, #tpu.memory_space<vmem>>
        %dma_wait3A_485 = arith.constant 0 : i32
        %dma_wait3A_486 = tpu.memref_slice %arg8[%add3A_347, %dma_wait3A_485] : memref<79x128xi32, #tpu.memory_space<vmem>> -> memref<1x128xi32, #tpu.memory_space<vmem>>
        %dma_wait3A_487 = tpu.memref_squeeze %dma_wait3A_486 : memref<1x128xi32, #tpu.memory_space<vmem>> -> memref<128xi32, #tpu.memory_space<vmem>>
        %dma_wait3A_488 = arith.constant 0 : i32
        %dma_wait3A_489 = arith.constant 0 : i32
        %dma_wait3A_490 = tpu.memref_slice %arg10[%dma_wait3A_488, %dma_wait3A_489] : memref<10240x32xf32, #tpu.memory_space<vmem_shared>> -> memref<10240x32xf32, #tpu.memory_space<vmem_shared>>
        tpu.wait_indirect_dma semaphore(%run_scoped3A_470 : memref<!tpu.dma_semaphore, #tpu.memory_space<semaphore_mem>>) src(%dma_wait3A_484 : memref<128x32xf32, #tpu.memory_space<vmem>>) dst(%dma_wait3A_490 : memref<10240x32xf32, #tpu.memory_space<vmem_shared>>)
        tpu.yield
      }) : () -> ()
      %add3A_349 = arith.constant 8 : i32
      %add3A_350 = arith.addi %mul3A_249, %add3A_349 : i32
      %add3A_351 = arith.constant 3 : i32
      %add3A_352 = arith.addi %add3A_350, %add3A_351 : i32
      %lt3A_353 = arith.constant 79 : i32
      %lt3A_354 = arith.cmpi slt, %add3A_352, %lt3A_353 : i32
      %convert_element_type3A_355 = arith.extui %lt3A_354 : i1 to i32
      %cond3A_356 = arith.constant 0 : i32
      %cond3A_357 = arith.cmpi ne, %convert_element_type3A_355, %cond3A_356 : i32
      scf.if %cond3A_357 {
        %dma_start3A_470 = arith.constant 3 : i32
        %dma_start3A_471 = arith.constant 3 : i32
        %dma_start3A_472 = arith.constant 0 : i32
        %dma_start3A_473 = arith.constant 0 : i32
        %dma_start3A_474 = tpu.memref_slice %arg9[%dma_start3A_470, %dma_start3A_472, %dma_start3A_473] : memref<8x128x32xf32, #tpu.memory_space<vmem>> -> memref<1x128x32xf32, #tpu.memory_space<vmem>>
        %dma_start3A_475 = tpu.memref_squeeze %dma_start3A_474 : memref<1x128x32xf32, #tpu.memory_space<vmem>> -> memref<128x32xf32, #tpu.memory_space<vmem>>
        %dma_start3A_476 = arith.constant 0 : i32
        %dma_start3A_477 = tpu.memref_slice %arg7[%add3A_352, %dma_start3A_476] : memref<79x128xi32, #tpu.memory_space<vmem>> -> memref<1x128xi32, #tpu.memory_space<vmem>>
        %dma_start3A_478 = tpu.memref_squeeze %dma_start3A_477 : memref<1x128xi32, #tpu.memory_space<vmem>> -> memref<128xi32, #tpu.memory_space<vmem>>
        %dma_start3A_479 = arith.constant 0 : i32
        %dma_start3A_480 = arith.constant 0 : i32
        %dma_start3A_481 = tpu.memref_slice %arg2[%dma_start3A_479, %dma_start3A_480] : memref<10000x32xf32, #tpu.memory_space<hbm>> -> memref<10000x32xf32, #tpu.memory_space<hbm>>
        %dma_start3A_482 = tpu.memref_slice %arg11[%dma_start3A_471] : memref<8x!tpu.dma_semaphore, #tpu.memory_space<semaphore_mem>> -> memref<1x!tpu.dma_semaphore, #tpu.memory_space<semaphore_mem>>
        %dma_start3A_483 = tpu.memref_squeeze %dma_start3A_482 : memref<1x!tpu.dma_semaphore, #tpu.memory_space<semaphore_mem>> -> memref<!tpu.dma_semaphore, #tpu.memory_space<semaphore_mem>>
        tpu.enqueue_indirect_dma source(%dma_start3A_481 : memref<10000x32xf32, #tpu.memory_space<hbm>>) target(%dma_start3A_475 : memref<128x32xf32, #tpu.memory_space<vmem>>) offsets(%dma_start3A_478 : memref<128xi32, #tpu.memory_space<vmem>>) semaphore(%dma_start3A_483 : memref<!tpu.dma_semaphore, #tpu.memory_space<semaphore_mem>>)
      } else {
      }
      %add3A_358 = arith.constant 4 : i32
      %add3A_359 = arith.addi %mul3A_249, %add3A_358 : i32
      %dma_wait3A_360 = arith.constant 4 : i32
      %dma_wait3A_361 = arith.constant 4 : i32
      %dma_wait3A_362 = arith.constant 0 : i32
      %dma_wait3A_363 = arith.constant 0 : i32
      %dma_wait3A_364 = tpu.memref_slice %arg9[%dma_wait3A_360, %dma_wait3A_362, %dma_wait3A_363] : memref<8x128x32xf32, #tpu.memory_space<vmem>> -> memref<1x128x32xf32, #tpu.memory_space<vmem>>
      %dma_wait3A_365 = tpu.memref_squeeze %dma_wait3A_364 : memref<1x128x32xf32, #tpu.memory_space<vmem>> -> memref<128x32xf32, #tpu.memory_space<vmem>>
      %dma_wait3A_366 = arith.constant 0 : i32
      %dma_wait3A_367 = tpu.memref_slice %arg7[%add3A_359, %dma_wait3A_366] : memref<79x128xi32, #tpu.memory_space<vmem>> -> memref<1x128xi32, #tpu.memory_space<vmem>>
      %dma_wait3A_368 = tpu.memref_squeeze %dma_wait3A_367 : memref<1x128xi32, #tpu.memory_space<vmem>> -> memref<128xi32, #tpu.memory_space<vmem>>
      %dma_wait3A_369 = arith.constant 0 : i32
      %dma_wait3A_370 = arith.constant 0 : i32
      %dma_wait3A_371 = tpu.memref_slice %arg2[%dma_wait3A_369, %dma_wait3A_370] : memref<10000x32xf32, #tpu.memory_space<hbm>> -> memref<10000x32xf32, #tpu.memory_space<hbm>>
      %dma_wait3A_372 = tpu.memref_slice %arg11[%dma_wait3A_361] : memref<8x!tpu.dma_semaphore, #tpu.memory_space<semaphore_mem>> -> memref<1x!tpu.dma_semaphore, #tpu.memory_space<semaphore_mem>>
      %dma_wait3A_373 = tpu.memref_squeeze %dma_wait3A_372 : memref<1x!tpu.dma_semaphore, #tpu.memory_space<semaphore_mem>> -> memref<!tpu.dma_semaphore, #tpu.memory_space<semaphore_mem>>
      tpu.wait_indirect_dma semaphore(%dma_wait3A_373 : memref<!tpu.dma_semaphore, #tpu.memory_space<semaphore_mem>>) src(%dma_wait3A_371 : memref<10000x32xf32, #tpu.memory_space<hbm>>) dst(%dma_wait3A_365 : memref<128x32xf32, #tpu.memory_space<vmem>>)
      %add3A_374 = arith.constant 4 : i32
      %add3A_375 = arith.addi %mul3A_249, %add3A_374 : i32
      %run_scoped3A_376 = arith.constant 4 : i32
      "tpu.region"() ({
        %run_scoped3A_470 = tpu.sem_alloc : memref<!tpu.dma_semaphore, #tpu.memory_space<semaphore_mem>>
        %dma_start3A_471 = arith.constant 0 : i32
        %dma_start3A_472 = arith.constant 0 : i32
        %dma_start3A_473 = tpu.memref_slice %arg9[%run_scoped3A_376, %dma_start3A_471, %dma_start3A_472] : memref<8x128x32xf32, #tpu.memory_space<vmem>> -> memref<1x128x32xf32, #tpu.memory_space<vmem>>
        %dma_start3A_474 = tpu.memref_squeeze %dma_start3A_473 : memref<1x128x32xf32, #tpu.memory_space<vmem>> -> memref<128x32xf32, #tpu.memory_space<vmem>>
        %dma_start3A_475 = arith.constant 0 : i32
        %dma_start3A_476 = tpu.memref_slice %arg8[%add3A_375, %dma_start3A_475] : memref<79x128xi32, #tpu.memory_space<vmem>> -> memref<1x128xi32, #tpu.memory_space<vmem>>
        %dma_start3A_477 = tpu.memref_squeeze %dma_start3A_476 : memref<1x128xi32, #tpu.memory_space<vmem>> -> memref<128xi32, #tpu.memory_space<vmem>>
        %dma_start3A_478 = arith.constant 0 : i32
        %dma_start3A_479 = arith.constant 0 : i32
        %dma_start3A_480 = tpu.memref_slice %arg10[%dma_start3A_478, %dma_start3A_479] : memref<10240x32xf32, #tpu.memory_space<vmem_shared>> -> memref<10240x32xf32, #tpu.memory_space<vmem_shared>>
        tpu.enqueue_indirect_dma source(%dma_start3A_474 : memref<128x32xf32, #tpu.memory_space<vmem>>) target(%dma_start3A_480 : memref<10240x32xf32, #tpu.memory_space<vmem_shared>>) offsets(%dma_start3A_477 : memref<128xi32, #tpu.memory_space<vmem>>) semaphore(%run_scoped3A_470 : memref<!tpu.dma_semaphore, #tpu.memory_space<semaphore_mem>>) {add = true}
        %dma_wait3A_481 = arith.constant 0 : i32
        %dma_wait3A_482 = arith.constant 0 : i32
        %dma_wait3A_483 = tpu.memref_slice %arg9[%run_scoped3A_376, %dma_wait3A_481, %dma_wait3A_482] : memref<8x128x32xf32, #tpu.memory_space<vmem>> -> memref<1x128x32xf32, #tpu.memory_space<vmem>>
        %dma_wait3A_484 = tpu.memref_squeeze %dma_wait3A_483 : memref<1x128x32xf32, #tpu.memory_space<vmem>> -> memref<128x32xf32, #tpu.memory_space<vmem>>
        %dma_wait3A_485 = arith.constant 0 : i32
        %dma_wait3A_486 = tpu.memref_slice %arg8[%add3A_375, %dma_wait3A_485] : memref<79x128xi32, #tpu.memory_space<vmem>> -> memref<1x128xi32, #tpu.memory_space<vmem>>
        %dma_wait3A_487 = tpu.memref_squeeze %dma_wait3A_486 : memref<1x128xi32, #tpu.memory_space<vmem>> -> memref<128xi32, #tpu.memory_space<vmem>>
        %dma_wait3A_488 = arith.constant 0 : i32
        %dma_wait3A_489 = arith.constant 0 : i32
        %dma_wait3A_490 = tpu.memref_slice %arg10[%dma_wait3A_488, %dma_wait3A_489] : memref<10240x32xf32, #tpu.memory_space<vmem_shared>> -> memref<10240x32xf32, #tpu.memory_space<vmem_shared>>
        tpu.wait_indirect_dma semaphore(%run_scoped3A_470 : memref<!tpu.dma_semaphore, #tpu.memory_space<semaphore_mem>>) src(%dma_wait3A_484 : memref<128x32xf32, #tpu.memory_space<vmem>>) dst(%dma_wait3A_490 : memref<10240x32xf32, #tpu.memory_space<vmem_shared>>)
        tpu.yield
      }) : () -> ()
      %add3A_377 = arith.constant 8 : i32
      %add3A_378 = arith.addi %mul3A_249, %add3A_377 : i32
      %add3A_379 = arith.constant 4 : i32
      %add3A_380 = arith.addi %add3A_378, %add3A_379 : i32
      %lt3A_381 = arith.constant 79 : i32
      %lt3A_382 = arith.cmpi slt, %add3A_380, %lt3A_381 : i32
      %convert_element_type3A_383 = arith.extui %lt3A_382 : i1 to i32
      %cond3A_384 = arith.constant 0 : i32
      %cond3A_385 = arith.cmpi ne, %convert_element_type3A_383, %cond3A_384 : i32
      scf.if %cond3A_385 {
        %dma_start3A_470 = arith.constant 4 : i32
        %dma_start3A_471 = arith.constant 4 : i32
        %dma_start3A_472 = arith.constant 0 : i32
        %dma_start3A_473 = arith.constant 0 : i32
        %dma_start3A_474 = tpu.memref_slice %arg9[%dma_start3A_470, %dma_start3A_472, %dma_start3A_473] : memref<8x128x32xf32, #tpu.memory_space<vmem>> -> memref<1x128x32xf32, #tpu.memory_space<vmem>>
        %dma_start3A_475 = tpu.memref_squeeze %dma_start3A_474 : memref<1x128x32xf32, #tpu.memory_space<vmem>> -> memref<128x32xf32, #tpu.memory_space<vmem>>
        %dma_start3A_476 = arith.constant 0 : i32
        %dma_start3A_477 = tpu.memref_slice %arg7[%add3A_380, %dma_start3A_476] : memref<79x128xi32, #tpu.memory_space<vmem>> -> memref<1x128xi32, #tpu.memory_space<vmem>>
        %dma_start3A_478 = tpu.memref_squeeze %dma_start3A_477 : memref<1x128xi32, #tpu.memory_space<vmem>> -> memref<128xi32, #tpu.memory_space<vmem>>
        %dma_start3A_479 = arith.constant 0 : i32
        %dma_start3A_480 = arith.constant 0 : i32
        %dma_start3A_481 = tpu.memref_slice %arg2[%dma_start3A_479, %dma_start3A_480] : memref<10000x32xf32, #tpu.memory_space<hbm>> -> memref<10000x32xf32, #tpu.memory_space<hbm>>
        %dma_start3A_482 = tpu.memref_slice %arg11[%dma_start3A_471] : memref<8x!tpu.dma_semaphore, #tpu.memory_space<semaphore_mem>> -> memref<1x!tpu.dma_semaphore, #tpu.memory_space<semaphore_mem>>
        %dma_start3A_483 = tpu.memref_squeeze %dma_start3A_482 : memref<1x!tpu.dma_semaphore, #tpu.memory_space<semaphore_mem>> -> memref<!tpu.dma_semaphore, #tpu.memory_space<semaphore_mem>>
        tpu.enqueue_indirect_dma source(%dma_start3A_481 : memref<10000x32xf32, #tpu.memory_space<hbm>>) target(%dma_start3A_475 : memref<128x32xf32, #tpu.memory_space<vmem>>) offsets(%dma_start3A_478 : memref<128xi32, #tpu.memory_space<vmem>>) semaphore(%dma_start3A_483 : memref<!tpu.dma_semaphore, #tpu.memory_space<semaphore_mem>>)
      } else {
      }
      %add3A_386 = arith.constant 5 : i32
      %add3A_387 = arith.addi %mul3A_249, %add3A_386 : i32
      %dma_wait3A_388 = arith.constant 5 : i32
      %dma_wait3A_389 = arith.constant 5 : i32
      %dma_wait3A_390 = arith.constant 0 : i32
      %dma_wait3A_391 = arith.constant 0 : i32
      %dma_wait3A_392 = tpu.memref_slice %arg9[%dma_wait3A_388, %dma_wait3A_390, %dma_wait3A_391] : memref<8x128x32xf32, #tpu.memory_space<vmem>> -> memref<1x128x32xf32, #tpu.memory_space<vmem>>
      %dma_wait3A_393 = tpu.memref_squeeze %dma_wait3A_392 : memref<1x128x32xf32, #tpu.memory_space<vmem>> -> memref<128x32xf32, #tpu.memory_space<vmem>>
      %dma_wait3A_394 = arith.constant 0 : i32
      %dma_wait3A_395 = tpu.memref_slice %arg7[%add3A_387, %dma_wait3A_394] : memref<79x128xi32, #tpu.memory_space<vmem>> -> memref<1x128xi32, #tpu.memory_space<vmem>>
      %dma_wait3A_396 = tpu.memref_squeeze %dma_wait3A_395 : memref<1x128xi32, #tpu.memory_space<vmem>> -> memref<128xi32, #tpu.memory_space<vmem>>
      %dma_wait3A_397 = arith.constant 0 : i32
      %dma_wait3A_398 = arith.constant 0 : i32
      %dma_wait3A_399 = tpu.memref_slice %arg2[%dma_wait3A_397, %dma_wait3A_398] : memref<10000x32xf32, #tpu.memory_space<hbm>> -> memref<10000x32xf32, #tpu.memory_space<hbm>>
      %dma_wait3A_400 = tpu.memref_slice %arg11[%dma_wait3A_389] : memref<8x!tpu.dma_semaphore, #tpu.memory_space<semaphore_mem>> -> memref<1x!tpu.dma_semaphore, #tpu.memory_space<semaphore_mem>>
      %dma_wait3A_401 = tpu.memref_squeeze %dma_wait3A_400 : memref<1x!tpu.dma_semaphore, #tpu.memory_space<semaphore_mem>> -> memref<!tpu.dma_semaphore, #tpu.memory_space<semaphore_mem>>
      tpu.wait_indirect_dma semaphore(%dma_wait3A_401 : memref<!tpu.dma_semaphore, #tpu.memory_space<semaphore_mem>>) src(%dma_wait3A_399 : memref<10000x32xf32, #tpu.memory_space<hbm>>) dst(%dma_wait3A_393 : memref<128x32xf32, #tpu.memory_space<vmem>>)
      %add3A_402 = arith.constant 5 : i32
      %add3A_403 = arith.addi %mul3A_249, %add3A_402 : i32
      %run_scoped3A_404 = arith.constant 5 : i32
      "tpu.region"() ({
        %run_scoped3A_470 = tpu.sem_alloc : memref<!tpu.dma_semaphore, #tpu.memory_space<semaphore_mem>>
        %dma_start3A_471 = arith.constant 0 : i32
        %dma_start3A_472 = arith.constant 0 : i32
        %dma_start3A_473 = tpu.memref_slice %arg9[%run_scoped3A_404, %dma_start3A_471, %dma_start3A_472] : memref<8x128x32xf32, #tpu.memory_space<vmem>> -> memref<1x128x32xf32, #tpu.memory_space<vmem>>
        %dma_start3A_474 = tpu.memref_squeeze %dma_start3A_473 : memref<1x128x32xf32, #tpu.memory_space<vmem>> -> memref<128x32xf32, #tpu.memory_space<vmem>>
        %dma_start3A_475 = arith.constant 0 : i32
        %dma_start3A_476 = tpu.memref_slice %arg8[%add3A_403, %dma_start3A_475] : memref<79x128xi32, #tpu.memory_space<vmem>> -> memref<1x128xi32, #tpu.memory_space<vmem>>
        %dma_start3A_477 = tpu.memref_squeeze %dma_start3A_476 : memref<1x128xi32, #tpu.memory_space<vmem>> -> memref<128xi32, #tpu.memory_space<vmem>>
        %dma_start3A_478 = arith.constant 0 : i32
        %dma_start3A_479 = arith.constant 0 : i32
        %dma_start3A_480 = tpu.memref_slice %arg10[%dma_start3A_478, %dma_start3A_479] : memref<10240x32xf32, #tpu.memory_space<vmem_shared>> -> memref<10240x32xf32, #tpu.memory_space<vmem_shared>>
        tpu.enqueue_indirect_dma source(%dma_start3A_474 : memref<128x32xf32, #tpu.memory_space<vmem>>) target(%dma_start3A_480 : memref<10240x32xf32, #tpu.memory_space<vmem_shared>>) offsets(%dma_start3A_477 : memref<128xi32, #tpu.memory_space<vmem>>) semaphore(%run_scoped3A_470 : memref<!tpu.dma_semaphore, #tpu.memory_space<semaphore_mem>>) {add = true}
        %dma_wait3A_481 = arith.constant 0 : i32
        %dma_wait3A_482 = arith.constant 0 : i32
        %dma_wait3A_483 = tpu.memref_slice %arg9[%run_scoped3A_404, %dma_wait3A_481, %dma_wait3A_482] : memref<8x128x32xf32, #tpu.memory_space<vmem>> -> memref<1x128x32xf32, #tpu.memory_space<vmem>>
        %dma_wait3A_484 = tpu.memref_squeeze %dma_wait3A_483 : memref<1x128x32xf32, #tpu.memory_space<vmem>> -> memref<128x32xf32, #tpu.memory_space<vmem>>
        %dma_wait3A_485 = arith.constant 0 : i32
        %dma_wait3A_486 = tpu.memref_slice %arg8[%add3A_403, %dma_wait3A_485] : memref<79x128xi32, #tpu.memory_space<vmem>> -> memref<1x128xi32, #tpu.memory_space<vmem>>
        %dma_wait3A_487 = tpu.memref_squeeze %dma_wait3A_486 : memref<1x128xi32, #tpu.memory_space<vmem>> -> memref<128xi32, #tpu.memory_space<vmem>>
        %dma_wait3A_488 = arith.constant 0 : i32
        %dma_wait3A_489 = arith.constant 0 : i32
        %dma_wait3A_490 = tpu.memref_slice %arg10[%dma_wait3A_488, %dma_wait3A_489] : memref<10240x32xf32, #tpu.memory_space<vmem_shared>> -> memref<10240x32xf32, #tpu.memory_space<vmem_shared>>
        tpu.wait_indirect_dma semaphore(%run_scoped3A_470 : memref<!tpu.dma_semaphore, #tpu.memory_space<semaphore_mem>>) src(%dma_wait3A_484 : memref<128x32xf32, #tpu.memory_space<vmem>>) dst(%dma_wait3A_490 : memref<10240x32xf32, #tpu.memory_space<vmem_shared>>)
        tpu.yield
      }) : () -> ()
      %add3A_405 = arith.constant 8 : i32
      %add3A_406 = arith.addi %mul3A_249, %add3A_405 : i32
      %add3A_407 = arith.constant 5 : i32
      %add3A_408 = arith.addi %add3A_406, %add3A_407 : i32
      %lt3A_409 = arith.constant 79 : i32
      %lt3A_410 = arith.cmpi slt, %add3A_408, %lt3A_409 : i32
      %convert_element_type3A_411 = arith.extui %lt3A_410 : i1 to i32
      %cond3A_412 = arith.constant 0 : i32
      %cond3A_413 = arith.cmpi ne, %convert_element_type3A_411, %cond3A_412 : i32
      scf.if %cond3A_413 {
        %dma_start3A_470 = arith.constant 5 : i32
        %dma_start3A_471 = arith.constant 5 : i32
        %dma_start3A_472 = arith.constant 0 : i32
        %dma_start3A_473 = arith.constant 0 : i32
        %dma_start3A_474 = tpu.memref_slice %arg9[%dma_start3A_470, %dma_start3A_472, %dma_start3A_473] : memref<8x128x32xf32, #tpu.memory_space<vmem>> -> memref<1x128x32xf32, #tpu.memory_space<vmem>>
        %dma_start3A_475 = tpu.memref_squeeze %dma_start3A_474 : memref<1x128x32xf32, #tpu.memory_space<vmem>> -> memref<128x32xf32, #tpu.memory_space<vmem>>
        %dma_start3A_476 = arith.constant 0 : i32
        %dma_start3A_477 = tpu.memref_slice %arg7[%add3A_408, %dma_start3A_476] : memref<79x128xi32, #tpu.memory_space<vmem>> -> memref<1x128xi32, #tpu.memory_space<vmem>>
        %dma_start3A_478 = tpu.memref_squeeze %dma_start3A_477 : memref<1x128xi32, #tpu.memory_space<vmem>> -> memref<128xi32, #tpu.memory_space<vmem>>
        %dma_start3A_479 = arith.constant 0 : i32
        %dma_start3A_480 = arith.constant 0 : i32
        %dma_start3A_481 = tpu.memref_slice %arg2[%dma_start3A_479, %dma_start3A_480] : memref<10000x32xf32, #tpu.memory_space<hbm>> -> memref<10000x32xf32, #tpu.memory_space<hbm>>
        %dma_start3A_482 = tpu.memref_slice %arg11[%dma_start3A_471] : memref<8x!tpu.dma_semaphore, #tpu.memory_space<semaphore_mem>> -> memref<1x!tpu.dma_semaphore, #tpu.memory_space<semaphore_mem>>
        %dma_start3A_483 = tpu.memref_squeeze %dma_start3A_482 : memref<1x!tpu.dma_semaphore, #tpu.memory_space<semaphore_mem>> -> memref<!tpu.dma_semaphore, #tpu.memory_space<semaphore_mem>>
        tpu.enqueue_indirect_dma source(%dma_start3A_481 : memref<10000x32xf32, #tpu.memory_space<hbm>>) target(%dma_start3A_475 : memref<128x32xf32, #tpu.memory_space<vmem>>) offsets(%dma_start3A_478 : memref<128xi32, #tpu.memory_space<vmem>>) semaphore(%dma_start3A_483 : memref<!tpu.dma_semaphore, #tpu.memory_space<semaphore_mem>>)
      } else {
      }
      %add3A_414 = arith.constant 6 : i32
      %add3A_415 = arith.addi %mul3A_249, %add3A_414 : i32
      %dma_wait3A_416 = arith.constant 6 : i32
      %dma_wait3A_417 = arith.constant 6 : i32
      %dma_wait3A_418 = arith.constant 0 : i32
      %dma_wait3A_419 = arith.constant 0 : i32
      %dma_wait3A_420 = tpu.memref_slice %arg9[%dma_wait3A_416, %dma_wait3A_418, %dma_wait3A_419] : memref<8x128x32xf32, #tpu.memory_space<vmem>> -> memref<1x128x32xf32, #tpu.memory_space<vmem>>
      %dma_wait3A_421 = tpu.memref_squeeze %dma_wait3A_420 : memref<1x128x32xf32, #tpu.memory_space<vmem>> -> memref<128x32xf32, #tpu.memory_space<vmem>>
      %dma_wait3A_422 = arith.constant 0 : i32
      %dma_wait3A_423 = tpu.memref_slice %arg7[%add3A_415, %dma_wait3A_422] : memref<79x128xi32, #tpu.memory_space<vmem>> -> memref<1x128xi32, #tpu.memory_space<vmem>>
      %dma_wait3A_424 = tpu.memref_squeeze %dma_wait3A_423 : memref<1x128xi32, #tpu.memory_space<vmem>> -> memref<128xi32, #tpu.memory_space<vmem>>
      %dma_wait3A_425 = arith.constant 0 : i32
      %dma_wait3A_426 = arith.constant 0 : i32
      %dma_wait3A_427 = tpu.memref_slice %arg2[%dma_wait3A_425, %dma_wait3A_426] : memref<10000x32xf32, #tpu.memory_space<hbm>> -> memref<10000x32xf32, #tpu.memory_space<hbm>>
      %dma_wait3A_428 = tpu.memref_slice %arg11[%dma_wait3A_417] : memref<8x!tpu.dma_semaphore, #tpu.memory_space<semaphore_mem>> -> memref<1x!tpu.dma_semaphore, #tpu.memory_space<semaphore_mem>>
      %dma_wait3A_429 = tpu.memref_squeeze %dma_wait3A_428 : memref<1x!tpu.dma_semaphore, #tpu.memory_space<semaphore_mem>> -> memref<!tpu.dma_semaphore, #tpu.memory_space<semaphore_mem>>
      tpu.wait_indirect_dma semaphore(%dma_wait3A_429 : memref<!tpu.dma_semaphore, #tpu.memory_space<semaphore_mem>>) src(%dma_wait3A_427 : memref<10000x32xf32, #tpu.memory_space<hbm>>) dst(%dma_wait3A_421 : memref<128x32xf32, #tpu.memory_space<vmem>>)
      %add3A_430 = arith.constant 6 : i32
      %add3A_431 = arith.addi %mul3A_249, %add3A_430 : i32
      %run_scoped3A_432 = arith.constant 6 : i32
      "tpu.region"() ({
        %run_scoped3A_470 = tpu.sem_alloc : memref<!tpu.dma_semaphore, #tpu.memory_space<semaphore_mem>>
        %dma_start3A_471 = arith.constant 0 : i32
        %dma_start3A_472 = arith.constant 0 : i32
        %dma_start3A_473 = tpu.memref_slice %arg9[%run_scoped3A_432, %dma_start3A_471, %dma_start3A_472] : memref<8x128x32xf32, #tpu.memory_space<vmem>> -> memref<1x128x32xf32, #tpu.memory_space<vmem>>
        %dma_start3A_474 = tpu.memref_squeeze %dma_start3A_473 : memref<1x128x32xf32, #tpu.memory_space<vmem>> -> memref<128x32xf32, #tpu.memory_space<vmem>>
        %dma_start3A_475 = arith.constant 0 : i32
        %dma_start3A_476 = tpu.memref_slice %arg8[%add3A_431, %dma_start3A_475] : memref<79x128xi32, #tpu.memory_space<vmem>> -> memref<1x128xi32, #tpu.memory_space<vmem>>
        %dma_start3A_477 = tpu.memref_squeeze %dma_start3A_476 : memref<1x128xi32, #tpu.memory_space<vmem>> -> memref<128xi32, #tpu.memory_space<vmem>>
        %dma_start3A_478 = arith.constant 0 : i32
        %dma_start3A_479 = arith.constant 0 : i32
        %dma_start3A_480 = tpu.memref_slice %arg10[%dma_start3A_478, %dma_start3A_479] : memref<10240x32xf32, #tpu.memory_space<vmem_shared>> -> memref<10240x32xf32, #tpu.memory_space<vmem_shared>>
        tpu.enqueue_indirect_dma source(%dma_start3A_474 : memref<128x32xf32, #tpu.memory_space<vmem>>) target(%dma_start3A_480 : memref<10240x32xf32, #tpu.memory_space<vmem_shared>>) offsets(%dma_start3A_477 : memref<128xi32, #tpu.memory_space<vmem>>) semaphore(%run_scoped3A_470 : memref<!tpu.dma_semaphore, #tpu.memory_space<semaphore_mem>>) {add = true}
        %dma_wait3A_481 = arith.constant 0 : i32
        %dma_wait3A_482 = arith.constant 0 : i32
        %dma_wait3A_483 = tpu.memref_slice %arg9[%run_scoped3A_432, %dma_wait3A_481, %dma_wait3A_482] : memref<8x128x32xf32, #tpu.memory_space<vmem>> -> memref<1x128x32xf32, #tpu.memory_space<vmem>>
        %dma_wait3A_484 = tpu.memref_squeeze %dma_wait3A_483 : memref<1x128x32xf32, #tpu.memory_space<vmem>> -> memref<128x32xf32, #tpu.memory_space<vmem>>
        %dma_wait3A_485 = arith.constant 0 : i32
        %dma_wait3A_486 = tpu.memref_slice %arg8[%add3A_431, %dma_wait3A_485] : memref<79x128xi32, #tpu.memory_space<vmem>> -> memref<1x128xi32, #tpu.memory_space<vmem>>
        %dma_wait3A_487 = tpu.memref_squeeze %dma_wait3A_486 : memref<1x128xi32, #tpu.memory_space<vmem>> -> memref<128xi32, #tpu.memory_space<vmem>>
        %dma_wait3A_488 = arith.constant 0 : i32
        %dma_wait3A_489 = arith.constant 0 : i32
        %dma_wait3A_490 = tpu.memref_slice %arg10[%dma_wait3A_488, %dma_wait3A_489] : memref<10240x32xf32, #tpu.memory_space<vmem_shared>> -> memref<10240x32xf32, #tpu.memory_space<vmem_shared>>
        tpu.wait_indirect_dma semaphore(%run_scoped3A_470 : memref<!tpu.dma_semaphore, #tpu.memory_space<semaphore_mem>>) src(%dma_wait3A_484 : memref<128x32xf32, #tpu.memory_space<vmem>>) dst(%dma_wait3A_490 : memref<10240x32xf32, #tpu.memory_space<vmem_shared>>)
        tpu.yield
      }) : () -> ()
      %add3A_433 = arith.constant 8 : i32
      %add3A_434 = arith.addi %mul3A_249, %add3A_433 : i32
      %add3A_435 = arith.constant 6 : i32
      %add3A_436 = arith.addi %add3A_434, %add3A_435 : i32
      %lt3A_437 = arith.constant 79 : i32
      %lt3A_438 = arith.cmpi slt, %add3A_436, %lt3A_437 : i32
      %convert_element_type3A_439 = arith.extui %lt3A_438 : i1 to i32
      %cond3A_440 = arith.constant 0 : i32
      %cond3A_441 = arith.cmpi ne, %convert_element_type3A_439, %cond3A_440 : i32
      scf.if %cond3A_441 {
        %dma_start3A_470 = arith.constant 6 : i32
        %dma_start3A_471 = arith.constant 6 : i32
        %dma_start3A_472 = arith.constant 0 : i32
        %dma_start3A_473 = arith.constant 0 : i32
        %dma_start3A_474 = tpu.memref_slice %arg9[%dma_start3A_470, %dma_start3A_472, %dma_start3A_473] : memref<8x128x32xf32, #tpu.memory_space<vmem>> -> memref<1x128x32xf32, #tpu.memory_space<vmem>>
        %dma_start3A_475 = tpu.memref_squeeze %dma_start3A_474 : memref<1x128x32xf32, #tpu.memory_space<vmem>> -> memref<128x32xf32, #tpu.memory_space<vmem>>
        %dma_start3A_476 = arith.constant 0 : i32
        %dma_start3A_477 = tpu.memref_slice %arg7[%add3A_436, %dma_start3A_476] : memref<79x128xi32, #tpu.memory_space<vmem>> -> memref<1x128xi32, #tpu.memory_space<vmem>>
        %dma_start3A_478 = tpu.memref_squeeze %dma_start3A_477 : memref<1x128xi32, #tpu.memory_space<vmem>> -> memref<128xi32, #tpu.memory_space<vmem>>
        %dma_start3A_479 = arith.constant 0 : i32
        %dma_start3A_480 = arith.constant 0 : i32
        %dma_start3A_481 = tpu.memref_slice %arg2[%dma_start3A_479, %dma_start3A_480] : memref<10000x32xf32, #tpu.memory_space<hbm>> -> memref<10000x32xf32, #tpu.memory_space<hbm>>
        %dma_start3A_482 = tpu.memref_slice %arg11[%dma_start3A_471] : memref<8x!tpu.dma_semaphore, #tpu.memory_space<semaphore_mem>> -> memref<1x!tpu.dma_semaphore, #tpu.memory_space<semaphore_mem>>
        %dma_start3A_483 = tpu.memref_squeeze %dma_start3A_482 : memref<1x!tpu.dma_semaphore, #tpu.memory_space<semaphore_mem>> -> memref<!tpu.dma_semaphore, #tpu.memory_space<semaphore_mem>>
        tpu.enqueue_indirect_dma source(%dma_start3A_481 : memref<10000x32xf32, #tpu.memory_space<hbm>>) target(%dma_start3A_475 : memref<128x32xf32, #tpu.memory_space<vmem>>) offsets(%dma_start3A_478 : memref<128xi32, #tpu.memory_space<vmem>>) semaphore(%dma_start3A_483 : memref<!tpu.dma_semaphore, #tpu.memory_space<semaphore_mem>>)
      } else {
      }
      %add3A_442 = arith.constant 7 : i32
      %add3A_443 = arith.addi %mul3A_249, %add3A_442 : i32
      %dma_wait3A_444 = arith.constant 7 : i32
      %dma_wait3A_445 = arith.constant 7 : i32
      %dma_wait3A_446 = arith.constant 0 : i32
      %dma_wait3A_447 = arith.constant 0 : i32
      %dma_wait3A_448 = tpu.memref_slice %arg9[%dma_wait3A_444, %dma_wait3A_446, %dma_wait3A_447] : memref<8x128x32xf32, #tpu.memory_space<vmem>> -> memref<1x128x32xf32, #tpu.memory_space<vmem>>
      %dma_wait3A_449 = tpu.memref_squeeze %dma_wait3A_448 : memref<1x128x32xf32, #tpu.memory_space<vmem>> -> memref<128x32xf32, #tpu.memory_space<vmem>>
      %dma_wait3A_450 = arith.constant 0 : i32
      %dma_wait3A_451 = tpu.memref_slice %arg7[%add3A_443, %dma_wait3A_450] : memref<79x128xi32, #tpu.memory_space<vmem>> -> memref<1x128xi32, #tpu.memory_space<vmem>>
      %dma_wait3A_452 = tpu.memref_squeeze %dma_wait3A_451 : memref<1x128xi32, #tpu.memory_space<vmem>> -> memref<128xi32, #tpu.memory_space<vmem>>
      %dma_wait3A_453 = arith.constant 0 : i32
      %dma_wait3A_454 = arith.constant 0 : i32
      %dma_wait3A_455 = tpu.memref_slice %arg2[%dma_wait3A_453, %dma_wait3A_454] : memref<10000x32xf32, #tpu.memory_space<hbm>> -> memref<10000x32xf32, #tpu.memory_space<hbm>>
      %dma_wait3A_456 = tpu.memref_slice %arg11[%dma_wait3A_445] : memref<8x!tpu.dma_semaphore, #tpu.memory_space<semaphore_mem>> -> memref<1x!tpu.dma_semaphore, #tpu.memory_space<semaphore_mem>>
      %dma_wait3A_457 = tpu.memref_squeeze %dma_wait3A_456 : memref<1x!tpu.dma_semaphore, #tpu.memory_space<semaphore_mem>> -> memref<!tpu.dma_semaphore, #tpu.memory_space<semaphore_mem>>
      tpu.wait_indirect_dma semaphore(%dma_wait3A_457 : memref<!tpu.dma_semaphore, #tpu.memory_space<semaphore_mem>>) src(%dma_wait3A_455 : memref<10000x32xf32, #tpu.memory_space<hbm>>) dst(%dma_wait3A_449 : memref<128x32xf32, #tpu.memory_space<vmem>>)
      %add3A_458 = arith.constant 7 : i32
      %add3A_459 = arith.addi %mul3A_249, %add3A_458 : i32
      %run_scoped3A_460 = arith.constant 7 : i32
      "tpu.region"() ({
        %run_scoped3A_470 = tpu.sem_alloc : memref<!tpu.dma_semaphore, #tpu.memory_space<semaphore_mem>>
        %dma_start3A_471 = arith.constant 0 : i32
        %dma_start3A_472 = arith.constant 0 : i32
        %dma_start3A_473 = tpu.memref_slice %arg9[%run_scoped3A_460, %dma_start3A_471, %dma_start3A_472] : memref<8x128x32xf32, #tpu.memory_space<vmem>> -> memref<1x128x32xf32, #tpu.memory_space<vmem>>
        %dma_start3A_474 = tpu.memref_squeeze %dma_start3A_473 : memref<1x128x32xf32, #tpu.memory_space<vmem>> -> memref<128x32xf32, #tpu.memory_space<vmem>>
        %dma_start3A_475 = arith.constant 0 : i32
        %dma_start3A_476 = tpu.memref_slice %arg8[%add3A_459, %dma_start3A_475] : memref<79x128xi32, #tpu.memory_space<vmem>> -> memref<1x128xi32, #tpu.memory_space<vmem>>
        %dma_start3A_477 = tpu.memref_squeeze %dma_start3A_476 : memref<1x128xi32, #tpu.memory_space<vmem>> -> memref<128xi32, #tpu.memory_space<vmem>>
        %dma_start3A_478 = arith.constant 0 : i32
        %dma_start3A_479 = arith.constant 0 : i32
        %dma_start3A_480 = tpu.memref_slice %arg10[%dma_start3A_478, %dma_start3A_479] : memref<10240x32xf32, #tpu.memory_space<vmem_shared>> -> memref<10240x32xf32, #tpu.memory_space<vmem_shared>>
        tpu.enqueue_indirect_dma source(%dma_start3A_474 : memref<128x32xf32, #tpu.memory_space<vmem>>) target(%dma_start3A_480 : memref<10240x32xf32, #tpu.memory_space<vmem_shared>>) offsets(%dma_start3A_477 : memref<128xi32, #tpu.memory_space<vmem>>) semaphore(%run_scoped3A_470 : memref<!tpu.dma_semaphore, #tpu.memory_space<semaphore_mem>>) {add = true}
        %dma_wait3A_481 = arith.constant 0 : i32
        %dma_wait3A_482 = arith.constant 0 : i32
        %dma_wait3A_483 = tpu.memref_slice %arg9[%run_scoped3A_460, %dma_wait3A_481, %dma_wait3A_482] : memref<8x128x32xf32, #tpu.memory_space<vmem>> -> memref<1x128x32xf32, #tpu.memory_space<vmem>>
        %dma_wait3A_484 = tpu.memref_squeeze %dma_wait3A_483 : memref<1x128x32xf32, #tpu.memory_space<vmem>> -> memref<128x32xf32, #tpu.memory_space<vmem>>
        %dma_wait3A_485 = arith.constant 0 : i32
        %dma_wait3A_486 = tpu.memref_slice %arg8[%add3A_459, %dma_wait3A_485] : memref<79x128xi32, #tpu.memory_space<vmem>> -> memref<1x128xi32, #tpu.memory_space<vmem>>
        %dma_wait3A_487 = tpu.memref_squeeze %dma_wait3A_486 : memref<1x128xi32, #tpu.memory_space<vmem>> -> memref<128xi32, #tpu.memory_space<vmem>>
        %dma_wait3A_488 = arith.constant 0 : i32
        %dma_wait3A_489 = arith.constant 0 : i32
        %dma_wait3A_490 = tpu.memref_slice %arg10[%dma_wait3A_488, %dma_wait3A_489] : memref<10240x32xf32, #tpu.memory_space<vmem_shared>> -> memref<10240x32xf32, #tpu.memory_space<vmem_shared>>
        tpu.wait_indirect_dma semaphore(%run_scoped3A_470 : memref<!tpu.dma_semaphore, #tpu.memory_space<semaphore_mem>>) src(%dma_wait3A_484 : memref<128x32xf32, #tpu.memory_space<vmem>>) dst(%dma_wait3A_490 : memref<10240x32xf32, #tpu.memory_space<vmem_shared>>)
        tpu.yield
      }) : () -> ()
      %add3A_461 = arith.constant 8 : i32
      %add3A_462 = arith.addi %mul3A_249, %add3A_461 : i32
      %add3A_463 = arith.constant 7 : i32
      %add3A_464 = arith.addi %add3A_462, %add3A_463 : i32
      %lt3A_465 = arith.constant 79 : i32
      %lt3A_466 = arith.cmpi slt, %add3A_464, %lt3A_465 : i32
      %convert_element_type3A_467 = arith.extui %lt3A_466 : i1 to i32
      %cond3A_468 = arith.constant 0 : i32
      %cond3A_469 = arith.cmpi ne, %convert_element_type3A_467, %cond3A_468 : i32
      scf.if %cond3A_469 {
        %dma_start3A_470 = arith.constant 7 : i32
        %dma_start3A_471 = arith.constant 7 : i32
        %dma_start3A_472 = arith.constant 0 : i32
        %dma_start3A_473 = arith.constant 0 : i32
        %dma_start3A_474 = tpu.memref_slice %arg9[%dma_start3A_470, %dma_start3A_472, %dma_start3A_473] : memref<8x128x32xf32, #tpu.memory_space<vmem>> -> memref<1x128x32xf32, #tpu.memory_space<vmem>>
        %dma_start3A_475 = tpu.memref_squeeze %dma_start3A_474 : memref<1x128x32xf32, #tpu.memory_space<vmem>> -> memref<128x32xf32, #tpu.memory_space<vmem>>
        %dma_start3A_476 = arith.constant 0 : i32
        %dma_start3A_477 = tpu.memref_slice %arg7[%add3A_464, %dma_start3A_476] : memref<79x128xi32, #tpu.memory_space<vmem>> -> memref<1x128xi32, #tpu.memory_space<vmem>>
        %dma_start3A_478 = tpu.memref_squeeze %dma_start3A_477 : memref<1x128xi32, #tpu.memory_space<vmem>> -> memref<128xi32, #tpu.memory_space<vmem>>
        %dma_start3A_479 = arith.constant 0 : i32
        %dma_start3A_480 = arith.constant 0 : i32
        %dma_start3A_481 = tpu.memref_slice %arg2[%dma_start3A_479, %dma_start3A_480] : memref<10000x32xf32, #tpu.memory_space<hbm>> -> memref<10000x32xf32, #tpu.memory_space<hbm>>
        %dma_start3A_482 = tpu.memref_slice %arg11[%dma_start3A_471] : memref<8x!tpu.dma_semaphore, #tpu.memory_space<semaphore_mem>> -> memref<1x!tpu.dma_semaphore, #tpu.memory_space<semaphore_mem>>
        %dma_start3A_483 = tpu.memref_squeeze %dma_start3A_482 : memref<1x!tpu.dma_semaphore, #tpu.memory_space<semaphore_mem>> -> memref<!tpu.dma_semaphore, #tpu.memory_space<semaphore_mem>>
        tpu.enqueue_indirect_dma source(%dma_start3A_481 : memref<10000x32xf32, #tpu.memory_space<hbm>>) target(%dma_start3A_475 : memref<128x32xf32, #tpu.memory_space<vmem>>) offsets(%dma_start3A_478 : memref<128xi32, #tpu.memory_space<vmem>>) semaphore(%dma_start3A_483 : memref<!tpu.dma_semaphore, #tpu.memory_space<semaphore_mem>>)
      } else {
      }
    }
    %scan3A_124 = arith.constant 9 : i32
    %dma_wait3A = arith.constant 72 : i32
    %dma_wait3A_125 = arith.constant 0 : i32
    %dma_wait3A_126 = arith.constant 0 : i32
    %dma_wait3A_127 = arith.constant 0 : i32
    %dma_wait3A_128 = arith.constant 0 : i32
    %dma_wait3A_129 = tpu.memref_slice %arg9[%dma_wait3A_125, %dma_wait3A_127, %dma_wait3A_128] : memref<8x128x32xf32, #tpu.memory_space<vmem>> -> memref<1x128x32xf32, #tpu.memory_space<vmem>>
    %dma_wait3A_130 = tpu.memref_squeeze %dma_wait3A_129 : memref<1x128x32xf32, #tpu.memory_space<vmem>> -> memref<128x32xf32, #tpu.memory_space<vmem>>
    %dma_wait3A_131 = arith.constant 0 : i32
    %dma_wait3A_132 = tpu.memref_slice %arg7[%dma_wait3A, %dma_wait3A_131] : memref<79x128xi32, #tpu.memory_space<vmem>> -> memref<1x128xi32, #tpu.memory_space<vmem>>
    %dma_wait3A_133 = tpu.memref_squeeze %dma_wait3A_132 : memref<1x128xi32, #tpu.memory_space<vmem>> -> memref<128xi32, #tpu.memory_space<vmem>>
    %dma_wait3A_134 = arith.constant 0 : i32
    %dma_wait3A_135 = arith.constant 0 : i32
    %dma_wait3A_136 = tpu.memref_slice %arg2[%dma_wait3A_134, %dma_wait3A_135] : memref<10000x32xf32, #tpu.memory_space<hbm>> -> memref<10000x32xf32, #tpu.memory_space<hbm>>
    %dma_wait3A_137 = tpu.memref_slice %arg11[%dma_wait3A_126] : memref<8x!tpu.dma_semaphore, #tpu.memory_space<semaphore_mem>> -> memref<1x!tpu.dma_semaphore, #tpu.memory_space<semaphore_mem>>
    %dma_wait3A_138 = tpu.memref_squeeze %dma_wait3A_137 : memref<1x!tpu.dma_semaphore, #tpu.memory_space<semaphore_mem>> -> memref<!tpu.dma_semaphore, #tpu.memory_space<semaphore_mem>>
    tpu.wait_indirect_dma semaphore(%dma_wait3A_138 : memref<!tpu.dma_semaphore, #tpu.memory_space<semaphore_mem>>) src(%dma_wait3A_136 : memref<10000x32xf32, #tpu.memory_space<hbm>>) dst(%dma_wait3A_130 : memref<128x32xf32, #tpu.memory_space<vmem>>)
    %run_scoped3A = arith.constant 0 : i32
    %run_scoped3A_139 = arith.constant 72 : i32
    "tpu.region"() ({
      %run_scoped3A_247 = tpu.sem_alloc : memref<!tpu.dma_semaphore, #tpu.memory_space<semaphore_mem>>
      %dma_start3A_248 = arith.constant 0 : i32
      %dma_start3A_249 = arith.constant 0 : i32
      %dma_start3A_250 = tpu.memref_slice %arg9[%run_scoped3A, %dma_start3A_248, %dma_start3A_249] : memref<8x128x32xf32, #tpu.memory_space<vmem>> -> memref<1x128x32xf32, #tpu.memory_space<vmem>>
      %dma_start3A_251 = tpu.memref_squeeze %dma_start3A_250 : memref<1x128x32xf32, #tpu.memory_space<vmem>> -> memref<128x32xf32, #tpu.memory_space<vmem>>
      %dma_start3A_252 = arith.constant 0 : i32
      %dma_start3A_253 = tpu.memref_slice %arg8[%run_scoped3A_139, %dma_start3A_252] : memref<79x128xi32, #tpu.memory_space<vmem>> -> memref<1x128xi32, #tpu.memory_space<vmem>>
      %dma_start3A_254 = tpu.memref_squeeze %dma_start3A_253 : memref<1x128xi32, #tpu.memory_space<vmem>> -> memref<128xi32, #tpu.memory_space<vmem>>
      %dma_start3A_255 = arith.constant 0 : i32
      %dma_start3A_256 = arith.constant 0 : i32
      %dma_start3A_257 = tpu.memref_slice %arg10[%dma_start3A_255, %dma_start3A_256] : memref<10240x32xf32, #tpu.memory_space<vmem_shared>> -> memref<10240x32xf32, #tpu.memory_space<vmem_shared>>
      tpu.enqueue_indirect_dma source(%dma_start3A_251 : memref<128x32xf32, #tpu.memory_space<vmem>>) target(%dma_start3A_257 : memref<10240x32xf32, #tpu.memory_space<vmem_shared>>) offsets(%dma_start3A_254 : memref<128xi32, #tpu.memory_space<vmem>>) semaphore(%run_scoped3A_247 : memref<!tpu.dma_semaphore, #tpu.memory_space<semaphore_mem>>) {add = true}
      %dma_wait3A_258 = arith.constant 0 : i32
      %dma_wait3A_259 = arith.constant 0 : i32
      %dma_wait3A_260 = tpu.memref_slice %arg9[%run_scoped3A, %dma_wait3A_258, %dma_wait3A_259] : memref<8x128x32xf32, #tpu.memory_space<vmem>> -> memref<1x128x32xf32, #tpu.memory_space<vmem>>
      %dma_wait3A_261 = tpu.memref_squeeze %dma_wait3A_260 : memref<1x128x32xf32, #tpu.memory_space<vmem>> -> memref<128x32xf32, #tpu.memory_space<vmem>>
      %dma_wait3A_262 = arith.constant 0 : i32
      %dma_wait3A_263 = tpu.memref_slice %arg8[%run_scoped3A_139, %dma_wait3A_262] : memref<79x128xi32, #tpu.memory_space<vmem>> -> memref<1x128xi32, #tpu.memory_space<vmem>>
      %dma_wait3A_264 = tpu.memref_squeeze %dma_wait3A_263 : memref<1x128xi32, #tpu.memory_space<vmem>> -> memref<128xi32, #tpu.memory_space<vmem>>
      %dma_wait3A_265 = arith.constant 0 : i32
      %dma_wait3A_266 = arith.constant 0 : i32
      %dma_wait3A_267 = tpu.memref_slice %arg10[%dma_wait3A_265, %dma_wait3A_266] : memref<10240x32xf32, #tpu.memory_space<vmem_shared>> -> memref<10240x32xf32, #tpu.memory_space<vmem_shared>>
      tpu.wait_indirect_dma semaphore(%run_scoped3A_247 : memref<!tpu.dma_semaphore, #tpu.memory_space<semaphore_mem>>) src(%dma_wait3A_261 : memref<128x32xf32, #tpu.memory_space<vmem>>) dst(%dma_wait3A_267 : memref<10240x32xf32, #tpu.memory_space<vmem_shared>>)
      tpu.yield
    }) : () -> ()
    %dma_wait3A_140 = arith.constant 73 : i32
    %dma_wait3A_141 = arith.constant 1 : i32
    %dma_wait3A_142 = arith.constant 1 : i32
    %dma_wait3A_143 = arith.constant 0 : i32
    %dma_wait3A_144 = arith.constant 0 : i32
    %dma_wait3A_145 = tpu.memref_slice %arg9[%dma_wait3A_141, %dma_wait3A_143, %dma_wait3A_144] : memref<8x128x32xf32, #tpu.memory_space<vmem>> -> memref<1x128x32xf32, #tpu.memory_space<vmem>>
    %dma_wait3A_146 = tpu.memref_squeeze %dma_wait3A_145 : memref<1x128x32xf32, #tpu.memory_space<vmem>> -> memref<128x32xf32, #tpu.memory_space<vmem>>
    %dma_wait3A_147 = arith.constant 0 : i32
    %dma_wait3A_148 = tpu.memref_slice %arg7[%dma_wait3A_140, %dma_wait3A_147] : memref<79x128xi32, #tpu.memory_space<vmem>> -> memref<1x128xi32, #tpu.memory_space<vmem>>
    %dma_wait3A_149 = tpu.memref_squeeze %dma_wait3A_148 : memref<1x128xi32, #tpu.memory_space<vmem>> -> memref<128xi32, #tpu.memory_space<vmem>>
    %dma_wait3A_150 = arith.constant 0 : i32
    %dma_wait3A_151 = arith.constant 0 : i32
    %dma_wait3A_152 = tpu.memref_slice %arg2[%dma_wait3A_150, %dma_wait3A_151] : memref<10000x32xf32, #tpu.memory_space<hbm>> -> memref<10000x32xf32, #tpu.memory_space<hbm>>
    %dma_wait3A_153 = tpu.memref_slice %arg11[%dma_wait3A_142] : memref<8x!tpu.dma_semaphore, #tpu.memory_space<semaphore_mem>> -> memref<1x!tpu.dma_semaphore, #tpu.memory_space<semaphore_mem>>
    %dma_wait3A_154 = tpu.memref_squeeze %dma_wait3A_153 : memref<1x!tpu.dma_semaphore, #tpu.memory_space<semaphore_mem>> -> memref<!tpu.dma_semaphore, #tpu.memory_space<semaphore_mem>>
    tpu.wait_indirect_dma semaphore(%dma_wait3A_154 : memref<!tpu.dma_semaphore, #tpu.memory_space<semaphore_mem>>) src(%dma_wait3A_152 : memref<10000x32xf32, #tpu.memory_space<hbm>>) dst(%dma_wait3A_146 : memref<128x32xf32, #tpu.memory_space<vmem>>)
    %run_scoped3A_155 = arith.constant 1 : i32
    %run_scoped3A_156 = arith.constant 73 : i32
    "tpu.region"() ({
      %run_scoped3A_247 = tpu.sem_alloc : memref<!tpu.dma_semaphore, #tpu.memory_space<semaphore_mem>>
      %dma_start3A_248 = arith.constant 0 : i32
      %dma_start3A_249 = arith.constant 0 : i32
      %dma_start3A_250 = tpu.memref_slice %arg9[%run_scoped3A_155, %dma_start3A_248, %dma_start3A_249] : memref<8x128x32xf32, #tpu.memory_space<vmem>> -> memref<1x128x32xf32, #tpu.memory_space<vmem>>
      %dma_start3A_251 = tpu.memref_squeeze %dma_start3A_250 : memref<1x128x32xf32, #tpu.memory_space<vmem>> -> memref<128x32xf32, #tpu.memory_space<vmem>>
      %dma_start3A_252 = arith.constant 0 : i32
      %dma_start3A_253 = tpu.memref_slice %arg8[%run_scoped3A_156, %dma_start3A_252] : memref<79x128xi32, #tpu.memory_space<vmem>> -> memref<1x128xi32, #tpu.memory_space<vmem>>
      %dma_start3A_254 = tpu.memref_squeeze %dma_start3A_253 : memref<1x128xi32, #tpu.memory_space<vmem>> -> memref<128xi32, #tpu.memory_space<vmem>>
      %dma_start3A_255 = arith.constant 0 : i32
      %dma_start3A_256 = arith.constant 0 : i32
      %dma_start3A_257 = tpu.memref_slice %arg10[%dma_start3A_255, %dma_start3A_256] : memref<10240x32xf32, #tpu.memory_space<vmem_shared>> -> memref<10240x32xf32, #tpu.memory_space<vmem_shared>>
      tpu.enqueue_indirect_dma source(%dma_start3A_251 : memref<128x32xf32, #tpu.memory_space<vmem>>) target(%dma_start3A_257 : memref<10240x32xf32, #tpu.memory_space<vmem_shared>>) offsets(%dma_start3A_254 : memref<128xi32, #tpu.memory_space<vmem>>) semaphore(%run_scoped3A_247 : memref<!tpu.dma_semaphore, #tpu.memory_space<semaphore_mem>>) {add = true}
      %dma_wait3A_258 = arith.constant 0 : i32
      %dma_wait3A_259 = arith.constant 0 : i32
      %dma_wait3A_260 = tpu.memref_slice %arg9[%run_scoped3A_155, %dma_wait3A_258, %dma_wait3A_259] : memref<8x128x32xf32, #tpu.memory_space<vmem>> -> memref<1x128x32xf32, #tpu.memory_space<vmem>>
      %dma_wait3A_261 = tpu.memref_squeeze %dma_wait3A_260 : memref<1x128x32xf32, #tpu.memory_space<vmem>> -> memref<128x32xf32, #tpu.memory_space<vmem>>
      %dma_wait3A_262 = arith.constant 0 : i32
      %dma_wait3A_263 = tpu.memref_slice %arg8[%run_scoped3A_156, %dma_wait3A_262] : memref<79x128xi32, #tpu.memory_space<vmem>> -> memref<1x128xi32, #tpu.memory_space<vmem>>
      %dma_wait3A_264 = tpu.memref_squeeze %dma_wait3A_263 : memref<1x128xi32, #tpu.memory_space<vmem>> -> memref<128xi32, #tpu.memory_space<vmem>>
      %dma_wait3A_265 = arith.constant 0 : i32
      %dma_wait3A_266 = arith.constant 0 : i32
      %dma_wait3A_267 = tpu.memref_slice %arg10[%dma_wait3A_265, %dma_wait3A_266] : memref<10240x32xf32, #tpu.memory_space<vmem_shared>> -> memref<10240x32xf32, #tpu.memory_space<vmem_shared>>
      tpu.wait_indirect_dma semaphore(%run_scoped3A_247 : memref<!tpu.dma_semaphore, #tpu.memory_space<semaphore_mem>>) src(%dma_wait3A_261 : memref<128x32xf32, #tpu.memory_space<vmem>>) dst(%dma_wait3A_267 : memref<10240x32xf32, #tpu.memory_space<vmem_shared>>)
      tpu.yield
    }) : () -> ()
    %dma_wait3A_157 = arith.constant 74 : i32
    %dma_wait3A_158 = arith.constant 2 : i32
    %dma_wait3A_159 = arith.constant 2 : i32
    %dma_wait3A_160 = arith.constant 0 : i32
    %dma_wait3A_161 = arith.constant 0 : i32
    %dma_wait3A_162 = tpu.memref_slice %arg9[%dma_wait3A_158, %dma_wait3A_160, %dma_wait3A_161] : memref<8x128x32xf32, #tpu.memory_space<vmem>> -> memref<1x128x32xf32, #tpu.memory_space<vmem>>
    %dma_wait3A_163 = tpu.memref_squeeze %dma_wait3A_162 : memref<1x128x32xf32, #tpu.memory_space<vmem>> -> memref<128x32xf32, #tpu.memory_space<vmem>>
    %dma_wait3A_164 = arith.constant 0 : i32
    %dma_wait3A_165 = tpu.memref_slice %arg7[%dma_wait3A_157, %dma_wait3A_164] : memref<79x128xi32, #tpu.memory_space<vmem>> -> memref<1x128xi32, #tpu.memory_space<vmem>>
    %dma_wait3A_166 = tpu.memref_squeeze %dma_wait3A_165 : memref<1x128xi32, #tpu.memory_space<vmem>> -> memref<128xi32, #tpu.memory_space<vmem>>
    %dma_wait3A_167 = arith.constant 0 : i32
    %dma_wait3A_168 = arith.constant 0 : i32
    %dma_wait3A_169 = tpu.memref_slice %arg2[%dma_wait3A_167, %dma_wait3A_168] : memref<10000x32xf32, #tpu.memory_space<hbm>> -> memref<10000x32xf32, #tpu.memory_space<hbm>>
    %dma_wait3A_170 = tpu.memref_slice %arg11[%dma_wait3A_159] : memref<8x!tpu.dma_semaphore, #tpu.memory_space<semaphore_mem>> -> memref<1x!tpu.dma_semaphore, #tpu.memory_space<semaphore_mem>>
    %dma_wait3A_171 = tpu.memref_squeeze %dma_wait3A_170 : memref<1x!tpu.dma_semaphore, #tpu.memory_space<semaphore_mem>> -> memref<!tpu.dma_semaphore, #tpu.memory_space<semaphore_mem>>
    tpu.wait_indirect_dma semaphore(%dma_wait3A_171 : memref<!tpu.dma_semaphore, #tpu.memory_space<semaphore_mem>>) src(%dma_wait3A_169 : memref<10000x32xf32, #tpu.memory_space<hbm>>) dst(%dma_wait3A_163 : memref<128x32xf32, #tpu.memory_space<vmem>>)
    %run_scoped3A_172 = arith.constant 2 : i32
    %run_scoped3A_173 = arith.constant 74 : i32
    "tpu.region"() ({
      %run_scoped3A_247 = tpu.sem_alloc : memref<!tpu.dma_semaphore, #tpu.memory_space<semaphore_mem>>
      %dma_start3A_248 = arith.constant 0 : i32
      %dma_start3A_249 = arith.constant 0 : i32
      %dma_start3A_250 = tpu.memref_slice %arg9[%run_scoped3A_172, %dma_start3A_248, %dma_start3A_249] : memref<8x128x32xf32, #tpu.memory_space<vmem>> -> memref<1x128x32xf32, #tpu.memory_space<vmem>>
      %dma_start3A_251 = tpu.memref_squeeze %dma_start3A_250 : memref<1x128x32xf32, #tpu.memory_space<vmem>> -> memref<128x32xf32, #tpu.memory_space<vmem>>
      %dma_start3A_252 = arith.constant 0 : i32
      %dma_start3A_253 = tpu.memref_slice %arg8[%run_scoped3A_173, %dma_start3A_252] : memref<79x128xi32, #tpu.memory_space<vmem>> -> memref<1x128xi32, #tpu.memory_space<vmem>>
      %dma_start3A_254 = tpu.memref_squeeze %dma_start3A_253 : memref<1x128xi32, #tpu.memory_space<vmem>> -> memref<128xi32, #tpu.memory_space<vmem>>
      %dma_start3A_255 = arith.constant 0 : i32
      %dma_start3A_256 = arith.constant 0 : i32
      %dma_start3A_257 = tpu.memref_slice %arg10[%dma_start3A_255, %dma_start3A_256] : memref<10240x32xf32, #tpu.memory_space<vmem_shared>> -> memref<10240x32xf32, #tpu.memory_space<vmem_shared>>
      tpu.enqueue_indirect_dma source(%dma_start3A_251 : memref<128x32xf32, #tpu.memory_space<vmem>>) target(%dma_start3A_257 : memref<10240x32xf32, #tpu.memory_space<vmem_shared>>) offsets(%dma_start3A_254 : memref<128xi32, #tpu.memory_space<vmem>>) semaphore(%run_scoped3A_247 : memref<!tpu.dma_semaphore, #tpu.memory_space<semaphore_mem>>) {add = true}
      %dma_wait3A_258 = arith.constant 0 : i32
      %dma_wait3A_259 = arith.constant 0 : i32
      %dma_wait3A_260 = tpu.memref_slice %arg9[%run_scoped3A_172, %dma_wait3A_258, %dma_wait3A_259] : memref<8x128x32xf32, #tpu.memory_space<vmem>> -> memref<1x128x32xf32, #tpu.memory_space<vmem>>
      %dma_wait3A_261 = tpu.memref_squeeze %dma_wait3A_260 : memref<1x128x32xf32, #tpu.memory_space<vmem>> -> memref<128x32xf32, #tpu.memory_space<vmem>>
      %dma_wait3A_262 = arith.constant 0 : i32
      %dma_wait3A_263 = tpu.memref_slice %arg8[%run_scoped3A_173, %dma_wait3A_262] : memref<79x128xi32, #tpu.memory_space<vmem>> -> memref<1x128xi32, #tpu.memory_space<vmem>>
      %dma_wait3A_264 = tpu.memref_squeeze %dma_wait3A_263 : memref<1x128xi32, #tpu.memory_space<vmem>> -> memref<128xi32, #tpu.memory_space<vmem>>
      %dma_wait3A_265 = arith.constant 0 : i32
      %dma_wait3A_266 = arith.constant 0 : i32
      %dma_wait3A_267 = tpu.memref_slice %arg10[%dma_wait3A_265, %dma_wait3A_266] : memref<10240x32xf32, #tpu.memory_space<vmem_shared>> -> memref<10240x32xf32, #tpu.memory_space<vmem_shared>>
      tpu.wait_indirect_dma semaphore(%run_scoped3A_247 : memref<!tpu.dma_semaphore, #tpu.memory_space<semaphore_mem>>) src(%dma_wait3A_261 : memref<128x32xf32, #tpu.memory_space<vmem>>) dst(%dma_wait3A_267 : memref<10240x32xf32, #tpu.memory_space<vmem_shared>>)
      tpu.yield
    }) : () -> ()
    %dma_wait3A_174 = arith.constant 75 : i32
    %dma_wait3A_175 = arith.constant 3 : i32
    %dma_wait3A_176 = arith.constant 3 : i32
    %dma_wait3A_177 = arith.constant 0 : i32
    %dma_wait3A_178 = arith.constant 0 : i32
    %dma_wait3A_179 = tpu.memref_slice %arg9[%dma_wait3A_175, %dma_wait3A_177, %dma_wait3A_178] : memref<8x128x32xf32, #tpu.memory_space<vmem>> -> memref<1x128x32xf32, #tpu.memory_space<vmem>>
    %dma_wait3A_180 = tpu.memref_squeeze %dma_wait3A_179 : memref<1x128x32xf32, #tpu.memory_space<vmem>> -> memref<128x32xf32, #tpu.memory_space<vmem>>
    %dma_wait3A_181 = arith.constant 0 : i32
    %dma_wait3A_182 = tpu.memref_slice %arg7[%dma_wait3A_174, %dma_wait3A_181] : memref<79x128xi32, #tpu.memory_space<vmem>> -> memref<1x128xi32, #tpu.memory_space<vmem>>
    %dma_wait3A_183 = tpu.memref_squeeze %dma_wait3A_182 : memref<1x128xi32, #tpu.memory_space<vmem>> -> memref<128xi32, #tpu.memory_space<vmem>>
    %dma_wait3A_184 = arith.constant 0 : i32
    %dma_wait3A_185 = arith.constant 0 : i32
    %dma_wait3A_186 = tpu.memref_slice %arg2[%dma_wait3A_184, %dma_wait3A_185] : memref<10000x32xf32, #tpu.memory_space<hbm>> -> memref<10000x32xf32, #tpu.memory_space<hbm>>
    %dma_wait3A_187 = tpu.memref_slice %arg11[%dma_wait3A_176] : memref<8x!tpu.dma_semaphore, #tpu.memory_space<semaphore_mem>> -> memref<1x!tpu.dma_semaphore, #tpu.memory_space<semaphore_mem>>
    %dma_wait3A_188 = tpu.memref_squeeze %dma_wait3A_187 : memref<1x!tpu.dma_semaphore, #tpu.memory_space<semaphore_mem>> -> memref<!tpu.dma_semaphore, #tpu.memory_space<semaphore_mem>>
    tpu.wait_indirect_dma semaphore(%dma_wait3A_188 : memref<!tpu.dma_semaphore, #tpu.memory_space<semaphore_mem>>) src(%dma_wait3A_186 : memref<10000x32xf32, #tpu.memory_space<hbm>>) dst(%dma_wait3A_180 : memref<128x32xf32, #tpu.memory_space<vmem>>)
    %run_scoped3A_189 = arith.constant 3 : i32
    %run_scoped3A_190 = arith.constant 75 : i32
    "tpu.region"() ({
      %run_scoped3A_247 = tpu.sem_alloc : memref<!tpu.dma_semaphore, #tpu.memory_space<semaphore_mem>>
      %dma_start3A_248 = arith.constant 0 : i32
      %dma_start3A_249 = arith.constant 0 : i32
      %dma_start3A_250 = tpu.memref_slice %arg9[%run_scoped3A_189, %dma_start3A_248, %dma_start3A_249] : memref<8x128x32xf32, #tpu.memory_space<vmem>> -> memref<1x128x32xf32, #tpu.memory_space<vmem>>
      %dma_start3A_251 = tpu.memref_squeeze %dma_start3A_250 : memref<1x128x32xf32, #tpu.memory_space<vmem>> -> memref<128x32xf32, #tpu.memory_space<vmem>>
      %dma_start3A_252 = arith.constant 0 : i32
      %dma_start3A_253 = tpu.memref_slice %arg8[%run_scoped3A_190, %dma_start3A_252] : memref<79x128xi32, #tpu.memory_space<vmem>> -> memref<1x128xi32, #tpu.memory_space<vmem>>
      %dma_start3A_254 = tpu.memref_squeeze %dma_start3A_253 : memref<1x128xi32, #tpu.memory_space<vmem>> -> memref<128xi32, #tpu.memory_space<vmem>>
      %dma_start3A_255 = arith.constant 0 : i32
      %dma_start3A_256 = arith.constant 0 : i32
      %dma_start3A_257 = tpu.memref_slice %arg10[%dma_start3A_255, %dma_start3A_256] : memref<10240x32xf32, #tpu.memory_space<vmem_shared>> -> memref<10240x32xf32, #tpu.memory_space<vmem_shared>>
      tpu.enqueue_indirect_dma source(%dma_start3A_251 : memref<128x32xf32, #tpu.memory_space<vmem>>) target(%dma_start3A_257 : memref<10240x32xf32, #tpu.memory_space<vmem_shared>>) offsets(%dma_start3A_254 : memref<128xi32, #tpu.memory_space<vmem>>) semaphore(%run_scoped3A_247 : memref<!tpu.dma_semaphore, #tpu.memory_space<semaphore_mem>>) {add = true}
      %dma_wait3A_258 = arith.constant 0 : i32
      %dma_wait3A_259 = arith.constant 0 : i32
      %dma_wait3A_260 = tpu.memref_slice %arg9[%run_scoped3A_189, %dma_wait3A_258, %dma_wait3A_259] : memref<8x128x32xf32, #tpu.memory_space<vmem>> -> memref<1x128x32xf32, #tpu.memory_space<vmem>>
      %dma_wait3A_261 = tpu.memref_squeeze %dma_wait3A_260 : memref<1x128x32xf32, #tpu.memory_space<vmem>> -> memref<128x32xf32, #tpu.memory_space<vmem>>
      %dma_wait3A_262 = arith.constant 0 : i32
      %dma_wait3A_263 = tpu.memref_slice %arg8[%run_scoped3A_190, %dma_wait3A_262] : memref<79x128xi32, #tpu.memory_space<vmem>> -> memref<1x128xi32, #tpu.memory_space<vmem>>
      %dma_wait3A_264 = tpu.memref_squeeze %dma_wait3A_263 : memref<1x128xi32, #tpu.memory_space<vmem>> -> memref<128xi32, #tpu.memory_space<vmem>>
      %dma_wait3A_265 = arith.constant 0 : i32
      %dma_wait3A_266 = arith.constant 0 : i32
      %dma_wait3A_267 = tpu.memref_slice %arg10[%dma_wait3A_265, %dma_wait3A_266] : memref<10240x32xf32, #tpu.memory_space<vmem_shared>> -> memref<10240x32xf32, #tpu.memory_space<vmem_shared>>
      tpu.wait_indirect_dma semaphore(%run_scoped3A_247 : memref<!tpu.dma_semaphore, #tpu.memory_space<semaphore_mem>>) src(%dma_wait3A_261 : memref<128x32xf32, #tpu.memory_space<vmem>>) dst(%dma_wait3A_267 : memref<10240x32xf32, #tpu.memory_space<vmem_shared>>)
      tpu.yield
    }) : () -> ()
    %dma_wait3A_191 = arith.constant 76 : i32
    %dma_wait3A_192 = arith.constant 4 : i32
    %dma_wait3A_193 = arith.constant 4 : i32
    %dma_wait3A_194 = arith.constant 0 : i32
    %dma_wait3A_195 = arith.constant 0 : i32
    %dma_wait3A_196 = tpu.memref_slice %arg9[%dma_wait3A_192, %dma_wait3A_194, %dma_wait3A_195] : memref<8x128x32xf32, #tpu.memory_space<vmem>> -> memref<1x128x32xf32, #tpu.memory_space<vmem>>
    %dma_wait3A_197 = tpu.memref_squeeze %dma_wait3A_196 : memref<1x128x32xf32, #tpu.memory_space<vmem>> -> memref<128x32xf32, #tpu.memory_space<vmem>>
    %dma_wait3A_198 = arith.constant 0 : i32
    %dma_wait3A_199 = tpu.memref_slice %arg7[%dma_wait3A_191, %dma_wait3A_198] : memref<79x128xi32, #tpu.memory_space<vmem>> -> memref<1x128xi32, #tpu.memory_space<vmem>>
    %dma_wait3A_200 = tpu.memref_squeeze %dma_wait3A_199 : memref<1x128xi32, #tpu.memory_space<vmem>> -> memref<128xi32, #tpu.memory_space<vmem>>
    %dma_wait3A_201 = arith.constant 0 : i32
    %dma_wait3A_202 = arith.constant 0 : i32
    %dma_wait3A_203 = tpu.memref_slice %arg2[%dma_wait3A_201, %dma_wait3A_202] : memref<10000x32xf32, #tpu.memory_space<hbm>> -> memref<10000x32xf32, #tpu.memory_space<hbm>>
    %dma_wait3A_204 = tpu.memref_slice %arg11[%dma_wait3A_193] : memref<8x!tpu.dma_semaphore, #tpu.memory_space<semaphore_mem>> -> memref<1x!tpu.dma_semaphore, #tpu.memory_space<semaphore_mem>>
    %dma_wait3A_205 = tpu.memref_squeeze %dma_wait3A_204 : memref<1x!tpu.dma_semaphore, #tpu.memory_space<semaphore_mem>> -> memref<!tpu.dma_semaphore, #tpu.memory_space<semaphore_mem>>
    tpu.wait_indirect_dma semaphore(%dma_wait3A_205 : memref<!tpu.dma_semaphore, #tpu.memory_space<semaphore_mem>>) src(%dma_wait3A_203 : memref<10000x32xf32, #tpu.memory_space<hbm>>) dst(%dma_wait3A_197 : memref<128x32xf32, #tpu.memory_space<vmem>>)
    %run_scoped3A_206 = arith.constant 4 : i32
    %run_scoped3A_207 = arith.constant 76 : i32
    "tpu.region"() ({
      %run_scoped3A_247 = tpu.sem_alloc : memref<!tpu.dma_semaphore, #tpu.memory_space<semaphore_mem>>
      %dma_start3A_248 = arith.constant 0 : i32
      %dma_start3A_249 = arith.constant 0 : i32
      %dma_start3A_250 = tpu.memref_slice %arg9[%run_scoped3A_206, %dma_start3A_248, %dma_start3A_249] : memref<8x128x32xf32, #tpu.memory_space<vmem>> -> memref<1x128x32xf32, #tpu.memory_space<vmem>>
      %dma_start3A_251 = tpu.memref_squeeze %dma_start3A_250 : memref<1x128x32xf32, #tpu.memory_space<vmem>> -> memref<128x32xf32, #tpu.memory_space<vmem>>
      %dma_start3A_252 = arith.constant 0 : i32
      %dma_start3A_253 = tpu.memref_slice %arg8[%run_scoped3A_207, %dma_start3A_252] : memref<79x128xi32, #tpu.memory_space<vmem>> -> memref<1x128xi32, #tpu.memory_space<vmem>>
      %dma_start3A_254 = tpu.memref_squeeze %dma_start3A_253 : memref<1x128xi32, #tpu.memory_space<vmem>> -> memref<128xi32, #tpu.memory_space<vmem>>
      %dma_start3A_255 = arith.constant 0 : i32
      %dma_start3A_256 = arith.constant 0 : i32
      %dma_start3A_257 = tpu.memref_slice %arg10[%dma_start3A_255, %dma_start3A_256] : memref<10240x32xf32, #tpu.memory_space<vmem_shared>> -> memref<10240x32xf32, #tpu.memory_space<vmem_shared>>
      tpu.enqueue_indirect_dma source(%dma_start3A_251 : memref<128x32xf32, #tpu.memory_space<vmem>>) target(%dma_start3A_257 : memref<10240x32xf32, #tpu.memory_space<vmem_shared>>) offsets(%dma_start3A_254 : memref<128xi32, #tpu.memory_space<vmem>>) semaphore(%run_scoped3A_247 : memref<!tpu.dma_semaphore, #tpu.memory_space<semaphore_mem>>) {add = true}
      %dma_wait3A_258 = arith.constant 0 : i32
      %dma_wait3A_259 = arith.constant 0 : i32
      %dma_wait3A_260 = tpu.memref_slice %arg9[%run_scoped3A_206, %dma_wait3A_258, %dma_wait3A_259] : memref<8x128x32xf32, #tpu.memory_space<vmem>> -> memref<1x128x32xf32, #tpu.memory_space<vmem>>
      %dma_wait3A_261 = tpu.memref_squeeze %dma_wait3A_260 : memref<1x128x32xf32, #tpu.memory_space<vmem>> -> memref<128x32xf32, #tpu.memory_space<vmem>>
      %dma_wait3A_262 = arith.constant 0 : i32
      %dma_wait3A_263 = tpu.memref_slice %arg8[%run_scoped3A_207, %dma_wait3A_262] : memref<79x128xi32, #tpu.memory_space<vmem>> -> memref<1x128xi32, #tpu.memory_space<vmem>>
      %dma_wait3A_264 = tpu.memref_squeeze %dma_wait3A_263 : memref<1x128xi32, #tpu.memory_space<vmem>> -> memref<128xi32, #tpu.memory_space<vmem>>
      %dma_wait3A_265 = arith.constant 0 : i32
      %dma_wait3A_266 = arith.constant 0 : i32
      %dma_wait3A_267 = tpu.memref_slice %arg10[%dma_wait3A_265, %dma_wait3A_266] : memref<10240x32xf32, #tpu.memory_space<vmem_shared>> -> memref<10240x32xf32, #tpu.memory_space<vmem_shared>>
      tpu.wait_indirect_dma semaphore(%run_scoped3A_247 : memref<!tpu.dma_semaphore, #tpu.memory_space<semaphore_mem>>) src(%dma_wait3A_261 : memref<128x32xf32, #tpu.memory_space<vmem>>) dst(%dma_wait3A_267 : memref<10240x32xf32, #tpu.memory_space<vmem_shared>>)
      tpu.yield
    }) : () -> ()
    %dma_wait3A_208 = arith.constant 77 : i32
    %dma_wait3A_209 = arith.constant 5 : i32
    %dma_wait3A_210 = arith.constant 5 : i32
    %dma_wait3A_211 = arith.constant 0 : i32
    %dma_wait3A_212 = arith.constant 0 : i32
    %dma_wait3A_213 = tpu.memref_slice %arg9[%dma_wait3A_209, %dma_wait3A_211, %dma_wait3A_212] : memref<8x128x32xf32, #tpu.memory_space<vmem>> -> memref<1x128x32xf32, #tpu.memory_space<vmem>>
    %dma_wait3A_214 = tpu.memref_squeeze %dma_wait3A_213 : memref<1x128x32xf32, #tpu.memory_space<vmem>> -> memref<128x32xf32, #tpu.memory_space<vmem>>
    %dma_wait3A_215 = arith.constant 0 : i32
    %dma_wait3A_216 = tpu.memref_slice %arg7[%dma_wait3A_208, %dma_wait3A_215] : memref<79x128xi32, #tpu.memory_space<vmem>> -> memref<1x128xi32, #tpu.memory_space<vmem>>
    %dma_wait3A_217 = tpu.memref_squeeze %dma_wait3A_216 : memref<1x128xi32, #tpu.memory_space<vmem>> -> memref<128xi32, #tpu.memory_space<vmem>>
    %dma_wait3A_218 = arith.constant 0 : i32
    %dma_wait3A_219 = arith.constant 0 : i32
    %dma_wait3A_220 = tpu.memref_slice %arg2[%dma_wait3A_218, %dma_wait3A_219] : memref<10000x32xf32, #tpu.memory_space<hbm>> -> memref<10000x32xf32, #tpu.memory_space<hbm>>
    %dma_wait3A_221 = tpu.memref_slice %arg11[%dma_wait3A_210] : memref<8x!tpu.dma_semaphore, #tpu.memory_space<semaphore_mem>> -> memref<1x!tpu.dma_semaphore, #tpu.memory_space<semaphore_mem>>
    %dma_wait3A_222 = tpu.memref_squeeze %dma_wait3A_221 : memref<1x!tpu.dma_semaphore, #tpu.memory_space<semaphore_mem>> -> memref<!tpu.dma_semaphore, #tpu.memory_space<semaphore_mem>>
    tpu.wait_indirect_dma semaphore(%dma_wait3A_222 : memref<!tpu.dma_semaphore, #tpu.memory_space<semaphore_mem>>) src(%dma_wait3A_220 : memref<10000x32xf32, #tpu.memory_space<hbm>>) dst(%dma_wait3A_214 : memref<128x32xf32, #tpu.memory_space<vmem>>)
    %run_scoped3A_223 = arith.constant 5 : i32
    %run_scoped3A_224 = arith.constant 77 : i32
    "tpu.region"() ({
      %run_scoped3A_247 = tpu.sem_alloc : memref<!tpu.dma_semaphore, #tpu.memory_space<semaphore_mem>>
      %dma_start3A_248 = arith.constant 0 : i32
      %dma_start3A_249 = arith.constant 0 : i32
      %dma_start3A_250 = tpu.memref_slice %arg9[%run_scoped3A_223, %dma_start3A_248, %dma_start3A_249] : memref<8x128x32xf32, #tpu.memory_space<vmem>> -> memref<1x128x32xf32, #tpu.memory_space<vmem>>
      %dma_start3A_251 = tpu.memref_squeeze %dma_start3A_250 : memref<1x128x32xf32, #tpu.memory_space<vmem>> -> memref<128x32xf32, #tpu.memory_space<vmem>>
      %dma_start3A_252 = arith.constant 0 : i32
      %dma_start3A_253 = tpu.memref_slice %arg8[%run_scoped3A_224, %dma_start3A_252] : memref<79x128xi32, #tpu.memory_space<vmem>> -> memref<1x128xi32, #tpu.memory_space<vmem>>
      %dma_start3A_254 = tpu.memref_squeeze %dma_start3A_253 : memref<1x128xi32, #tpu.memory_space<vmem>> -> memref<128xi32, #tpu.memory_space<vmem>>
      %dma_start3A_255 = arith.constant 0 : i32
      %dma_start3A_256 = arith.constant 0 : i32
      %dma_start3A_257 = tpu.memref_slice %arg10[%dma_start3A_255, %dma_start3A_256] : memref<10240x32xf32, #tpu.memory_space<vmem_shared>> -> memref<10240x32xf32, #tpu.memory_space<vmem_shared>>
      tpu.enqueue_indirect_dma source(%dma_start3A_251 : memref<128x32xf32, #tpu.memory_space<vmem>>) target(%dma_start3A_257 : memref<10240x32xf32, #tpu.memory_space<vmem_shared>>) offsets(%dma_start3A_254 : memref<128xi32, #tpu.memory_space<vmem>>) semaphore(%run_scoped3A_247 : memref<!tpu.dma_semaphore, #tpu.memory_space<semaphore_mem>>) {add = true}
      %dma_wait3A_258 = arith.constant 0 : i32
      %dma_wait3A_259 = arith.constant 0 : i32
      %dma_wait3A_260 = tpu.memref_slice %arg9[%run_scoped3A_223, %dma_wait3A_258, %dma_wait3A_259] : memref<8x128x32xf32, #tpu.memory_space<vmem>> -> memref<1x128x32xf32, #tpu.memory_space<vmem>>
      %dma_wait3A_261 = tpu.memref_squeeze %dma_wait3A_260 : memref<1x128x32xf32, #tpu.memory_space<vmem>> -> memref<128x32xf32, #tpu.memory_space<vmem>>
      %dma_wait3A_262 = arith.constant 0 : i32
      %dma_wait3A_263 = tpu.memref_slice %arg8[%run_scoped3A_224, %dma_wait3A_262] : memref<79x128xi32, #tpu.memory_space<vmem>> -> memref<1x128xi32, #tpu.memory_space<vmem>>
      %dma_wait3A_264 = tpu.memref_squeeze %dma_wait3A_263 : memref<1x128xi32, #tpu.memory_space<vmem>> -> memref<128xi32, #tpu.memory_space<vmem>>
      %dma_wait3A_265 = arith.constant 0 : i32
      %dma_wait3A_266 = arith.constant 0 : i32
      %dma_wait3A_267 = tpu.memref_slice %arg10[%dma_wait3A_265, %dma_wait3A_266] : memref<10240x32xf32, #tpu.memory_space<vmem_shared>> -> memref<10240x32xf32, #tpu.memory_space<vmem_shared>>
      tpu.wait_indirect_dma semaphore(%run_scoped3A_247 : memref<!tpu.dma_semaphore, #tpu.memory_space<semaphore_mem>>) src(%dma_wait3A_261 : memref<128x32xf32, #tpu.memory_space<vmem>>) dst(%dma_wait3A_267 : memref<10240x32xf32, #tpu.memory_space<vmem_shared>>)
      tpu.yield
    }) : () -> ()
    %dma_wait3A_225 = arith.constant 78 : i32
    %dma_wait3A_226 = arith.constant 6 : i32
    %dma_wait3A_227 = arith.constant 6 : i32
    %dma_wait3A_228 = arith.constant 0 : i32
    %dma_wait3A_229 = arith.constant 0 : i32
    %dma_wait3A_230 = tpu.memref_slice %arg9[%dma_wait3A_226, %dma_wait3A_228, %dma_wait3A_229] : memref<8x128x32xf32, #tpu.memory_space<vmem>> -> memref<1x128x32xf32, #tpu.memory_space<vmem>>
    %dma_wait3A_231 = tpu.memref_squeeze %dma_wait3A_230 : memref<1x128x32xf32, #tpu.memory_space<vmem>> -> memref<128x32xf32, #tpu.memory_space<vmem>>
    %dma_wait3A_232 = arith.constant 0 : i32
    %dma_wait3A_233 = tpu.memref_slice %arg7[%dma_wait3A_225, %dma_wait3A_232] : memref<79x128xi32, #tpu.memory_space<vmem>> -> memref<1x128xi32, #tpu.memory_space<vmem>>
    %dma_wait3A_234 = tpu.memref_squeeze %dma_wait3A_233 : memref<1x128xi32, #tpu.memory_space<vmem>> -> memref<128xi32, #tpu.memory_space<vmem>>
    %dma_wait3A_235 = arith.constant 0 : i32
    %dma_wait3A_236 = arith.constant 0 : i32
    %dma_wait3A_237 = tpu.memref_slice %arg2[%dma_wait3A_235, %dma_wait3A_236] : memref<10000x32xf32, #tpu.memory_space<hbm>> -> memref<10000x32xf32, #tpu.memory_space<hbm>>
    %dma_wait3A_238 = tpu.memref_slice %arg11[%dma_wait3A_227] : memref<8x!tpu.dma_semaphore, #tpu.memory_space<semaphore_mem>> -> memref<1x!tpu.dma_semaphore, #tpu.memory_space<semaphore_mem>>
    %dma_wait3A_239 = tpu.memref_squeeze %dma_wait3A_238 : memref<1x!tpu.dma_semaphore, #tpu.memory_space<semaphore_mem>> -> memref<!tpu.dma_semaphore, #tpu.memory_space<semaphore_mem>>
    tpu.wait_indirect_dma semaphore(%dma_wait3A_239 : memref<!tpu.dma_semaphore, #tpu.memory_space<semaphore_mem>>) src(%dma_wait3A_237 : memref<10000x32xf32, #tpu.memory_space<hbm>>) dst(%dma_wait3A_231 : memref<128x32xf32, #tpu.memory_space<vmem>>)
    %run_scoped3A_240 = arith.constant 6 : i32
    %run_scoped3A_241 = arith.constant 78 : i32
    "tpu.region"() ({
      %run_scoped3A_247 = tpu.sem_alloc : memref<!tpu.dma_semaphore, #tpu.memory_space<semaphore_mem>>
      %dma_start3A_248 = arith.constant 0 : i32
      %dma_start3A_249 = arith.constant 0 : i32
      %dma_start3A_250 = tpu.memref_slice %arg9[%run_scoped3A_240, %dma_start3A_248, %dma_start3A_249] : memref<8x128x32xf32, #tpu.memory_space<vmem>> -> memref<1x128x32xf32, #tpu.memory_space<vmem>>
      %dma_start3A_251 = tpu.memref_squeeze %dma_start3A_250 : memref<1x128x32xf32, #tpu.memory_space<vmem>> -> memref<128x32xf32, #tpu.memory_space<vmem>>
      %dma_start3A_252 = arith.constant 0 : i32
      %dma_start3A_253 = tpu.memref_slice %arg8[%run_scoped3A_241, %dma_start3A_252] : memref<79x128xi32, #tpu.memory_space<vmem>> -> memref<1x128xi32, #tpu.memory_space<vmem>>
      %dma_start3A_254 = tpu.memref_squeeze %dma_start3A_253 : memref<1x128xi32, #tpu.memory_space<vmem>> -> memref<128xi32, #tpu.memory_space<vmem>>
      %dma_start3A_255 = arith.constant 0 : i32
      %dma_start3A_256 = arith.constant 0 : i32
      %dma_start3A_257 = tpu.memref_slice %arg10[%dma_start3A_255, %dma_start3A_256] : memref<10240x32xf32, #tpu.memory_space<vmem_shared>> -> memref<10240x32xf32, #tpu.memory_space<vmem_shared>>
      tpu.enqueue_indirect_dma source(%dma_start3A_251 : memref<128x32xf32, #tpu.memory_space<vmem>>) target(%dma_start3A_257 : memref<10240x32xf32, #tpu.memory_space<vmem_shared>>) offsets(%dma_start3A_254 : memref<128xi32, #tpu.memory_space<vmem>>) semaphore(%run_scoped3A_247 : memref<!tpu.dma_semaphore, #tpu.memory_space<semaphore_mem>>) {add = true}
      %dma_wait3A_258 = arith.constant 0 : i32
      %dma_wait3A_259 = arith.constant 0 : i32
      %dma_wait3A_260 = tpu.memref_slice %arg9[%run_scoped3A_240, %dma_wait3A_258, %dma_wait3A_259] : memref<8x128x32xf32, #tpu.memory_space<vmem>> -> memref<1x128x32xf32, #tpu.memory_space<vmem>>
      %dma_wait3A_261 = tpu.memref_squeeze %dma_wait3A_260 : memref<1x128x32xf32, #tpu.memory_space<vmem>> -> memref<128x32xf32, #tpu.memory_space<vmem>>
      %dma_wait3A_262 = arith.constant 0 : i32
      %dma_wait3A_263 = tpu.memref_slice %arg8[%run_scoped3A_241, %dma_wait3A_262] : memref<79x128xi32, #tpu.memory_space<vmem>> -> memref<1x128xi32, #tpu.memory_space<vmem>>
      %dma_wait3A_264 = tpu.memref_squeeze %dma_wait3A_263 : memref<1x128xi32, #tpu.memory_space<vmem>> -> memref<128xi32, #tpu.memory_space<vmem>>
      %dma_wait3A_265 = arith.constant 0 : i32
      %dma_wait3A_266 = arith.constant 0 : i32
      %dma_wait3A_267 = tpu.memref_slice %arg10[%dma_wait3A_265, %dma_wait3A_266] : memref<10240x32xf32, #tpu.memory_space<vmem_shared>> -> memref<10240x32xf32, #tpu.memory_space<vmem_shared>>
      tpu.wait_indirect_dma semaphore(%run_scoped3A_247 : memref<!tpu.dma_semaphore, #tpu.memory_space<semaphore_mem>>) src(%dma_wait3A_261 : memref<128x32xf32, #tpu.memory_space<vmem>>) dst(%dma_wait3A_267 : memref<10240x32xf32, #tpu.memory_space<vmem_shared>>)
      tpu.yield
    }) : () -> ()
    %barrier3A_242 = arith.constant 0 : index
    tpu.barrier barrier_id(%barrier3A_242)
    %mul3A_243 = arith.constant 640 : i32
    %mul3A_244 = arith.muli %arg1, %mul3A_243 : i32
    %mul3A_245 = arith.constant 640 : i32
    %mul3A_246 = arith.muli %arg1, %mul3A_245 : i32
    "tpu.region"() ({
      %run_scoped3A_247 = tpu.sem_alloc : memref<!tpu.dma_semaphore, #tpu.memory_space<semaphore_mem>>
      %dma_start3A_248 = arith.constant 0 : i32
      %dma_start3A_249 = tpu.memref_slice %arg6[%arg0, %mul3A_246, %dma_start3A_248] : memref<2x10240x32xf32, #tpu.memory_space<hbm>> -> memref<1x640x32xf32, #tpu.memory_space<hbm>>
      %dma_start3A_250 = tpu.memref_squeeze %dma_start3A_249 : memref<1x640x32xf32, #tpu.memory_space<hbm>> -> memref<640x32xf32, #tpu.memory_space<hbm>>
      %dma_start3A_251 = arith.constant 0 : i32
      %dma_start3A_252 = tpu.memref_slice %arg10[%mul3A_244, %dma_start3A_251] : memref<10240x32xf32, #tpu.memory_space<vmem_shared>> -> memref<640x32xf32, #tpu.memory_space<vmem_shared>>
      tpu.enqueue_dma source(%dma_start3A_252 : memref<640x32xf32, #tpu.memory_space<vmem_shared>>) target(%dma_start3A_250 : memref<640x32xf32, #tpu.memory_space<hbm>>) target_semaphore(%run_scoped3A_247 : memref<!tpu.dma_semaphore, #tpu.memory_space<semaphore_mem>>)
      %dma_wait3A_253 = arith.constant 0 : i32
      %dma_wait3A_254 = tpu.memref_slice %arg6[%arg0, %mul3A_246, %dma_wait3A_253] : memref<2x10240x32xf32, #tpu.memory_space<hbm>> -> memref<1x640x32xf32, #tpu.memory_space<hbm>>
      %dma_wait3A_255 = tpu.memref_squeeze %dma_wait3A_254 : memref<1x640x32xf32, #tpu.memory_space<hbm>> -> memref<640x32xf32, #tpu.memory_space<hbm>>
      %dma_wait3A_256 = arith.constant 0 : i32
      %dma_wait3A_257 = tpu.memref_slice %arg10[%mul3A_244, %dma_wait3A_256] : memref<10240x32xf32, #tpu.memory_space<vmem_shared>> -> memref<640x32xf32, #tpu.memory_space<vmem_shared>>
      tpu.wait_dma2 semaphore(%run_scoped3A_247 : memref<!tpu.dma_semaphore, #tpu.memory_space<semaphore_mem>>) src(%dma_wait3A_257 : memref<640x32xf32, #tpu.memory_space<vmem_shared>>) dst(%dma_wait3A_255 : memref<640x32xf32, #tpu.memory_space<hbm>>)
      tpu.yield
    }) : () -> ()
    return
  }
}

#map = affine_map<(d0, d1) -> (0, 0)>
#map1 = affine_map<(d0, d1) -> (0, 0, 0, 0)>
#map2 = affine_map<(d0, d1) -> (0, 0, 0)>
module attributes {stable_mosaic.version = 14 : i64} {
  func.func @seg_sum(%arg0: i32, %arg1: i32, %arg2: memref<10000x32xf32, #tpu.memory_space<hbm>>, %arg3: memref<2x16x79x128xi32, #tpu.memory_space<hbm>>, %arg4: memref<2x16x79x128xi32, #tpu.memory_space<hbm>>, %arg5: memref<640x32xf32, #tpu.memory_space<hbm>>, %arg6: memref<2x10240x32xf32, #tpu.memory_space<hbm>>, %arg7: memref<79x128xi32, #tpu.memory_space<vmem>>, %arg8: memref<79x128xi32, #tpu.memory_space<vmem>>, %arg9: memref<8x128x32xf32, #tpu.memory_space<vmem>>, %arg10: memref<10240x32xf32, #tpu.memory_space<vmem_shared>>, %arg11: memref<8x!tpu.dma_semaphore, #tpu.memory_space<semaphore_mem>>, %arg12: memref<8x!tpu.dma_semaphore, #tpu.memory_space<semaphore_mem>>) attributes {dimension_semantics = [#tpu.dimension_semantics<core_parallel>, #tpu.dimension_semantics<subcore_parallel>], iteration_bounds = array<i64: 2, 16>, scalar_prefetch = 0 : i64, scratch_operands = 6 : i64, tpu.core_type = #tpu.core_type<sc_vector_subcore>, window_params = [{transform_indices = #map}, {transform_indices = #map1}, {transform_indices = #map1}, {transform_indices = #map}, {transform_indices = #map2}]} {
    %mul3A = arith.constant 640 : i32
    %mul3A_0 = arith.muli %arg1, %mul3A : i32
    "tpu.region"() ({
      %run_scoped3A_247 = tpu.sem_alloc : memref<!tpu.dma_semaphore, #tpu.memory_space<semaphore_mem>>
      %dma_start3A_248 = arith.constant 0 : i32
      %dma_start3A_249 = tpu.memref_slice %arg10[%mul3A_0, %dma_start3A_248] : memref<10240x32xf32, #tpu.memory_space<vmem_shared>> -> memref<640x32xf32, #tpu.memory_space<vmem_shared>>
      tpu.enqueue_dma source(%arg5 : memref<640x32xf32, #tpu.memory_space<hbm>>) target(%dma_start3A_249 : memref<640x32xf32, #tpu.memory_space<vmem_shared>>) target_semaphore(%run_scoped3A_247 : memref<!tpu.dma_semaphore, #tpu.memory_space<semaphore_mem>>)
      %dma_wait3A_250 = arith.constant 0 : i32
      %dma_wait3A_251 = tpu.memref_slice %arg10[%mul3A_0, %dma_wait3A_250] : memref<10240x32xf32, #tpu.memory_space<vmem_shared>> -> memref<640x32xf32, #tpu.memory_space<vmem_shared>>
      tpu.wait_dma2 semaphore(%run_scoped3A_247 : memref<!tpu.dma_semaphore, #tpu.memory_space<semaphore_mem>>) src(%arg5 : memref<640x32xf32, #tpu.memory_space<hbm>>) dst(%dma_wait3A_251 : memref<640x32xf32, #tpu.memory_space<vmem_shared>>)
      tpu.yield
    }) : () -> ()
    "tpu.region"() ({
      %run_scoped3A_247 = tpu.sem_alloc : memref<!tpu.dma_semaphore, #tpu.memory_space<semaphore_mem>>
      %dma_start3A_248 = arith.constant 0 : i32
      %dma_start3A_249 = arith.constant 0 : i32
      %dma_start3A_250 = tpu.memref_slice %arg3[%arg0, %arg1, %dma_start3A_248, %dma_start3A_249] : memref<2x16x79x128xi32, #tpu.memory_space<hbm>> -> memref<1x1x79x128xi32, #tpu.memory_space<hbm>>
      %dma_start3A_251 = tpu.memref_squeeze %dma_start3A_250 : memref<1x1x79x128xi32, #tpu.memory_space<hbm>> -> memref<79x128xi32, #tpu.memory_space<hbm>>
      %dma_start3A_252 = arith.constant 0 : i32
      %dma_start3A_253 = arith.constant 0 : i32
      %dma_start3A_254 = tpu.memref_slice %arg3[%arg0, %arg1, %dma_start3A_252, %dma_start3A_253] : memref<2x16x79x128xi32, #tpu.memory_space<hbm>> -> memref<1x1x79x128xi32, #tpu.memory_space<hbm>>
      %dma_start3A_255 = tpu.memref_squeeze %dma_start3A_254 : memref<1x1x79x128xi32, #tpu.memory_space<hbm>> -> memref<79x128xi32, #tpu.memory_space<hbm>>
      tpu.enqueue_dma source(%dma_start3A_255 : memref<79x128xi32, #tpu.memory_space<hbm>>) target(%arg7 : memref<79x128xi32, #tpu.memory_space<vmem>>) target_semaphore(%run_scoped3A_247 : memref<!tpu.dma_semaphore, #tpu.memory_space<semaphore_mem>>)
      %dma_wait3A_256 = arith.constant 0 : i32
      %dma_wait3A_257 = arith.constant 0 : i32
      %dma_wait3A_258 = tpu.memref_slice %arg3[%arg0, %arg1, %dma_wait3A_256, %dma_wait3A_257] : memref<2x16x79x128xi32, #tpu.memory_space<hbm>> -> memref<1x1x79x128xi32, #tpu.memory_space<hbm>>
      %dma_wait3A_259 = tpu.memref_squeeze %dma_wait3A_258 : memref<1x1x79x128xi32, #tpu.memory_space<hbm>> -> memref<79x128xi32, #tpu.memory_space<hbm>>
      %dma_wait3A_260 = arith.constant 0 : i32
      %dma_wait3A_261 = arith.constant 0 : i32
      %dma_wait3A_262 = tpu.memref_slice %arg3[%arg0, %arg1, %dma_wait3A_260, %dma_wait3A_261] : memref<2x16x79x128xi32, #tpu.memory_space<hbm>> -> memref<1x1x79x128xi32, #tpu.memory_space<hbm>>
      %dma_wait3A_263 = tpu.memref_squeeze %dma_wait3A_262 : memref<1x1x79x128xi32, #tpu.memory_space<hbm>> -> memref<79x128xi32, #tpu.memory_space<hbm>>
      tpu.wait_dma2 semaphore(%run_scoped3A_247 : memref<!tpu.dma_semaphore, #tpu.memory_space<semaphore_mem>>) src(%dma_wait3A_263 : memref<79x128xi32, #tpu.memory_space<hbm>>) dst(%arg7 : memref<79x128xi32, #tpu.memory_space<vmem>>)
      tpu.yield
    }) : () -> ()
    "tpu.region"() ({
      %run_scoped3A_247 = tpu.sem_alloc : memref<!tpu.dma_semaphore, #tpu.memory_space<semaphore_mem>>
      %dma_start3A_248 = arith.constant 0 : i32
      %dma_start3A_249 = arith.constant 0 : i32
      %dma_start3A_250 = tpu.memref_slice %arg4[%arg0, %arg1, %dma_start3A_248, %dma_start3A_249] : memref<2x16x79x128xi32, #tpu.memory_space<hbm>> -> memref<1x1x79x128xi32, #tpu.memory_space<hbm>>
      %dma_start3A_251 = tpu.memref_squeeze %dma_start3A_250 : memref<1x1x79x128xi32, #tpu.memory_space<hbm>> -> memref<79x128xi32, #tpu.memory_space<hbm>>
      %dma_start3A_252 = arith.constant 0 : i32
      %dma_start3A_253 = arith.constant 0 : i32
      %dma_start3A_254 = tpu.memref_slice %arg4[%arg0, %arg1, %dma_start3A_252, %dma_start3A_253] : memref<2x16x79x128xi32, #tpu.memory_space<hbm>> -> memref<1x1x79x128xi32, #tpu.memory_space<hbm>>
      %dma_start3A_255 = tpu.memref_squeeze %dma_start3A_254 : memref<1x1x79x128xi32, #tpu.memory_space<hbm>> -> memref<79x128xi32, #tpu.memory_space<hbm>>
      tpu.enqueue_dma source(%dma_start3A_255 : memref<79x128xi32, #tpu.memory_space<hbm>>) target(%arg8 : memref<79x128xi32, #tpu.memory_space<vmem>>) target_semaphore(%run_scoped3A_247 : memref<!tpu.dma_semaphore, #tpu.memory_space<semaphore_mem>>)
      %dma_wait3A_256 = arith.constant 0 : i32
      %dma_wait3A_257 = arith.constant 0 : i32
      %dma_wait3A_258 = tpu.memref_slice %arg4[%arg0, %arg1, %dma_wait3A_256, %dma_wait3A_257] : memref<2x16x79x128xi32, #tpu.memory_space<hbm>> -> memref<1x1x79x128xi32, #tpu.memory_space<hbm>>
      %dma_wait3A_259 = tpu.memref_squeeze %dma_wait3A_258 : memref<1x1x79x128xi32, #tpu.memory_space<hbm>> -> memref<79x128xi32, #tpu.memory_space<hbm>>
      %dma_wait3A_260 = arith.constant 0 : i32
      %dma_wait3A_261 = arith.constant 0 : i32
      %dma_wait3A_262 = tpu.memref_slice %arg4[%arg0, %arg1, %dma_wait3A_260, %dma_wait3A_261] : memref<2x16x79x128xi32, #tpu.memory_space<hbm>> -> memref<1x1x79x128xi32, #tpu.memory_space<hbm>>
      %dma_wait3A_263 = tpu.memref_squeeze %dma_wait3A_262 : memref<1x1x79x128xi32, #tpu.memory_space<hbm>> -> memref<79x128xi32, #tpu.memory_space<hbm>>
      tpu.wait_dma2 semaphore(%run_scoped3A_247 : memref<!tpu.dma_semaphore, #tpu.memory_space<semaphore_mem>>) src(%dma_wait3A_263 : memref<79x128xi32, #tpu.memory_space<hbm>>) dst(%arg8 : memref<79x128xi32, #tpu.memory_space<vmem>>)
      tpu.yield
    }) : () -> ()
    %barrier3A = arith.constant 0 : index
    tpu.barrier barrier_id(%barrier3A)
    %dma_start3A = arith.constant 0 : i32
    %dma_start3A_1 = arith.constant 0 : i32
    %dma_start3A_2 = arith.constant 0 : i32
    %dma_start3A_3 = arith.constant 0 : i32
    %dma_start3A_4 = arith.constant 0 : i32
    %dma_start3A_5 = tpu.memref_slice %arg9[%dma_start3A_1, %dma_start3A_3, %dma_start3A_4] : memref<8x128x32xf32, #tpu.memory_space<vmem>> -> memref<1x128x32xf32, #tpu.memory_space<vmem>>
    %dma_start3A_6 = tpu.memref_squeeze %dma_start3A_5 : memref<1x128x32xf32, #tpu.memory_space<vmem>> -> memref<128x32xf32, #tpu.memory_space<vmem>>
    %dma_start3A_7 = arith.constant 0 : i32
    %dma_start3A_8 = tpu.memref_slice %arg7[%dma_start3A, %dma_start3A_7] : memref<79x128xi32, #tpu.memory_space<vmem>> -> memref<1x128xi32, #tpu.memory_space<vmem>>
    %dma_start3A_9 = tpu.memref_squeeze %dma_start3A_8 : memref<1x128xi32, #tpu.memory_space<vmem>> -> memref<128xi32, #tpu.memory_space<vmem>>
    %dma_start3A_10 = arith.constant 0 : i32
    %dma_start3A_11 = arith.constant 0 : i32
    %dma_start3A_12 = tpu.memref_slice %arg2[%dma_start3A_10, %dma_start3A_11] : memref<10000x32xf32, #tpu.memory_space<hbm>> -> memref<10000x32xf32, #tpu.memory_space<hbm>>
    %dma_start3A_13 = tpu.memref_slice %arg11[%dma_start3A_2] : memref<8x!tpu.dma_semaphore, #tpu.memory_space<semaphore_mem>> -> memref<1x!tpu.dma_semaphore, #tpu.memory_space<semaphore_mem>>
    %dma_start3A_14 = tpu.memref_squeeze %dma_start3A_13 : memref<1x!tpu.dma_semaphore, #tpu.memory_space<semaphore_mem>> -> memref<!tpu.dma_semaphore, #tpu.memory_space<semaphore_mem>>
    tpu.enqueue_indirect_dma source(%dma_start3A_12 : memref<10000x32xf32, #tpu.memory_space<hbm>>) target(%dma_start3A_6 : memref<128x32xf32, #tpu.memory_space<vmem>>) offsets(%dma_start3A_9 : memref<128xi32, #tpu.memory_space<vmem>>) semaphore(%dma_start3A_14 : memref<!tpu.dma_semaphore, #tpu.memory_space<semaphore_mem>>)
    %dma_start3A_15 = arith.constant 1 : i32
    %dma_start3A_16 = arith.constant 1 : i32
    %dma_start3A_17 = arith.constant 1 : i32
    %dma_start3A_18 = arith.constant 0 : i32
    %dma_start3A_19 = arith.constant 0 : i32
    %dma_start3A_20 = tpu.memref_slice %arg9[%dma_start3A_16, %dma_start3A_18, %dma_start3A_19] : memref<8x128x32xf32, #tpu.memory_space<vmem>> -> memref<1x128x32xf32, #tpu.memory_space<vmem>>
    %dma_start3A_21 = tpu.memref_squeeze %dma_start3A_20 : memref<1x128x32xf32, #tpu.memory_space<vmem>> -> memref<128x32xf32, #tpu.memory_space<vmem>>
    %dma_start3A_22 = arith.constant 0 : i32
    %dma_start3A_23 = tpu.memref_slice %arg7[%dma_start3A_15, %dma_start3A_22] : memref<79x128xi32, #tpu.memory_space<vmem>> -> memref<1x128xi32, #tpu.memory_space<vmem>>
    %dma_start3A_24 = tpu.memref_squeeze %dma_start3A_23 : memref<1x128xi32, #tpu.memory_space<vmem>> -> memref<128xi32, #tpu.memory_space<vmem>>
    %dma_start3A_25 = arith.constant 0 : i32
    %dma_start3A_26 = arith.constant 0 : i32
    %dma_start3A_27 = tpu.memref_slice %arg2[%dma_start3A_25, %dma_start3A_26] : memref<10000x32xf32, #tpu.memory_space<hbm>> -> memref<10000x32xf32, #tpu.memory_space<hbm>>
    %dma_start3A_28 = tpu.memref_slice %arg11[%dma_start3A_17] : memref<8x!tpu.dma_semaphore, #tpu.memory_space<semaphore_mem>> -> memref<1x!tpu.dma_semaphore, #tpu.memory_space<semaphore_mem>>
    %dma_start3A_29 = tpu.memref_squeeze %dma_start3A_28 : memref<1x!tpu.dma_semaphore, #tpu.memory_space<semaphore_mem>> -> memref<!tpu.dma_semaphore, #tpu.memory_space<semaphore_mem>>
    tpu.enqueue_indirect_dma source(%dma_start3A_27 : memref<10000x32xf32, #tpu.memory_space<hbm>>) target(%dma_start3A_21 : memref<128x32xf32, #tpu.memory_space<vmem>>) offsets(%dma_start3A_24 : memref<128xi32, #tpu.memory_space<vmem>>) semaphore(%dma_start3A_29 : memref<!tpu.dma_semaphore, #tpu.memory_space<semaphore_mem>>)
    %dma_start3A_30 = arith.constant 2 : i32
    %dma_start3A_31 = arith.constant 2 : i32
    %dma_start3A_32 = arith.constant 2 : i32
    %dma_start3A_33 = arith.constant 0 : i32
    %dma_start3A_34 = arith.constant 0 : i32
    %dma_start3A_35 = tpu.memref_slice %arg9[%dma_start3A_31, %dma_start3A_33, %dma_start3A_34] : memref<8x128x32xf32, #tpu.memory_space<vmem>> -> memref<1x128x32xf32, #tpu.memory_space<vmem>>
    %dma_start3A_36 = tpu.memref_squeeze %dma_start3A_35 : memref<1x128x32xf32, #tpu.memory_space<vmem>> -> memref<128x32xf32, #tpu.memory_space<vmem>>
    %dma_start3A_37 = arith.constant 0 : i32
    %dma_start3A_38 = tpu.memref_slice %arg7[%dma_start3A_30, %dma_start3A_37] : memref<79x128xi32, #tpu.memory_space<vmem>> -> memref<1x128xi32, #tpu.memory_space<vmem>>
    %dma_start3A_39 = tpu.memref_squeeze %dma_start3A_38 : memref<1x128xi32, #tpu.memory_space<vmem>> -> memref<128xi32, #tpu.memory_space<vmem>>
    %dma_start3A_40 = arith.constant 0 : i32
    %dma_start3A_41 = arith.constant 0 : i32
    %dma_start3A_42 = tpu.memref_slice %arg2[%dma_start3A_40, %dma_start3A_41] : memref<10000x32xf32, #tpu.memory_space<hbm>> -> memref<10000x32xf32, #tpu.memory_space<hbm>>
    %dma_start3A_43 = tpu.memref_slice %arg11[%dma_start3A_32] : memref<8x!tpu.dma_semaphore, #tpu.memory_space<semaphore_mem>> -> memref<1x!tpu.dma_semaphore, #tpu.memory_space<semaphore_mem>>
    %dma_start3A_44 = tpu.memref_squeeze %dma_start3A_43 : memref<1x!tpu.dma_semaphore, #tpu.memory_space<semaphore_mem>> -> memref<!tpu.dma_semaphore, #tpu.memory_space<semaphore_mem>>
    tpu.enqueue_indirect_dma source(%dma_start3A_42 : memref<10000x32xf32, #tpu.memory_space<hbm>>) target(%dma_start3A_36 : memref<128x32xf32, #tpu.memory_space<vmem>>) offsets(%dma_start3A_39 : memref<128xi32, #tpu.memory_space<vmem>>) semaphore(%dma_start3A_44 : memref<!tpu.dma_semaphore, #tpu.memory_space<semaphore_mem>>)
    %dma_start3A_45 = arith.constant 3 : i32
    %dma_start3A_46 = arith.constant 3 : i32
    %dma_start3A_47 = arith.constant 3 : i32
    %dma_start3A_48 = arith.constant 0 : i32
    %dma_start3A_49 = arith.constant 0 : i32
    %dma_start3A_50 = tpu.memref_slice %arg9[%dma_start3A_46, %dma_start3A_48, %dma_start3A_49] : memref<8x128x32xf32, #tpu.memory_space<vmem>> -> memref<1x128x32xf32, #tpu.memory_space<vmem>>
    %dma_start3A_51 = tpu.memref_squeeze %dma_start3A_50 : memref<1x128x32xf32, #tpu.memory_space<vmem>> -> memref<128x32xf32, #tpu.memory_space<vmem>>
    %dma_start3A_52 = arith.constant 0 : i32
    %dma_start3A_53 = tpu.memref_slice %arg7[%dma_start3A_45, %dma_start3A_52] : memref<79x128xi32, #tpu.memory_space<vmem>> -> memref<1x128xi32, #tpu.memory_space<vmem>>
    %dma_start3A_54 = tpu.memref_squeeze %dma_start3A_53 : memref<1x128xi32, #tpu.memory_space<vmem>> -> memref<128xi32, #tpu.memory_space<vmem>>
    %dma_start3A_55 = arith.constant 0 : i32
    %dma_start3A_56 = arith.constant 0 : i32
    %dma_start3A_57 = tpu.memref_slice %arg2[%dma_start3A_55, %dma_start3A_56] : memref<10000x32xf32, #tpu.memory_space<hbm>> -> memref<10000x32xf32, #tpu.memory_space<hbm>>
    %dma_start3A_58 = tpu.memref_slice %arg11[%dma_start3A_47] : memref<8x!tpu.dma_semaphore, #tpu.memory_space<semaphore_mem>> -> memref<1x!tpu.dma_semaphore, #tpu.memory_space<semaphore_mem>>
    %dma_start3A_59 = tpu.memref_squeeze %dma_start3A_58 : memref<1x!tpu.dma_semaphore, #tpu.memory_space<semaphore_mem>> -> memref<!tpu.dma_semaphore, #tpu.memory_space<semaphore_mem>>
    tpu.enqueue_indirect_dma source(%dma_start3A_57 : memref<10000x32xf32, #tpu.memory_space<hbm>>) target(%dma_start3A_51 : memref<128x32xf32, #tpu.memory_space<vmem>>) offsets(%dma_start3A_54 : memref<128xi32, #tpu.memory_space<vmem>>) semaphore(%dma_start3A_59 : memref<!tpu.dma_semaphore, #tpu.memory_space<semaphore_mem>>)
    %dma_start3A_60 = arith.constant 4 : i32
    %dma_start3A_61 = arith.constant 4 : i32
    %dma_start3A_62 = arith.constant 4 : i32
    %dma_start3A_63 = arith.constant 0 : i32
    %dma_start3A_64 = arith.constant 0 : i32
    %dma_start3A_65 = tpu.memref_slice %arg9[%dma_start3A_61, %dma_start3A_63, %dma_start3A_64] : memref<8x128x32xf32, #tpu.memory_space<vmem>> -> memref<1x128x32xf32, #tpu.memory_space<vmem>>
    %dma_start3A_66 = tpu.memref_squeeze %dma_start3A_65 : memref<1x128x32xf32, #tpu.memory_space<vmem>> -> memref<128x32xf32, #tpu.memory_space<vmem>>
    %dma_start3A_67 = arith.constant 0 : i32
    %dma_start3A_68 = tpu.memref_slice %arg7[%dma_start3A_60, %dma_start3A_67] : memref<79x128xi32, #tpu.memory_space<vmem>> -> memref<1x128xi32, #tpu.memory_space<vmem>>
    %dma_start3A_69 = tpu.memref_squeeze %dma_start3A_68 : memref<1x128xi32, #tpu.memory_space<vmem>> -> memref<128xi32, #tpu.memory_space<vmem>>
    %dma_start3A_70 = arith.constant 0 : i32
    %dma_start3A_71 = arith.constant 0 : i32
    %dma_start3A_72 = tpu.memref_slice %arg2[%dma_start3A_70, %dma_start3A_71] : memref<10000x32xf32, #tpu.memory_space<hbm>> -> memref<10000x32xf32, #tpu.memory_space<hbm>>
    %dma_start3A_73 = tpu.memref_slice %arg11[%dma_start3A_62] : memref<8x!tpu.dma_semaphore, #tpu.memory_space<semaphore_mem>> -> memref<1x!tpu.dma_semaphore, #tpu.memory_space<semaphore_mem>>
    %dma_start3A_74 = tpu.memref_squeeze %dma_start3A_73 : memref<1x!tpu.dma_semaphore, #tpu.memory_space<semaphore_mem>> -> memref<!tpu.dma_semaphore, #tpu.memory_space<semaphore_mem>>
    tpu.enqueue_indirect_dma source(%dma_start3A_72 : memref<10000x32xf32, #tpu.memory_space<hbm>>) target(%dma_start3A_66 : memref<128x32xf32, #tpu.memory_space<vmem>>) offsets(%dma_start3A_69 : memref<128xi32, #tpu.memory_space<vmem>>) semaphore(%dma_start3A_74 : memref<!tpu.dma_semaphore, #tpu.memory_space<semaphore_mem>>)
    %dma_start3A_75 = arith.constant 5 : i32
    %dma_start3A_76 = arith.constant 5 : i32
    %dma_start3A_77 = arith.constant 5 : i32
    %dma_start3A_78 = arith.constant 0 : i32
    %dma_start3A_79 = arith.constant 0 : i32
    %dma_start3A_80 = tpu.memref_slice %arg9[%dma_start3A_76, %dma_start3A_78, %dma_start3A_79] : memref<8x128x32xf32, #tpu.memory_space<vmem>> -> memref<1x128x32xf32, #tpu.memory_space<vmem>>
    %dma_start3A_81 = tpu.memref_squeeze %dma_start3A_80 : memref<1x128x32xf32, #tpu.memory_space<vmem>> -> memref<128x32xf32, #tpu.memory_space<vmem>>
    %dma_start3A_82 = arith.constant 0 : i32
    %dma_start3A_83 = tpu.memref_slice %arg7[%dma_start3A_75, %dma_start3A_82] : memref<79x128xi32, #tpu.memory_space<vmem>> -> memref<1x128xi32, #tpu.memory_space<vmem>>
    %dma_start3A_84 = tpu.memref_squeeze %dma_start3A_83 : memref<1x128xi32, #tpu.memory_space<vmem>> -> memref<128xi32, #tpu.memory_space<vmem>>
    %dma_start3A_85 = arith.constant 0 : i32
    %dma_start3A_86 = arith.constant 0 : i32
    %dma_start3A_87 = tpu.memref_slice %arg2[%dma_start3A_85, %dma_start3A_86] : memref<10000x32xf32, #tpu.memory_space<hbm>> -> memref<10000x32xf32, #tpu.memory_space<hbm>>
    %dma_start3A_88 = tpu.memref_slice %arg11[%dma_start3A_77] : memref<8x!tpu.dma_semaphore, #tpu.memory_space<semaphore_mem>> -> memref<1x!tpu.dma_semaphore, #tpu.memory_space<semaphore_mem>>
    %dma_start3A_89 = tpu.memref_squeeze %dma_start3A_88 : memref<1x!tpu.dma_semaphore, #tpu.memory_space<semaphore_mem>> -> memref<!tpu.dma_semaphore, #tpu.memory_space<semaphore_mem>>
    tpu.enqueue_indirect_dma source(%dma_start3A_87 : memref<10000x32xf32, #tpu.memory_space<hbm>>) target(%dma_start3A_81 : memref<128x32xf32, #tpu.memory_space<vmem>>) offsets(%dma_start3A_84 : memref<128xi32, #tpu.memory_space<vmem>>) semaphore(%dma_start3A_89 : memref<!tpu.dma_semaphore, #tpu.memory_space<semaphore_mem>>)
    %dma_start3A_90 = arith.constant 6 : i32
    %dma_start3A_91 = arith.constant 6 : i32
    %dma_start3A_92 = arith.constant 6 : i32
    %dma_start3A_93 = arith.constant 0 : i32
    %dma_start3A_94 = arith.constant 0 : i32
    %dma_start3A_95 = tpu.memref_slice %arg9[%dma_start3A_91, %dma_start3A_93, %dma_start3A_94] : memref<8x128x32xf32, #tpu.memory_space<vmem>> -> memref<1x128x32xf32, #tpu.memory_space<vmem>>
    %dma_start3A_96 = tpu.memref_squeeze %dma_start3A_95 : memref<1x128x32xf32, #tpu.memory_space<vmem>> -> memref<128x32xf32, #tpu.memory_space<vmem>>
    %dma_start3A_97 = arith.constant 0 : i32
    %dma_start3A_98 = tpu.memref_slice %arg7[%dma_start3A_90, %dma_start3A_97] : memref<79x128xi32, #tpu.memory_space<vmem>> -> memref<1x128xi32, #tpu.memory_space<vmem>>
    %dma_start3A_99 = tpu.memref_squeeze %dma_start3A_98 : memref<1x128xi32, #tpu.memory_space<vmem>> -> memref<128xi32, #tpu.memory_space<vmem>>
    %dma_start3A_100 = arith.constant 0 : i32
    %dma_start3A_101 = arith.constant 0 : i32
    %dma_start3A_102 = tpu.memref_slice %arg2[%dma_start3A_100, %dma_start3A_101] : memref<10000x32xf32, #tpu.memory_space<hbm>> -> memref<10000x32xf32, #tpu.memory_space<hbm>>
    %dma_start3A_103 = tpu.memref_slice %arg11[%dma_start3A_92] : memref<8x!tpu.dma_semaphore, #tpu.memory_space<semaphore_mem>> -> memref<1x!tpu.dma_semaphore, #tpu.memory_space<semaphore_mem>>
    %dma_start3A_104 = tpu.memref_squeeze %dma_start3A_103 : memref<1x!tpu.dma_semaphore, #tpu.memory_space<semaphore_mem>> -> memref<!tpu.dma_semaphore, #tpu.memory_space<semaphore_mem>>
    tpu.enqueue_indirect_dma source(%dma_start3A_102 : memref<10000x32xf32, #tpu.memory_space<hbm>>) target(%dma_start3A_96 : memref<128x32xf32, #tpu.memory_space<vmem>>) offsets(%dma_start3A_99 : memref<128xi32, #tpu.memory_space<vmem>>) semaphore(%dma_start3A_104 : memref<!tpu.dma_semaphore, #tpu.memory_space<semaphore_mem>>)
    %dma_start3A_105 = arith.constant 7 : i32
    %dma_start3A_106 = arith.constant 7 : i32
    %dma_start3A_107 = arith.constant 7 : i32
    %dma_start3A_108 = arith.constant 0 : i32
    %dma_start3A_109 = arith.constant 0 : i32
    %dma_start3A_110 = tpu.memref_slice %arg9[%dma_start3A_106, %dma_start3A_108, %dma_start3A_109] : memref<8x128x32xf32, #tpu.memory_space<vmem>> -> memref<1x128x32xf32, #tpu.memory_space<vmem>>
    %dma_start3A_111 = tpu.memref_squeeze %dma_start3A_110 : memref<1x128x32xf32, #tpu.memory_space<vmem>> -> memref<128x32xf32, #tpu.memory_space<vmem>>
    %dma_start3A_112 = arith.constant 0 : i32
    %dma_start3A_113 = tpu.memref_slice %arg7[%dma_start3A_105, %dma_start3A_112] : memref<79x128xi32, #tpu.memory_space<vmem>> -> memref<1x128xi32, #tpu.memory_space<vmem>>
    %dma_start3A_114 = tpu.memref_squeeze %dma_start3A_113 : memref<1x128xi32, #tpu.memory_space<vmem>> -> memref<128xi32, #tpu.memory_space<vmem>>
    %dma_start3A_115 = arith.constant 0 : i32
    %dma_start3A_116 = arith.constant 0 : i32
    %dma_start3A_117 = tpu.memref_slice %arg2[%dma_start3A_115, %dma_start3A_116] : memref<10000x32xf32, #tpu.memory_space<hbm>> -> memref<10000x32xf32, #tpu.memory_space<hbm>>
    %dma_start3A_118 = tpu.memref_slice %arg11[%dma_start3A_107] : memref<8x!tpu.dma_semaphore, #tpu.memory_space<semaphore_mem>> -> memref<1x!tpu.dma_semaphore, #tpu.memory_space<semaphore_mem>>
    %dma_start3A_119 = tpu.memref_squeeze %dma_start3A_118 : memref<1x!tpu.dma_semaphore, #tpu.memory_space<semaphore_mem>> -> memref<!tpu.dma_semaphore, #tpu.memory_space<semaphore_mem>>
    tpu.enqueue_indirect_dma source(%dma_start3A_117 : memref<10000x32xf32, #tpu.memory_space<hbm>>) target(%dma_start3A_111 : memref<128x32xf32, #tpu.memory_space<vmem>>) offsets(%dma_start3A_114 : memref<128xi32, #tpu.memory_space<vmem>>) semaphore(%dma_start3A_119 : memref<!tpu.dma_semaphore, #tpu.memory_space<semaphore_mem>>)
    %scan3A = arith.constant 0 : i32
    %scan3A_120 = arith.constant 0 : i32
    %scan3A_121 = arith.constant 9 : i32
    %scan3A_122 = arith.addi %scan3A_120, %scan3A_121 : i32
    %scan3A_123 = arith.constant 1 : i32
    scf.for %scan3A_247 = %scan3A_120 to %scan3A_122 step %scan3A_123  : i32 {
      %mul3A_248 = arith.constant 8 : i32
      %mul3A_249 = arith.muli %scan3A_247, %mul3A_248 : i32
      %add3A = arith.constant 0 : i32
      %add3A_250 = arith.addi %mul3A_249, %add3A : i32
      %dma_wait3A_251 = arith.constant 0 : i32
      %dma_wait3A_252 = arith.constant 0 : i32
      %dma_wait3A_253 = arith.constant 0 : i32
      %dma_wait3A_254 = arith.constant 0 : i32
      %dma_wait3A_255 = tpu.memref_slice %arg9[%dma_wait3A_251, %dma_wait3A_253, %dma_wait3A_254] : memref<8x128x32xf32, #tpu.memory_space<vmem>> -> memref<1x128x32xf32, #tpu.memory_space<vmem>>
      %dma_wait3A_256 = tpu.memref_squeeze %dma_wait3A_255 : memref<1x128x32xf32, #tpu.memory_space<vmem>> -> memref<128x32xf32, #tpu.memory_space<vmem>>
      %dma_wait3A_257 = arith.constant 0 : i32
      %dma_wait3A_258 = tpu.memref_slice %arg7[%add3A_250, %dma_wait3A_257] : memref<79x128xi32, #tpu.memory_space<vmem>> -> memref<1x128xi32, #tpu.memory_space<vmem>>
      %dma_wait3A_259 = tpu.memref_squeeze %dma_wait3A_258 : memref<1x128xi32, #tpu.memory_space<vmem>> -> memref<128xi32, #tpu.memory_space<vmem>>
      %dma_wait3A_260 = arith.constant 0 : i32
      %dma_wait3A_261 = arith.constant 0 : i32
      %dma_wait3A_262 = tpu.memref_slice %arg2[%dma_wait3A_260, %dma_wait3A_261] : memref<10000x32xf32, #tpu.memory_space<hbm>> -> memref<10000x32xf32, #tpu.memory_space<hbm>>
      %dma_wait3A_263 = tpu.memref_slice %arg11[%dma_wait3A_252] : memref<8x!tpu.dma_semaphore, #tpu.memory_space<semaphore_mem>> -> memref<1x!tpu.dma_semaphore, #tpu.memory_space<semaphore_mem>>
      %dma_wait3A_264 = tpu.memref_squeeze %dma_wait3A_263 : memref<1x!tpu.dma_semaphore, #tpu.memory_space<semaphore_mem>> -> memref<!tpu.dma_semaphore, #tpu.memory_space<semaphore_mem>>
      tpu.wait_indirect_dma semaphore(%dma_wait3A_264 : memref<!tpu.dma_semaphore, #tpu.memory_space<semaphore_mem>>) src(%dma_wait3A_262 : memref<10000x32xf32, #tpu.memory_space<hbm>>) dst(%dma_wait3A_256 : memref<128x32xf32, #tpu.memory_space<vmem>>)
      %add3A_265 = arith.constant 0 : i32
      %add3A_266 = arith.addi %mul3A_249, %add3A_265 : i32
      %run_scoped3A_267 = arith.constant 0 : i32
      "tpu.region"() ({
        %run_scoped3A_470 = tpu.sem_alloc : memref<!tpu.dma_semaphore, #tpu.memory_space<semaphore_mem>>
        %dma_start3A_471 = arith.constant 0 : i32
        %dma_start3A_472 = arith.constant 0 : i32
        %dma_start3A_473 = tpu.memref_slice %arg9[%run_scoped3A_267, %dma_start3A_471, %dma_start3A_472] : memref<8x128x32xf32, #tpu.memory_space<vmem>> -> memref<1x128x32xf32, #tpu.memory_space<vmem>>
        %dma_start3A_474 = tpu.memref_squeeze %dma_start3A_473 : memref<1x128x32xf32, #tpu.memory_space<vmem>> -> memref<128x32xf32, #tpu.memory_space<vmem>>
        %dma_start3A_475 = arith.constant 0 : i32
        %dma_start3A_476 = tpu.memref_slice %arg8[%add3A_266, %dma_start3A_475] : memref<79x128xi32, #tpu.memory_space<vmem>> -> memref<1x128xi32, #tpu.memory_space<vmem>>
        %dma_start3A_477 = tpu.memref_squeeze %dma_start3A_476 : memref<1x128xi32, #tpu.memory_space<vmem>> -> memref<128xi32, #tpu.memory_space<vmem>>
        %dma_start3A_478 = arith.constant 0 : i32
        %dma_start3A_479 = arith.constant 0 : i32
        %dma_start3A_480 = tpu.memref_slice %arg10[%dma_start3A_478, %dma_start3A_479] : memref<10240x32xf32, #tpu.memory_space<vmem_shared>> -> memref<10240x32xf32, #tpu.memory_space<vmem_shared>>
        tpu.enqueue_indirect_dma source(%dma_start3A_474 : memref<128x32xf32, #tpu.memory_space<vmem>>) target(%dma_start3A_480 : memref<10240x32xf32, #tpu.memory_space<vmem_shared>>) offsets(%dma_start3A_477 : memref<128xi32, #tpu.memory_space<vmem>>) semaphore(%run_scoped3A_470 : memref<!tpu.dma_semaphore, #tpu.memory_space<semaphore_mem>>) {add = true}
        %dma_wait3A_481 = arith.constant 0 : i32
        %dma_wait3A_482 = arith.constant 0 : i32
        %dma_wait3A_483 = tpu.memref_slice %arg9[%run_scoped3A_267, %dma_wait3A_481, %dma_wait3A_482] : memref<8x128x32xf32, #tpu.memory_space<vmem>> -> memref<1x128x32xf32, #tpu.memory_space<vmem>>
        %dma_wait3A_484 = tpu.memref_squeeze %dma_wait3A_483 : memref<1x128x32xf32, #tpu.memory_space<vmem>> -> memref<128x32xf32, #tpu.memory_space<vmem>>
        %dma_wait3A_485 = arith.constant 0 : i32
        %dma_wait3A_486 = tpu.memref_slice %arg8[%add3A_266, %dma_wait3A_485] : memref<79x128xi32, #tpu.memory_space<vmem>> -> memref<1x128xi32, #tpu.memory_space<vmem>>
        %dma_wait3A_487 = tpu.memref_squeeze %dma_wait3A_486 : memref<1x128xi32, #tpu.memory_space<vmem>> -> memref<128xi32, #tpu.memory_space<vmem>>
        %dma_wait3A_488 = arith.constant 0 : i32
        %dma_wait3A_489 = arith.constant 0 : i32
        %dma_wait3A_490 = tpu.memref_slice %arg10[%dma_wait3A_488, %dma_wait3A_489] : memref<10240x32xf32, #tpu.memory_space<vmem_shared>> -> memref<10240x32xf32, #tpu.memory_space<vmem_shared>>
        tpu.wait_indirect_dma semaphore(%run_scoped3A_470 : memref<!tpu.dma_semaphore, #tpu.memory_space<semaphore_mem>>) src(%dma_wait3A_484 : memref<128x32xf32, #tpu.memory_space<vmem>>) dst(%dma_wait3A_490 : memref<10240x32xf32, #tpu.memory_space<vmem_shared>>)
        tpu.yield
      }) : () -> ()
      %add3A_268 = arith.constant 8 : i32
      %add3A_269 = arith.addi %mul3A_249, %add3A_268 : i32
      %add3A_270 = arith.constant 0 : i32
      %add3A_271 = arith.addi %add3A_269, %add3A_270 : i32
      %lt3A = arith.constant 79 : i32
      %lt3A_272 = arith.cmpi slt, %add3A_271, %lt3A : i32
      %convert_element_type3A = arith.extui %lt3A_272 : i1 to i32
      %cond3A = arith.constant 0 : i32
      %cond3A_273 = arith.cmpi ne, %convert_element_type3A, %cond3A : i32
      scf.if %cond3A_273 {
        %dma_start3A_470 = arith.constant 0 : i32
        %dma_start3A_471 = arith.constant 0 : i32
        %dma_start3A_472 = arith.constant 0 : i32
        %dma_start3A_473 = arith.constant 0 : i32
        %dma_start3A_474 = tpu.memref_slice %arg9[%dma_start3A_470, %dma_start3A_472, %dma_start3A_473] : memref<8x128x32xf32, #tpu.memory_space<vmem>> -> memref<1x128x32xf32, #tpu.memory_space<vmem>>
        %dma_start3A_475 = tpu.memref_squeeze %dma_start3A_474 : memref<1x128x32xf32, #tpu.memory_space<vmem>> -> memref<128x32xf32, #tpu.memory_space<vmem>>
        %dma_start3A_476 = arith.constant 0 : i32
        %dma_start3A_477 = tpu.memref_slice %arg7[%add3A_271, %dma_start3A_476] : memref<79x128xi32, #tpu.memory_space<vmem>> -> memref<1x128xi32, #tpu.memory_space<vmem>>
        %dma_start3A_478 = tpu.memref_squeeze %dma_start3A_477 : memref<1x128xi32, #tpu.memory_space<vmem>> -> memref<128xi32, #tpu.memory_space<vmem>>
        %dma_start3A_479 = arith.constant 0 : i32
        %dma_start3A_480 = arith.constant 0 : i32
        %dma_start3A_481 = tpu.memref_slice %arg2[%dma_start3A_479, %dma_start3A_480] : memref<10000x32xf32, #tpu.memory_space<hbm>> -> memref<10000x32xf32, #tpu.memory_space<hbm>>
        %dma_start3A_482 = tpu.memref_slice %arg11[%dma_start3A_471] : memref<8x!tpu.dma_semaphore, #tpu.memory_space<semaphore_mem>> -> memref<1x!tpu.dma_semaphore, #tpu.memory_space<semaphore_mem>>
        %dma_start3A_483 = tpu.memref_squeeze %dma_start3A_482 : memref<1x!tpu.dma_semaphore, #tpu.memory_space<semaphore_mem>> -> memref<!tpu.dma_semaphore, #tpu.memory_space<semaphore_mem>>
        tpu.enqueue_indirect_dma source(%dma_start3A_481 : memref<10000x32xf32, #tpu.memory_space<hbm>>) target(%dma_start3A_475 : memref<128x32xf32, #tpu.memory_space<vmem>>) offsets(%dma_start3A_478 : memref<128xi32, #tpu.memory_space<vmem>>) semaphore(%dma_start3A_483 : memref<!tpu.dma_semaphore, #tpu.memory_space<semaphore_mem>>)
      } else {
      }
      %add3A_274 = arith.constant 1 : i32
      %add3A_275 = arith.addi %mul3A_249, %add3A_274 : i32
      %dma_wait3A_276 = arith.constant 1 : i32
      %dma_wait3A_277 = arith.constant 1 : i32
      %dma_wait3A_278 = arith.constant 0 : i32
      %dma_wait3A_279 = arith.constant 0 : i32
      %dma_wait3A_280 = tpu.memref_slice %arg9[%dma_wait3A_276, %dma_wait3A_278, %dma_wait3A_279] : memref<8x128x32xf32, #tpu.memory_space<vmem>> -> memref<1x128x32xf32, #tpu.memory_space<vmem>>
      %dma_wait3A_281 = tpu.memref_squeeze %dma_wait3A_280 : memref<1x128x32xf32, #tpu.memory_space<vmem>> -> memref<128x32xf32, #tpu.memory_space<vmem>>
      %dma_wait3A_282 = arith.constant 0 : i32
      %dma_wait3A_283 = tpu.memref_slice %arg7[%add3A_275, %dma_wait3A_282] : memref<79x128xi32, #tpu.memory_space<vmem>> -> memref<1x128xi32, #tpu.memory_space<vmem>>
      %dma_wait3A_284 = tpu.memref_squeeze %dma_wait3A_283 : memref<1x128xi32, #tpu.memory_space<vmem>> -> memref<128xi32, #tpu.memory_space<vmem>>
      %dma_wait3A_285 = arith.constant 0 : i32
      %dma_wait3A_286 = arith.constant 0 : i32
      %dma_wait3A_287 = tpu.memref_slice %arg2[%dma_wait3A_285, %dma_wait3A_286] : memref<10000x32xf32, #tpu.memory_space<hbm>> -> memref<10000x32xf32, #tpu.memory_space<hbm>>
      %dma_wait3A_288 = tpu.memref_slice %arg11[%dma_wait3A_277] : memref<8x!tpu.dma_semaphore, #tpu.memory_space<semaphore_mem>> -> memref<1x!tpu.dma_semaphore, #tpu.memory_space<semaphore_mem>>
      %dma_wait3A_289 = tpu.memref_squeeze %dma_wait3A_288 : memref<1x!tpu.dma_semaphore, #tpu.memory_space<semaphore_mem>> -> memref<!tpu.dma_semaphore, #tpu.memory_space<semaphore_mem>>
      tpu.wait_indirect_dma semaphore(%dma_wait3A_289 : memref<!tpu.dma_semaphore, #tpu.memory_space<semaphore_mem>>) src(%dma_wait3A_287 : memref<10000x32xf32, #tpu.memory_space<hbm>>) dst(%dma_wait3A_281 : memref<128x32xf32, #tpu.memory_space<vmem>>)
      %add3A_290 = arith.constant 1 : i32
      %add3A_291 = arith.addi %mul3A_249, %add3A_290 : i32
      %run_scoped3A_292 = arith.constant 1 : i32
      "tpu.region"() ({
        %run_scoped3A_470 = tpu.sem_alloc : memref<!tpu.dma_semaphore, #tpu.memory_space<semaphore_mem>>
        %dma_start3A_471 = arith.constant 0 : i32
        %dma_start3A_472 = arith.constant 0 : i32
        %dma_start3A_473 = tpu.memref_slice %arg9[%run_scoped3A_292, %dma_start3A_471, %dma_start3A_472] : memref<8x128x32xf32, #tpu.memory_space<vmem>> -> memref<1x128x32xf32, #tpu.memory_space<vmem>>
        %dma_start3A_474 = tpu.memref_squeeze %dma_start3A_473 : memref<1x128x32xf32, #tpu.memory_space<vmem>> -> memref<128x32xf32, #tpu.memory_space<vmem>>
        %dma_start3A_475 = arith.constant 0 : i32
        %dma_start3A_476 = tpu.memref_slice %arg8[%add3A_291, %dma_start3A_475] : memref<79x128xi32, #tpu.memory_space<vmem>> -> memref<1x128xi32, #tpu.memory_space<vmem>>
        %dma_start3A_477 = tpu.memref_squeeze %dma_start3A_476 : memref<1x128xi32, #tpu.memory_space<vmem>> -> memref<128xi32, #tpu.memory_space<vmem>>
        %dma_start3A_478 = arith.constant 0 : i32
        %dma_start3A_479 = arith.constant 0 : i32
        %dma_start3A_480 = tpu.memref_slice %arg10[%dma_start3A_478, %dma_start3A_479] : memref<10240x32xf32, #tpu.memory_space<vmem_shared>> -> memref<10240x32xf32, #tpu.memory_space<vmem_shared>>
        tpu.enqueue_indirect_dma source(%dma_start3A_474 : memref<128x32xf32, #tpu.memory_space<vmem>>) target(%dma_start3A_480 : memref<10240x32xf32, #tpu.memory_space<vmem_shared>>) offsets(%dma_start3A_477 : memref<128xi32, #tpu.memory_space<vmem>>) semaphore(%run_scoped3A_470 : memref<!tpu.dma_semaphore, #tpu.memory_space<semaphore_mem>>) {add = true}
        %dma_wait3A_481 = arith.constant 0 : i32
        %dma_wait3A_482 = arith.constant 0 : i32
        %dma_wait3A_483 = tpu.memref_slice %arg9[%run_scoped3A_292, %dma_wait3A_481, %dma_wait3A_482] : memref<8x128x32xf32, #tpu.memory_space<vmem>> -> memref<1x128x32xf32, #tpu.memory_space<vmem>>
        %dma_wait3A_484 = tpu.memref_squeeze %dma_wait3A_483 : memref<1x128x32xf32, #tpu.memory_space<vmem>> -> memref<128x32xf32, #tpu.memory_space<vmem>>
        %dma_wait3A_485 = arith.constant 0 : i32
        %dma_wait3A_486 = tpu.memref_slice %arg8[%add3A_291, %dma_wait3A_485] : memref<79x128xi32, #tpu.memory_space<vmem>> -> memref<1x128xi32, #tpu.memory_space<vmem>>
        %dma_wait3A_487 = tpu.memref_squeeze %dma_wait3A_486 : memref<1x128xi32, #tpu.memory_space<vmem>> -> memref<128xi32, #tpu.memory_space<vmem>>
        %dma_wait3A_488 = arith.constant 0 : i32
        %dma_wait3A_489 = arith.constant 0 : i32
        %dma_wait3A_490 = tpu.memref_slice %arg10[%dma_wait3A_488, %dma_wait3A_489] : memref<10240x32xf32, #tpu.memory_space<vmem_shared>> -> memref<10240x32xf32, #tpu.memory_space<vmem_shared>>
        tpu.wait_indirect_dma semaphore(%run_scoped3A_470 : memref<!tpu.dma_semaphore, #tpu.memory_space<semaphore_mem>>) src(%dma_wait3A_484 : memref<128x32xf32, #tpu.memory_space<vmem>>) dst(%dma_wait3A_490 : memref<10240x32xf32, #tpu.memory_space<vmem_shared>>)
        tpu.yield
      }) : () -> ()
      %add3A_293 = arith.constant 8 : i32
      %add3A_294 = arith.addi %mul3A_249, %add3A_293 : i32
      %add3A_295 = arith.constant 1 : i32
      %add3A_296 = arith.addi %add3A_294, %add3A_295 : i32
      %lt3A_297 = arith.constant 79 : i32
      %lt3A_298 = arith.cmpi slt, %add3A_296, %lt3A_297 : i32
      %convert_element_type3A_299 = arith.extui %lt3A_298 : i1 to i32
      %cond3A_300 = arith.constant 0 : i32
      %cond3A_301 = arith.cmpi ne, %convert_element_type3A_299, %cond3A_300 : i32
      scf.if %cond3A_301 {
        %dma_start3A_470 = arith.constant 1 : i32
        %dma_start3A_471 = arith.constant 1 : i32
        %dma_start3A_472 = arith.constant 0 : i32
        %dma_start3A_473 = arith.constant 0 : i32
        %dma_start3A_474 = tpu.memref_slice %arg9[%dma_start3A_470, %dma_start3A_472, %dma_start3A_473] : memref<8x128x32xf32, #tpu.memory_space<vmem>> -> memref<1x128x32xf32, #tpu.memory_space<vmem>>
        %dma_start3A_475 = tpu.memref_squeeze %dma_start3A_474 : memref<1x128x32xf32, #tpu.memory_space<vmem>> -> memref<128x32xf32, #tpu.memory_space<vmem>>
        %dma_start3A_476 = arith.constant 0 : i32
        %dma_start3A_477 = tpu.memref_slice %arg7[%add3A_296, %dma_start3A_476] : memref<79x128xi32, #tpu.memory_space<vmem>> -> memref<1x128xi32, #tpu.memory_space<vmem>>
        %dma_start3A_478 = tpu.memref_squeeze %dma_start3A_477 : memref<1x128xi32, #tpu.memory_space<vmem>> -> memref<128xi32, #tpu.memory_space<vmem>>
        %dma_start3A_479 = arith.constant 0 : i32
        %dma_start3A_480 = arith.constant 0 : i32
        %dma_start3A_481 = tpu.memref_slice %arg2[%dma_start3A_479, %dma_start3A_480] : memref<10000x32xf32, #tpu.memory_space<hbm>> -> memref<10000x32xf32, #tpu.memory_space<hbm>>
        %dma_start3A_482 = tpu.memref_slice %arg11[%dma_start3A_471] : memref<8x!tpu.dma_semaphore, #tpu.memory_space<semaphore_mem>> -> memref<1x!tpu.dma_semaphore, #tpu.memory_space<semaphore_mem>>
        %dma_start3A_483 = tpu.memref_squeeze %dma_start3A_482 : memref<1x!tpu.dma_semaphore, #tpu.memory_space<semaphore_mem>> -> memref<!tpu.dma_semaphore, #tpu.memory_space<semaphore_mem>>
        tpu.enqueue_indirect_dma source(%dma_start3A_481 : memref<10000x32xf32, #tpu.memory_space<hbm>>) target(%dma_start3A_475 : memref<128x32xf32, #tpu.memory_space<vmem>>) offsets(%dma_start3A_478 : memref<128xi32, #tpu.memory_space<vmem>>) semaphore(%dma_start3A_483 : memref<!tpu.dma_semaphore, #tpu.memory_space<semaphore_mem>>)
      } else {
      }
      %add3A_302 = arith.constant 2 : i32
      %add3A_303 = arith.addi %mul3A_249, %add3A_302 : i32
      %dma_wait3A_304 = arith.constant 2 : i32
      %dma_wait3A_305 = arith.constant 2 : i32
      %dma_wait3A_306 = arith.constant 0 : i32
      %dma_wait3A_307 = arith.constant 0 : i32
      %dma_wait3A_308 = tpu.memref_slice %arg9[%dma_wait3A_304, %dma_wait3A_306, %dma_wait3A_307] : memref<8x128x32xf32, #tpu.memory_space<vmem>> -> memref<1x128x32xf32, #tpu.memory_space<vmem>>
      %dma_wait3A_309 = tpu.memref_squeeze %dma_wait3A_308 : memref<1x128x32xf32, #tpu.memory_space<vmem>> -> memref<128x32xf32, #tpu.memory_space<vmem>>
      %dma_wait3A_310 = arith.constant 0 : i32
      %dma_wait3A_311 = tpu.memref_slice %arg7[%add3A_303, %dma_wait3A_310] : memref<79x128xi32, #tpu.memory_space<vmem>> -> memref<1x128xi32, #tpu.memory_space<vmem>>
      %dma_wait3A_312 = tpu.memref_squeeze %dma_wait3A_311 : memref<1x128xi32, #tpu.memory_space<vmem>> -> memref<128xi32, #tpu.memory_space<vmem>>
      %dma_wait3A_313 = arith.constant 0 : i32
      %dma_wait3A_314 = arith.constant 0 : i32
      %dma_wait3A_315 = tpu.memref_slice %arg2[%dma_wait3A_313, %dma_wait3A_314] : memref<10000x32xf32, #tpu.memory_space<hbm>> -> memref<10000x32xf32, #tpu.memory_space<hbm>>
      %dma_wait3A_316 = tpu.memref_slice %arg11[%dma_wait3A_305] : memref<8x!tpu.dma_semaphore, #tpu.memory_space<semaphore_mem>> -> memref<1x!tpu.dma_semaphore, #tpu.memory_space<semaphore_mem>>
      %dma_wait3A_317 = tpu.memref_squeeze %dma_wait3A_316 : memref<1x!tpu.dma_semaphore, #tpu.memory_space<semaphore_mem>> -> memref<!tpu.dma_semaphore, #tpu.memory_space<semaphore_mem>>
      tpu.wait_indirect_dma semaphore(%dma_wait3A_317 : memref<!tpu.dma_semaphore, #tpu.memory_space<semaphore_mem>>) src(%dma_wait3A_315 : memref<10000x32xf32, #tpu.memory_space<hbm>>) dst(%dma_wait3A_309 : memref<128x32xf32, #tpu.memory_space<vmem>>)
      %add3A_318 = arith.constant 2 : i32
      %add3A_319 = arith.addi %mul3A_249, %add3A_318 : i32
      %run_scoped3A_320 = arith.constant 2 : i32
      "tpu.region"() ({
        %run_scoped3A_470 = tpu.sem_alloc : memref<!tpu.dma_semaphore, #tpu.memory_space<semaphore_mem>>
        %dma_start3A_471 = arith.constant 0 : i32
        %dma_start3A_472 = arith.constant 0 : i32
        %dma_start3A_473 = tpu.memref_slice %arg9[%run_scoped3A_320, %dma_start3A_471, %dma_start3A_472] : memref<8x128x32xf32, #tpu.memory_space<vmem>> -> memref<1x128x32xf32, #tpu.memory_space<vmem>>
        %dma_start3A_474 = tpu.memref_squeeze %dma_start3A_473 : memref<1x128x32xf32, #tpu.memory_space<vmem>> -> memref<128x32xf32, #tpu.memory_space<vmem>>
        %dma_start3A_475 = arith.constant 0 : i32
        %dma_start3A_476 = tpu.memref_slice %arg8[%add3A_319, %dma_start3A_475] : memref<79x128xi32, #tpu.memory_space<vmem>> -> memref<1x128xi32, #tpu.memory_space<vmem>>
        %dma_start3A_477 = tpu.memref_squeeze %dma_start3A_476 : memref<1x128xi32, #tpu.memory_space<vmem>> -> memref<128xi32, #tpu.memory_space<vmem>>
        %dma_start3A_478 = arith.constant 0 : i32
        %dma_start3A_479 = arith.constant 0 : i32
        %dma_start3A_480 = tpu.memref_slice %arg10[%dma_start3A_478, %dma_start3A_479] : memref<10240x32xf32, #tpu.memory_space<vmem_shared>> -> memref<10240x32xf32, #tpu.memory_space<vmem_shared>>
        tpu.enqueue_indirect_dma source(%dma_start3A_474 : memref<128x32xf32, #tpu.memory_space<vmem>>) target(%dma_start3A_480 : memref<10240x32xf32, #tpu.memory_space<vmem_shared>>) offsets(%dma_start3A_477 : memref<128xi32, #tpu.memory_space<vmem>>) semaphore(%run_scoped3A_470 : memref<!tpu.dma_semaphore, #tpu.memory_space<semaphore_mem>>) {add = true}
        %dma_wait3A_481 = arith.constant 0 : i32
        %dma_wait3A_482 = arith.constant 0 : i32
        %dma_wait3A_483 = tpu.memref_slice %arg9[%run_scoped3A_320, %dma_wait3A_481, %dma_wait3A_482] : memref<8x128x32xf32, #tpu.memory_space<vmem>> -> memref<1x128x32xf32, #tpu.memory_space<vmem>>
        %dma_wait3A_484 = tpu.memref_squeeze %dma_wait3A_483 : memref<1x128x32xf32, #tpu.memory_space<vmem>> -> memref<128x32xf32, #tpu.memory_space<vmem>>
        %dma_wait3A_485 = arith.constant 0 : i32
        %dma_wait3A_486 = tpu.memref_slice %arg8[%add3A_319, %dma_wait3A_485] : memref<79x128xi32, #tpu.memory_space<vmem>> -> memref<1x128xi32, #tpu.memory_space<vmem>>
        %dma_wait3A_487 = tpu.memref_squeeze %dma_wait3A_486 : memref<1x128xi32, #tpu.memory_space<vmem>> -> memref<128xi32, #tpu.memory_space<vmem>>
        %dma_wait3A_488 = arith.constant 0 : i32
        %dma_wait3A_489 = arith.constant 0 : i32
        %dma_wait3A_490 = tpu.memref_slice %arg10[%dma_wait3A_488, %dma_wait3A_489] : memref<10240x32xf32, #tpu.memory_space<vmem_shared>> -> memref<10240x32xf32, #tpu.memory_space<vmem_shared>>
        tpu.wait_indirect_dma semaphore(%run_scoped3A_470 : memref<!tpu.dma_semaphore, #tpu.memory_space<semaphore_mem>>) src(%dma_wait3A_484 : memref<128x32xf32, #tpu.memory_space<vmem>>) dst(%dma_wait3A_490 : memref<10240x32xf32, #tpu.memory_space<vmem_shared>>)
        tpu.yield
      }) : () -> ()
      %add3A_321 = arith.constant 8 : i32
      %add3A_322 = arith.addi %mul3A_249, %add3A_321 : i32
      %add3A_323 = arith.constant 2 : i32
      %add3A_324 = arith.addi %add3A_322, %add3A_323 : i32
      %lt3A_325 = arith.constant 79 : i32
      %lt3A_326 = arith.cmpi slt, %add3A_324, %lt3A_325 : i32
      %convert_element_type3A_327 = arith.extui %lt3A_326 : i1 to i32
      %cond3A_328 = arith.constant 0 : i32
      %cond3A_329 = arith.cmpi ne, %convert_element_type3A_327, %cond3A_328 : i32
      scf.if %cond3A_329 {
        %dma_start3A_470 = arith.constant 2 : i32
        %dma_start3A_471 = arith.constant 2 : i32
        %dma_start3A_472 = arith.constant 0 : i32
        %dma_start3A_473 = arith.constant 0 : i32
        %dma_start3A_474 = tpu.memref_slice %arg9[%dma_start3A_470, %dma_start3A_472, %dma_start3A_473] : memref<8x128x32xf32, #tpu.memory_space<vmem>> -> memref<1x128x32xf32, #tpu.memory_space<vmem>>
        %dma_start3A_475 = tpu.memref_squeeze %dma_start3A_474 : memref<1x128x32xf32, #tpu.memory_space<vmem>> -> memref<128x32xf32, #tpu.memory_space<vmem>>
        %dma_start3A_476 = arith.constant 0 : i32
        %dma_start3A_477 = tpu.memref_slice %arg7[%add3A_324, %dma_start3A_476] : memref<79x128xi32, #tpu.memory_space<vmem>> -> memref<1x128xi32, #tpu.memory_space<vmem>>
        %dma_start3A_478 = tpu.memref_squeeze %dma_start3A_477 : memref<1x128xi32, #tpu.memory_space<vmem>> -> memref<128xi32, #tpu.memory_space<vmem>>
        %dma_start3A_479 = arith.constant 0 : i32
        %dma_start3A_480 = arith.constant 0 : i32
        %dma_start3A_481 = tpu.memref_slice %arg2[%dma_start3A_479, %dma_start3A_480] : memref<10000x32xf32, #tpu.memory_space<hbm>> -> memref<10000x32xf32, #tpu.memory_space<hbm>>
        %dma_start3A_482 = tpu.memref_slice %arg11[%dma_start3A_471] : memref<8x!tpu.dma_semaphore, #tpu.memory_space<semaphore_mem>> -> memref<1x!tpu.dma_semaphore, #tpu.memory_space<semaphore_mem>>
        %dma_start3A_483 = tpu.memref_squeeze %dma_start3A_482 : memref<1x!tpu.dma_semaphore, #tpu.memory_space<semaphore_mem>> -> memref<!tpu.dma_semaphore, #tpu.memory_space<semaphore_mem>>
        tpu.enqueue_indirect_dma source(%dma_start3A_481 : memref<10000x32xf32, #tpu.memory_space<hbm>>) target(%dma_start3A_475 : memref<128x32xf32, #tpu.memory_space<vmem>>) offsets(%dma_start3A_478 : memref<128xi32, #tpu.memory_space<vmem>>) semaphore(%dma_start3A_483 : memref<!tpu.dma_semaphore, #tpu.memory_space<semaphore_mem>>)
      } else {
      }
      %add3A_330 = arith.constant 3 : i32
      %add3A_331 = arith.addi %mul3A_249, %add3A_330 : i32
      %dma_wait3A_332 = arith.constant 3 : i32
      %dma_wait3A_333 = arith.constant 3 : i32
      %dma_wait3A_334 = arith.constant 0 : i32
      %dma_wait3A_335 = arith.constant 0 : i32
      %dma_wait3A_336 = tpu.memref_slice %arg9[%dma_wait3A_332, %dma_wait3A_334, %dma_wait3A_335] : memref<8x128x32xf32, #tpu.memory_space<vmem>> -> memref<1x128x32xf32, #tpu.memory_space<vmem>>
      %dma_wait3A_337 = tpu.memref_squeeze %dma_wait3A_336 : memref<1x128x32xf32, #tpu.memory_space<vmem>> -> memref<128x32xf32, #tpu.memory_space<vmem>>
      %dma_wait3A_338 = arith.constant 0 : i32
      %dma_wait3A_339 = tpu.memref_slice %arg7[%add3A_331, %dma_wait3A_338] : memref<79x128xi32, #tpu.memory_space<vmem>> -> memref<1x128xi32, #tpu.memory_space<vmem>>
      %dma_wait3A_340 = tpu.memref_squeeze %dma_wait3A_339 : memref<1x128xi32, #tpu.memory_space<vmem>> -> memref<128xi32, #tpu.memory_space<vmem>>
      %dma_wait3A_341 = arith.constant 0 : i32
      %dma_wait3A_342 = arith.constant 0 : i32
      %dma_wait3A_343 = tpu.memref_slice %arg2[%dma_wait3A_341, %dma_wait3A_342] : memref<10000x32xf32, #tpu.memory_space<hbm>> -> memref<10000x32xf32, #tpu.memory_space<hbm>>
      %dma_wait3A_344 = tpu.memref_slice %arg11[%dma_wait3A_333] : memref<8x!tpu.dma_semaphore, #tpu.memory_space<semaphore_mem>> -> memref<1x!tpu.dma_semaphore, #tpu.memory_space<semaphore_mem>>
      %dma_wait3A_345 = tpu.memref_squeeze %dma_wait3A_344 : memref<1x!tpu.dma_semaphore, #tpu.memory_space<semaphore_mem>> -> memref<!tpu.dma_semaphore, #tpu.memory_space<semaphore_mem>>
      tpu.wait_indirect_dma semaphore(%dma_wait3A_345 : memref<!tpu.dma_semaphore, #tpu.memory_space<semaphore_mem>>) src(%dma_wait3A_343 : memref<10000x32xf32, #tpu.memory_space<hbm>>) dst(%dma_wait3A_337 : memref<128x32xf32, #tpu.memory_space<vmem>>)
      %add3A_346 = arith.constant 3 : i32
      %add3A_347 = arith.addi %mul3A_249, %add3A_346 : i32
      %run_scoped3A_348 = arith.constant 3 : i32
      "tpu.region"() ({
        %run_scoped3A_470 = tpu.sem_alloc : memref<!tpu.dma_semaphore, #tpu.memory_space<semaphore_mem>>
        %dma_start3A_471 = arith.constant 0 : i32
        %dma_start3A_472 = arith.constant 0 : i32
        %dma_start3A_473 = tpu.memref_slice %arg9[%run_scoped3A_348, %dma_start3A_471, %dma_start3A_472] : memref<8x128x32xf32, #tpu.memory_space<vmem>> -> memref<1x128x32xf32, #tpu.memory_space<vmem>>
        %dma_start3A_474 = tpu.memref_squeeze %dma_start3A_473 : memref<1x128x32xf32, #tpu.memory_space<vmem>> -> memref<128x32xf32, #tpu.memory_space<vmem>>
        %dma_start3A_475 = arith.constant 0 : i32
        %dma_start3A_476 = tpu.memref_slice %arg8[%add3A_347, %dma_start3A_475] : memref<79x128xi32, #tpu.memory_space<vmem>> -> memref<1x128xi32, #tpu.memory_space<vmem>>
        %dma_start3A_477 = tpu.memref_squeeze %dma_start3A_476 : memref<1x128xi32, #tpu.memory_space<vmem>> -> memref<128xi32, #tpu.memory_space<vmem>>
        %dma_start3A_478 = arith.constant 0 : i32
        %dma_start3A_479 = arith.constant 0 : i32
        %dma_start3A_480 = tpu.memref_slice %arg10[%dma_start3A_478, %dma_start3A_479] : memref<10240x32xf32, #tpu.memory_space<vmem_shared>> -> memref<10240x32xf32, #tpu.memory_space<vmem_shared>>
        tpu.enqueue_indirect_dma source(%dma_start3A_474 : memref<128x32xf32, #tpu.memory_space<vmem>>) target(%dma_start3A_480 : memref<10240x32xf32, #tpu.memory_space<vmem_shared>>) offsets(%dma_start3A_477 : memref<128xi32, #tpu.memory_space<vmem>>) semaphore(%run_scoped3A_470 : memref<!tpu.dma_semaphore, #tpu.memory_space<semaphore_mem>>) {add = true}
        %dma_wait3A_481 = arith.constant 0 : i32
        %dma_wait3A_482 = arith.constant 0 : i32
        %dma_wait3A_483 = tpu.memref_slice %arg9[%run_scoped3A_348, %dma_wait3A_481, %dma_wait3A_482] : memref<8x128x32xf32, #tpu.memory_space<vmem>> -> memref<1x128x32xf32, #tpu.memory_space<vmem>>
        %dma_wait3A_484 = tpu.memref_squeeze %dma_wait3A_483 : memref<1x128x32xf32, #tpu.memory_space<vmem>> -> memref<128x32xf32, #tpu.memory_space<vmem>>
        %dma_wait3A_485 = arith.constant 0 : i32
        %dma_wait3A_486 = tpu.memref_slice %arg8[%add3A_347, %dma_wait3A_485] : memref<79x128xi32, #tpu.memory_space<vmem>> -> memref<1x128xi32, #tpu.memory_space<vmem>>
        %dma_wait3A_487 = tpu.memref_squeeze %dma_wait3A_486 : memref<1x128xi32, #tpu.memory_space<vmem>> -> memref<128xi32, #tpu.memory_space<vmem>>
        %dma_wait3A_488 = arith.constant 0 : i32
        %dma_wait3A_489 = arith.constant 0 : i32
        %dma_wait3A_490 = tpu.memref_slice %arg10[%dma_wait3A_488, %dma_wait3A_489] : memref<10240x32xf32, #tpu.memory_space<vmem_shared>> -> memref<10240x32xf32, #tpu.memory_space<vmem_shared>>
        tpu.wait_indirect_dma semaphore(%run_scoped3A_470 : memref<!tpu.dma_semaphore, #tpu.memory_space<semaphore_mem>>) src(%dma_wait3A_484 : memref<128x32xf32, #tpu.memory_space<vmem>>) dst(%dma_wait3A_490 : memref<10240x32xf32, #tpu.memory_space<vmem_shared>>)
        tpu.yield
      }) : () -> ()
      %add3A_349 = arith.constant 8 : i32
      %add3A_350 = arith.addi %mul3A_249, %add3A_349 : i32
      %add3A_351 = arith.constant 3 : i32
      %add3A_352 = arith.addi %add3A_350, %add3A_351 : i32
      %lt3A_353 = arith.constant 79 : i32
      %lt3A_354 = arith.cmpi slt, %add3A_352, %lt3A_353 : i32
      %convert_element_type3A_355 = arith.extui %lt3A_354 : i1 to i32
      %cond3A_356 = arith.constant 0 : i32
      %cond3A_357 = arith.cmpi ne, %convert_element_type3A_355, %cond3A_356 : i32
      scf.if %cond3A_357 {
        %dma_start3A_470 = arith.constant 3 : i32
        %dma_start3A_471 = arith.constant 3 : i32
        %dma_start3A_472 = arith.constant 0 : i32
        %dma_start3A_473 = arith.constant 0 : i32
        %dma_start3A_474 = tpu.memref_slice %arg9[%dma_start3A_470, %dma_start3A_472, %dma_start3A_473] : memref<8x128x32xf32, #tpu.memory_space<vmem>> -> memref<1x128x32xf32, #tpu.memory_space<vmem>>
        %dma_start3A_475 = tpu.memref_squeeze %dma_start3A_474 : memref<1x128x32xf32, #tpu.memory_space<vmem>> -> memref<128x32xf32, #tpu.memory_space<vmem>>
        %dma_start3A_476 = arith.constant 0 : i32
        %dma_start3A_477 = tpu.memref_slice %arg7[%add3A_352, %dma_start3A_476] : memref<79x128xi32, #tpu.memory_space<vmem>> -> memref<1x128xi32, #tpu.memory_space<vmem>>
        %dma_start3A_478 = tpu.memref_squeeze %dma_start3A_477 : memref<1x128xi32, #tpu.memory_space<vmem>> -> memref<128xi32, #tpu.memory_space<vmem>>
        %dma_start3A_479 = arith.constant 0 : i32
        %dma_start3A_480 = arith.constant 0 : i32
        %dma_start3A_481 = tpu.memref_slice %arg2[%dma_start3A_479, %dma_start3A_480] : memref<10000x32xf32, #tpu.memory_space<hbm>> -> memref<10000x32xf32, #tpu.memory_space<hbm>>
        %dma_start3A_482 = tpu.memref_slice %arg11[%dma_start3A_471] : memref<8x!tpu.dma_semaphore, #tpu.memory_space<semaphore_mem>> -> memref<1x!tpu.dma_semaphore, #tpu.memory_space<semaphore_mem>>
        %dma_start3A_483 = tpu.memref_squeeze %dma_start3A_482 : memref<1x!tpu.dma_semaphore, #tpu.memory_space<semaphore_mem>> -> memref<!tpu.dma_semaphore, #tpu.memory_space<semaphore_mem>>
        tpu.enqueue_indirect_dma source(%dma_start3A_481 : memref<10000x32xf32, #tpu.memory_space<hbm>>) target(%dma_start3A_475 : memref<128x32xf32, #tpu.memory_space<vmem>>) offsets(%dma_start3A_478 : memref<128xi32, #tpu.memory_space<vmem>>) semaphore(%dma_start3A_483 : memref<!tpu.dma_semaphore, #tpu.memory_space<semaphore_mem>>)
      } else {
      }
      %add3A_358 = arith.constant 4 : i32
      %add3A_359 = arith.addi %mul3A_249, %add3A_358 : i32
      %dma_wait3A_360 = arith.constant 4 : i32
      %dma_wait3A_361 = arith.constant 4 : i32
      %dma_wait3A_362 = arith.constant 0 : i32
      %dma_wait3A_363 = arith.constant 0 : i32
      %dma_wait3A_364 = tpu.memref_slice %arg9[%dma_wait3A_360, %dma_wait3A_362, %dma_wait3A_363] : memref<8x128x32xf32, #tpu.memory_space<vmem>> -> memref<1x128x32xf32, #tpu.memory_space<vmem>>
      %dma_wait3A_365 = tpu.memref_squeeze %dma_wait3A_364 : memref<1x128x32xf32, #tpu.memory_space<vmem>> -> memref<128x32xf32, #tpu.memory_space<vmem>>
      %dma_wait3A_366 = arith.constant 0 : i32
      %dma_wait3A_367 = tpu.memref_slice %arg7[%add3A_359, %dma_wait3A_366] : memref<79x128xi32, #tpu.memory_space<vmem>> -> memref<1x128xi32, #tpu.memory_space<vmem>>
      %dma_wait3A_368 = tpu.memref_squeeze %dma_wait3A_367 : memref<1x128xi32, #tpu.memory_space<vmem>> -> memref<128xi32, #tpu.memory_space<vmem>>
      %dma_wait3A_369 = arith.constant 0 : i32
      %dma_wait3A_370 = arith.constant 0 : i32
      %dma_wait3A_371 = tpu.memref_slice %arg2[%dma_wait3A_369, %dma_wait3A_370] : memref<10000x32xf32, #tpu.memory_space<hbm>> -> memref<10000x32xf32, #tpu.memory_space<hbm>>
      %dma_wait3A_372 = tpu.memref_slice %arg11[%dma_wait3A_361] : memref<8x!tpu.dma_semaphore, #tpu.memory_space<semaphore_mem>> -> memref<1x!tpu.dma_semaphore, #tpu.memory_space<semaphore_mem>>
      %dma_wait3A_373 = tpu.memref_squeeze %dma_wait3A_372 : memref<1x!tpu.dma_semaphore, #tpu.memory_space<semaphore_mem>> -> memref<!tpu.dma_semaphore, #tpu.memory_space<semaphore_mem>>
      tpu.wait_indirect_dma semaphore(%dma_wait3A_373 : memref<!tpu.dma_semaphore, #tpu.memory_space<semaphore_mem>>) src(%dma_wait3A_371 : memref<10000x32xf32, #tpu.memory_space<hbm>>) dst(%dma_wait3A_365 : memref<128x32xf32, #tpu.memory_space<vmem>>)
      %add3A_374 = arith.constant 4 : i32
      %add3A_375 = arith.addi %mul3A_249, %add3A_374 : i32
      %run_scoped3A_376 = arith.constant 4 : i32
      "tpu.region"() ({
        %run_scoped3A_470 = tpu.sem_alloc : memref<!tpu.dma_semaphore, #tpu.memory_space<semaphore_mem>>
        %dma_start3A_471 = arith.constant 0 : i32
        %dma_start3A_472 = arith.constant 0 : i32
        %dma_start3A_473 = tpu.memref_slice %arg9[%run_scoped3A_376, %dma_start3A_471, %dma_start3A_472] : memref<8x128x32xf32, #tpu.memory_space<vmem>> -> memref<1x128x32xf32, #tpu.memory_space<vmem>>
        %dma_start3A_474 = tpu.memref_squeeze %dma_start3A_473 : memref<1x128x32xf32, #tpu.memory_space<vmem>> -> memref<128x32xf32, #tpu.memory_space<vmem>>
        %dma_start3A_475 = arith.constant 0 : i32
        %dma_start3A_476 = tpu.memref_slice %arg8[%add3A_375, %dma_start3A_475] : memref<79x128xi32, #tpu.memory_space<vmem>> -> memref<1x128xi32, #tpu.memory_space<vmem>>
        %dma_start3A_477 = tpu.memref_squeeze %dma_start3A_476 : memref<1x128xi32, #tpu.memory_space<vmem>> -> memref<128xi32, #tpu.memory_space<vmem>>
        %dma_start3A_478 = arith.constant 0 : i32
        %dma_start3A_479 = arith.constant 0 : i32
        %dma_start3A_480 = tpu.memref_slice %arg10[%dma_start3A_478, %dma_start3A_479] : memref<10240x32xf32, #tpu.memory_space<vmem_shared>> -> memref<10240x32xf32, #tpu.memory_space<vmem_shared>>
        tpu.enqueue_indirect_dma source(%dma_start3A_474 : memref<128x32xf32, #tpu.memory_space<vmem>>) target(%dma_start3A_480 : memref<10240x32xf32, #tpu.memory_space<vmem_shared>>) offsets(%dma_start3A_477 : memref<128xi32, #tpu.memory_space<vmem>>) semaphore(%run_scoped3A_470 : memref<!tpu.dma_semaphore, #tpu.memory_space<semaphore_mem>>) {add = true}
        %dma_wait3A_481 = arith.constant 0 : i32
        %dma_wait3A_482 = arith.constant 0 : i32
        %dma_wait3A_483 = tpu.memref_slice %arg9[%run_scoped3A_376, %dma_wait3A_481, %dma_wait3A_482] : memref<8x128x32xf32, #tpu.memory_space<vmem>> -> memref<1x128x32xf32, #tpu.memory_space<vmem>>
        %dma_wait3A_484 = tpu.memref_squeeze %dma_wait3A_483 : memref<1x128x32xf32, #tpu.memory_space<vmem>> -> memref<128x32xf32, #tpu.memory_space<vmem>>
        %dma_wait3A_485 = arith.constant 0 : i32
        %dma_wait3A_486 = tpu.memref_slice %arg8[%add3A_375, %dma_wait3A_485] : memref<79x128xi32, #tpu.memory_space<vmem>> -> memref<1x128xi32, #tpu.memory_space<vmem>>
        %dma_wait3A_487 = tpu.memref_squeeze %dma_wait3A_486 : memref<1x128xi32, #tpu.memory_space<vmem>> -> memref<128xi32, #tpu.memory_space<vmem>>
        %dma_wait3A_488 = arith.constant 0 : i32
        %dma_wait3A_489 = arith.constant 0 : i32
        %dma_wait3A_490 = tpu.memref_slice %arg10[%dma_wait3A_488, %dma_wait3A_489] : memref<10240x32xf32, #tpu.memory_space<vmem_shared>> -> memref<10240x32xf32, #tpu.memory_space<vmem_shared>>
        tpu.wait_indirect_dma semaphore(%run_scoped3A_470 : memref<!tpu.dma_semaphore, #tpu.memory_space<semaphore_mem>>) src(%dma_wait3A_484 : memref<128x32xf32, #tpu.memory_space<vmem>>) dst(%dma_wait3A_490 : memref<10240x32xf32, #tpu.memory_space<vmem_shared>>)
        tpu.yield
      }) : () -> ()
      %add3A_377 = arith.constant 8 : i32
      %add3A_378 = arith.addi %mul3A_249, %add3A_377 : i32
      %add3A_379 = arith.constant 4 : i32
      %add3A_380 = arith.addi %add3A_378, %add3A_379 : i32
      %lt3A_381 = arith.constant 79 : i32
      %lt3A_382 = arith.cmpi slt, %add3A_380, %lt3A_381 : i32
      %convert_element_type3A_383 = arith.extui %lt3A_382 : i1 to i32
      %cond3A_384 = arith.constant 0 : i32
      %cond3A_385 = arith.cmpi ne, %convert_element_type3A_383, %cond3A_384 : i32
      scf.if %cond3A_385 {
        %dma_start3A_470 = arith.constant 4 : i32
        %dma_start3A_471 = arith.constant 4 : i32
        %dma_start3A_472 = arith.constant 0 : i32
        %dma_start3A_473 = arith.constant 0 : i32
        %dma_start3A_474 = tpu.memref_slice %arg9[%dma_start3A_470, %dma_start3A_472, %dma_start3A_473] : memref<8x128x32xf32, #tpu.memory_space<vmem>> -> memref<1x128x32xf32, #tpu.memory_space<vmem>>
        %dma_start3A_475 = tpu.memref_squeeze %dma_start3A_474 : memref<1x128x32xf32, #tpu.memory_space<vmem>> -> memref<128x32xf32, #tpu.memory_space<vmem>>
        %dma_start3A_476 = arith.constant 0 : i32
        %dma_start3A_477 = tpu.memref_slice %arg7[%add3A_380, %dma_start3A_476] : memref<79x128xi32, #tpu.memory_space<vmem>> -> memref<1x128xi32, #tpu.memory_space<vmem>>
        %dma_start3A_478 = tpu.memref_squeeze %dma_start3A_477 : memref<1x128xi32, #tpu.memory_space<vmem>> -> memref<128xi32, #tpu.memory_space<vmem>>
        %dma_start3A_479 = arith.constant 0 : i32
        %dma_start3A_480 = arith.constant 0 : i32
        %dma_start3A_481 = tpu.memref_slice %arg2[%dma_start3A_479, %dma_start3A_480] : memref<10000x32xf32, #tpu.memory_space<hbm>> -> memref<10000x32xf32, #tpu.memory_space<hbm>>
        %dma_start3A_482 = tpu.memref_slice %arg11[%dma_start3A_471] : memref<8x!tpu.dma_semaphore, #tpu.memory_space<semaphore_mem>> -> memref<1x!tpu.dma_semaphore, #tpu.memory_space<semaphore_mem>>
        %dma_start3A_483 = tpu.memref_squeeze %dma_start3A_482 : memref<1x!tpu.dma_semaphore, #tpu.memory_space<semaphore_mem>> -> memref<!tpu.dma_semaphore, #tpu.memory_space<semaphore_mem>>
        tpu.enqueue_indirect_dma source(%dma_start3A_481 : memref<10000x32xf32, #tpu.memory_space<hbm>>) target(%dma_start3A_475 : memref<128x32xf32, #tpu.memory_space<vmem>>) offsets(%dma_start3A_478 : memref<128xi32, #tpu.memory_space<vmem>>) semaphore(%dma_start3A_483 : memref<!tpu.dma_semaphore, #tpu.memory_space<semaphore_mem>>)
      } else {
      }
      %add3A_386 = arith.constant 5 : i32
      %add3A_387 = arith.addi %mul3A_249, %add3A_386 : i32
      %dma_wait3A_388 = arith.constant 5 : i32
      %dma_wait3A_389 = arith.constant 5 : i32
      %dma_wait3A_390 = arith.constant 0 : i32
      %dma_wait3A_391 = arith.constant 0 : i32
      %dma_wait3A_392 = tpu.memref_slice %arg9[%dma_wait3A_388, %dma_wait3A_390, %dma_wait3A_391] : memref<8x128x32xf32, #tpu.memory_space<vmem>> -> memref<1x128x32xf32, #tpu.memory_space<vmem>>
      %dma_wait3A_393 = tpu.memref_squeeze %dma_wait3A_392 : memref<1x128x32xf32, #tpu.memory_space<vmem>> -> memref<128x32xf32, #tpu.memory_space<vmem>>
      %dma_wait3A_394 = arith.constant 0 : i32
      %dma_wait3A_395 = tpu.memref_slice %arg7[%add3A_387, %dma_wait3A_394] : memref<79x128xi32, #tpu.memory_space<vmem>> -> memref<1x128xi32, #tpu.memory_space<vmem>>
      %dma_wait3A_396 = tpu.memref_squeeze %dma_wait3A_395 : memref<1x128xi32, #tpu.memory_space<vmem>> -> memref<128xi32, #tpu.memory_space<vmem>>
      %dma_wait3A_397 = arith.constant 0 : i32
      %dma_wait3A_398 = arith.constant 0 : i32
      %dma_wait3A_399 = tpu.memref_slice %arg2[%dma_wait3A_397, %dma_wait3A_398] : memref<10000x32xf32, #tpu.memory_space<hbm>> -> memref<10000x32xf32, #tpu.memory_space<hbm>>
      %dma_wait3A_400 = tpu.memref_slice %arg11[%dma_wait3A_389] : memref<8x!tpu.dma_semaphore, #tpu.memory_space<semaphore_mem>> -> memref<1x!tpu.dma_semaphore, #tpu.memory_space<semaphore_mem>>
      %dma_wait3A_401 = tpu.memref_squeeze %dma_wait3A_400 : memref<1x!tpu.dma_semaphore, #tpu.memory_space<semaphore_mem>> -> memref<!tpu.dma_semaphore, #tpu.memory_space<semaphore_mem>>
      tpu.wait_indirect_dma semaphore(%dma_wait3A_401 : memref<!tpu.dma_semaphore, #tpu.memory_space<semaphore_mem>>) src(%dma_wait3A_399 : memref<10000x32xf32, #tpu.memory_space<hbm>>) dst(%dma_wait3A_393 : memref<128x32xf32, #tpu.memory_space<vmem>>)
      %add3A_402 = arith.constant 5 : i32
      %add3A_403 = arith.addi %mul3A_249, %add3A_402 : i32
      %run_scoped3A_404 = arith.constant 5 : i32
      "tpu.region"() ({
        %run_scoped3A_470 = tpu.sem_alloc : memref<!tpu.dma_semaphore, #tpu.memory_space<semaphore_mem>>
        %dma_start3A_471 = arith.constant 0 : i32
        %dma_start3A_472 = arith.constant 0 : i32
        %dma_start3A_473 = tpu.memref_slice %arg9[%run_scoped3A_404, %dma_start3A_471, %dma_start3A_472] : memref<8x128x32xf32, #tpu.memory_space<vmem>> -> memref<1x128x32xf32, #tpu.memory_space<vmem>>
        %dma_start3A_474 = tpu.memref_squeeze %dma_start3A_473 : memref<1x128x32xf32, #tpu.memory_space<vmem>> -> memref<128x32xf32, #tpu.memory_space<vmem>>
        %dma_start3A_475 = arith.constant 0 : i32
        %dma_start3A_476 = tpu.memref_slice %arg8[%add3A_403, %dma_start3A_475] : memref<79x128xi32, #tpu.memory_space<vmem>> -> memref<1x128xi32, #tpu.memory_space<vmem>>
        %dma_start3A_477 = tpu.memref_squeeze %dma_start3A_476 : memref<1x128xi32, #tpu.memory_space<vmem>> -> memref<128xi32, #tpu.memory_space<vmem>>
        %dma_start3A_478 = arith.constant 0 : i32
        %dma_start3A_479 = arith.constant 0 : i32
        %dma_start3A_480 = tpu.memref_slice %arg10[%dma_start3A_478, %dma_start3A_479] : memref<10240x32xf32, #tpu.memory_space<vmem_shared>> -> memref<10240x32xf32, #tpu.memory_space<vmem_shared>>
        tpu.enqueue_indirect_dma source(%dma_start3A_474 : memref<128x32xf32, #tpu.memory_space<vmem>>) target(%dma_start3A_480 : memref<10240x32xf32, #tpu.memory_space<vmem_shared>>) offsets(%dma_start3A_477 : memref<128xi32, #tpu.memory_space<vmem>>) semaphore(%run_scoped3A_470 : memref<!tpu.dma_semaphore, #tpu.memory_space<semaphore_mem>>) {add = true}
        %dma_wait3A_481 = arith.constant 0 : i32
        %dma_wait3A_482 = arith.constant 0 : i32
        %dma_wait3A_483 = tpu.memref_slice %arg9[%run_scoped3A_404, %dma_wait3A_481, %dma_wait3A_482] : memref<8x128x32xf32, #tpu.memory_space<vmem>> -> memref<1x128x32xf32, #tpu.memory_space<vmem>>
        %dma_wait3A_484 = tpu.memref_squeeze %dma_wait3A_483 : memref<1x128x32xf32, #tpu.memory_space<vmem>> -> memref<128x32xf32, #tpu.memory_space<vmem>>
        %dma_wait3A_485 = arith.constant 0 : i32
        %dma_wait3A_486 = tpu.memref_slice %arg8[%add3A_403, %dma_wait3A_485] : memref<79x128xi32, #tpu.memory_space<vmem>> -> memref<1x128xi32, #tpu.memory_space<vmem>>
        %dma_wait3A_487 = tpu.memref_squeeze %dma_wait3A_486 : memref<1x128xi32, #tpu.memory_space<vmem>> -> memref<128xi32, #tpu.memory_space<vmem>>
        %dma_wait3A_488 = arith.constant 0 : i32
        %dma_wait3A_489 = arith.constant 0 : i32
        %dma_wait3A_490 = tpu.memref_slice %arg10[%dma_wait3A_488, %dma_wait3A_489] : memref<10240x32xf32, #tpu.memory_space<vmem_shared>> -> memref<10240x32xf32, #tpu.memory_space<vmem_shared>>
        tpu.wait_indirect_dma semaphore(%run_scoped3A_470 : memref<!tpu.dma_semaphore, #tpu.memory_space<semaphore_mem>>) src(%dma_wait3A_484 : memref<128x32xf32, #tpu.memory_space<vmem>>) dst(%dma_wait3A_490 : memref<10240x32xf32, #tpu.memory_space<vmem_shared>>)
        tpu.yield
      }) : () -> ()
      %add3A_405 = arith.constant 8 : i32
      %add3A_406 = arith.addi %mul3A_249, %add3A_405 : i32
      %add3A_407 = arith.constant 5 : i32
      %add3A_408 = arith.addi %add3A_406, %add3A_407 : i32
      %lt3A_409 = arith.constant 79 : i32
      %lt3A_410 = arith.cmpi slt, %add3A_408, %lt3A_409 : i32
      %convert_element_type3A_411 = arith.extui %lt3A_410 : i1 to i32
      %cond3A_412 = arith.constant 0 : i32
      %cond3A_413 = arith.cmpi ne, %convert_element_type3A_411, %cond3A_412 : i32
      scf.if %cond3A_413 {
        %dma_start3A_470 = arith.constant 5 : i32
        %dma_start3A_471 = arith.constant 5 : i32
        %dma_start3A_472 = arith.constant 0 : i32
        %dma_start3A_473 = arith.constant 0 : i32
        %dma_start3A_474 = tpu.memref_slice %arg9[%dma_start3A_470, %dma_start3A_472, %dma_start3A_473] : memref<8x128x32xf32, #tpu.memory_space<vmem>> -> memref<1x128x32xf32, #tpu.memory_space<vmem>>
        %dma_start3A_475 = tpu.memref_squeeze %dma_start3A_474 : memref<1x128x32xf32, #tpu.memory_space<vmem>> -> memref<128x32xf32, #tpu.memory_space<vmem>>
        %dma_start3A_476 = arith.constant 0 : i32
        %dma_start3A_477 = tpu.memref_slice %arg7[%add3A_408, %dma_start3A_476] : memref<79x128xi32, #tpu.memory_space<vmem>> -> memref<1x128xi32, #tpu.memory_space<vmem>>
        %dma_start3A_478 = tpu.memref_squeeze %dma_start3A_477 : memref<1x128xi32, #tpu.memory_space<vmem>> -> memref<128xi32, #tpu.memory_space<vmem>>
        %dma_start3A_479 = arith.constant 0 : i32
        %dma_start3A_480 = arith.constant 0 : i32
        %dma_start3A_481 = tpu.memref_slice %arg2[%dma_start3A_479, %dma_start3A_480] : memref<10000x32xf32, #tpu.memory_space<hbm>> -> memref<10000x32xf32, #tpu.memory_space<hbm>>
        %dma_start3A_482 = tpu.memref_slice %arg11[%dma_start3A_471] : memref<8x!tpu.dma_semaphore, #tpu.memory_space<semaphore_mem>> -> memref<1x!tpu.dma_semaphore, #tpu.memory_space<semaphore_mem>>
        %dma_start3A_483 = tpu.memref_squeeze %dma_start3A_482 : memref<1x!tpu.dma_semaphore, #tpu.memory_space<semaphore_mem>> -> memref<!tpu.dma_semaphore, #tpu.memory_space<semaphore_mem>>
        tpu.enqueue_indirect_dma source(%dma_start3A_481 : memref<10000x32xf32, #tpu.memory_space<hbm>>) target(%dma_start3A_475 : memref<128x32xf32, #tpu.memory_space<vmem>>) offsets(%dma_start3A_478 : memref<128xi32, #tpu.memory_space<vmem>>) semaphore(%dma_start3A_483 : memref<!tpu.dma_semaphore, #tpu.memory_space<semaphore_mem>>)
      } else {
      }
      %add3A_414 = arith.constant 6 : i32
      %add3A_415 = arith.addi %mul3A_249, %add3A_414 : i32
      %dma_wait3A_416 = arith.constant 6 : i32
      %dma_wait3A_417 = arith.constant 6 : i32
      %dma_wait3A_418 = arith.constant 0 : i32
      %dma_wait3A_419 = arith.constant 0 : i32
      %dma_wait3A_420 = tpu.memref_slice %arg9[%dma_wait3A_416, %dma_wait3A_418, %dma_wait3A_419] : memref<8x128x32xf32, #tpu.memory_space<vmem>> -> memref<1x128x32xf32, #tpu.memory_space<vmem>>
      %dma_wait3A_421 = tpu.memref_squeeze %dma_wait3A_420 : memref<1x128x32xf32, #tpu.memory_space<vmem>> -> memref<128x32xf32, #tpu.memory_space<vmem>>
      %dma_wait3A_422 = arith.constant 0 : i32
      %dma_wait3A_423 = tpu.memref_slice %arg7[%add3A_415, %dma_wait3A_422] : memref<79x128xi32, #tpu.memory_space<vmem>> -> memref<1x128xi32, #tpu.memory_space<vmem>>
      %dma_wait3A_424 = tpu.memref_squeeze %dma_wait3A_423 : memref<1x128xi32, #tpu.memory_space<vmem>> -> memref<128xi32, #tpu.memory_space<vmem>>
      %dma_wait3A_425 = arith.constant 0 : i32
      %dma_wait3A_426 = arith.constant 0 : i32
      %dma_wait3A_427 = tpu.memref_slice %arg2[%dma_wait3A_425, %dma_wait3A_426] : memref<10000x32xf32, #tpu.memory_space<hbm>> -> memref<10000x32xf32, #tpu.memory_space<hbm>>
      %dma_wait3A_428 = tpu.memref_slice %arg11[%dma_wait3A_417] : memref<8x!tpu.dma_semaphore, #tpu.memory_space<semaphore_mem>> -> memref<1x!tpu.dma_semaphore, #tpu.memory_space<semaphore_mem>>
      %dma_wait3A_429 = tpu.memref_squeeze %dma_wait3A_428 : memref<1x!tpu.dma_semaphore, #tpu.memory_space<semaphore_mem>> -> memref<!tpu.dma_semaphore, #tpu.memory_space<semaphore_mem>>
      tpu.wait_indirect_dma semaphore(%dma_wait3A_429 : memref<!tpu.dma_semaphore, #tpu.memory_space<semaphore_mem>>) src(%dma_wait3A_427 : memref<10000x32xf32, #tpu.memory_space<hbm>>) dst(%dma_wait3A_421 : memref<128x32xf32, #tpu.memory_space<vmem>>)
      %add3A_430 = arith.constant 6 : i32
      %add3A_431 = arith.addi %mul3A_249, %add3A_430 : i32
      %run_scoped3A_432 = arith.constant 6 : i32
      "tpu.region"() ({
        %run_scoped3A_470 = tpu.sem_alloc : memref<!tpu.dma_semaphore, #tpu.memory_space<semaphore_mem>>
        %dma_start3A_471 = arith.constant 0 : i32
        %dma_start3A_472 = arith.constant 0 : i32
        %dma_start3A_473 = tpu.memref_slice %arg9[%run_scoped3A_432, %dma_start3A_471, %dma_start3A_472] : memref<8x128x32xf32, #tpu.memory_space<vmem>> -> memref<1x128x32xf32, #tpu.memory_space<vmem>>
        %dma_start3A_474 = tpu.memref_squeeze %dma_start3A_473 : memref<1x128x32xf32, #tpu.memory_space<vmem>> -> memref<128x32xf32, #tpu.memory_space<vmem>>
        %dma_start3A_475 = arith.constant 0 : i32
        %dma_start3A_476 = tpu.memref_slice %arg8[%add3A_431, %dma_start3A_475] : memref<79x128xi32, #tpu.memory_space<vmem>> -> memref<1x128xi32, #tpu.memory_space<vmem>>
        %dma_start3A_477 = tpu.memref_squeeze %dma_start3A_476 : memref<1x128xi32, #tpu.memory_space<vmem>> -> memref<128xi32, #tpu.memory_space<vmem>>
        %dma_start3A_478 = arith.constant 0 : i32
        %dma_start3A_479 = arith.constant 0 : i32
        %dma_start3A_480 = tpu.memref_slice %arg10[%dma_start3A_478, %dma_start3A_479] : memref<10240x32xf32, #tpu.memory_space<vmem_shared>> -> memref<10240x32xf32, #tpu.memory_space<vmem_shared>>
        tpu.enqueue_indirect_dma source(%dma_start3A_474 : memref<128x32xf32, #tpu.memory_space<vmem>>) target(%dma_start3A_480 : memref<10240x32xf32, #tpu.memory_space<vmem_shared>>) offsets(%dma_start3A_477 : memref<128xi32, #tpu.memory_space<vmem>>) semaphore(%run_scoped3A_470 : memref<!tpu.dma_semaphore, #tpu.memory_space<semaphore_mem>>) {add = true}
        %dma_wait3A_481 = arith.constant 0 : i32
        %dma_wait3A_482 = arith.constant 0 : i32
        %dma_wait3A_483 = tpu.memref_slice %arg9[%run_scoped3A_432, %dma_wait3A_481, %dma_wait3A_482] : memref<8x128x32xf32, #tpu.memory_space<vmem>> -> memref<1x128x32xf32, #tpu.memory_space<vmem>>
        %dma_wait3A_484 = tpu.memref_squeeze %dma_wait3A_483 : memref<1x128x32xf32, #tpu.memory_space<vmem>> -> memref<128x32xf32, #tpu.memory_space<vmem>>
        %dma_wait3A_485 = arith.constant 0 : i32
        %dma_wait3A_486 = tpu.memref_slice %arg8[%add3A_431, %dma_wait3A_485] : memref<79x128xi32, #tpu.memory_space<vmem>> -> memref<1x128xi32, #tpu.memory_space<vmem>>
        %dma_wait3A_487 = tpu.memref_squeeze %dma_wait3A_486 : memref<1x128xi32, #tpu.memory_space<vmem>> -> memref<128xi32, #tpu.memory_space<vmem>>
        %dma_wait3A_488 = arith.constant 0 : i32
        %dma_wait3A_489 = arith.constant 0 : i32
        %dma_wait3A_490 = tpu.memref_slice %arg10[%dma_wait3A_488, %dma_wait3A_489] : memref<10240x32xf32, #tpu.memory_space<vmem_shared>> -> memref<10240x32xf32, #tpu.memory_space<vmem_shared>>
        tpu.wait_indirect_dma semaphore(%run_scoped3A_470 : memref<!tpu.dma_semaphore, #tpu.memory_space<semaphore_mem>>) src(%dma_wait3A_484 : memref<128x32xf32, #tpu.memory_space<vmem>>) dst(%dma_wait3A_490 : memref<10240x32xf32, #tpu.memory_space<vmem_shared>>)
        tpu.yield
      }) : () -> ()
      %add3A_433 = arith.constant 8 : i32
      %add3A_434 = arith.addi %mul3A_249, %add3A_433 : i32
      %add3A_435 = arith.constant 6 : i32
      %add3A_436 = arith.addi %add3A_434, %add3A_435 : i32
      %lt3A_437 = arith.constant 79 : i32
      %lt3A_438 = arith.cmpi slt, %add3A_436, %lt3A_437 : i32
      %convert_element_type3A_439 = arith.extui %lt3A_438 : i1 to i32
      %cond3A_440 = arith.constant 0 : i32
      %cond3A_441 = arith.cmpi ne, %convert_element_type3A_439, %cond3A_440 : i32
      scf.if %cond3A_441 {
        %dma_start3A_470 = arith.constant 6 : i32
        %dma_start3A_471 = arith.constant 6 : i32
        %dma_start3A_472 = arith.constant 0 : i32
        %dma_start3A_473 = arith.constant 0 : i32
        %dma_start3A_474 = tpu.memref_slice %arg9[%dma_start3A_470, %dma_start3A_472, %dma_start3A_473] : memref<8x128x32xf32, #tpu.memory_space<vmem>> -> memref<1x128x32xf32, #tpu.memory_space<vmem>>
        %dma_start3A_475 = tpu.memref_squeeze %dma_start3A_474 : memref<1x128x32xf32, #tpu.memory_space<vmem>> -> memref<128x32xf32, #tpu.memory_space<vmem>>
        %dma_start3A_476 = arith.constant 0 : i32
        %dma_start3A_477 = tpu.memref_slice %arg7[%add3A_436, %dma_start3A_476] : memref<79x128xi32, #tpu.memory_space<vmem>> -> memref<1x128xi32, #tpu.memory_space<vmem>>
        %dma_start3A_478 = tpu.memref_squeeze %dma_start3A_477 : memref<1x128xi32, #tpu.memory_space<vmem>> -> memref<128xi32, #tpu.memory_space<vmem>>
        %dma_start3A_479 = arith.constant 0 : i32
        %dma_start3A_480 = arith.constant 0 : i32
        %dma_start3A_481 = tpu.memref_slice %arg2[%dma_start3A_479, %dma_start3A_480] : memref<10000x32xf32, #tpu.memory_space<hbm>> -> memref<10000x32xf32, #tpu.memory_space<hbm>>
        %dma_start3A_482 = tpu.memref_slice %arg11[%dma_start3A_471] : memref<8x!tpu.dma_semaphore, #tpu.memory_space<semaphore_mem>> -> memref<1x!tpu.dma_semaphore, #tpu.memory_space<semaphore_mem>>
        %dma_start3A_483 = tpu.memref_squeeze %dma_start3A_482 : memref<1x!tpu.dma_semaphore, #tpu.memory_space<semaphore_mem>> -> memref<!tpu.dma_semaphore, #tpu.memory_space<semaphore_mem>>
        tpu.enqueue_indirect_dma source(%dma_start3A_481 : memref<10000x32xf32, #tpu.memory_space<hbm>>) target(%dma_start3A_475 : memref<128x32xf32, #tpu.memory_space<vmem>>) offsets(%dma_start3A_478 : memref<128xi32, #tpu.memory_space<vmem>>) semaphore(%dma_start3A_483 : memref<!tpu.dma_semaphore, #tpu.memory_space<semaphore_mem>>)
      } else {
      }
      %add3A_442 = arith.constant 7 : i32
      %add3A_443 = arith.addi %mul3A_249, %add3A_442 : i32
      %dma_wait3A_444 = arith.constant 7 : i32
      %dma_wait3A_445 = arith.constant 7 : i32
      %dma_wait3A_446 = arith.constant 0 : i32
      %dma_wait3A_447 = arith.constant 0 : i32
      %dma_wait3A_448 = tpu.memref_slice %arg9[%dma_wait3A_444, %dma_wait3A_446, %dma_wait3A_447] : memref<8x128x32xf32, #tpu.memory_space<vmem>> -> memref<1x128x32xf32, #tpu.memory_space<vmem>>
      %dma_wait3A_449 = tpu.memref_squeeze %dma_wait3A_448 : memref<1x128x32xf32, #tpu.memory_space<vmem>> -> memref<128x32xf32, #tpu.memory_space<vmem>>
      %dma_wait3A_450 = arith.constant 0 : i32
      %dma_wait3A_451 = tpu.memref_slice %arg7[%add3A_443, %dma_wait3A_450] : memref<79x128xi32, #tpu.memory_space<vmem>> -> memref<1x128xi32, #tpu.memory_space<vmem>>
      %dma_wait3A_452 = tpu.memref_squeeze %dma_wait3A_451 : memref<1x128xi32, #tpu.memory_space<vmem>> -> memref<128xi32, #tpu.memory_space<vmem>>
      %dma_wait3A_453 = arith.constant 0 : i32
      %dma_wait3A_454 = arith.constant 0 : i32
      %dma_wait3A_455 = tpu.memref_slice %arg2[%dma_wait3A_453, %dma_wait3A_454] : memref<10000x32xf32, #tpu.memory_space<hbm>> -> memref<10000x32xf32, #tpu.memory_space<hbm>>
      %dma_wait3A_456 = tpu.memref_slice %arg11[%dma_wait3A_445] : memref<8x!tpu.dma_semaphore, #tpu.memory_space<semaphore_mem>> -> memref<1x!tpu.dma_semaphore, #tpu.memory_space<semaphore_mem>>
      %dma_wait3A_457 = tpu.memref_squeeze %dma_wait3A_456 : memref<1x!tpu.dma_semaphore, #tpu.memory_space<semaphore_mem>> -> memref<!tpu.dma_semaphore, #tpu.memory_space<semaphore_mem>>
      tpu.wait_indirect_dma semaphore(%dma_wait3A_457 : memref<!tpu.dma_semaphore, #tpu.memory_space<semaphore_mem>>) src(%dma_wait3A_455 : memref<10000x32xf32, #tpu.memory_space<hbm>>) dst(%dma_wait3A_449 : memref<128x32xf32, #tpu.memory_space<vmem>>)
      %add3A_458 = arith.constant 7 : i32
      %add3A_459 = arith.addi %mul3A_249, %add3A_458 : i32
      %run_scoped3A_460 = arith.constant 7 : i32
      "tpu.region"() ({
        %run_scoped3A_470 = tpu.sem_alloc : memref<!tpu.dma_semaphore, #tpu.memory_space<semaphore_mem>>
        %dma_start3A_471 = arith.constant 0 : i32
        %dma_start3A_472 = arith.constant 0 : i32
        %dma_start3A_473 = tpu.memref_slice %arg9[%run_scoped3A_460, %dma_start3A_471, %dma_start3A_472] : memref<8x128x32xf32, #tpu.memory_space<vmem>> -> memref<1x128x32xf32, #tpu.memory_space<vmem>>
        %dma_start3A_474 = tpu.memref_squeeze %dma_start3A_473 : memref<1x128x32xf32, #tpu.memory_space<vmem>> -> memref<128x32xf32, #tpu.memory_space<vmem>>
        %dma_start3A_475 = arith.constant 0 : i32
        %dma_start3A_476 = tpu.memref_slice %arg8[%add3A_459, %dma_start3A_475] : memref<79x128xi32, #tpu.memory_space<vmem>> -> memref<1x128xi32, #tpu.memory_space<vmem>>
        %dma_start3A_477 = tpu.memref_squeeze %dma_start3A_476 : memref<1x128xi32, #tpu.memory_space<vmem>> -> memref<128xi32, #tpu.memory_space<vmem>>
        %dma_start3A_478 = arith.constant 0 : i32
        %dma_start3A_479 = arith.constant 0 : i32
        %dma_start3A_480 = tpu.memref_slice %arg10[%dma_start3A_478, %dma_start3A_479] : memref<10240x32xf32, #tpu.memory_space<vmem_shared>> -> memref<10240x32xf32, #tpu.memory_space<vmem_shared>>
        tpu.enqueue_indirect_dma source(%dma_start3A_474 : memref<128x32xf32, #tpu.memory_space<vmem>>) target(%dma_start3A_480 : memref<10240x32xf32, #tpu.memory_space<vmem_shared>>) offsets(%dma_start3A_477 : memref<128xi32, #tpu.memory_space<vmem>>) semaphore(%run_scoped3A_470 : memref<!tpu.dma_semaphore, #tpu.memory_space<semaphore_mem>>) {add = true}
        %dma_wait3A_481 = arith.constant 0 : i32
        %dma_wait3A_482 = arith.constant 0 : i32
        %dma_wait3A_483 = tpu.memref_slice %arg9[%run_scoped3A_460, %dma_wait3A_481, %dma_wait3A_482] : memref<8x128x32xf32, #tpu.memory_space<vmem>> -> memref<1x128x32xf32, #tpu.memory_space<vmem>>
        %dma_wait3A_484 = tpu.memref_squeeze %dma_wait3A_483 : memref<1x128x32xf32, #tpu.memory_space<vmem>> -> memref<128x32xf32, #tpu.memory_space<vmem>>
        %dma_wait3A_485 = arith.constant 0 : i32
        %dma_wait3A_486 = tpu.memref_slice %arg8[%add3A_459, %dma_wait3A_485] : memref<79x128xi32, #tpu.memory_space<vmem>> -> memref<1x128xi32, #tpu.memory_space<vmem>>
        %dma_wait3A_487 = tpu.memref_squeeze %dma_wait3A_486 : memref<1x128xi32, #tpu.memory_space<vmem>> -> memref<128xi32, #tpu.memory_space<vmem>>
        %dma_wait3A_488 = arith.constant 0 : i32
        %dma_wait3A_489 = arith.constant 0 : i32
        %dma_wait3A_490 = tpu.memref_slice %arg10[%dma_wait3A_488, %dma_wait3A_489] : memref<10240x32xf32, #tpu.memory_space<vmem_shared>> -> memref<10240x32xf32, #tpu.memory_space<vmem_shared>>
        tpu.wait_indirect_dma semaphore(%run_scoped3A_470 : memref<!tpu.dma_semaphore, #tpu.memory_space<semaphore_mem>>) src(%dma_wait3A_484 : memref<128x32xf32, #tpu.memory_space<vmem>>) dst(%dma_wait3A_490 : memref<10240x32xf32, #tpu.memory_space<vmem_shared>>)
        tpu.yield
      }) : () -> ()
      %add3A_461 = arith.constant 8 : i32
      %add3A_462 = arith.addi %mul3A_249, %add3A_461 : i32
      %add3A_463 = arith.constant 7 : i32
      %add3A_464 = arith.addi %add3A_462, %add3A_463 : i32
      %lt3A_465 = arith.constant 79 : i32
      %lt3A_466 = arith.cmpi slt, %add3A_464, %lt3A_465 : i32
      %convert_element_type3A_467 = arith.extui %lt3A_466 : i1 to i32
      %cond3A_468 = arith.constant 0 : i32
      %cond3A_469 = arith.cmpi ne, %convert_element_type3A_467, %cond3A_468 : i32
      scf.if %cond3A_469 {
        %dma_start3A_470 = arith.constant 7 : i32
        %dma_start3A_471 = arith.constant 7 : i32
        %dma_start3A_472 = arith.constant 0 : i32
        %dma_start3A_473 = arith.constant 0 : i32
        %dma_start3A_474 = tpu.memref_slice %arg9[%dma_start3A_470, %dma_start3A_472, %dma_start3A_473] : memref<8x128x32xf32, #tpu.memory_space<vmem>> -> memref<1x128x32xf32, #tpu.memory_space<vmem>>
        %dma_start3A_475 = tpu.memref_squeeze %dma_start3A_474 : memref<1x128x32xf32, #tpu.memory_space<vmem>> -> memref<128x32xf32, #tpu.memory_space<vmem>>
        %dma_start3A_476 = arith.constant 0 : i32
        %dma_start3A_477 = tpu.memref_slice %arg7[%add3A_464, %dma_start3A_476] : memref<79x128xi32, #tpu.memory_space<vmem>> -> memref<1x128xi32, #tpu.memory_space<vmem>>
        %dma_start3A_478 = tpu.memref_squeeze %dma_start3A_477 : memref<1x128xi32, #tpu.memory_space<vmem>> -> memref<128xi32, #tpu.memory_space<vmem>>
        %dma_start3A_479 = arith.constant 0 : i32
        %dma_start3A_480 = arith.constant 0 : i32
        %dma_start3A_481 = tpu.memref_slice %arg2[%dma_start3A_479, %dma_start3A_480] : memref<10000x32xf32, #tpu.memory_space<hbm>> -> memref<10000x32xf32, #tpu.memory_space<hbm>>
        %dma_start3A_482 = tpu.memref_slice %arg11[%dma_start3A_471] : memref<8x!tpu.dma_semaphore, #tpu.memory_space<semaphore_mem>> -> memref<1x!tpu.dma_semaphore, #tpu.memory_space<semaphore_mem>>
        %dma_start3A_483 = tpu.memref_squeeze %dma_start3A_482 : memref<1x!tpu.dma_semaphore, #tpu.memory_space<semaphore_mem>> -> memref<!tpu.dma_semaphore, #tpu.memory_space<semaphore_mem>>
        tpu.enqueue_indirect_dma source(%dma_start3A_481 : memref<10000x32xf32, #tpu.memory_space<hbm>>) target(%dma_start3A_475 : memref<128x32xf32, #tpu.memory_space<vmem>>) offsets(%dma_start3A_478 : memref<128xi32, #tpu.memory_space<vmem>>) semaphore(%dma_start3A_483 : memref<!tpu.dma_semaphore, #tpu.memory_space<semaphore_mem>>)
      } else {
      }
    }
    %scan3A_124 = arith.constant 9 : i32
    %dma_wait3A = arith.constant 72 : i32
    %dma_wait3A_125 = arith.constant 0 : i32
    %dma_wait3A_126 = arith.constant 0 : i32
    %dma_wait3A_127 = arith.constant 0 : i32
    %dma_wait3A_128 = arith.constant 0 : i32
    %dma_wait3A_129 = tpu.memref_slice %arg9[%dma_wait3A_125, %dma_wait3A_127, %dma_wait3A_128] : memref<8x128x32xf32, #tpu.memory_space<vmem>> -> memref<1x128x32xf32, #tpu.memory_space<vmem>>
    %dma_wait3A_130 = tpu.memref_squeeze %dma_wait3A_129 : memref<1x128x32xf32, #tpu.memory_space<vmem>> -> memref<128x32xf32, #tpu.memory_space<vmem>>
    %dma_wait3A_131 = arith.constant 0 : i32
    %dma_wait3A_132 = tpu.memref_slice %arg7[%dma_wait3A, %dma_wait3A_131] : memref<79x128xi32, #tpu.memory_space<vmem>> -> memref<1x128xi32, #tpu.memory_space<vmem>>
    %dma_wait3A_133 = tpu.memref_squeeze %dma_wait3A_132 : memref<1x128xi32, #tpu.memory_space<vmem>> -> memref<128xi32, #tpu.memory_space<vmem>>
    %dma_wait3A_134 = arith.constant 0 : i32
    %dma_wait3A_135 = arith.constant 0 : i32
    %dma_wait3A_136 = tpu.memref_slice %arg2[%dma_wait3A_134, %dma_wait3A_135] : memref<10000x32xf32, #tpu.memory_space<hbm>> -> memref<10000x32xf32, #tpu.memory_space<hbm>>
    %dma_wait3A_137 = tpu.memref_slice %arg11[%dma_wait3A_126] : memref<8x!tpu.dma_semaphore, #tpu.memory_space<semaphore_mem>> -> memref<1x!tpu.dma_semaphore, #tpu.memory_space<semaphore_mem>>
    %dma_wait3A_138 = tpu.memref_squeeze %dma_wait3A_137 : memref<1x!tpu.dma_semaphore, #tpu.memory_space<semaphore_mem>> -> memref<!tpu.dma_semaphore, #tpu.memory_space<semaphore_mem>>
    tpu.wait_indirect_dma semaphore(%dma_wait3A_138 : memref<!tpu.dma_semaphore, #tpu.memory_space<semaphore_mem>>) src(%dma_wait3A_136 : memref<10000x32xf32, #tpu.memory_space<hbm>>) dst(%dma_wait3A_130 : memref<128x32xf32, #tpu.memory_space<vmem>>)
    %run_scoped3A = arith.constant 0 : i32
    %run_scoped3A_139 = arith.constant 72 : i32
    "tpu.region"() ({
      %run_scoped3A_247 = tpu.sem_alloc : memref<!tpu.dma_semaphore, #tpu.memory_space<semaphore_mem>>
      %dma_start3A_248 = arith.constant 0 : i32
      %dma_start3A_249 = arith.constant 0 : i32
      %dma_start3A_250 = tpu.memref_slice %arg9[%run_scoped3A, %dma_start3A_248, %dma_start3A_249] : memref<8x128x32xf32, #tpu.memory_space<vmem>> -> memref<1x128x32xf32, #tpu.memory_space<vmem>>
      %dma_start3A_251 = tpu.memref_squeeze %dma_start3A_250 : memref<1x128x32xf32, #tpu.memory_space<vmem>> -> memref<128x32xf32, #tpu.memory_space<vmem>>
      %dma_start3A_252 = arith.constant 0 : i32
      %dma_start3A_253 = tpu.memref_slice %arg8[%run_scoped3A_139, %dma_start3A_252] : memref<79x128xi32, #tpu.memory_space<vmem>> -> memref<1x128xi32, #tpu.memory_space<vmem>>
      %dma_start3A_254 = tpu.memref_squeeze %dma_start3A_253 : memref<1x128xi32, #tpu.memory_space<vmem>> -> memref<128xi32, #tpu.memory_space<vmem>>
      %dma_start3A_255 = arith.constant 0 : i32
      %dma_start3A_256 = arith.constant 0 : i32
      %dma_start3A_257 = tpu.memref_slice %arg10[%dma_start3A_255, %dma_start3A_256] : memref<10240x32xf32, #tpu.memory_space<vmem_shared>> -> memref<10240x32xf32, #tpu.memory_space<vmem_shared>>
      tpu.enqueue_indirect_dma source(%dma_start3A_251 : memref<128x32xf32, #tpu.memory_space<vmem>>) target(%dma_start3A_257 : memref<10240x32xf32, #tpu.memory_space<vmem_shared>>) offsets(%dma_start3A_254 : memref<128xi32, #tpu.memory_space<vmem>>) semaphore(%run_scoped3A_247 : memref<!tpu.dma_semaphore, #tpu.memory_space<semaphore_mem>>) {add = true}
      %dma_wait3A_258 = arith.constant 0 : i32
      %dma_wait3A_259 = arith.constant 0 : i32
      %dma_wait3A_260 = tpu.memref_slice %arg9[%run_scoped3A, %dma_wait3A_258, %dma_wait3A_259] : memref<8x128x32xf32, #tpu.memory_space<vmem>> -> memref<1x128x32xf32, #tpu.memory_space<vmem>>
      %dma_wait3A_261 = tpu.memref_squeeze %dma_wait3A_260 : memref<1x128x32xf32, #tpu.memory_space<vmem>> -> memref<128x32xf32, #tpu.memory_space<vmem>>
      %dma_wait3A_262 = arith.constant 0 : i32
      %dma_wait3A_263 = tpu.memref_slice %arg8[%run_scoped3A_139, %dma_wait3A_262] : memref<79x128xi32, #tpu.memory_space<vmem>> -> memref<1x128xi32, #tpu.memory_space<vmem>>
      %dma_wait3A_264 = tpu.memref_squeeze %dma_wait3A_263 : memref<1x128xi32, #tpu.memory_space<vmem>> -> memref<128xi32, #tpu.memory_space<vmem>>
      %dma_wait3A_265 = arith.constant 0 : i32
      %dma_wait3A_266 = arith.constant 0 : i32
      %dma_wait3A_267 = tpu.memref_slice %arg10[%dma_wait3A_265, %dma_wait3A_266] : memref<10240x32xf32, #tpu.memory_space<vmem_shared>> -> memref<10240x32xf32, #tpu.memory_space<vmem_shared>>
      tpu.wait_indirect_dma semaphore(%run_scoped3A_247 : memref<!tpu.dma_semaphore, #tpu.memory_space<semaphore_mem>>) src(%dma_wait3A_261 : memref<128x32xf32, #tpu.memory_space<vmem>>) dst(%dma_wait3A_267 : memref<10240x32xf32, #tpu.memory_space<vmem_shared>>)
      tpu.yield
    }) : () -> ()
    %dma_wait3A_140 = arith.constant 73 : i32
    %dma_wait3A_141 = arith.constant 1 : i32
    %dma_wait3A_142 = arith.constant 1 : i32
    %dma_wait3A_143 = arith.constant 0 : i32
    %dma_wait3A_144 = arith.constant 0 : i32
    %dma_wait3A_145 = tpu.memref_slice %arg9[%dma_wait3A_141, %dma_wait3A_143, %dma_wait3A_144] : memref<8x128x32xf32, #tpu.memory_space<vmem>> -> memref<1x128x32xf32, #tpu.memory_space<vmem>>
    %dma_wait3A_146 = tpu.memref_squeeze %dma_wait3A_145 : memref<1x128x32xf32, #tpu.memory_space<vmem>> -> memref<128x32xf32, #tpu.memory_space<vmem>>
    %dma_wait3A_147 = arith.constant 0 : i32
    %dma_wait3A_148 = tpu.memref_slice %arg7[%dma_wait3A_140, %dma_wait3A_147] : memref<79x128xi32, #tpu.memory_space<vmem>> -> memref<1x128xi32, #tpu.memory_space<vmem>>
    %dma_wait3A_149 = tpu.memref_squeeze %dma_wait3A_148 : memref<1x128xi32, #tpu.memory_space<vmem>> -> memref<128xi32, #tpu.memory_space<vmem>>
    %dma_wait3A_150 = arith.constant 0 : i32
    %dma_wait3A_151 = arith.constant 0 : i32
    %dma_wait3A_152 = tpu.memref_slice %arg2[%dma_wait3A_150, %dma_wait3A_151] : memref<10000x32xf32, #tpu.memory_space<hbm>> -> memref<10000x32xf32, #tpu.memory_space<hbm>>
    %dma_wait3A_153 = tpu.memref_slice %arg11[%dma_wait3A_142] : memref<8x!tpu.dma_semaphore, #tpu.memory_space<semaphore_mem>> -> memref<1x!tpu.dma_semaphore, #tpu.memory_space<semaphore_mem>>
    %dma_wait3A_154 = tpu.memref_squeeze %dma_wait3A_153 : memref<1x!tpu.dma_semaphore, #tpu.memory_space<semaphore_mem>> -> memref<!tpu.dma_semaphore, #tpu.memory_space<semaphore_mem>>
    tpu.wait_indirect_dma semaphore(%dma_wait3A_154 : memref<!tpu.dma_semaphore, #tpu.memory_space<semaphore_mem>>) src(%dma_wait3A_152 : memref<10000x32xf32, #tpu.memory_space<hbm>>) dst(%dma_wait3A_146 : memref<128x32xf32, #tpu.memory_space<vmem>>)
    %run_scoped3A_155 = arith.constant 1 : i32
    %run_scoped3A_156 = arith.constant 73 : i32
    "tpu.region"() ({
      %run_scoped3A_247 = tpu.sem_alloc : memref<!tpu.dma_semaphore, #tpu.memory_space<semaphore_mem>>
      %dma_start3A_248 = arith.constant 0 : i32
      %dma_start3A_249 = arith.constant 0 : i32
      %dma_start3A_250 = tpu.memref_slice %arg9[%run_scoped3A_155, %dma_start3A_248, %dma_start3A_249] : memref<8x128x32xf32, #tpu.memory_space<vmem>> -> memref<1x128x32xf32, #tpu.memory_space<vmem>>
      %dma_start3A_251 = tpu.memref_squeeze %dma_start3A_250 : memref<1x128x32xf32, #tpu.memory_space<vmem>> -> memref<128x32xf32, #tpu.memory_space<vmem>>
      %dma_start3A_252 = arith.constant 0 : i32
      %dma_start3A_253 = tpu.memref_slice %arg8[%run_scoped3A_156, %dma_start3A_252] : memref<79x128xi32, #tpu.memory_space<vmem>> -> memref<1x128xi32, #tpu.memory_space<vmem>>
      %dma_start3A_254 = tpu.memref_squeeze %dma_start3A_253 : memref<1x128xi32, #tpu.memory_space<vmem>> -> memref<128xi32, #tpu.memory_space<vmem>>
      %dma_start3A_255 = arith.constant 0 : i32
      %dma_start3A_256 = arith.constant 0 : i32
      %dma_start3A_257 = tpu.memref_slice %arg10[%dma_start3A_255, %dma_start3A_256] : memref<10240x32xf32, #tpu.memory_space<vmem_shared>> -> memref<10240x32xf32, #tpu.memory_space<vmem_shared>>
      tpu.enqueue_indirect_dma source(%dma_start3A_251 : memref<128x32xf32, #tpu.memory_space<vmem>>) target(%dma_start3A_257 : memref<10240x32xf32, #tpu.memory_space<vmem_shared>>) offsets(%dma_start3A_254 : memref<128xi32, #tpu.memory_space<vmem>>) semaphore(%run_scoped3A_247 : memref<!tpu.dma_semaphore, #tpu.memory_space<semaphore_mem>>) {add = true}
      %dma_wait3A_258 = arith.constant 0 : i32
      %dma_wait3A_259 = arith.constant 0 : i32
      %dma_wait3A_260 = tpu.memref_slice %arg9[%run_scoped3A_155, %dma_wait3A_258, %dma_wait3A_259] : memref<8x128x32xf32, #tpu.memory_space<vmem>> -> memref<1x128x32xf32, #tpu.memory_space<vmem>>
      %dma_wait3A_261 = tpu.memref_squeeze %dma_wait3A_260 : memref<1x128x32xf32, #tpu.memory_space<vmem>> -> memref<128x32xf32, #tpu.memory_space<vmem>>
      %dma_wait3A_262 = arith.constant 0 : i32
      %dma_wait3A_263 = tpu.memref_slice %arg8[%run_scoped3A_156, %dma_wait3A_262] : memref<79x128xi32, #tpu.memory_space<vmem>> -> memref<1x128xi32, #tpu.memory_space<vmem>>
      %dma_wait3A_264 = tpu.memref_squeeze %dma_wait3A_263 : memref<1x128xi32, #tpu.memory_space<vmem>> -> memref<128xi32, #tpu.memory_space<vmem>>
      %dma_wait3A_265 = arith.constant 0 : i32
      %dma_wait3A_266 = arith.constant 0 : i32
      %dma_wait3A_267 = tpu.memref_slice %arg10[%dma_wait3A_265, %dma_wait3A_266] : memref<10240x32xf32, #tpu.memory_space<vmem_shared>> -> memref<10240x32xf32, #tpu.memory_space<vmem_shared>>
      tpu.wait_indirect_dma semaphore(%run_scoped3A_247 : memref<!tpu.dma_semaphore, #tpu.memory_space<semaphore_mem>>) src(%dma_wait3A_261 : memref<128x32xf32, #tpu.memory_space<vmem>>) dst(%dma_wait3A_267 : memref<10240x32xf32, #tpu.memory_space<vmem_shared>>)
      tpu.yield
    }) : () -> ()
    %dma_wait3A_157 = arith.constant 74 : i32
    %dma_wait3A_158 = arith.constant 2 : i32
    %dma_wait3A_159 = arith.constant 2 : i32
    %dma_wait3A_160 = arith.constant 0 : i32
    %dma_wait3A_161 = arith.constant 0 : i32
    %dma_wait3A_162 = tpu.memref_slice %arg9[%dma_wait3A_158, %dma_wait3A_160, %dma_wait3A_161] : memref<8x128x32xf32, #tpu.memory_space<vmem>> -> memref<1x128x32xf32, #tpu.memory_space<vmem>>
    %dma_wait3A_163 = tpu.memref_squeeze %dma_wait3A_162 : memref<1x128x32xf32, #tpu.memory_space<vmem>> -> memref<128x32xf32, #tpu.memory_space<vmem>>
    %dma_wait3A_164 = arith.constant 0 : i32
    %dma_wait3A_165 = tpu.memref_slice %arg7[%dma_wait3A_157, %dma_wait3A_164] : memref<79x128xi32, #tpu.memory_space<vmem>> -> memref<1x128xi32, #tpu.memory_space<vmem>>
    %dma_wait3A_166 = tpu.memref_squeeze %dma_wait3A_165 : memref<1x128xi32, #tpu.memory_space<vmem>> -> memref<128xi32, #tpu.memory_space<vmem>>
    %dma_wait3A_167 = arith.constant 0 : i32
    %dma_wait3A_168 = arith.constant 0 : i32
    %dma_wait3A_169 = tpu.memref_slice %arg2[%dma_wait3A_167, %dma_wait3A_168] : memref<10000x32xf32, #tpu.memory_space<hbm>> -> memref<10000x32xf32, #tpu.memory_space<hbm>>
    %dma_wait3A_170 = tpu.memref_slice %arg11[%dma_wait3A_159] : memref<8x!tpu.dma_semaphore, #tpu.memory_space<semaphore_mem>> -> memref<1x!tpu.dma_semaphore, #tpu.memory_space<semaphore_mem>>
    %dma_wait3A_171 = tpu.memref_squeeze %dma_wait3A_170 : memref<1x!tpu.dma_semaphore, #tpu.memory_space<semaphore_mem>> -> memref<!tpu.dma_semaphore, #tpu.memory_space<semaphore_mem>>
    tpu.wait_indirect_dma semaphore(%dma_wait3A_171 : memref<!tpu.dma_semaphore, #tpu.memory_space<semaphore_mem>>) src(%dma_wait3A_169 : memref<10000x32xf32, #tpu.memory_space<hbm>>) dst(%dma_wait3A_163 : memref<128x32xf32, #tpu.memory_space<vmem>>)
    %run_scoped3A_172 = arith.constant 2 : i32
    %run_scoped3A_173 = arith.constant 74 : i32
    "tpu.region"() ({
      %run_scoped3A_247 = tpu.sem_alloc : memref<!tpu.dma_semaphore, #tpu.memory_space<semaphore_mem>>
      %dma_start3A_248 = arith.constant 0 : i32
      %dma_start3A_249 = arith.constant 0 : i32
      %dma_start3A_250 = tpu.memref_slice %arg9[%run_scoped3A_172, %dma_start3A_248, %dma_start3A_249] : memref<8x128x32xf32, #tpu.memory_space<vmem>> -> memref<1x128x32xf32, #tpu.memory_space<vmem>>
      %dma_start3A_251 = tpu.memref_squeeze %dma_start3A_250 : memref<1x128x32xf32, #tpu.memory_space<vmem>> -> memref<128x32xf32, #tpu.memory_space<vmem>>
      %dma_start3A_252 = arith.constant 0 : i32
      %dma_start3A_253 = tpu.memref_slice %arg8[%run_scoped3A_173, %dma_start3A_252] : memref<79x128xi32, #tpu.memory_space<vmem>> -> memref<1x128xi32, #tpu.memory_space<vmem>>
      %dma_start3A_254 = tpu.memref_squeeze %dma_start3A_253 : memref<1x128xi32, #tpu.memory_space<vmem>> -> memref<128xi32, #tpu.memory_space<vmem>>
      %dma_start3A_255 = arith.constant 0 : i32
      %dma_start3A_256 = arith.constant 0 : i32
      %dma_start3A_257 = tpu.memref_slice %arg10[%dma_start3A_255, %dma_start3A_256] : memref<10240x32xf32, #tpu.memory_space<vmem_shared>> -> memref<10240x32xf32, #tpu.memory_space<vmem_shared>>
      tpu.enqueue_indirect_dma source(%dma_start3A_251 : memref<128x32xf32, #tpu.memory_space<vmem>>) target(%dma_start3A_257 : memref<10240x32xf32, #tpu.memory_space<vmem_shared>>) offsets(%dma_start3A_254 : memref<128xi32, #tpu.memory_space<vmem>>) semaphore(%run_scoped3A_247 : memref<!tpu.dma_semaphore, #tpu.memory_space<semaphore_mem>>) {add = true}
      %dma_wait3A_258 = arith.constant 0 : i32
      %dma_wait3A_259 = arith.constant 0 : i32
      %dma_wait3A_260 = tpu.memref_slice %arg9[%run_scoped3A_172, %dma_wait3A_258, %dma_wait3A_259] : memref<8x128x32xf32, #tpu.memory_space<vmem>> -> memref<1x128x32xf32, #tpu.memory_space<vmem>>
      %dma_wait3A_261 = tpu.memref_squeeze %dma_wait3A_260 : memref<1x128x32xf32, #tpu.memory_space<vmem>> -> memref<128x32xf32, #tpu.memory_space<vmem>>
      %dma_wait3A_262 = arith.constant 0 : i32
      %dma_wait3A_263 = tpu.memref_slice %arg8[%run_scoped3A_173, %dma_wait3A_262] : memref<79x128xi32, #tpu.memory_space<vmem>> -> memref<1x128xi32, #tpu.memory_space<vmem>>
      %dma_wait3A_264 = tpu.memref_squeeze %dma_wait3A_263 : memref<1x128xi32, #tpu.memory_space<vmem>> -> memref<128xi32, #tpu.memory_space<vmem>>
      %dma_wait3A_265 = arith.constant 0 : i32
      %dma_wait3A_266 = arith.constant 0 : i32
      %dma_wait3A_267 = tpu.memref_slice %arg10[%dma_wait3A_265, %dma_wait3A_266] : memref<10240x32xf32, #tpu.memory_space<vmem_shared>> -> memref<10240x32xf32, #tpu.memory_space<vmem_shared>>
      tpu.wait_indirect_dma semaphore(%run_scoped3A_247 : memref<!tpu.dma_semaphore, #tpu.memory_space<semaphore_mem>>) src(%dma_wait3A_261 : memref<128x32xf32, #tpu.memory_space<vmem>>) dst(%dma_wait3A_267 : memref<10240x32xf32, #tpu.memory_space<vmem_shared>>)
      tpu.yield
    }) : () -> ()
    %dma_wait3A_174 = arith.constant 75 : i32
    %dma_wait3A_175 = arith.constant 3 : i32
    %dma_wait3A_176 = arith.constant 3 : i32
    %dma_wait3A_177 = arith.constant 0 : i32
    %dma_wait3A_178 = arith.constant 0 : i32
    %dma_wait3A_179 = tpu.memref_slice %arg9[%dma_wait3A_175, %dma_wait3A_177, %dma_wait3A_178] : memref<8x128x32xf32, #tpu.memory_space<vmem>> -> memref<1x128x32xf32, #tpu.memory_space<vmem>>
    %dma_wait3A_180 = tpu.memref_squeeze %dma_wait3A_179 : memref<1x128x32xf32, #tpu.memory_space<vmem>> -> memref<128x32xf32, #tpu.memory_space<vmem>>
    %dma_wait3A_181 = arith.constant 0 : i32
    %dma_wait3A_182 = tpu.memref_slice %arg7[%dma_wait3A_174, %dma_wait3A_181] : memref<79x128xi32, #tpu.memory_space<vmem>> -> memref<1x128xi32, #tpu.memory_space<vmem>>
    %dma_wait3A_183 = tpu.memref_squeeze %dma_wait3A_182 : memref<1x128xi32, #tpu.memory_space<vmem>> -> memref<128xi32, #tpu.memory_space<vmem>>
    %dma_wait3A_184 = arith.constant 0 : i32
    %dma_wait3A_185 = arith.constant 0 : i32
    %dma_wait3A_186 = tpu.memref_slice %arg2[%dma_wait3A_184, %dma_wait3A_185] : memref<10000x32xf32, #tpu.memory_space<hbm>> -> memref<10000x32xf32, #tpu.memory_space<hbm>>
    %dma_wait3A_187 = tpu.memref_slice %arg11[%dma_wait3A_176] : memref<8x!tpu.dma_semaphore, #tpu.memory_space<semaphore_mem>> -> memref<1x!tpu.dma_semaphore, #tpu.memory_space<semaphore_mem>>
    %dma_wait3A_188 = tpu.memref_squeeze %dma_wait3A_187 : memref<1x!tpu.dma_semaphore, #tpu.memory_space<semaphore_mem>> -> memref<!tpu.dma_semaphore, #tpu.memory_space<semaphore_mem>>
    tpu.wait_indirect_dma semaphore(%dma_wait3A_188 : memref<!tpu.dma_semaphore, #tpu.memory_space<semaphore_mem>>) src(%dma_wait3A_186 : memref<10000x32xf32, #tpu.memory_space<hbm>>) dst(%dma_wait3A_180 : memref<128x32xf32, #tpu.memory_space<vmem>>)
    %run_scoped3A_189 = arith.constant 3 : i32
    %run_scoped3A_190 = arith.constant 75 : i32
    "tpu.region"() ({
      %run_scoped3A_247 = tpu.sem_alloc : memref<!tpu.dma_semaphore, #tpu.memory_space<semaphore_mem>>
      %dma_start3A_248 = arith.constant 0 : i32
      %dma_start3A_249 = arith.constant 0 : i32
      %dma_start3A_250 = tpu.memref_slice %arg9[%run_scoped3A_189, %dma_start3A_248, %dma_start3A_249] : memref<8x128x32xf32, #tpu.memory_space<vmem>> -> memref<1x128x32xf32, #tpu.memory_space<vmem>>
      %dma_start3A_251 = tpu.memref_squeeze %dma_start3A_250 : memref<1x128x32xf32, #tpu.memory_space<vmem>> -> memref<128x32xf32, #tpu.memory_space<vmem>>
      %dma_start3A_252 = arith.constant 0 : i32
      %dma_start3A_253 = tpu.memref_slice %arg8[%run_scoped3A_190, %dma_start3A_252] : memref<79x128xi32, #tpu.memory_space<vmem>> -> memref<1x128xi32, #tpu.memory_space<vmem>>
      %dma_start3A_254 = tpu.memref_squeeze %dma_start3A_253 : memref<1x128xi32, #tpu.memory_space<vmem>> -> memref<128xi32, #tpu.memory_space<vmem>>
      %dma_start3A_255 = arith.constant 0 : i32
      %dma_start3A_256 = arith.constant 0 : i32
      %dma_start3A_257 = tpu.memref_slice %arg10[%dma_start3A_255, %dma_start3A_256] : memref<10240x32xf32, #tpu.memory_space<vmem_shared>> -> memref<10240x32xf32, #tpu.memory_space<vmem_shared>>
      tpu.enqueue_indirect_dma source(%dma_start3A_251 : memref<128x32xf32, #tpu.memory_space<vmem>>) target(%dma_start3A_257 : memref<10240x32xf32, #tpu.memory_space<vmem_shared>>) offsets(%dma_start3A_254 : memref<128xi32, #tpu.memory_space<vmem>>) semaphore(%run_scoped3A_247 : memref<!tpu.dma_semaphore, #tpu.memory_space<semaphore_mem>>) {add = true}
      %dma_wait3A_258 = arith.constant 0 : i32
      %dma_wait3A_259 = arith.constant 0 : i32
      %dma_wait3A_260 = tpu.memref_slice %arg9[%run_scoped3A_189, %dma_wait3A_258, %dma_wait3A_259] : memref<8x128x32xf32, #tpu.memory_space<vmem>> -> memref<1x128x32xf32, #tpu.memory_space<vmem>>
      %dma_wait3A_261 = tpu.memref_squeeze %dma_wait3A_260 : memref<1x128x32xf32, #tpu.memory_space<vmem>> -> memref<128x32xf32, #tpu.memory_space<vmem>>
      %dma_wait3A_262 = arith.constant 0 : i32
      %dma_wait3A_263 = tpu.memref_slice %arg8[%run_scoped3A_190, %dma_wait3A_262] : memref<79x128xi32, #tpu.memory_space<vmem>> -> memref<1x128xi32, #tpu.memory_space<vmem>>
      %dma_wait3A_264 = tpu.memref_squeeze %dma_wait3A_263 : memref<1x128xi32, #tpu.memory_space<vmem>> -> memref<128xi32, #tpu.memory_space<vmem>>
      %dma_wait3A_265 = arith.constant 0 : i32
      %dma_wait3A_266 = arith.constant 0 : i32
      %dma_wait3A_267 = tpu.memref_slice %arg10[%dma_wait3A_265, %dma_wait3A_266] : memref<10240x32xf32, #tpu.memory_space<vmem_shared>> -> memref<10240x32xf32, #tpu.memory_space<vmem_shared>>
      tpu.wait_indirect_dma semaphore(%run_scoped3A_247 : memref<!tpu.dma_semaphore, #tpu.memory_space<semaphore_mem>>) src(%dma_wait3A_261 : memref<128x32xf32, #tpu.memory_space<vmem>>) dst(%dma_wait3A_267 : memref<10240x32xf32, #tpu.memory_space<vmem_shared>>)
      tpu.yield
    }) : () -> ()
    %dma_wait3A_191 = arith.constant 76 : i32
    %dma_wait3A_192 = arith.constant 4 : i32
    %dma_wait3A_193 = arith.constant 4 : i32
    %dma_wait3A_194 = arith.constant 0 : i32
    %dma_wait3A_195 = arith.constant 0 : i32
    %dma_wait3A_196 = tpu.memref_slice %arg9[%dma_wait3A_192, %dma_wait3A_194, %dma_wait3A_195] : memref<8x128x32xf32, #tpu.memory_space<vmem>> -> memref<1x128x32xf32, #tpu.memory_space<vmem>>
    %dma_wait3A_197 = tpu.memref_squeeze %dma_wait3A_196 : memref<1x128x32xf32, #tpu.memory_space<vmem>> -> memref<128x32xf32, #tpu.memory_space<vmem>>
    %dma_wait3A_198 = arith.constant 0 : i32
    %dma_wait3A_199 = tpu.memref_slice %arg7[%dma_wait3A_191, %dma_wait3A_198] : memref<79x128xi32, #tpu.memory_space<vmem>> -> memref<1x128xi32, #tpu.memory_space<vmem>>
    %dma_wait3A_200 = tpu.memref_squeeze %dma_wait3A_199 : memref<1x128xi32, #tpu.memory_space<vmem>> -> memref<128xi32, #tpu.memory_space<vmem>>
    %dma_wait3A_201 = arith.constant 0 : i32
    %dma_wait3A_202 = arith.constant 0 : i32
    %dma_wait3A_203 = tpu.memref_slice %arg2[%dma_wait3A_201, %dma_wait3A_202] : memref<10000x32xf32, #tpu.memory_space<hbm>> -> memref<10000x32xf32, #tpu.memory_space<hbm>>
    %dma_wait3A_204 = tpu.memref_slice %arg11[%dma_wait3A_193] : memref<8x!tpu.dma_semaphore, #tpu.memory_space<semaphore_mem>> -> memref<1x!tpu.dma_semaphore, #tpu.memory_space<semaphore_mem>>
    %dma_wait3A_205 = tpu.memref_squeeze %dma_wait3A_204 : memref<1x!tpu.dma_semaphore, #tpu.memory_space<semaphore_mem>> -> memref<!tpu.dma_semaphore, #tpu.memory_space<semaphore_mem>>
    tpu.wait_indirect_dma semaphore(%dma_wait3A_205 : memref<!tpu.dma_semaphore, #tpu.memory_space<semaphore_mem>>) src(%dma_wait3A_203 : memref<10000x32xf32, #tpu.memory_space<hbm>>) dst(%dma_wait3A_197 : memref<128x32xf32, #tpu.memory_space<vmem>>)
    %run_scoped3A_206 = arith.constant 4 : i32
    %run_scoped3A_207 = arith.constant 76 : i32
    "tpu.region"() ({
      %run_scoped3A_247 = tpu.sem_alloc : memref<!tpu.dma_semaphore, #tpu.memory_space<semaphore_mem>>
      %dma_start3A_248 = arith.constant 0 : i32
      %dma_start3A_249 = arith.constant 0 : i32
      %dma_start3A_250 = tpu.memref_slice %arg9[%run_scoped3A_206, %dma_start3A_248, %dma_start3A_249] : memref<8x128x32xf32, #tpu.memory_space<vmem>> -> memref<1x128x32xf32, #tpu.memory_space<vmem>>
      %dma_start3A_251 = tpu.memref_squeeze %dma_start3A_250 : memref<1x128x32xf32, #tpu.memory_space<vmem>> -> memref<128x32xf32, #tpu.memory_space<vmem>>
      %dma_start3A_252 = arith.constant 0 : i32
      %dma_start3A_253 = tpu.memref_slice %arg8[%run_scoped3A_207, %dma_start3A_252] : memref<79x128xi32, #tpu.memory_space<vmem>> -> memref<1x128xi32, #tpu.memory_space<vmem>>
      %dma_start3A_254 = tpu.memref_squeeze %dma_start3A_253 : memref<1x128xi32, #tpu.memory_space<vmem>> -> memref<128xi32, #tpu.memory_space<vmem>>
      %dma_start3A_255 = arith.constant 0 : i32
      %dma_start3A_256 = arith.constant 0 : i32
      %dma_start3A_257 = tpu.memref_slice %arg10[%dma_start3A_255, %dma_start3A_256] : memref<10240x32xf32, #tpu.memory_space<vmem_shared>> -> memref<10240x32xf32, #tpu.memory_space<vmem_shared>>
      tpu.enqueue_indirect_dma source(%dma_start3A_251 : memref<128x32xf32, #tpu.memory_space<vmem>>) target(%dma_start3A_257 : memref<10240x32xf32, #tpu.memory_space<vmem_shared>>) offsets(%dma_start3A_254 : memref<128xi32, #tpu.memory_space<vmem>>) semaphore(%run_scoped3A_247 : memref<!tpu.dma_semaphore, #tpu.memory_space<semaphore_mem>>) {add = true}
      %dma_wait3A_258 = arith.constant 0 : i32
      %dma_wait3A_259 = arith.constant 0 : i32
      %dma_wait3A_260 = tpu.memref_slice %arg9[%run_scoped3A_206, %dma_wait3A_258, %dma_wait3A_259] : memref<8x128x32xf32, #tpu.memory_space<vmem>> -> memref<1x128x32xf32, #tpu.memory_space<vmem>>
      %dma_wait3A_261 = tpu.memref_squeeze %dma_wait3A_260 : memref<1x128x32xf32, #tpu.memory_space<vmem>> -> memref<128x32xf32, #tpu.memory_space<vmem>>
      %dma_wait3A_262 = arith.constant 0 : i32
      %dma_wait3A_263 = tpu.memref_slice %arg8[%run_scoped3A_207, %dma_wait3A_262] : memref<79x128xi32, #tpu.memory_space<vmem>> -> memref<1x128xi32, #tpu.memory_space<vmem>>
      %dma_wait3A_264 = tpu.memref_squeeze %dma_wait3A_263 : memref<1x128xi32, #tpu.memory_space<vmem>> -> memref<128xi32, #tpu.memory_space<vmem>>
      %dma_wait3A_265 = arith.constant 0 : i32
      %dma_wait3A_266 = arith.constant 0 : i32
      %dma_wait3A_267 = tpu.memref_slice %arg10[%dma_wait3A_265, %dma_wait3A_266] : memref<10240x32xf32, #tpu.memory_space<vmem_shared>> -> memref<10240x32xf32, #tpu.memory_space<vmem_shared>>
      tpu.wait_indirect_dma semaphore(%run_scoped3A_247 : memref<!tpu.dma_semaphore, #tpu.memory_space<semaphore_mem>>) src(%dma_wait3A_261 : memref<128x32xf32, #tpu.memory_space<vmem>>) dst(%dma_wait3A_267 : memref<10240x32xf32, #tpu.memory_space<vmem_shared>>)
      tpu.yield
    }) : () -> ()
    %dma_wait3A_208 = arith.constant 77 : i32
    %dma_wait3A_209 = arith.constant 5 : i32
    %dma_wait3A_210 = arith.constant 5 : i32
    %dma_wait3A_211 = arith.constant 0 : i32
    %dma_wait3A_212 = arith.constant 0 : i32
    %dma_wait3A_213 = tpu.memref_slice %arg9[%dma_wait3A_209, %dma_wait3A_211, %dma_wait3A_212] : memref<8x128x32xf32, #tpu.memory_space<vmem>> -> memref<1x128x32xf32, #tpu.memory_space<vmem>>
    %dma_wait3A_214 = tpu.memref_squeeze %dma_wait3A_213 : memref<1x128x32xf32, #tpu.memory_space<vmem>> -> memref<128x32xf32, #tpu.memory_space<vmem>>
    %dma_wait3A_215 = arith.constant 0 : i32
    %dma_wait3A_216 = tpu.memref_slice %arg7[%dma_wait3A_208, %dma_wait3A_215] : memref<79x128xi32, #tpu.memory_space<vmem>> -> memref<1x128xi32, #tpu.memory_space<vmem>>
    %dma_wait3A_217 = tpu.memref_squeeze %dma_wait3A_216 : memref<1x128xi32, #tpu.memory_space<vmem>> -> memref<128xi32, #tpu.memory_space<vmem>>
    %dma_wait3A_218 = arith.constant 0 : i32
    %dma_wait3A_219 = arith.constant 0 : i32
    %dma_wait3A_220 = tpu.memref_slice %arg2[%dma_wait3A_218, %dma_wait3A_219] : memref<10000x32xf32, #tpu.memory_space<hbm>> -> memref<10000x32xf32, #tpu.memory_space<hbm>>
    %dma_wait3A_221 = tpu.memref_slice %arg11[%dma_wait3A_210] : memref<8x!tpu.dma_semaphore, #tpu.memory_space<semaphore_mem>> -> memref<1x!tpu.dma_semaphore, #tpu.memory_space<semaphore_mem>>
    %dma_wait3A_222 = tpu.memref_squeeze %dma_wait3A_221 : memref<1x!tpu.dma_semaphore, #tpu.memory_space<semaphore_mem>> -> memref<!tpu.dma_semaphore, #tpu.memory_space<semaphore_mem>>
    tpu.wait_indirect_dma semaphore(%dma_wait3A_222 : memref<!tpu.dma_semaphore, #tpu.memory_space<semaphore_mem>>) src(%dma_wait3A_220 : memref<10000x32xf32, #tpu.memory_space<hbm>>) dst(%dma_wait3A_214 : memref<128x32xf32, #tpu.memory_space<vmem>>)
    %run_scoped3A_223 = arith.constant 5 : i32
    %run_scoped3A_224 = arith.constant 77 : i32
    "tpu.region"() ({
      %run_scoped3A_247 = tpu.sem_alloc : memref<!tpu.dma_semaphore, #tpu.memory_space<semaphore_mem>>
      %dma_start3A_248 = arith.constant 0 : i32
      %dma_start3A_249 = arith.constant 0 : i32
      %dma_start3A_250 = tpu.memref_slice %arg9[%run_scoped3A_223, %dma_start3A_248, %dma_start3A_249] : memref<8x128x32xf32, #tpu.memory_space<vmem>> -> memref<1x128x32xf32, #tpu.memory_space<vmem>>
      %dma_start3A_251 = tpu.memref_squeeze %dma_start3A_250 : memref<1x128x32xf32, #tpu.memory_space<vmem>> -> memref<128x32xf32, #tpu.memory_space<vmem>>
      %dma_start3A_252 = arith.constant 0 : i32
      %dma_start3A_253 = tpu.memref_slice %arg8[%run_scoped3A_224, %dma_start3A_252] : memref<79x128xi32, #tpu.memory_space<vmem>> -> memref<1x128xi32, #tpu.memory_space<vmem>>
      %dma_start3A_254 = tpu.memref_squeeze %dma_start3A_253 : memref<1x128xi32, #tpu.memory_space<vmem>> -> memref<128xi32, #tpu.memory_space<vmem>>
      %dma_start3A_255 = arith.constant 0 : i32
      %dma_start3A_256 = arith.constant 0 : i32
      %dma_start3A_257 = tpu.memref_slice %arg10[%dma_start3A_255, %dma_start3A_256] : memref<10240x32xf32, #tpu.memory_space<vmem_shared>> -> memref<10240x32xf32, #tpu.memory_space<vmem_shared>>
      tpu.enqueue_indirect_dma source(%dma_start3A_251 : memref<128x32xf32, #tpu.memory_space<vmem>>) target(%dma_start3A_257 : memref<10240x32xf32, #tpu.memory_space<vmem_shared>>) offsets(%dma_start3A_254 : memref<128xi32, #tpu.memory_space<vmem>>) semaphore(%run_scoped3A_247 : memref<!tpu.dma_semaphore, #tpu.memory_space<semaphore_mem>>) {add = true}
      %dma_wait3A_258 = arith.constant 0 : i32
      %dma_wait3A_259 = arith.constant 0 : i32
      %dma_wait3A_260 = tpu.memref_slice %arg9[%run_scoped3A_223, %dma_wait3A_258, %dma_wait3A_259] : memref<8x128x32xf32, #tpu.memory_space<vmem>> -> memref<1x128x32xf32, #tpu.memory_space<vmem>>
      %dma_wait3A_261 = tpu.memref_squeeze %dma_wait3A_260 : memref<1x128x32xf32, #tpu.memory_space<vmem>> -> memref<128x32xf32, #tpu.memory_space<vmem>>
      %dma_wait3A_262 = arith.constant 0 : i32
      %dma_wait3A_263 = tpu.memref_slice %arg8[%run_scoped3A_224, %dma_wait3A_262] : memref<79x128xi32, #tpu.memory_space<vmem>> -> memref<1x128xi32, #tpu.memory_space<vmem>>
      %dma_wait3A_264 = tpu.memref_squeeze %dma_wait3A_263 : memref<1x128xi32, #tpu.memory_space<vmem>> -> memref<128xi32, #tpu.memory_space<vmem>>
      %dma_wait3A_265 = arith.constant 0 : i32
      %dma_wait3A_266 = arith.constant 0 : i32
      %dma_wait3A_267 = tpu.memref_slice %arg10[%dma_wait3A_265, %dma_wait3A_266] : memref<10240x32xf32, #tpu.memory_space<vmem_shared>> -> memref<10240x32xf32, #tpu.memory_space<vmem_shared>>
      tpu.wait_indirect_dma semaphore(%run_scoped3A_247 : memref<!tpu.dma_semaphore, #tpu.memory_space<semaphore_mem>>) src(%dma_wait3A_261 : memref<128x32xf32, #tpu.memory_space<vmem>>) dst(%dma_wait3A_267 : memref<10240x32xf32, #tpu.memory_space<vmem_shared>>)
      tpu.yield
    }) : () -> ()
    %dma_wait3A_225 = arith.constant 78 : i32
    %dma_wait3A_226 = arith.constant 6 : i32
    %dma_wait3A_227 = arith.constant 6 : i32
    %dma_wait3A_228 = arith.constant 0 : i32
    %dma_wait3A_229 = arith.constant 0 : i32
    %dma_wait3A_230 = tpu.memref_slice %arg9[%dma_wait3A_226, %dma_wait3A_228, %dma_wait3A_229] : memref<8x128x32xf32, #tpu.memory_space<vmem>> -> memref<1x128x32xf32, #tpu.memory_space<vmem>>
    %dma_wait3A_231 = tpu.memref_squeeze %dma_wait3A_230 : memref<1x128x32xf32, #tpu.memory_space<vmem>> -> memref<128x32xf32, #tpu.memory_space<vmem>>
    %dma_wait3A_232 = arith.constant 0 : i32
    %dma_wait3A_233 = tpu.memref_slice %arg7[%dma_wait3A_225, %dma_wait3A_232] : memref<79x128xi32, #tpu.memory_space<vmem>> -> memref<1x128xi32, #tpu.memory_space<vmem>>
    %dma_wait3A_234 = tpu.memref_squeeze %dma_wait3A_233 : memref<1x128xi32, #tpu.memory_space<vmem>> -> memref<128xi32, #tpu.memory_space<vmem>>
    %dma_wait3A_235 = arith.constant 0 : i32
    %dma_wait3A_236 = arith.constant 0 : i32
    %dma_wait3A_237 = tpu.memref_slice %arg2[%dma_wait3A_235, %dma_wait3A_236] : memref<10000x32xf32, #tpu.memory_space<hbm>> -> memref<10000x32xf32, #tpu.memory_space<hbm>>
    %dma_wait3A_238 = tpu.memref_slice %arg11[%dma_wait3A_227] : memref<8x!tpu.dma_semaphore, #tpu.memory_space<semaphore_mem>> -> memref<1x!tpu.dma_semaphore, #tpu.memory_space<semaphore_mem>>
    %dma_wait3A_239 = tpu.memref_squeeze %dma_wait3A_238 : memref<1x!tpu.dma_semaphore, #tpu.memory_space<semaphore_mem>> -> memref<!tpu.dma_semaphore, #tpu.memory_space<semaphore_mem>>
    tpu.wait_indirect_dma semaphore(%dma_wait3A_239 : memref<!tpu.dma_semaphore, #tpu.memory_space<semaphore_mem>>) src(%dma_wait3A_237 : memref<10000x32xf32, #tpu.memory_space<hbm>>) dst(%dma_wait3A_231 : memref<128x32xf32, #tpu.memory_space<vmem>>)
    %run_scoped3A_240 = arith.constant 6 : i32
    %run_scoped3A_241 = arith.constant 78 : i32
    "tpu.region"() ({
      %run_scoped3A_247 = tpu.sem_alloc : memref<!tpu.dma_semaphore, #tpu.memory_space<semaphore_mem>>
      %dma_start3A_248 = arith.constant 0 : i32
      %dma_start3A_249 = arith.constant 0 : i32
      %dma_start3A_250 = tpu.memref_slice %arg9[%run_scoped3A_240, %dma_start3A_248, %dma_start3A_249] : memref<8x128x32xf32, #tpu.memory_space<vmem>> -> memref<1x128x32xf32, #tpu.memory_space<vmem>>
      %dma_start3A_251 = tpu.memref_squeeze %dma_start3A_250 : memref<1x128x32xf32, #tpu.memory_space<vmem>> -> memref<128x32xf32, #tpu.memory_space<vmem>>
      %dma_start3A_252 = arith.constant 0 : i32
      %dma_start3A_253 = tpu.memref_slice %arg8[%run_scoped3A_241, %dma_start3A_252] : memref<79x128xi32, #tpu.memory_space<vmem>> -> memref<1x128xi32, #tpu.memory_space<vmem>>
      %dma_start3A_254 = tpu.memref_squeeze %dma_start3A_253 : memref<1x128xi32, #tpu.memory_space<vmem>> -> memref<128xi32, #tpu.memory_space<vmem>>
      %dma_start3A_255 = arith.constant 0 : i32
      %dma_start3A_256 = arith.constant 0 : i32
      %dma_start3A_257 = tpu.memref_slice %arg10[%dma_start3A_255, %dma_start3A_256] : memref<10240x32xf32, #tpu.memory_space<vmem_shared>> -> memref<10240x32xf32, #tpu.memory_space<vmem_shared>>
      tpu.enqueue_indirect_dma source(%dma_start3A_251 : memref<128x32xf32, #tpu.memory_space<vmem>>) target(%dma_start3A_257 : memref<10240x32xf32, #tpu.memory_space<vmem_shared>>) offsets(%dma_start3A_254 : memref<128xi32, #tpu.memory_space<vmem>>) semaphore(%run_scoped3A_247 : memref<!tpu.dma_semaphore, #tpu.memory_space<semaphore_mem>>) {add = true}
      %dma_wait3A_258 = arith.constant 0 : i32
      %dma_wait3A_259 = arith.constant 0 : i32
      %dma_wait3A_260 = tpu.memref_slice %arg9[%run_scoped3A_240, %dma_wait3A_258, %dma_wait3A_259] : memref<8x128x32xf32, #tpu.memory_space<vmem>> -> memref<1x128x32xf32, #tpu.memory_space<vmem>>
      %dma_wait3A_261 = tpu.memref_squeeze %dma_wait3A_260 : memref<1x128x32xf32, #tpu.memory_space<vmem>> -> memref<128x32xf32, #tpu.memory_space<vmem>>
      %dma_wait3A_262 = arith.constant 0 : i32
      %dma_wait3A_263 = tpu.memref_slice %arg8[%run_scoped3A_241, %dma_wait3A_262] : memref<79x128xi32, #tpu.memory_space<vmem>> -> memref<1x128xi32, #tpu.memory_space<vmem>>
      %dma_wait3A_264 = tpu.memref_squeeze %dma_wait3A_263 : memref<1x128xi32, #tpu.memory_space<vmem>> -> memref<128xi32, #tpu.memory_space<vmem>>
      %dma_wait3A_265 = arith.constant 0 : i32
      %dma_wait3A_266 = arith.constant 0 : i32
      %dma_wait3A_267 = tpu.memref_slice %arg10[%dma_wait3A_265, %dma_wait3A_266] : memref<10240x32xf32, #tpu.memory_space<vmem_shared>> -> memref<10240x32xf32, #tpu.memory_space<vmem_shared>>
      tpu.wait_indirect_dma semaphore(%run_scoped3A_247 : memref<!tpu.dma_semaphore, #tpu.memory_space<semaphore_mem>>) src(%dma_wait3A_261 : memref<128x32xf32, #tpu.memory_space<vmem>>) dst(%dma_wait3A_267 : memref<10240x32xf32, #tpu.memory_space<vmem_shared>>)
      tpu.yield
    }) : () -> ()
    %barrier3A_242 = arith.constant 0 : index
    tpu.barrier barrier_id(%barrier3A_242)
    %mul3A_243 = arith.constant 640 : i32
    %mul3A_244 = arith.muli %arg1, %mul3A_243 : i32
    %mul3A_245 = arith.constant 640 : i32
    %mul3A_246 = arith.muli %arg1, %mul3A_245 : i32
    "tpu.region"() ({
      %run_scoped3A_247 = tpu.sem_alloc : memref<!tpu.dma_semaphore, #tpu.memory_space<semaphore_mem>>
      %dma_start3A_248 = arith.constant 0 : i32
      %dma_start3A_249 = tpu.memref_slice %arg6[%arg0, %mul3A_246, %dma_start3A_248] : memref<2x10240x32xf32, #tpu.memory_space<hbm>> -> memref<1x640x32xf32, #tpu.memory_space<hbm>>
      %dma_start3A_250 = tpu.memref_squeeze %dma_start3A_249 : memref<1x640x32xf32, #tpu.memory_space<hbm>> -> memref<640x32xf32, #tpu.memory_space<hbm>>
      %dma_start3A_251 = arith.constant 0 : i32
      %dma_start3A_252 = tpu.memref_slice %arg10[%mul3A_244, %dma_start3A_251] : memref<10240x32xf32, #tpu.memory_space<vmem_shared>> -> memref<640x32xf32, #tpu.memory_space<vmem_shared>>
      tpu.enqueue_dma source(%dma_start3A_252 : memref<640x32xf32, #tpu.memory_space<vmem_shared>>) target(%dma_start3A_250 : memref<640x32xf32, #tpu.memory_space<hbm>>) target_semaphore(%run_scoped3A_247 : memref<!tpu.dma_semaphore, #tpu.memory_space<semaphore_mem>>)
      %dma_wait3A_253 = arith.constant 0 : i32
      %dma_wait3A_254 = tpu.memref_slice %arg6[%arg0, %mul3A_246, %dma_wait3A_253] : memref<2x10240x32xf32, #tpu.memory_space<hbm>> -> memref<1x640x32xf32, #tpu.memory_space<hbm>>
      %dma_wait3A_255 = tpu.memref_squeeze %dma_wait3A_254 : memref<1x640x32xf32, #tpu.memory_space<hbm>> -> memref<640x32xf32, #tpu.memory_space<hbm>>
      %dma_wait3A_256 = arith.constant 0 : i32
      %dma_wait3A_257 = tpu.memref_slice %arg10[%mul3A_244, %dma_wait3A_256] : memref<10240x32xf32, #tpu.memory_space<vmem_shared>> -> memref<640x32xf32, #tpu.memory_space<vmem_shared>>
      tpu.wait_dma2 semaphore(%run_scoped3A_247 : memref<!tpu.dma_semaphore, #tpu.memory_space<semaphore_mem>>) src(%dma_wait3A_257 : memref<640x32xf32, #tpu.memory_space<vmem_shared>>) dst(%dma_wait3A_255 : memref<640x32xf32, #tpu.memory_space<hbm>>)
      tpu.yield
    }) : () -> ()
    return
  }
}

module attributes {stable_mosaic.version = 14 : i64} {
  func.func @_proj_body(%arg0: memref<10000x128xf32, #tpu.memory_space<vmem>>, %arg1: memref<128x32xf32, #tpu.memory_space<vmem>>, %arg2: memref<10000x32xf32, #tpu.memory_space<vmem>>) attributes {dimension_semantics = [], scalar_prefetch = 0 : i64, scratch_operands = 0 : i64, tpu.core_type = #tpu.core_type<tc>} {
    %get3A = arith.constant 0 : index
    %get3A_0 = arith.constant 0 : index
    %get3A_1 = vector.load %arg0[%get3A, %get3A_0] : memref<10000x128xf32, #tpu.memory_space<vmem>>, vector<10000x128xf32>
    %get3A_2 = arith.constant 0 : index
    %get3A_3 = arith.constant 0 : index
    %get3A_4 = vector.load %arg1[%get3A_2, %get3A_3] : memref<128x32xf32, #tpu.memory_space<vmem>>, vector<128x32xf32>
    %dot_general3A = arith.constant dense<0.000000e+00> : vector<10000x32xf32>
    %dot_general3A_5 = tpu.matmul %get3A_1, %get3A_4, %dot_general3A {dimension_numbers = #tpu.dot_dimension_numbers<[1], [0], [0], [1], [0, 0, 1, 1], [], []>, transpose_lhs_hint = false} : vector<10000x128xf32>, vector<128x32xf32>, vector<10000x32xf32> -> vector<10000x32xf32>
    %swap3A = arith.constant 0 : index
    %swap3A_6 = arith.constant 0 : index
    %swap3A_7 = vector.load %arg2[%swap3A, %swap3A_6] : memref<10000x32xf32, #tpu.memory_space<vmem>>, vector<10000x32xf32>
    tpu.vector_store %arg2[%swap3A, %swap3A_6], %dot_general3A_5 {strides = array<i32>} : memref<10000x32xf32, #tpu.memory_space<vmem>>, vector<10000x32xf32>,
    return
  }
}

module attributes {stable_mosaic.version = 14 : i64} {
  func.func @_mlp_body(%arg0: memref<10000x32xf32, #tpu.memory_space<vmem>>, %arg1: memref<2x10240x32xf32, #tpu.memory_space<vmem>>, %arg2: memref<128x32xf32, #tpu.memory_space<vmem>>, %arg3: memref<1x32xf32, #tpu.memory_space<vmem>>, %arg4: memref<32x32xf32, #tpu.memory_space<vmem>>, %arg5: memref<1x32xf32, #tpu.memory_space<vmem>>, %arg6: memref<1x32xf32, #tpu.memory_space<vmem>>, %arg7: memref<1x32xf32, #tpu.memory_space<vmem>>, %arg8: memref<10000x32xf32, #tpu.memory_space<vmem>>) attributes {dimension_semantics = [], scalar_prefetch = 0 : i64, scratch_operands = 0 : i64, tpu.core_type = #tpu.core_type<tc>} {
    %get3A = arith.constant 0 : index
    %get3A_0 = arith.constant 0 : index
    %get3A_1 = arith.constant 0 : index
    %get3A_2 = vector.load %arg1[%get3A, %get3A_0, %get3A_1] : memref<2x10240x32xf32, #tpu.memory_space<vmem>>, vector<1x10000x32xf32>
    %get3A_3 = vector.shape_cast %get3A_2 : vector<1x10000x32xf32> to vector<10000x32xf32>
    %get3A_4 = arith.constant 1 : index
    %get3A_5 = arith.constant 0 : index
    %get3A_6 = arith.constant 0 : index
    %get3A_7 = vector.load %arg1[%get3A_4, %get3A_5, %get3A_6] : memref<2x10240x32xf32, #tpu.memory_space<vmem>>, vector<1x10000x32xf32>
    %get3A_8 = vector.shape_cast %get3A_7 : vector<1x10000x32xf32> to vector<10000x32xf32>
    %add3A = arith.addf %get3A_3, %get3A_8 : vector<10000x32xf32>
    %get3A_9 = arith.constant 0 : index
    %get3A_10 = arith.constant 0 : index
    %get3A_11 = vector.load %arg0[%get3A_9, %get3A_10] : memref<10000x32xf32, #tpu.memory_space<vmem>>, vector<10000x32xf32>
    %add3A_12 = arith.addf %get3A_11, %add3A : vector<10000x32xf32>
    %get3A_13 = arith.constant 0 : index
    %get3A_14 = arith.constant 0 : index
    %get3A_15 = vector.load %arg3[%get3A_13, %get3A_14] : memref<1x32xf32, #tpu.memory_space<vmem>>, vector<1x32xf32>
    %add3A_16 = vector.broadcast %get3A_15 : vector<1x32xf32> to vector<10000x32xf32>
    %add3A_17 = arith.addf %add3A_12, %add3A_16 : vector<10000x32xf32>
    %max3A = arith.constant 0.000000e+00 : f32
    %max3A_18 = vector.broadcast %max3A : f32 to vector<10000x32xf32>
    %max3A_19 = arith.maximumf %add3A_17, %max3A_18 : vector<10000x32xf32>
    %get3A_20 = arith.constant 0 : index
    %get3A_21 = arith.constant 0 : index
    %get3A_22 = vector.load %arg4[%get3A_20, %get3A_21] : memref<32x32xf32, #tpu.memory_space<vmem>>, vector<32x32xf32>
    %dot_general3A = arith.constant dense<0.000000e+00> : vector<10000x32xf32>
    %dot_general3A_23 = tpu.matmul %max3A_19, %get3A_22, %dot_general3A {dimension_numbers = #tpu.dot_dimension_numbers<[1], [0], [0], [1], [0, 0, 1, 1], [], []>, transpose_lhs_hint = false} : vector<10000x32xf32>, vector<32x32xf32>, vector<10000x32xf32> -> vector<10000x32xf32>
    %get3A_24 = arith.constant 0 : index
    %get3A_25 = arith.constant 0 : index
    %get3A_26 = vector.load %arg5[%get3A_24, %get3A_25] : memref<1x32xf32, #tpu.memory_space<vmem>>, vector<1x32xf32>
    %add3A_27 = vector.broadcast %get3A_26 : vector<1x32xf32> to vector<10000x32xf32>
    %add3A_28 = arith.addf %dot_general3A_23, %add3A_27 : vector<10000x32xf32>
    %get3A_29 = arith.constant 0 : index
    %get3A_30 = arith.constant 0 : index
    %get3A_31 = vector.load %arg6[%get3A_29, %get3A_30] : memref<1x32xf32, #tpu.memory_space<vmem>>, vector<1x32xf32>
    %mul3A = vector.broadcast %get3A_31 : vector<1x32xf32> to vector<10000x32xf32>
    %mul3A_32 = arith.mulf %add3A_28, %mul3A : vector<10000x32xf32>
    %get3A_33 = arith.constant 0 : index
    %get3A_34 = arith.constant 0 : index
    %get3A_35 = vector.load %arg7[%get3A_33, %get3A_34] : memref<1x32xf32, #tpu.memory_space<vmem>>, vector<1x32xf32>
    %add3A_36 = vector.broadcast %get3A_35 : vector<1x32xf32> to vector<10000x32xf32>
    %add3A_37 = arith.addf %mul3A_32, %add3A_36 : vector<10000x32xf32>
    %max3A_38 = arith.constant 0.000000e+00 : f32
    %max3A_39 = vector.broadcast %max3A_38 : f32 to vector<10000x32xf32>
    %max3A_40 = arith.maximumf %add3A_37, %max3A_39 : vector<10000x32xf32>
    %swap3A = arith.constant 0 : index
    %swap3A_41 = arith.constant 0 : index
    %swap3A_42 = vector.load %arg8[%swap3A, %swap3A_41] : memref<10000x32xf32, #tpu.memory_space<vmem>>, vector<10000x32xf32>
    tpu.vector_store %arg8[%swap3A, %swap3A_41], %max3A_40 {strides = array<i32>} : memref<10000x32xf32, #tpu.memory_space<vmem>>, vector<10000x32xf32>,
    return
  }
}

module attributes {stable_mosaic.version = 14 : i64} {
  func.func @_mlp2_pool_head_body(%arg0: memref<10000x32xf32, #tpu.memory_space<vmem>>, %arg1: memref<2x10240x32xf32, #tpu.memory_space<vmem>>, %arg2: memref<32x64xf32, #tpu.memory_space<vmem>>, %arg3: memref<1x64xf32, #tpu.memory_space<vmem>>, %arg4: memref<64x64xf32, #tpu.memory_space<vmem>>, %arg5: memref<1x64xf32, #tpu.memory_space<vmem>>, %arg6: memref<1x64xf32, #tpu.memory_space<vmem>>, %arg7: memref<1x64xf32, #tpu.memory_space<vmem>>, %arg8: memref<10000x1xi32, #tpu.memory_space<vmem>>, %arg9: memref<64x1xf32, #tpu.memory_space<vmem>>, %arg10: memref<1x1xf32, #tpu.memory_space<vmem>>, %arg11: memref<512x1xf32, #tpu.memory_space<vmem>>) attributes {dimension_semantics = [], scalar_prefetch = 0 : i64, scratch_operands = 0 : i64, tpu.core_type = #tpu.core_type<tc>} {
    %get3A = arith.constant 0 : index
    %get3A_0 = arith.constant 0 : index
    %get3A_1 = arith.constant 0 : index
    %get3A_2 = vector.load %arg1[%get3A, %get3A_0, %get3A_1] : memref<2x10240x32xf32, #tpu.memory_space<vmem>>, vector<1x10000x32xf32>
    %get3A_3 = vector.shape_cast %get3A_2 : vector<1x10000x32xf32> to vector<10000x32xf32>
    %get3A_4 = arith.constant 1 : index
    %get3A_5 = arith.constant 0 : index
    %get3A_6 = arith.constant 0 : index
    %get3A_7 = vector.load %arg1[%get3A_4, %get3A_5, %get3A_6] : memref<2x10240x32xf32, #tpu.memory_space<vmem>>, vector<1x10000x32xf32>
    %get3A_8 = vector.shape_cast %get3A_7 : vector<1x10000x32xf32> to vector<10000x32xf32>
    %add3A = arith.addf %get3A_3, %get3A_8 : vector<10000x32xf32>
    %get3A_9 = arith.constant 0 : index
    %get3A_10 = arith.constant 0 : index
    %get3A_11 = vector.load %arg0[%get3A_9, %get3A_10] : memref<10000x32xf32, #tpu.memory_space<vmem>>, vector<10000x32xf32>
    %add3A_12 = arith.addf %get3A_11, %add3A : vector<10000x32xf32>
    %get3A_13 = arith.constant 0 : index
    %get3A_14 = arith.constant 0 : index
    %get3A_15 = vector.load %arg2[%get3A_13, %get3A_14] : memref<32x64xf32, #tpu.memory_space<vmem>>, vector<32x64xf32>
    %dot_general3A = arith.constant dense<0.000000e+00> : vector<10000x64xf32>
    %dot_general3A_16 = tpu.matmul %add3A_12, %get3A_15, %dot_general3A {dimension_numbers = #tpu.dot_dimension_numbers<[1], [0], [0], [1], [0, 0, 1, 1], [], []>, transpose_lhs_hint = false} : vector<10000x32xf32>, vector<32x64xf32>, vector<10000x64xf32> -> vector<10000x64xf32>
    %get3A_17 = arith.constant 0 : index
    %get3A_18 = arith.constant 0 : index
    %get3A_19 = vector.load %arg3[%get3A_17, %get3A_18] : memref<1x64xf32, #tpu.memory_space<vmem>>, vector<1x64xf32>
    %add3A_20 = vector.broadcast %get3A_19 : vector<1x64xf32> to vector<10000x64xf32>
    %add3A_21 = arith.addf %dot_general3A_16, %add3A_20 : vector<10000x64xf32>
    %max3A = arith.constant 0.000000e+00 : f32
    %max3A_22 = vector.broadcast %max3A : f32 to vector<10000x64xf32>
    %max3A_23 = arith.maximumf %add3A_21, %max3A_22 : vector<10000x64xf32>
    %get3A_24 = arith.constant 0 : index
    %get3A_25 = arith.constant 0 : index
    %get3A_26 = vector.load %arg4[%get3A_24, %get3A_25] : memref<64x64xf32, #tpu.memory_space<vmem>>, vector<64x64xf32>
    %dot_general3A_27 = arith.constant dense<0.000000e+00> : vector<10000x64xf32>
    %dot_general3A_28 = tpu.matmul %max3A_23, %get3A_26, %dot_general3A_27 {dimension_numbers = #tpu.dot_dimension_numbers<[1], [0], [0], [1], [0, 0, 1, 1], [], []>, transpose_lhs_hint = false} : vector<10000x64xf32>, vector<64x64xf32>, vector<10000x64xf32> -> vector<10000x64xf32>
    %get3A_29 = arith.constant 0 : index
    %get3A_30 = arith.constant 0 : index
    %get3A_31 = vector.load %arg5[%get3A_29, %get3A_30] : memref<1x64xf32, #tpu.memory_space<vmem>>, vector<1x64xf32>
    %add3A_32 = vector.broadcast %get3A_31 : vector<1x64xf32> to vector<10000x64xf32>
    %add3A_33 = arith.addf %dot_general3A_28, %add3A_32 : vector<10000x64xf32>
    %get3A_34 = arith.constant 0 : index
    %get3A_35 = arith.constant 0 : index
    %get3A_36 = vector.load %arg6[%get3A_34, %get3A_35] : memref<1x64xf32, #tpu.memory_space<vmem>>, vector<1x64xf32>
    %mul3A = vector.broadcast %get3A_36 : vector<1x64xf32> to vector<10000x64xf32>
    %mul3A_37 = arith.mulf %add3A_33, %mul3A : vector<10000x64xf32>
    %get3A_38 = arith.constant 0 : index
    %get3A_39 = arith.constant 0 : index
    %get3A_40 = vector.load %arg7[%get3A_38, %get3A_39] : memref<1x64xf32, #tpu.memory_space<vmem>>, vector<1x64xf32>
    %add3A_41 = vector.broadcast %get3A_40 : vector<1x64xf32> to vector<10000x64xf32>
    %add3A_42 = arith.addf %mul3A_37, %add3A_41 : vector<10000x64xf32>
    %max3A_43 = arith.constant 0.000000e+00 : f32
    %max3A_44 = vector.broadcast %max3A_43 : f32 to vector<10000x64xf32>
    %max3A_45 = arith.maximumf %add3A_42, %max3A_44 : vector<10000x64xf32>
    %iota3A = tpu.iota {dimensions = array<i32: 1>} : vector<1x512xi32>
    %get3A_46 = arith.constant 0 : index
    %get3A_47 = arith.constant 0 : index
    %get3A_48 = vector.load %arg8[%get3A_46, %get3A_47] : memref<10000x1xi32, #tpu.memory_space<vmem>>, vector<10000x1xi32>
    %eq3A = vector.broadcast %get3A_48 : vector<10000x1xi32> to vector<10000x512xi32>
    %eq3A_49 = vector.broadcast %iota3A : vector<1x512xi32> to vector<10000x512xi32>
    %eq3A_50 = arith.cmpi eq, %eq3A, %eq3A_49 : vector<10000x512xi32>
    %convert_element_type3A = arith.extui %eq3A_50 : vector<10000x512xi1> to vector<10000x512xi32>
    %convert_element_type3A_51 = arith.sitofp %convert_element_type3A : vector<10000x512xi32> to vector<10000x512xf32>
    %dot_general3A_52 = arith.constant dense<0.000000e+00> : vector<512x64xf32>
    %dot_general3A_53 = tpu.matmul %convert_element_type3A_51, %max3A_45, %dot_general3A_52 {dimension_numbers = #tpu.dot_dimension_numbers<[0], [0], [1], [1], [0, 1, 1, 1], [], []>, transpose_lhs_hint = false} : vector<10000x512xf32>, vector<10000x64xf32>, vector<512x64xf32> -> vector<512x64xf32>
    %get3A_54 = arith.constant 0 : index
    %get3A_55 = arith.constant 0 : index
    %get3A_56 = vector.load %arg9[%get3A_54, %get3A_55] : memref<64x1xf32, #tpu.memory_space<vmem>>, vector<64x1xf32>
    %dot_general3A_57 = arith.constant dense<0.000000e+00> : vector<512x1xf32>
    %dot_general3A_58 = tpu.matmul %dot_general3A_53, %get3A_56, %dot_general3A_57 {dimension_numbers = #tpu.dot_dimension_numbers<[1], [0], [0], [1], [0, 0, 1, 1], [], []>, transpose_lhs_hint = false} : vector<512x64xf32>, vector<64x1xf32>, vector<512x1xf32> -> vector<512x1xf32>
    %get3A_59 = arith.constant 0 : index
    %get3A_60 = arith.constant 0 : index
    %get3A_61 = vector.load %arg10[%get3A_59, %get3A_60] : memref<1x1xf32, #tpu.memory_space<vmem>>, vector<1x1xf32>
    %add3A_62 = vector.broadcast %get3A_61 : vector<1x1xf32> to vector<512x1xf32>
    %add3A_63 = arith.addf %dot_general3A_58, %add3A_62 : vector<512x1xf32>
    %swap3A = arith.constant 0 : index
    %swap3A_64 = arith.constant 0 : index
    %swap3A_65 = vector.load %arg11[%swap3A, %swap3A_64] : memref<512x1xf32, #tpu.memory_space<vmem>>, vector<512x1xf32>
    tpu.vector_store %arg11[%swap3A, %swap3A_64], %add3A_63 {strides = array<i32>} : memref<512x1xf32, #tpu.memory_space<vmem>>, vector<512x1xf32>,
    return
  }
}

</mosaic_0001>

<sc_bundles>
// kernel: kernel.10.cloned.1.call-start
scs
__scs_entry_jumppad:
0x0: {  	(pc) =	sbr.rel $0x88, $3  }
0x1: {  	(tag) =	ssettag $0x0;
	lr =	simm.s32 $0x1  }
0x2: {  	[smem:$0x3F90] =	sst lr;
	_ =	strace $0xD0000000  }
0x3: {  	_ = 	snop  }
0x4: {  	_ = 	snop  }
0x5: {  	_ = 	snop  }
0x6: {  	_ = 	snop  }
0x7: {  	_ = 	snop  }
__scs_overlays_trampoline_lowered:
0x8: {  	[smem:$0x3F9F] =	sst s0  }
0x9: {  	[smem:$0x3FA0] =	sst s1  }
0xa: {  	[smem:$0x3FA1] =	sst s2  }
0xb: {  	[smem:$0x3FA2] =	sst s3  }
0xc: {  	[smem:$0x3FA3] =	sst s4  }
0xd: {  	[smem:$0x3FA4] =	sst s5  }
0xe: {  	[smem:$0x3FA5] =	sst s6  }
0xf: {  	[smem:$0x3FA6] =	sst s7  }
0x10: {  	[smem:$0x3FA7] =	sst s8  }
0x11: {  	[smem:$0x3FA8] =	sst s9;
	s0 =	simm.s32 @!p0 $0x0  }
0x12: {  	s1 =	sld [smem:$0x3F8E];
	s0 =	simm.s32 @p0 $0x1  }
0x13: {  	[smem:$0x3FA9] =	sst s0;
	s0 =	simm.s32 @!p1 $0x0  }
0x14: {  	s2 =	sld [smem:$0x3F8D];
	s0 =	simm.s32 @p1 $0x1  }
0x15: {  	[smem:$0x3FAA] =	sst s0;
	s0 =	simm.s32 @!p2 $0x0  }
0x16: {  	s3 =	sld [smem:$0x3FDB];
	s0 =	simm.s32 @p2 $0x1  }
0x17: {  	s4 =	simm.s32 $0x1BF5;
	[smem:$0x3FAC] =	sst s0  }
0x18: {  	s0 =	sld [smem:$0x3F8F];
	_ =	swait.ge [sflag:s4], $0x0  }
0x19: {  	s7 =	sld [smem:$0x3F90]  }
0x1a: {  	s8 =	sadd.s32 $0xFFFFE003, lr  }
0x1b: {  	s9 =	sadd.s32 $0xFFFFFEF7, lr;
	s5 =	simm.s32 $0xFFFFFFFF;
	p2 =	slt.u32 s8, $0xFFFFF086  }
0x1c: {  	p1 =	slt.u32 s9, $0xF7A;
	s5 =	simm.s32 @!p2 $0x0  }
0x1d: {  	s5 =	simm.s32 @p1 $0x1;
	p0 =	seq.s32 s7, s2  }
0x1e: {  	s7 =	smul.u32 @!p0 $0xF7A, s2;
	p2 =	seq.s32 @!p0 s5, $0x0  }
0x1f: {  	s9 =	smul.u32 $0xF7A, s1;
	s8 =	simm.s32 @!p0 $0x1BF5;
	p2 =	por !p2, p0  }
0x20: {  	[sflag:s8] =	ssyncset.s32 @!p0 $0xFFFFF086;
	s6 =	sadd.s32 @!p0 s3, s7;
	s7 =	simm.s32 @!p0 $0x108  }
0x21: {  	s3 =	sadd.s32 s3, s9;
	s6 =	sadd.s32 @!p0 $0x88, s6;
	s7 =	simm.s32 @p2 $0x1082  }
0x22: {  	[simem:s7], [sflag:s8] =	dma.local @!p0 [hbm:s6], $0xF7A  }
0x23: {  	s9 =	sor.u32 $0xD0000000, s2;
	s6 =	simm.s32 $0x108;
	_ =	swait.ge @!p0 [sflag:s8], $0x0  }
0x24: {  	s3 =	sadd.s32 $0x88, s3;
	s6 =	simm.s32 @!p1 $0x1082;
	[sflag:s4] =	ssyncset.s32 $0xFFFFF086  }
0x25: {  	[simem:s6], [sflag:s4] =	dma.local [hbm:s3], $0xF7A  }
0x26: {  	[smem:$0x3F90] =	sst s1;
	(tag) =	ssettag s2;
	_ =	strace s9  }
0x27: {  	s1 =	sld [smem:$0x3FA0]  }
0x28: {  	s2 =	sld [smem:$0x3FA1]  }
0x29: {  	s4 =	sld [smem:$0x3FA3]  }
0x2a: {  	p0 =	seq.s32 s5, $0x0;
	s5 =	sld [smem:$0x3FA4]  }
0x2b: {  	s6 =	sld [smem:$0x3FA5]  }
0x2c: {  	s7 =	sld [smem:$0x3FA6]  }
0x2d: {  	s3 =	simm.s32 $0x108;
	s8 =	sld [smem:$0x3FA7]  }
0x2e: {  	s3 =	simm.s32 @!p0 $0x1082;
	s9 =	sld [smem:$0x3FA8]  }
0x2f: {  	lr =	sadd.s32 s0, s3;
	s0 =	sld [smem:$0x3F9F]  }
0x30: {  	s3 =	sld [smem:$0x3FA2]  }
0x31: {  	[smem:$0x3FAB] =	sst s10  }
0x32: {  	s10 =	sld [smem:$0x3FA9];
	_ =	sdelay $0x3  }
0x33: {  	p0 =	seq.s32 s10, $0x1;
	s10 =	sld [smem:$0x3FAB];
	_ =	sdelay $0x3  }
0x34: {  	[smem:$0x3FAB] =	sst s10  }
0x35: {  	s10 =	sld [smem:$0x3FAA];
	_ =	sdelay $0x3  }
0x36: {  	p1 =	seq.s32 s10, $0x1;
	s10 =	sld [smem:$0x3FAB];
	_ =	sdelay $0x3  }
0x37: {  	[smem:$0x3FAB] =	sst s10  }
0x38: {  	s10 =	sld [smem:$0x3FAC]  }
0x39: {  	_ = 	snop;
	(pc) =	sbr.ind lr, $3  }
0x3a: {  	_ = 	snop  }
0x3b: {  	_ = 	snop  }
0x3c: {  	p2 =	seq.s32 s10, $0x1;
	s10 =	sld [smem:$0x3FAB]  }
0x3d: {  	_ =	shalt  }
0x3e: {  	_ =	shalt  }
0x3f: {  	_ =	shalt  }
0x40: {  	_ =	shalt  }
0x41: {  	_ =	shalt  }
0x42: {  	_ =	shalt  }
0x43: {  	_ =	shalt  }
0x44: {  	_ =	shalt  }
0x45: {  	_ =	shalt  }
0x46: {  	_ =	shalt  }
0x47: {  	_ =	shalt  }
0x48: {  	_ =	shalt  }
0x49: {  	_ =	shalt  }
0x4a: {  	_ =	shalt  }
0x4b: {  	_ =	shalt  }
0x4c: {  	_ =	shalt  }
0x4d: {  	_ =	shalt  }
0x4e: {  	_ =	shalt  }
0x4f: {  	_ =	shalt  }
0x50: {  	_ =	shalt  }
0x51: {  	_ =	shalt  }
0x52: {  	_ =	shalt  }
0x53: {  	_ =	shalt  }
0x54: {  	_ =	shalt  }
0x55: {  	_ =	shalt  }
0x56: {  	_ =	shalt  }
0x57: {  	_ =	shalt  }
0x58: {  	_ =	shalt  }
0x59: {  	_ =	shalt  }
0x5a: {  	_ =	shalt  }
0x5b: {  	_ =	shalt  }
0x5c: {  	_ =	shalt  }
0x5d: {  	_ =	shalt  }
0x5e: {  	_ =	shalt  }
0x5f: {  	_ =	shalt  }
0x60: {  	_ =	shalt  }
0x61: {  	_ =	shalt  }
0x62: {  	_ =	shalt  }
0x63: {  	_ =	shalt  }
0x64: {  	_ =	shalt  }
0x65: {  	_ =	shalt  }
0x66: {  	_ =	shalt  }
0x67: {  	_ =	shalt  }
0x68: {  	_ =	shalt  }
0x69: {  	_ =	shalt  }
0x6a: {  	_ =	shalt  }
0x6b: {  	_ =	shalt  }
0x6c: {  	_ =	shalt  }
0x6d: {  	_ =	shalt  }
0x6e: {  	_ =	shalt  }
0x6f: {  	_ =	shalt  }
0x70: {  	_ =	shalt  }
0x71: {  	_ =	shalt  }
0x72: {  	_ =	shalt  }
0x73: {  	_ =	shalt  }
0x74: {  	_ =	shalt  }
0x75: {  	_ =	shalt  }
0x76: {  	_ =	shalt  }
0x77: {  	_ =	shalt  }
0x78: {  	_ =	shalt  }
0x79: {  	_ =	shalt  }
0x7a: {  	_ =	shalt  }
0x7b: {  	_ =	shalt  }
0x7c: {  	_ =	shalt  }
0x7d: {  	_ =	shalt  }
0x7e: {  	_ =	shalt  }
0x7f: {  	_ =	shalt  }
0x80: {  	_ =	shalt  }
0x81: {  	_ =	shalt  }
0x82: {  	_ =	shalt  }
0x83: {  	_ =	shalt  }
0x84: {  	_ =	shalt  }
0x85: {  	_ =	shalt  }
0x86: {  	_ =	shalt  }
0x87: {  	_ =	shalt  }
.Lfunc_end0:
.L_simem_size_0:
called_computation.1_lowered:
.L_overlay_start_0:
0x88: {  	s2 =	sld [smem:$0x3FD9]  }
0x89: {  	s3 =	sld [smem:$0x3FFE];
	_ =	sdelay $0x1  }
0x8a: {  	s1 =	srdreg.scid  }
0x8b: {  	s0 =	sand.u32 $0x1, s1  }
0x8c: {  	s16 =	sshll.u32 s0, $0xA;
	s2 =	sadd.s32 s3, s2  }
0x8d: {  	s2 =	sadd.s32 s2, s16  }
0x8e: {  	[smem:$0x3FB7] =	sst s2  }
0x8f: {  	_ = 	snop  }
0x90: {  	(tm) =	ssettm $0x1  }
0x91: {  	s17 =	sld [smem:$0x3FFB];
	_ =	sdelay $0x3  }
0x92: {  	_ =	strace s17  }
0x93: {  	s2 =	sld [smem:$0x3FFC];
	_ =	sdelay $0x3  }
0x94: {  	_ =	strace s2  }
0x95: {  	s2 =	sld [smem:$0x3FFD];
	_ =	sdelay $0x3  }
0x96: {  	_ =	strace s2  }
0x97: {  	_ =	strace $0x8FFFFFFF  }
0x98: {  	s18 =	sld [smem:$0x3FDB];
	_ =	sdelay $0x1  }
0x99: {  	s19 =	simm.s32 $_scs_section_size  }
0x9a: {  	s4 =	simm.s32 $_size__tile_overlayer_lowered;
	s5 =	simm.s32 $_tile_overlayer_lowered  }
0x9b: {  	s22 =	simm.s32 $0x1BFF;
	s21 =	sshll.u32 s5, $0x1;
	s2 =	sadd.s32 s19, s18  }
0x9c: {  	s6 =	simm.s32 $0x0;
	s20 =	sshll.u32 s4, $0x1;
	s4 =	sadd.s32 s21, s2  }
0x9d: {  	[timem:s6], [sflag:s22] =	dma.local [hbm:s4], s20  }
0x9e: {  	_ =	swait.ge [sflag:s22], s20  }
0x9f: {  	s3 =	ssub.s32 $0x0, s20;
	[sflag:s22] =	ssyncset.done $0x0  }
0xa0: {  	[sflag:s22] =	ssyncadd.s32 s3;
	_ =	sdelay $0x1  }
0xa1: {  	s23 =	simm.s32 $0x1B8B  }
0xa2: {  	_ =	swait.ge [sflag:s23], $0x1  }
0xa3: {  	[sflag:s23] =	ssyncset.done $0x0  }
0xa4: {  	s25 =	simm.s32 $0x1B8E;
	s24 =	sld [smem:$0x3FFE];
	[sflag:s23] =	ssyncadd.s32 $0xFFFFFFFF  }
0xa5: {  	s26 =	simm.s32 $execute0_lowered;
	[smem:$0x3FD2] =	sst s25  }
0xa6: {  	s4 =	sshll.u32 s26, $0x1;
	_ =	strace $0x80000049;
	[dreg:$0x1] =	wrdreg $0xFFFFFFFF  }
0xa7: {  	s28 =	simm.s32 $_size_execute0_lowered;
	s2 =	sadd.s32 s2, s4;
	[dreg:$0x0] =	wrdreg $0x0  }
0xa8: {  	s4 =	sshll.u32 s28, $0x1;
	[dreg:$0x2] =	wrdreg s2  }
0xa9: {  	[dreg:$0x3] =	wrdreg s4  }
0xaa: {  	[dreg:$0x4] =	wrdreg $0xC0  }
0xab: {  	_ =	task [dreg:s6], $0x5FFFF  }
0xac: {  	[dreg:$0x1] =	wrdreg $0xFFFFFFFF  }
0xad: {  	[dreg:$0x0] =	wrdreg $0x60  }
0xae: {  	[dreg:$0x2] =	wrdreg s24  }
0xaf: {  	[dreg:$0x3] =	wrdreg $0xCF000  }
0xb0: {  	[dreg:$0x4] =	wrdreg $0x9  }
0xb1: {  	_ =	task.clear_ibuf [dreg:s6], $0x5FFFF;
	_ =	strace $0x90000049  }
0xb2: {  	s29 =	simm.s32 $0x9;
	_ =	strace $0x8000004B  }
0xb3: {  	_ =	swait.ge [sflag:s29], $0x1  }
0xb4: {  	[sflag:s29] =	ssyncadd.s32 $0xFFFFFFFF  }
0xb5: {  	_ =	strace $0x9000004B  }
0xb6: {  	_ =	sfence  }
0xb7: {  	s30 =	sld [smem:$0x0];
	_ =	sdelay $0x2  }
0xb8: {  	s31 =	sshll.u32 s1, $0xD;
	s1 =	sshrl.u32 s1, $0x2  }
0xb9: {  	s3 =	sand.u32 $0x4000, s31;
	s1 =	sadd.s32 s1, s30  }
0xba: {  	s0 =	sor.u32 s3, s0;
	s1 =	sshll.u32 s1, $0x11  }
0xbb: {  	s0 =	sor.u32 s1, s0  }
0xbc: {  	s0 =	sadd.s32 $0x8F2B, s0  }
0xbd: {  	[sflag:s0] =	ssyncadd.remote.s32 $0x1  }
0xbe: {  	_ =	sfence.sel $0xFFFF  }
0xbf: {  	[dreg:$0x0] =	wrdreg $0xFFFFFFFF;
	(pc) =	sbr.abs _section_cstart, $3  }
0xc0: {  	[dreg:$0x1] =	wrdreg $0xFFFFFFFF  }
0xc1: {  	_ =	task.clear_ibuf [dreg:s6], $0x2FFFF;
	_ =	strace $0x9FFFFFFF  }
0xc2: {  	(tm) =	ssettm $0x7FFFFFFF  }
0xc3: {  	_ =	shalt  }
tec
execute0_lowered:
.L_overlay_start_1:
0x0: {  	(tag) =	ssettag $0x1  }
0x1: {  	s0 =	srdreg.scid  }
0x2: {  	s1 =	rddreg [dreg:$0x0];
	s9 =	stileid.u32  }
0x3: {  	s2 =	rddreg [dreg:$0x1];
	s3 =	simm.s32 $0x0;
	s12 =	simm.s32 $0x9  }
0x4: {  	s14 =	simm.s32 $0x80;
	s15 =	simm.s32 $0x4F00;
	s16 =	simm.s32 $0x5F00  }
0x5: {  	s18 =	simm.s32 $0x6F00;
	s20 =	simm.s32 $0x7F00;
	s22 =	simm.s32 $0x8F00  }
0x6: {  	s24 =	simm.s32 $0x9F00;
	s29 =	simm.s32 $0xBF00;
	s30 =	simm.s32 $0x1  }
0x7: {  	s31 =	simm.s32 $0x2;
	s13 =	simm.s32 $0x5;
	s17 =	simm.s32 $0x6  }
0x8: {  	s19 =	simm.s32 $0x7;
	s21 =	simm.s32 $0x8;
	s5 =	smul.u32 $0x2780, s9  }
0x9: {  	s0 =	sand.u32 $0x1, s0;
	s6 =	smul.u32 $0x5000, s9;
	[smem:$0x7FF] =	sst s3  }
0xa: {  	s25 =	sadd.s32 $0x1F200, s1;
	s28 =	sshll.u32 s9, $0x6;
	s4 =	smul.u32 $0x27800, s0  }
0xb: {  	s7 =	smul.u32 $0x50000, s0;
	_ =	strace $0x8000004A;
	s0 =	ssub.s32 $0x2, s0  }
0xc: {  	[dreg:$0x3] =	wrdreg s25;
	s25 =	simm.s32 $0x0;
	s26 =	sshrl.u32 s0, $0x1  }
0xd: {  	s11 =	sadd.s32 s6, s2;
	s5 =	sadd.s32 s5, s4;
	s4 =	sadd.s32 $0x1800, s1  }
0xe: {  	s7 =	sadd.s32 s6, s7;
	s0 =	ssub.s32 s0, s26;
	s6 =	sor.u32 $0x1C09, s28  }
0xf: {  	s11 =	sshrl.u32 s11, $0x3;
	s26 =	simm.s32 $0xAF00;
	s5 =	sshrl.u32 s5, $0x3  }
0x10: {  	s7 =	sshrl.u32 s7, $0x3;
	s10 =	smax.u32 s0, $0x1;
	s8 =	sadd.s32 s5, s1  }
0x11: {  	s0 =	simm.s32 $0x4;
	s1 =	sadd.s32 s7, s1;
	s7 =	sadd.s32 $0xB600, s8  }
0x12: {  	s8 =	sadd.s32 $0x15400, s8;
	s9 =	sadd.s32 $0x1FC00, s1;
	s1 =	simm.s32 $0x3  }
.LBB2_1:
0x13: {  	s5 =	rddreg [dreg:$0x3]  }
0x14: {  	[spmem:s11], [sflag:s6] =	dma.local [hbm:s5], $0xA00  }
0x15: {  	_ =	swait.ge [sflag:s12], $0xA00  }
0x16: {  	[sflag:s12] =	ssyncset.done $0x0  }
0x17: {  	[sflag:s12] =	ssyncadd.s32 $0xFFFFF600  }
0x18: {  	[tilespmem:s3], [sflag:$0x9] =	stream.linear.gather [hbm4b:s7+s3], $0x2780, $0x38;
	[tilespmem:$0x11F00] =	vst v63  }
0x19: {  	_ =	swait.ge [sflag:s12], $0x2780  }
0x1a: {  	[sflag:s12] =	ssyncset.done $0x0  }
0x1b: {  	s23 =	simm.s32 $0x2780;
	[sflag:s12] =	ssyncadd.s32 $0xFFFFD880  }
0x1c: {  	[tilespmem:s23], [sflag:$0x9] =	stream.linear.gather [hbm4b:s8+s3], $0x2780, $0x38;
	[tilespmem:$0x11F00] =	vst v63  }
0x1d: {  	_ =	swait.ge [sflag:s12], $0x2780  }
0x1e: {  	[sflag:s12] =	ssyncset.done $0x0  }
0x1f: {  	[sflag:s12] =	ssyncadd.s32 $0xFFFFD880  }
0x20: {  	[bflag:$0x0] =	sbarrier.arrive $0xFFFF  }
0x21: {  	[tilespmem:s15], [sflag:$0x1] =	stream.indirect.gather [hbm4b:s4+s14], $0x20, s3, s14, $0xb8;
	[tilespmem:$0x11F00] =	vst v63  }
0x22: {  	_ = 	snop  }
0x23: {  	[tilespmem:s16], [sflag:$0x2] =	stream.indirect.gather [hbm4b:s4+s14], $0x20, s14, s14, $0xb8;
	[tilespmem:$0x11F00] =	vst v63  }
0x24: {  	s23 =	simm.s32 $0x100  }
0x25: {  	[tilespmem:s18], [sflag:$0x3] =	stream.indirect.gather [hbm4b:s4+s14], $0x20, s23, s14, $0xb8;
	[tilespmem:$0x11F00] =	vst v63  }
0x26: {  	s23 =	simm.s32 $0x180  }
0x27: {  	[tilespmem:s20], [sflag:$0x4] =	stream.indirect.gather [hbm4b:s4+s14], $0x20, s23, s14, $0xb8;
	[tilespmem:$0x11F00] =	vst v63  }
0x28: {  	s23 =	simm.s32 $0x200  }
0x29: {  	[tilespmem:s22], [sflag:$0x5] =	stream.indirect.gather [hbm4b:s4+s14], $0x20, s23, s14, $0xb8;
	[tilespmem:$0x11F00] =	vst v63  }
0x2a: {  	s23 =	simm.s32 $0x280  }
0x2b: {  	[tilespmem:s24], [sflag:$0x6] =	stream.indirect.gather [hbm4b:s4+s14], $0x20, s23, s14, $0xb8;
	[tilespmem:$0x11F00] =	vst v63  }
0x2c: {  	s23 =	simm.s32 $0x300  }
0x2d: {  	[tilespmem:s26], [sflag:$0x7] =	stream.indirect.gather [hbm4b:s4+s14], $0x20, s23, s14, $0xb8;
	[tilespmem:$0x11F00] =	vst v63  }
0x2e: {  	s23 =	simm.s32 $0x380  }
0x2f: {  	[tilespmem:s29], [sflag:$0x8] =	stream.indirect.gather [hbm4b:s4+s14], $0x20, s23, s14, $0xb8;
	[tilespmem:$0x11F00] =	vst v63  }
0x30: {  	_ =	swait.ge [sflag:s30], $0x1000  }
0x31: {  	[sflag:s30] =	ssyncset.done $0x0  }
0x32: {  	s23 =	simm.s32 $0x2780;
	[sflag:s30] =	ssyncadd.s32 $0xFFFFF000  }
0x33: {  	[spmem:s2] =	stream.indirect.scatter.add.f32 [tilespmem:s15], [sflag:$0x9], $0x20, s23, s14, $0xb8;
	[tilespmem:$0x11F00] =	vst v63  }
0x34: {  	_ =	swait.ge [sflag:s12], $0x1000  }
0x35: {  	[sflag:s12] =	ssyncset.done $0x0  }
0x36: {  	s5 =	simm.s32 $0x400;
	[sflag:s12] =	ssyncadd.s32 $0xFFFFF000  }
0x37: {  	[tilespmem:s15], [sflag:$0x1] =	stream.indirect.gather [hbm4b:s4+s14], $0x20, s5, s14, $0xb8;
	[tilespmem:$0x11F00] =	vst v63  }
0x38: {  	_ =	swait.ge [sflag:s31], $0x1000  }
0x39: {  	[sflag:s31] =	ssyncset.done $0x0  }
0x3a: {  	s5 =	simm.s32 $0x2800;
	[sflag:s31] =	ssyncadd.s32 $0xFFFFF000  }
0x3b: {  	[spmem:s2] =	stream.indirect.scatter.add.f32 [tilespmem:s16], [sflag:$0x9], $0x20, s5, s14, $0xb8;
	[tilespmem:$0x11F00] =	vst v63  }
0x3c: {  	_ =	swait.ge [sflag:s12], $0x1000  }
0x3d: {  	[sflag:s12] =	ssyncset.done $0x0  }
0x3e: {  	s5 =	simm.s32 $0x480;
	[sflag:s12] =	ssyncadd.s32 $0xFFFFF000  }
0x3f: {  	[tilespmem:s16], [sflag:$0x2] =	stream.indirect.gather [hbm4b:s4+s14], $0x20, s5, s14, $0xb8;
	[tilespmem:$0x11F00] =	vst v63  }
0x40: {  	_ =	swait.ge [sflag:s1], $0x1000  }
0x41: {  	[sflag:s1] =	ssyncset.done $0x0  }
0x42: {  	s5 =	simm.s32 $0x2880;
	[sflag:s1] =	ssyncadd.s32 $0xFFFFF000  }
0x43: {  	[spmem:s2] =	stream.indirect.scatter.add.f32 [tilespmem:s18], [sflag:$0x9], $0x20, s5, s14, $0xb8;
	[tilespmem:$0x11F00] =	vst v63  }
0x44: {  	_ =	swait.ge [sflag:s12], $0x1000  }
0x45: {  	[sflag:s12] =	ssyncset.done $0x0  }
0x46: {  	s5 =	simm.s32 $0x500;
	[sflag:s12] =	ssyncadd.s32 $0xFFFFF000  }
0x47: {  	[tilespmem:s18], [sflag:$0x3] =	stream.indirect.gather [hbm4b:s4+s14], $0x20, s5, s14, $0xb8;
	[tilespmem:$0x11F00] =	vst v63  }
0x48: {  	_ =	swait.ge [sflag:s0], $0x1000  }
0x49: {  	[sflag:s0] =	ssyncset.done $0x0  }
0x4a: {  	s5 =	simm.s32 $0x2900;
	[sflag:s0] =	ssyncadd.s32 $0xFFFFF000  }
0x4b: {  	[spmem:s2] =	stream.indirect.scatter.add.f32 [tilespmem:s20], [sflag:$0x9], $0x20, s5, s14, $0xb8;
	[tilespmem:$0x11F00] =	vst v63  }
0x4c: {  	_ =	swait.ge [sflag:s12], $0x1000  }
0x4d: {  	[sflag:s12] =	ssyncset.done $0x0  }
0x4e: {  	s5 =	simm.s32 $0x580;
	[sflag:s12] =	ssyncadd.s32 $0xFFFFF000  }
0x4f: {  	[tilespmem:s20], [sflag:$0x4] =	stream.indirect.gather [hbm4b:s4+s14], $0x20, s5, s14, $0xb8;
	[tilespmem:$0x11F00] =	vst v63  }
0x50: {  	_ =	swait.ge [sflag:s13], $0x1000  }
0x51: {  	[sflag:s13] =	ssyncset.done $0x0  }
0x52: {  	s5 =	simm.s32 $0x2980;
	[sflag:s13] =	ssyncadd.s32 $0xFFFFF000  }
0x53: {  	[spmem:s2] =	stream.indirect.scatter.add.f32 [tilespmem:s22], [sflag:$0x9], $0x20, s5, s14, $0xb8;
	[tilespmem:$0x11F00] =	vst v63  }
0x54: {  	_ =	swait.ge [sflag:s12], $0x1000  }
0x55: {  	[sflag:s12] =	ssyncset.done $0x0  }
0x56: {  	s5 =	simm.s32 $0x600;
	[sflag:s12] =	ssyncadd.s32 $0xFFFFF000  }
0x57: {  	[tilespmem:s22], [sflag:$0x5] =	stream.indirect.gather [hbm4b:s4+s14], $0x20, s5, s14, $0xb8;
	[tilespmem:$0x11F00] =	vst v63  }
0x58: {  	_ =	swait.ge [sflag:s17], $0x1000  }
0x59: {  	[sflag:s17] =	ssyncset.done $0x0  }
0x5a: {  	s5 =	simm.s32 $0x2A00;
	[sflag:s17] =	ssyncadd.s32 $0xFFFFF000  }
0x5b: {  	[spmem:s2] =	stream.indirect.scatter.add.f32 [tilespmem:s24], [sflag:$0x9], $0x20, s5, s14, $0xb8;
	[tilespmem:$0x11F00] =	vst v63  }
0x5c: {  	_ =	swait.ge [sflag:s12], $0x1000  }
0x5d: {  	[sflag:s12] =	ssyncset.done $0x0  }
0x5e: {  	s5 =	simm.s32 $0x680;
	[sflag:s12] =	ssyncadd.s32 $0xFFFFF000  }
0x5f: {  	[tilespmem:s24], [sflag:$0x6] =	stream.indirect.gather [hbm4b:s4+s14], $0x20, s5, s14, $0xb8;
	[tilespmem:$0x11F00] =	vst v63  }
0x60: {  	_ =	swait.ge [sflag:s19], $0x1000  }
0x61: {  	[sflag:s19] =	ssyncset.done $0x0  }
0x62: {  	s5 =	simm.s32 $0x2A80;
	[sflag:s19] =	ssyncadd.s32 $0xFFFFF000  }
0x63: {  	[spmem:s2] =	stream.indirect.scatter.add.f32 [tilespmem:s26], [sflag:$0x9], $0x20, s5, s14, $0xb8;
	[tilespmem:$0x11F00] =	vst v63  }
0x64: {  	_ =	swait.ge [sflag:s12], $0x1000  }
0x65: {  	[sflag:s12] =	ssyncset.done $0x0  }
0x66: {  	s5 =	simm.s32 $0x700;
	[sflag:s12] =	ssyncadd.s32 $0xFFFFF000  }
0x67: {  	[tilespmem:s26], [sflag:$0x7] =	stream.indirect.gather [hbm4b:s4+s14], $0x20, s5, s14, $0xb8;
	[tilespmem:$0x11F00] =	vst v63  }
0x68: {  	_ =	swait.ge [sflag:s21], $0x1000  }
0x69: {  	[sflag:s21] =	ssyncset.done $0x0  }
0x6a: {  	s5 =	simm.s32 $0x2B00;
	[sflag:s21] =	ssyncadd.s32 $0xFFFFF000  }
0x6b: {  	[spmem:s2] =	stream.indirect.scatter.add.f32 [tilespmem:s29], [sflag:$0x9], $0x20, s5, s14, $0xb8;
	[tilespmem:$0x11F00] =	vst v63  }
0x6c: {  	_ =	swait.ge [sflag:s12], $0x1000  }
0x6d: {  	[sflag:s12] =	ssyncset.done $0x0  }
0x6e: {  	s28 =	simm.s32 $0x1000;
	s23 =	simm.s32 $0x780;
	[sflag:s12] =	ssyncadd.s32 $0xFFFFF000  }
.LBB2_2:
0x6f: {  	[tilespmem:s29], [sflag:$0x8] =	stream.indirect.gather [hbm4b:s4+s14], $0x20, s23, s14, $0xb8;
	[tilespmem:$0x11F00] =	vst v63  }
0x70: {  	s23 =	smov.u32 s28  }
0x71: {  	p0 =	sne.s32 s28, $0x7000;
	s28 =	sadd.s32 $0x1000, s28;
	_ =	swait.ge [sflag:s30], $0x1000  }
0x72: {  	s23 =	sshra.s32 s23, $0x2;
	[sflag:s30] =	ssyncset.done $0x0  }
0x73: {  	s5 =	sadd.s32 $0x2780, s23;
	[sflag:s30] =	ssyncadd.s32 $0xFFFFF000  }
0x74: {  	[spmem:s2] =	stream.indirect.scatter.add.f32 [tilespmem:s15], [sflag:$0x9], $0x20, s5, s14, $0xb8;
	[tilespmem:$0x11F00] =	vst v63  }
0x75: {  	_ =	swait.ge [sflag:s12], $0x1000  }
0x76: {  	[sflag:s12] =	ssyncset.done $0x0  }
0x77: {  	s5 =	sadd.s32 $0x400, s23;
	[sflag:s12] =	ssyncadd.s32 $0xFFFFF000  }
0x78: {  	[tilespmem:s15], [sflag:$0x1] =	stream.indirect.gather [hbm4b:s4+s14], $0x20, s5, s14, $0xb8;
	[tilespmem:$0x11F00] =	vst v63  }
0x79: {  	_ =	swait.ge [sflag:s31], $0x1000  }
0x7a: {  	[sflag:s31] =	ssyncset.done $0x0  }
0x7b: {  	s5 =	sadd.s32 $0x2800, s23;
	[sflag:s31] =	ssyncadd.s32 $0xFFFFF000  }
0x7c: {  	[spmem:s2] =	stream.indirect.scatter.add.f32 [tilespmem:s16], [sflag:$0x9], $0x20, s5, s14, $0xb8;
	[tilespmem:$0x11F00] =	vst v63  }
0x7d: {  	_ =	swait.ge [sflag:s12], $0x1000  }
0x7e: {  	[sflag:s12] =	ssyncset.done $0x0  }
0x7f: {  	s5 =	sadd.s32 $0x480, s23;
	[sflag:s12] =	ssyncadd.s32 $0xFFFFF000  }
0x80: {  	[tilespmem:s16], [sflag:$0x2] =	stream.indirect.gather [hbm4b:s4+s14], $0x20, s5, s14, $0xb8;
	[tilespmem:$0x11F00] =	vst v63  }
0x81: {  	_ =	swait.ge [sflag:s1], $0x1000  }
0x82: {  	[sflag:s1] =	ssyncset.done $0x0  }
0x83: {  	s5 =	sadd.s32 $0x2880, s23;
	[sflag:s1] =	ssyncadd.s32 $0xFFFFF000  }
0x84: {  	[spmem:s2] =	stream.indirect.scatter.add.f32 [tilespmem:s18], [sflag:$0x9], $0x20, s5, s14, $0xb8;
	[tilespmem:$0x11F00] =	vst v63  }
0x85: {  	_ =	swait.ge [sflag:s12], $0x1000  }
0x86: {  	[sflag:s12] =	ssyncset.done $0x0  }
0x87: {  	s5 =	sadd.s32 $0x500, s23;
	[sflag:s12] =	ssyncadd.s32 $0xFFFFF000  }
0x88: {  	[tilespmem:s18], [sflag:$0x3] =	stream.indirect.gather [hbm4b:s4+s14], $0x20, s5, s14, $0xb8;
	[tilespmem:$0x11F00] =	vst v63  }
0x89: {  	_ =	swait.ge [sflag:s0], $0x1000  }
0x8a: {  	[sflag:s0] =	ssyncset.done $0x0  }
0x8b: {  	s5 =	sadd.s32 $0x2900, s23;
	[sflag:s0] =	ssyncadd.s32 $0xFFFFF000  }
0x8c: {  	[spmem:s2] =	stream.indirect.scatter.add.f32 [tilespmem:s20], [sflag:$0x9], $0x20, s5, s14, $0xb8;
	[tilespmem:$0x11F00] =	vst v63  }
0x8d: {  	_ =	swait.ge [sflag:s12], $0x1000  }
0x8e: {  	[sflag:s12] =	ssyncset.done $0x0  }
0x8f: {  	s5 =	sadd.s32 $0x580, s23;
	[sflag:s12] =	ssyncadd.s32 $0xFFFFF000  }
0x90: {  	[tilespmem:s20], [sflag:$0x4] =	stream.indirect.gather [hbm4b:s4+s14], $0x20, s5, s14, $0xb8;
	[tilespmem:$0x11F00] =	vst v63  }
0x91: {  	_ =	swait.ge [sflag:s13], $0x1000  }
0x92: {  	[sflag:s13] =	ssyncset.done $0x0  }
0x93: {  	s5 =	sadd.s32 $0x2980, s23;
	[sflag:s13] =	ssyncadd.s32 $0xFFFFF000  }
0x94: {  	[spmem:s2] =	stream.indirect.scatter.add.f32 [tilespmem:s22], [sflag:$0x9], $0x20, s5, s14, $0xb8;
	[tilespmem:$0x11F00] =	vst v63  }
0x95: {  	_ =	swait.ge [sflag:s12], $0x1000  }
0x96: {  	[sflag:s12] =	ssyncset.done $0x0  }
0x97: {  	s5 =	sadd.s32 $0x600, s23;
	[sflag:s12] =	ssyncadd.s32 $0xFFFFF000  }
0x98: {  	[tilespmem:s22], [sflag:$0x5] =	stream.indirect.gather [hbm4b:s4+s14], $0x20, s5, s14, $0xb8;
	[tilespmem:$0x11F00] =	vst v63  }
0x99: {  	_ =	swait.ge [sflag:s17], $0x1000  }
0x9a: {  	[sflag:s17] =	ssyncset.done $0x0  }
0x9b: {  	s5 =	sadd.s32 $0x2A00, s23;
	[sflag:s17] =	ssyncadd.s32 $0xFFFFF000  }
0x9c: {  	[spmem:s2] =	stream.indirect.scatter.add.f32 [tilespmem:s24], [sflag:$0x9], $0x20, s5, s14, $0xb8;
	[tilespmem:$0x11F00] =	vst v63  }
0x9d: {  	_ =	swait.ge [sflag:s12], $0x1000  }
0x9e: {  	[sflag:s12] =	ssyncset.done $0x0  }
0x9f: {  	s5 =	sadd.s32 $0x680, s23;
	[sflag:s12] =	ssyncadd.s32 $0xFFFFF000  }
0xa0: {  	[tilespmem:s24], [sflag:$0x6] =	stream.indirect.gather [hbm4b:s4+s14], $0x20, s5, s14, $0xb8;
	[tilespmem:$0x11F00] =	vst v63  }
0xa1: {  	_ =	swait.ge [sflag:s19], $0x1000  }
0xa2: {  	[sflag:s19] =	ssyncset.done $0x0  }
0xa3: {  	s5 =	sadd.s32 $0x2A80, s23;
	[sflag:s19] =	ssyncadd.s32 $0xFFFFF000  }
0xa4: {  	[spmem:s2] =	stream.indirect.scatter.add.f32 [tilespmem:s26], [sflag:$0x9], $0x20, s5, s14, $0xb8;
	[tilespmem:$0x11F00] =	vst v63  }
0xa5: {  	_ =	swait.ge [sflag:s12], $0x1000  }
0xa6: {  	[sflag:s12] =	ssyncset.done $0x0  }
0xa7: {  	s5 =	sadd.s32 $0x700, s23;
	[sflag:s12] =	ssyncadd.s32 $0xFFFFF000  }
0xa8: {  	[tilespmem:s26], [sflag:$0x7] =	stream.indirect.gather [hbm4b:s4+s14], $0x20, s5, s14, $0xb8;
	[tilespmem:$0x11F00] =	vst v63  }
0xa9: {  	_ =	swait.ge [sflag:s21], $0x1000  }
0xaa: {  	[sflag:s21] =	ssyncset.done $0x0  }
.Ltmp0:
0xab: {  	s5 =	sadd.s32 $0x2B00, s23;
	[sflag:s21] =	ssyncadd.s32 $0xFFFFF000;
	(pc) =	sbr.rel @p0 .LBB2_2-.Ltmp0, $4  }
0xac: {  	[spmem:s2] =	stream.indirect.scatter.add.f32 [tilespmem:s29], [sflag:$0x9], $0x20, s5, s14, $0xb8;
	[tilespmem:$0x11F00] =	vst v63  }
0xad: {  	_ =	swait.ge [sflag:s12], $0x1000  }
0xae: {  	[sflag:s12] =	ssyncset.done $0x0  }
0xaf: {  	s23 =	sadd.s32 $0x780, s23;
	[sflag:s12] =	ssyncadd.s32 $0xFFFFF000  }
0xb0: {  	[tilespmem:s29], [sflag:$0x8] =	stream.indirect.gather [hbm4b:s4+s14], $0x20, s23, s14, $0xb8;
	[tilespmem:$0x11F00] =	vst v63  }
0xb1: {  	_ =	swait.ge [sflag:s30], $0x1000  }
0xb2: {  	[sflag:s30] =	ssyncset.done $0x0  }
0xb3: {  	s5 =	simm.s32 $0x4780;
	[sflag:s30] =	ssyncadd.s32 $0xFFFFF000  }
0xb4: {  	[spmem:s2] =	stream.indirect.scatter.add.f32 [tilespmem:s15], [sflag:$0x9], $0x20, s5, s14, $0xb8;
	[tilespmem:$0x11F00] =	vst v63  }
0xb5: {  	_ =	swait.ge [sflag:s12], $0x1000  }
0xb6: {  	[sflag:s12] =	ssyncset.done $0x0  }
0xb7: {  	s28 =	simm.s32 $0x2400;
	[sflag:s12] =	ssyncadd.s32 $0xFFFFF000  }
0xb8: {  	[tilespmem:s15], [sflag:$0x1] =	stream.indirect.gather [hbm4b:s4+s14], $0x20, s28, s14, $0xb8;
	[tilespmem:$0x11F00] =	vst v63  }
0xb9: {  	_ =	swait.ge [sflag:s31], $0x1000  }
0xba: {  	[sflag:s31] =	ssyncset.done $0x0  }
0xbb: {  	s23 =	simm.s32 $0x4800;
	[sflag:s31] =	ssyncadd.s32 $0xFFFFF000  }
0xbc: {  	[spmem:s2] =	stream.indirect.scatter.add.f32 [tilespmem:s16], [sflag:$0x9], $0x20, s23, s14, $0xb8;
	[tilespmem:$0x11F00] =	vst v63  }
0xbd: {  	_ =	swait.ge [sflag:s12], $0x1000  }
0xbe: {  	[sflag:s12] =	ssyncset.done $0x0  }
0xbf: {  	s28 =	simm.s32 $0x2480;
	[sflag:s12] =	ssyncadd.s32 $0xFFFFF000  }
0xc0: {  	[tilespmem:s16], [sflag:$0x2] =	stream.indirect.gather [hbm4b:s4+s14], $0x20, s28, s14, $0xb8;
	[tilespmem:$0x11F00] =	vst v63  }
0xc1: {  	_ =	swait.ge [sflag:s1], $0x1000  }
0xc2: {  	[sflag:s1] =	ssyncset.done $0x0  }
0xc3: {  	s23 =	simm.s32 $0x4880;
	[sflag:s1] =	ssyncadd.s32 $0xFFFFF000  }
0xc4: {  	[spmem:s2] =	stream.indirect.scatter.add.f32 [tilespmem:s18], [sflag:$0x9], $0x20, s23, s14, $0xb8;
	[tilespmem:$0x11F00] =	vst v63  }
0xc5: {  	_ =	swait.ge [sflag:s12], $0x1000  }
0xc6: {  	[sflag:s12] =	ssyncset.done $0x0  }
0xc7: {  	s28 =	simm.s32 $0x2500;
	[sflag:s12] =	ssyncadd.s32 $0xFFFFF000  }
0xc8: {  	[tilespmem:s18], [sflag:$0x3] =	stream.indirect.gather [hbm4b:s4+s14], $0x20, s28, s14, $0xb8;
	[tilespmem:$0x11F00] =	vst v63  }
0xc9: {  	_ =	swait.ge [sflag:s0], $0x1000  }
0xca: {  	[sflag:s0] =	ssyncset.done $0x0  }
0xcb: {  	s23 =	simm.s32 $0x4900;
	[sflag:s0] =	ssyncadd.s32 $0xFFFFF000  }
0xcc: {  	[spmem:s2] =	stream.indirect.scatter.add.f32 [tilespmem:s20], [sflag:$0x9], $0x20, s23, s14, $0xb8;
	[tilespmem:$0x11F00] =	vst v63  }
0xcd: {  	_ =	swait.ge [sflag:s12], $0x1000  }
0xce: {  	[sflag:s12] =	ssyncset.done $0x0  }
0xcf: {  	s28 =	simm.s32 $0x2580;
	[sflag:s12] =	ssyncadd.s32 $0xFFFFF000  }
0xd0: {  	[tilespmem:s20], [sflag:$0x4] =	stream.indirect.gather [hbm4b:s4+s14], $0x20, s28, s14, $0xb8;
	[tilespmem:$0x11F00] =	vst v63  }
0xd1: {  	_ =	swait.ge [sflag:s13], $0x1000  }
0xd2: {  	[sflag:s13] =	ssyncset.done $0x0  }
0xd3: {  	s23 =	simm.s32 $0x4980;
	[sflag:s13] =	ssyncadd.s32 $0xFFFFF000  }
0xd4: {  	[spmem:s2] =	stream.indirect.scatter.add.f32 [tilespmem:s22], [sflag:$0x9], $0x20, s23, s14, $0xb8;
	[tilespmem:$0x11F00] =	vst v63  }
0xd5: {  	_ =	swait.ge [sflag:s12], $0x1000  }
0xd6: {  	[sflag:s12] =	ssyncset.done $0x0  }
0xd7: {  	s28 =	simm.s32 $0x2600;
	[sflag:s12] =	ssyncadd.s32 $0xFFFFF000  }
0xd8: {  	[tilespmem:s22], [sflag:$0x5] =	stream.indirect.gather [hbm4b:s4+s14], $0x20, s28, s14, $0xb8;
	[tilespmem:$0x11F00] =	vst v63  }
0xd9: {  	_ =	swait.ge [sflag:s17], $0x1000  }
0xda: {  	[sflag:s17] =	ssyncset.done $0x0  }
0xdb: {  	s23 =	simm.s32 $0x4A00;
	[sflag:s17] =	ssyncadd.s32 $0xFFFFF000  }
0xdc: {  	[spmem:s2] =	stream.indirect.scatter.add.f32 [tilespmem:s24], [sflag:$0x9], $0x20, s23, s14, $0xb8;
	[tilespmem:$0x11F00] =	vst v63  }
0xdd: {  	_ =	swait.ge [sflag:s12], $0x1000  }
0xde: {  	[sflag:s12] =	ssyncset.done $0x0  }
0xdf: {  	s28 =	simm.s32 $0x2680;
	[sflag:s12] =	ssyncadd.s32 $0xFFFFF000  }
0xe0: {  	[tilespmem:s24], [sflag:$0x6] =	stream.indirect.gather [hbm4b:s4+s14], $0x20, s28, s14, $0xb8;
	[tilespmem:$0x11F00] =	vst v63  }
0xe1: {  	_ =	swait.ge [sflag:s19], $0x1000  }
0xe2: {  	[sflag:s19] =	ssyncset.done $0x0  }
0xe3: {  	s23 =	simm.s32 $0x4A80;
	[sflag:s19] =	ssyncadd.s32 $0xFFFFF000  }
0xe4: {  	[spmem:s2] =	stream.indirect.scatter.add.f32 [tilespmem:s26], [sflag:$0x9], $0x20, s23, s14, $0xb8;
	[tilespmem:$0x11F00] =	vst v63  }
0xe5: {  	_ =	swait.ge [sflag:s12], $0x1000  }
0xe6: {  	[sflag:s12] =	ssyncset.done $0x0  }
0xe7: {  	s28 =	simm.s32 $0x2700;
	[sflag:s12] =	ssyncadd.s32 $0xFFFFF000  }
0xe8: {  	[tilespmem:s26], [sflag:$0x7] =	stream.indirect.gather [hbm4b:s4+s14], $0x20, s28, s14, $0xb8;
	[tilespmem:$0x11F00] =	vst v63  }
0xe9: {  	_ =	swait.ge [sflag:s21], $0x1000  }
0xea: {  	[sflag:s21] =	ssyncset.done $0x0  }
0xeb: {  	s23 =	simm.s32 $0x4B00;
	[sflag:s21] =	ssyncadd.s32 $0xFFFFF000  }
0xec: {  	[spmem:s2] =	stream.indirect.scatter.add.f32 [tilespmem:s29], [sflag:$0x9], $0x20, s23, s14, $0xb8;
	[tilespmem:$0x11F00] =	vst v63  }
0xed: {  	_ =	swait.ge [sflag:s12], $0x1000  }
0xee: {  	[sflag:s12] =	ssyncset.done $0x0  }
0xef: {  	[sflag:s12] =	ssyncadd.s32 $0xFFFFF000  }
0xf0: {  	_ =	swait.ge [sflag:s30], $0x1000  }
0xf1: {  	[sflag:s30] =	ssyncset.done $0x0  }
0xf2: {  	s28 =	simm.s32 $0x4B80;
	[sflag:s30] =	ssyncadd.s32 $0xFFFFF000  }
0xf3: {  	[spmem:s2] =	stream.indirect.scatter.add.f32 [tilespmem:s15], [sflag:$0x9], $0x20, s28, s14, $0xb8;
	[tilespmem:$0x11F00] =	vst v63  }
0xf4: {  	_ =	swait.ge [sflag:s12], $0x1000  }
0xf5: {  	[sflag:s12] =	ssyncset.done $0x0  }
0xf6: {  	[sflag:s12] =	ssyncadd.s32 $0xFFFFF000  }
0xf7: {  	_ =	swait.ge [sflag:s31], $0x1000  }
0xf8: {  	[sflag:s31] =	ssyncset.done $0x0  }
0xf9: {  	s23 =	simm.s32 $0x4C00;
	[sflag:s31] =	ssyncadd.s32 $0xFFFFF000  }
0xfa: {  	[spmem:s2] =	stream.indirect.scatter.add.f32 [tilespmem:s16], [sflag:$0x9], $0x20, s23, s14, $0xb8;
	[tilespmem:$0x11F00] =	vst v63  }
0xfb: {  	_ =	swait.ge [sflag:s12], $0x1000  }
0xfc: {  	[sflag:s12] =	ssyncset.done $0x0  }
0xfd: {  	[sflag:s12] =	ssyncadd.s32 $0xFFFFF000  }
0xfe: {  	_ =	swait.ge [sflag:s1], $0x1000  }
0xff: {  	[sflag:s1] =	ssyncset.done $0x0  }
0x100: {  	s28 =	simm.s32 $0x4C80;
	[sflag:s1] =	ssyncadd.s32 $0xFFFFF000  }
0x101: {  	[spmem:s2] =	stream.indirect.scatter.add.f32 [tilespmem:s18], [sflag:$0x9], $0x20, s28, s14, $0xb8;
	[tilespmem:$0x11F00] =	vst v63  }
0x102: {  	_ =	swait.ge [sflag:s12], $0x1000  }
0x103: {  	[sflag:s12] =	ssyncset.done $0x0  }
0x104: {  	[sflag:s12] =	ssyncadd.s32 $0xFFFFF000  }
0x105: {  	_ =	swait.ge [sflag:s0], $0x1000  }
0x106: {  	[sflag:s0] =	ssyncset.done $0x0  }
0x107: {  	s23 =	simm.s32 $0x4D00;
	[sflag:s0] =	ssyncadd.s32 $0xFFFFF000  }
0x108: {  	[spmem:s2] =	stream.indirect.scatter.add.f32 [tilespmem:s20], [sflag:$0x9], $0x20, s23, s14, $0xb8;
	[tilespmem:$0x11F00] =	vst v63  }
0x109: {  	_ =	swait.ge [sflag:s12], $0x1000  }
0x10a: {  	[sflag:s12] =	ssyncset.done $0x0  }
0x10b: {  	[sflag:s12] =	ssyncadd.s32 $0xFFFFF000  }
0x10c: {  	_ =	swait.ge [sflag:s13], $0x1000  }
0x10d: {  	[sflag:s13] =	ssyncset.done $0x0  }
0x10e: {  	s28 =	simm.s32 $0x4D80;
	[sflag:s13] =	ssyncadd.s32 $0xFFFFF000  }
0x10f: {  	[spmem:s2] =	stream.indirect.scatter.add.f32 [tilespmem:s22], [sflag:$0x9], $0x20, s28, s14, $0xb8;
	[tilespmem:$0x11F00] =	vst v63  }
0x110: {  	_ =	swait.ge [sflag:s12], $0x1000  }
0x111: {  	[sflag:s12] =	ssyncset.done $0x0  }
0x112: {  	[sflag:s12] =	ssyncadd.s32 $0xFFFFF000  }
0x113: {  	_ =	swait.ge [sflag:s17], $0x1000  }
0x114: {  	[sflag:s17] =	ssyncset.done $0x0  }
0x115: {  	s23 =	simm.s32 $0x4E00;
	[sflag:s17] =	ssyncadd.s32 $0xFFFFF000  }
0x116: {  	[spmem:s2] =	stream.indirect.scatter.add.f32 [tilespmem:s24], [sflag:$0x9], $0x20, s23, s14, $0xb8;
	[tilespmem:$0x11F00] =	vst v63  }
0x117: {  	_ =	swait.ge [sflag:s12], $0x1000  }
0x118: {  	[sflag:s12] =	ssyncset.done $0x0  }
0x119: {  	[sflag:s12] =	ssyncadd.s32 $0xFFFFF000  }
0x11a: {  	_ =	swait.ge [sflag:s19], $0x1000  }
0x11b: {  	[sflag:s19] =	ssyncset.done $0x0  }
0x11c: {  	s28 =	simm.s32 $0x4E80;
	[sflag:s19] =	ssyncadd.s32 $0xFFFFF000  }
0x11d: {  	[spmem:s2] =	stream.indirect.scatter.add.f32 [tilespmem:s26], [sflag:$0x9], $0x20, s28, s14, $0xb8;
	[tilespmem:$0x11F00] =	vst v63  }
0x11e: {  	_ =	swait.ge [sflag:s12], $0x1000  }
0x11f: {  	s25 =	sadd.s32 $0x1, s25;
	[sflag:s12] =	ssyncset.done $0x0  }
0x120: {  	p0 =	sne.s32 s25, s10;
	[sflag:s12] =	ssyncadd.s32 $0xFFFFF000  }
.Ltmp1:
0x121: {  	[bflag:$0x0] =	sbarrier.arrive $0xFFFF;
	(pc) =	sbr.rel @p0 .LBB2_1-.Ltmp1, $4  }
0x122: {  	[hbm:s9], [sflag:s6] =	dma.local [spmem:s11], $0xA00  }
0x123: {  	_ =	swait.ge [sflag:s12], $0xA00  }
0x124: {  	[sflag:s12] =	ssyncset.done $0x0  }
0x125: {  	[sflag:s12] =	ssyncadd.s32 $0xFFFFF600  }
0x126: {  	_ =	sfence.sel $0x180000  }
0x127: {  	[bflag:$0x0] =	sbarrier.arrive $0xFFFF  }
0x128: {  	_ =	strace $0x9000004A  }
0x129: {  	s0 =	stileid.u32;
	[bflag:$0x2] =	sbarrier.arrive $0xFFFF  }
0x12a: {  	p0 =	sne.s32 s0, $0x0;
	s0 =	rddreg [dreg:$0x2]  }
0x12b: {  	s0 =	sadd.s32 @!p0 $0x100000, s0  }
0x12c: {  	[sflag:s0] =	ssyncadd.tile.s32 @!p0 $0x1;
	_ =	shalt  }
.Lfunc_end2:
_tile_overlayer_lowered:
.L_overlay_start_2:
0x12d: {  	(tag) =	ssettag $0x2  }
0x12e: {  	s0 =	rddreg [dreg:$0x0];
	s2 =	stileid.u32  }
0x12f: {  	s1 =	rddreg [dreg:$0x1];
	p0 =	sne.s32 s2, $0x0  }
0x130: {  	s3 =	rddreg [dreg:$0x2];
	[bflag:$0x3] =	sbarrier.arrive $0xFFFF;
	s2 =	simm.s32 @!p0 $0x1C09  }
0x131: {  	[timem:s3], [sflag:s2] =	dma.local @!p0 [hbm:s0], s1  }
0x132: {  	s0 =	simm.s32 @!p0 $0x9  }
0x133: {  	_ =	swait.ge @!p0 [sflag:s0], s1  }
0x134: {  	s1 =	ssub.s32 @!p0 $0x0, s1;
	[sflag:s0] =	ssyncset.done @!p0 $0x0  }
0x135: {  	[sflag:s0] =	ssyncadd.s32 @!p0 s1  }
0x136: {  	[bflag:$0x3] =	sbarrier.arrive $0xFFFF  }
0x137: {  	_ =	shalt  }

// kernel: kernel.7.cloned.1.call-start
scs
__scs_entry_jumppad:
0x0: {  	(pc) =	sbr.rel $0x88, $3  }
0x1: {  	(tag) =	ssettag $0x0;
	lr =	simm.s32 $0x1  }
0x2: {  	[smem:$0x3F90] =	sst lr;
	_ =	strace $0xD0000000  }
0x3: {  	_ = 	snop  }
0x4: {  	_ = 	snop  }
0x5: {  	_ = 	snop  }
0x6: {  	_ = 	snop  }
0x7: {  	_ = 	snop  }
__scs_overlays_trampoline_lowered:
0x8: {  	[smem:$0x3F9F] =	sst s0  }
0x9: {  	[smem:$0x3FA0] =	sst s1  }
0xa: {  	[smem:$0x3FA1] =	sst s2  }
0xb: {  	[smem:$0x3FA2] =	sst s3  }
0xc: {  	[smem:$0x3FA3] =	sst s4  }
0xd: {  	[smem:$0x3FA4] =	sst s5  }
0xe: {  	[smem:$0x3FA5] =	sst s6  }
0xf: {  	[smem:$0x3FA6] =	sst s7  }
0x10: {  	[smem:$0x3FA7] =	sst s8  }
0x11: {  	[smem:$0x3FA8] =	sst s9;
	s0 =	simm.s32 @!p0 $0x0  }
0x12: {  	s1 =	sld [smem:$0x3F8E];
	s0 =	simm.s32 @p0 $0x1  }
0x13: {  	[smem:$0x3FA9] =	sst s0;
	s0 =	simm.s32 @!p1 $0x0  }
0x14: {  	s2 =	sld [smem:$0x3F8D];
	s0 =	simm.s32 @p1 $0x1  }
0x15: {  	[smem:$0x3FAA] =	sst s0;
	s0 =	simm.s32 @!p2 $0x0  }
0x16: {  	s3 =	sld [smem:$0x3FDB];
	s0 =	simm.s32 @p2 $0x1  }
0x17: {  	s4 =	simm.s32 $0x1BF5;
	[smem:$0x3FAC] =	sst s0  }
0x18: {  	s0 =	sld [smem:$0x3F8F];
	_ =	swait.ge [sflag:s4], $0x0  }
0x19: {  	s7 =	sld [smem:$0x3F90]  }
0x1a: {  	s8 =	sadd.s32 $0xFFFFE003, lr  }
0x1b: {  	s9 =	sadd.s32 $0xFFFFFEF7, lr;
	s5 =	simm.s32 $0xFFFFFFFF;
	p2 =	slt.u32 s8, $0xFFFFF086  }
0x1c: {  	p1 =	slt.u32 s9, $0xF7A;
	s5 =	simm.s32 @!p2 $0x0  }
0x1d: {  	s5 =	simm.s32 @p1 $0x1;
	p0 =	seq.s32 s7, s2  }
0x1e: {  	s7 =	smul.u32 @!p0 $0xF7A, s2;
	p2 =	seq.s32 @!p0 s5, $0x0  }
0x1f: {  	s9 =	smul.u32 $0xF7A, s1;
	s8 =	simm.s32 @!p0 $0x1BF5;
	p2 =	por !p2, p0  }
0x20: {  	[sflag:s8] =	ssyncset.s32 @!p0 $0xFFFFF086;
	s6 =	sadd.s32 @!p0 s3, s7;
	s7 =	simm.s32 @!p0 $0x108  }
0x21: {  	s3 =	sadd.s32 s3, s9;
	s6 =	sadd.s32 @!p0 $0x88, s6;
	s7 =	simm.s32 @p2 $0x1082  }
0x22: {  	[simem:s7], [sflag:s8] =	dma.local @!p0 [hbm:s6], $0xF7A  }
0x23: {  	s9 =	sor.u32 $0xD0000000, s2;
	s6 =	simm.s32 $0x108;
	_ =	swait.ge @!p0 [sflag:s8], $0x0  }
0x24: {  	s3 =	sadd.s32 $0x88, s3;
	s6 =	simm.s32 @!p1 $0x1082;
	[sflag:s4] =	ssyncset.s32 $0xFFFFF086  }
0x25: {  	[simem:s6], [sflag:s4] =	dma.local [hbm:s3], $0xF7A  }
0x26: {  	[smem:$0x3F90] =	sst s1;
	(tag) =	ssettag s2;
	_ =	strace s9  }
0x27: {  	s1 =	sld [smem:$0x3FA0]  }
0x28: {  	s2 =	sld [smem:$0x3FA1]  }
0x29: {  	s4 =	sld [smem:$0x3FA3]  }
0x2a: {  	p0 =	seq.s32 s5, $0x0;
	s5 =	sld [smem:$0x3FA4]  }
0x2b: {  	s6 =	sld [smem:$0x3FA5]  }
0x2c: {  	s7 =	sld [smem:$0x3FA6]  }
0x2d: {  	s3 =	simm.s32 $0x108;
	s8 =	sld [smem:$0x3FA7]  }
0x2e: {  	s3 =	simm.s32 @!p0 $0x1082;
	s9 =	sld [smem:$0x3FA8]  }
0x2f: {  	lr =	sadd.s32 s0, s3;
	s0 =	sld [smem:$0x3F9F]  }
0x30: {  	s3 =	sld [smem:$0x3FA2]  }
0x31: {  	[smem:$0x3FAB] =	sst s10  }
0x32: {  	s10 =	sld [smem:$0x3FA9];
	_ =	sdelay $0x3  }
0x33: {  	p0 =	seq.s32 s10, $0x1;
	s10 =	sld [smem:$0x3FAB];
	_ =	sdelay $0x3  }
0x34: {  	[smem:$0x3FAB] =	sst s10  }
0x35: {  	s10 =	sld [smem:$0x3FAA];
	_ =	sdelay $0x3  }
0x36: {  	p1 =	seq.s32 s10, $0x1;
	s10 =	sld [smem:$0x3FAB];
	_ =	sdelay $0x3  }
0x37: {  	[smem:$0x3FAB] =	sst s10  }
0x38: {  	s10 =	sld [smem:$0x3FAC]  }
0x39: {  	_ = 	snop;
	(pc) =	sbr.ind lr, $3  }
0x3a: {  	_ = 	snop  }
0x3b: {  	_ = 	snop  }
0x3c: {  	p2 =	seq.s32 s10, $0x1;
	s10 =	sld [smem:$0x3FAB]  }
0x3d: {  	_ =	shalt  }
0x3e: {  	_ =	shalt  }
0x3f: {  	_ =	shalt  }
0x40: {  	_ =	shalt  }
0x41: {  	_ =	shalt  }
0x42: {  	_ =	shalt  }
0x43: {  	_ =	shalt  }
0x44: {  	_ =	shalt  }
0x45: {  	_ =	shalt  }
0x46: {  	_ =	shalt  }
0x47: {  	_ =	shalt  }
0x48: {  	_ =	shalt  }
0x49: {  	_ =	shalt  }
0x4a: {  	_ =	shalt  }
0x4b: {  	_ =	shalt  }
0x4c: {  	_ =	shalt  }
0x4d: {  	_ =	shalt  }
0x4e: {  	_ =	shalt  }
0x4f: {  	_ =	shalt  }
0x50: {  	_ =	shalt  }
0x51: {  	_ =	shalt  }
0x52: {  	_ =	shalt  }
0x53: {  	_ =	shalt  }
0x54: {  	_ =	shalt  }
0x55: {  	_ =	shalt  }
0x56: {  	_ =	shalt  }
0x57: {  	_ =	shalt  }
0x58: {  	_ =	shalt  }
0x59: {  	_ =	shalt  }
0x5a: {  	_ =	shalt  }
0x5b: {  	_ =	shalt  }
0x5c: {  	_ =	shalt  }
0x5d: {  	_ =	shalt  }
0x5e: {  	_ =	shalt  }
0x5f: {  	_ =	shalt  }
0x60: {  	_ =	shalt  }
0x61: {  	_ =	shalt  }
0x62: {  	_ =	shalt  }
0x63: {  	_ =	shalt  }
0x64: {  	_ =	shalt  }
0x65: {  	_ =	shalt  }
0x66: {  	_ =	shalt  }
0x67: {  	_ =	shalt  }
0x68: {  	_ =	shalt  }
0x69: {  	_ =	shalt  }
0x6a: {  	_ =	shalt  }
0x6b: {  	_ =	shalt  }
0x6c: {  	_ =	shalt  }
0x6d: {  	_ =	shalt  }
0x6e: {  	_ =	shalt  }
0x6f: {  	_ =	shalt  }
0x70: {  	_ =	shalt  }
0x71: {  	_ =	shalt  }
0x72: {  	_ =	shalt  }
0x73: {  	_ =	shalt  }
0x74: {  	_ =	shalt  }
0x75: {  	_ =	shalt  }
0x76: {  	_ =	shalt  }
0x77: {  	_ =	shalt  }
0x78: {  	_ =	shalt  }
0x79: {  	_ =	shalt  }
0x7a: {  	_ =	shalt  }
0x7b: {  	_ =	shalt  }
0x7c: {  	_ =	shalt  }
0x7d: {  	_ =	shalt  }
0x7e: {  	_ =	shalt  }
0x7f: {  	_ =	shalt  }
0x80: {  	_ =	shalt  }
0x81: {  	_ =	shalt  }
0x82: {  	_ =	shalt  }
0x83: {  	_ =	shalt  }
0x84: {  	_ =	shalt  }
0x85: {  	_ =	shalt  }
0x86: {  	_ =	shalt  }
0x87: {  	_ =	shalt  }
.Lfunc_end0:
.L_simem_size_0:
called_computation_lowered:
.L_overlay_start_0:
0x88: {  	s2 =	sld [smem:$0x3FD9]  }
0x89: {  	s3 =	sld [smem:$0x3FFE];
	_ =	sdelay $0x1  }
0x8a: {  	s1 =	srdreg.scid  }
0x8b: {  	s0 =	sand.u32 $0x1, s1  }
0x8c: {  	s16 =	sshll.u32 s0, $0xA;
	s2 =	sadd.s32 s3, s2  }
0x8d: {  	s2 =	sadd.s32 s2, s16  }
0x8e: {  	[smem:$0x3FB7] =	sst s2  }
0x8f: {  	_ = 	snop  }
0x90: {  	(tm) =	ssettm $0x1  }
0x91: {  	s17 =	sld [smem:$0x3FFB];
	_ =	sdelay $0x3  }
0x92: {  	_ =	strace s17  }
0x93: {  	s2 =	sld [smem:$0x3FFC];
	_ =	sdelay $0x3  }
0x94: {  	_ =	strace s2  }
0x95: {  	s2 =	sld [smem:$0x3FFD];
	_ =	sdelay $0x3  }
0x96: {  	_ =	strace s2  }
0x97: {  	_ =	strace $0x8FFFFFFF  }
0x98: {  	s18 =	sld [smem:$0x3FDB];
	_ =	sdelay $0x1  }
0x99: {  	s19 =	simm.s32 $_scs_section_size  }
0x9a: {  	s4 =	simm.s32 $_size__tile_overlayer_lowered;
	s5 =	simm.s32 $_tile_overlayer_lowered  }
0x9b: {  	s22 =	simm.s32 $0x1BFF;
	s21 =	sshll.u32 s5, $0x1;
	s2 =	sadd.s32 s19, s18  }
0x9c: {  	s6 =	simm.s32 $0x0;
	s20 =	sshll.u32 s4, $0x1;
	s4 =	sadd.s32 s21, s2  }
0x9d: {  	[timem:s6], [sflag:s22] =	dma.local [hbm:s4], s20  }
0x9e: {  	_ =	swait.ge [sflag:s22], s20  }
0x9f: {  	s3 =	ssub.s32 $0x0, s20;
	[sflag:s22] =	ssyncset.done $0x0  }
0xa0: {  	[sflag:s22] =	ssyncadd.s32 s3;
	_ =	sdelay $0x1  }
0xa1: {  	s23 =	simm.s32 $0x1B8B  }
0xa2: {  	_ =	swait.ge [sflag:s23], $0x1  }
0xa3: {  	[sflag:s23] =	ssyncset.done $0x0  }
0xa4: {  	s25 =	simm.s32 $0x1B8E;
	s24 =	sld [smem:$0x3FFE];
	[sflag:s23] =	ssyncadd.s32 $0xFFFFFFFF  }
0xa5: {  	s26 =	simm.s32 $execute0_lowered;
	[smem:$0x3FD2] =	sst s25  }
0xa6: {  	s4 =	sshll.u32 s26, $0x1;
	_ =	strace $0x80000046;
	[dreg:$0x1] =	wrdreg $0xFFFFFFFF  }
0xa7: {  	s28 =	simm.s32 $_size_execute0_lowered;
	s2 =	sadd.s32 s2, s4;
	[dreg:$0x0] =	wrdreg $0x0  }
0xa8: {  	s4 =	sshll.u32 s28, $0x1;
	[dreg:$0x2] =	wrdreg s2  }
0xa9: {  	[dreg:$0x3] =	wrdreg s4  }
0xaa: {  	[dreg:$0x4] =	wrdreg $0xC0  }
0xab: {  	_ =	task [dreg:s6], $0x5FFFF  }
0xac: {  	[dreg:$0x1] =	wrdreg $0xFFFFFFFF  }
0xad: {  	[dreg:$0x0] =	wrdreg $0x60  }
0xae: {  	[dreg:$0x2] =	wrdreg s24  }
0xaf: {  	[dreg:$0x3] =	wrdreg $0xCF000  }
0xb0: {  	[dreg:$0x4] =	wrdreg $0x9  }
0xb1: {  	_ =	task.clear_ibuf [dreg:s6], $0x5FFFF;
	_ =	strace $0x90000046  }
0xb2: {  	s29 =	simm.s32 $0x9;
	_ =	strace $0x80000048  }
0xb3: {  	_ =	swait.ge [sflag:s29], $0x1  }
0xb4: {  	[sflag:s29] =	ssyncadd.s32 $0xFFFFFFFF  }
0xb5: {  	_ =	strace $0x90000048  }
0xb6: {  	_ =	sfence  }
0xb7: {  	s30 =	sld [smem:$0x0];
	_ =	sdelay $0x2  }
0xb8: {  	s31 =	sshll.u32 s1, $0xD;
	s1 =	sshrl.u32 s1, $0x2  }
0xb9: {  	s3 =	sand.u32 $0x4000, s31;
	s1 =	sadd.s32 s1, s30  }
0xba: {  	s0 =	sor.u32 s3, s0;
	s1 =	sshll.u32 s1, $0x11  }
0xbb: {  	s0 =	sor.u32 s1, s0  }
0xbc: {  	s0 =	sadd.s32 $0x8F2B, s0  }
0xbd: {  	[sflag:s0] =	ssyncadd.remote.s32 $0x1  }
0xbe: {  	_ =	sfence.sel $0xFFFF  }
0xbf: {  	[dreg:$0x0] =	wrdreg $0xFFFFFFFF;
	(pc) =	sbr.abs _section_cstart, $3  }
0xc0: {  	[dreg:$0x1] =	wrdreg $0xFFFFFFFF  }
0xc1: {  	_ =	task.clear_ibuf [dreg:s6], $0x2FFFF;
	_ =	strace $0x9FFFFFFF  }
0xc2: {  	(tm) =	ssettm $0x7FFFFFFF  }
0xc3: {  	_ =	shalt  }
tec
execute0_lowered:
.L_overlay_start_1:
0x0: {  	(tag) =	ssettag $0x1  }
0x1: {  	s0 =	srdreg.scid  }
0x2: {  	s1 =	rddreg [dreg:$0x0];
	s9 =	stileid.u32  }
0x3: {  	s2 =	rddreg [dreg:$0x1];
	s3 =	simm.s32 $0x0;
	s12 =	simm.s32 $0x9  }
0x4: {  	s14 =	simm.s32 $0x80;
	s15 =	simm.s32 $0x4F00;
	s16 =	simm.s32 $0x5F00  }
0x5: {  	s18 =	simm.s32 $0x6F00;
	s20 =	simm.s32 $0x7F00;
	s22 =	simm.s32 $0x8F00  }
0x6: {  	s24 =	simm.s32 $0x9F00;
	s29 =	simm.s32 $0xBF00;
	s30 =	simm.s32 $0x1  }
0x7: {  	s31 =	simm.s32 $0x2;
	s13 =	simm.s32 $0x5;
	s17 =	simm.s32 $0x6  }
0x8: {  	s19 =	simm.s32 $0x7;
	s21 =	simm.s32 $0x8;
	s5 =	smul.u32 $0x2780, s9  }
0x9: {  	s0 =	sand.u32 $0x1, s0;
	s6 =	smul.u32 $0x5000, s9;
	[smem:$0x7FF] =	sst s3  }
0xa: {  	s25 =	sadd.s32 $0x1F200, s1;
	s28 =	sshll.u32 s9, $0x6;
	s4 =	smul.u32 $0x27800, s0  }
0xb: {  	s7 =	smul.u32 $0x50000, s0;
	_ =	strace $0x80000047;
	s0 =	ssub.s32 $0x2, s0  }
0xc: {  	[dreg:$0x3] =	wrdreg s25;
	s25 =	simm.s32 $0x0;
	s26 =	sshrl.u32 s0, $0x1  }
0xd: {  	s11 =	sadd.s32 s6, s2;
	s5 =	sadd.s32 s5, s4;
	s4 =	sadd.s32 $0x1800, s1  }
0xe: {  	s7 =	sadd.s32 s6, s7;
	s0 =	ssub.s32 s0, s26;
	s6 =	sor.u32 $0x1C09, s28  }
0xf: {  	s11 =	sshrl.u32 s11, $0x3;
	s26 =	simm.s32 $0xAF00;
	s5 =	sshrl.u32 s5, $0x3  }
0x10: {  	s7 =	sshrl.u32 s7, $0x3;
	s10 =	smax.u32 s0, $0x1;
	s8 =	sadd.s32 s5, s1  }
0x11: {  	s0 =	simm.s32 $0x4;
	s1 =	sadd.s32 s7, s1;
	s7 =	sadd.s32 $0xB600, s8  }
0x12: {  	s8 =	sadd.s32 $0x15400, s8;
	s9 =	sadd.s32 $0x1FC00, s1;
	s1 =	simm.s32 $0x3  }
.LBB2_1:
0x13: {  	s5 =	rddreg [dreg:$0x3]  }
0x14: {  	[spmem:s11], [sflag:s6] =	dma.local [hbm:s5], $0xA00  }
0x15: {  	_ =	swait.ge [sflag:s12], $0xA00  }
0x16: {  	[sflag:s12] =	ssyncset.done $0x0  }
0x17: {  	[sflag:s12] =	ssyncadd.s32 $0xFFFFF600  }
0x18: {  	[tilespmem:s3], [sflag:$0x9] =	stream.linear.gather [hbm4b:s7+s3], $0x2780, $0x38;
	[tilespmem:$0x11F00] =	vst v63  }
0x19: {  	_ =	swait.ge [sflag:s12], $0x2780  }
0x1a: {  	[sflag:s12] =	ssyncset.done $0x0  }
0x1b: {  	s23 =	simm.s32 $0x2780;
	[sflag:s12] =	ssyncadd.s32 $0xFFFFD880  }
0x1c: {  	[tilespmem:s23], [sflag:$0x9] =	stream.linear.gather [hbm4b:s8+s3], $0x2780, $0x38;
	[tilespmem:$0x11F00] =	vst v63  }
0x1d: {  	_ =	swait.ge [sflag:s12], $0x2780  }
0x1e: {  	[sflag:s12] =	ssyncset.done $0x0  }
0x1f: {  	[sflag:s12] =	ssyncadd.s32 $0xFFFFD880  }
0x20: {  	[bflag:$0x0] =	sbarrier.arrive $0xFFFF  }
0x21: {  	[tilespmem:s15], [sflag:$0x1] =	stream.indirect.gather [hbm4b:s4+s14], $0x20, s3, s14, $0xb8;
	[tilespmem:$0x11F00] =	vst v63  }
0x22: {  	_ = 	snop  }
0x23: {  	[tilespmem:s16], [sflag:$0x2] =	stream.indirect.gather [hbm4b:s4+s14], $0x20, s14, s14, $0xb8;
	[tilespmem:$0x11F00] =	vst v63  }
0x24: {  	s23 =	simm.s32 $0x100  }
0x25: {  	[tilespmem:s18], [sflag:$0x3] =	stream.indirect.gather [hbm4b:s4+s14], $0x20, s23, s14, $0xb8;
	[tilespmem:$0x11F00] =	vst v63  }
0x26: {  	s23 =	simm.s32 $0x180  }
0x27: {  	[tilespmem:s20], [sflag:$0x4] =	stream.indirect.gather [hbm4b:s4+s14], $0x20, s23, s14, $0xb8;
	[tilespmem:$0x11F00] =	vst v63  }
0x28: {  	s23 =	simm.s32 $0x200  }
0x29: {  	[tilespmem:s22], [sflag:$0x5] =	stream.indirect.gather [hbm4b:s4+s14], $0x20, s23, s14, $0xb8;
	[tilespmem:$0x11F00] =	vst v63  }
0x2a: {  	s23 =	simm.s32 $0x280  }
0x2b: {  	[tilespmem:s24], [sflag:$0x6] =	stream.indirect.gather [hbm4b:s4+s14], $0x20, s23, s14, $0xb8;
	[tilespmem:$0x11F00] =	vst v63  }
0x2c: {  	s23 =	simm.s32 $0x300  }
0x2d: {  	[tilespmem:s26], [sflag:$0x7] =	stream.indirect.gather [hbm4b:s4+s14], $0x20, s23, s14, $0xb8;
	[tilespmem:$0x11F00] =	vst v63  }
0x2e: {  	s23 =	simm.s32 $0x380  }
0x2f: {  	[tilespmem:s29], [sflag:$0x8] =	stream.indirect.gather [hbm4b:s4+s14], $0x20, s23, s14, $0xb8;
	[tilespmem:$0x11F00] =	vst v63  }
0x30: {  	_ =	swait.ge [sflag:s30], $0x1000  }
0x31: {  	[sflag:s30] =	ssyncset.done $0x0  }
0x32: {  	s23 =	simm.s32 $0x2780;
	[sflag:s30] =	ssyncadd.s32 $0xFFFFF000  }
0x33: {  	[spmem:s2] =	stream.indirect.scatter.add.f32 [tilespmem:s15], [sflag:$0x9], $0x20, s23, s14, $0xb8;
	[tilespmem:$0x11F00] =	vst v63  }
0x34: {  	_ =	swait.ge [sflag:s12], $0x1000  }
0x35: {  	[sflag:s12] =	ssyncset.done $0x0  }
0x36: {  	s5 =	simm.s32 $0x400;
	[sflag:s12] =	ssyncadd.s32 $0xFFFFF000  }
0x37: {  	[tilespmem:s15], [sflag:$0x1] =	stream.indirect.gather [hbm4b:s4+s14], $0x20, s5, s14, $0xb8;
	[tilespmem:$0x11F00] =	vst v63  }
0x38: {  	_ =	swait.ge [sflag:s31], $0x1000  }
0x39: {  	[sflag:s31] =	ssyncset.done $0x0  }
0x3a: {  	s5 =	simm.s32 $0x2800;
	[sflag:s31] =	ssyncadd.s32 $0xFFFFF000  }
0x3b: {  	[spmem:s2] =	stream.indirect.scatter.add.f32 [tilespmem:s16], [sflag:$0x9], $0x20, s5, s14, $0xb8;
	[tilespmem:$0x11F00] =	vst v63  }
0x3c: {  	_ =	swait.ge [sflag:s12], $0x1000  }
0x3d: {  	[sflag:s12] =	ssyncset.done $0x0  }
0x3e: {  	s5 =	simm.s32 $0x480;
	[sflag:s12] =	ssyncadd.s32 $0xFFFFF000  }
0x3f: {  	[tilespmem:s16], [sflag:$0x2] =	stream.indirect.gather [hbm4b:s4+s14], $0x20, s5, s14, $0xb8;
	[tilespmem:$0x11F00] =	vst v63  }
0x40: {  	_ =	swait.ge [sflag:s1], $0x1000  }
0x41: {  	[sflag:s1] =	ssyncset.done $0x0  }
0x42: {  	s5 =	simm.s32 $0x2880;
	[sflag:s1] =	ssyncadd.s32 $0xFFFFF000  }
0x43: {  	[spmem:s2] =	stream.indirect.scatter.add.f32 [tilespmem:s18], [sflag:$0x9], $0x20, s5, s14, $0xb8;
	[tilespmem:$0x11F00] =	vst v63  }
0x44: {  	_ =	swait.ge [sflag:s12], $0x1000  }
0x45: {  	[sflag:s12] =	ssyncset.done $0x0  }
0x46: {  	s5 =	simm.s32 $0x500;
	[sflag:s12] =	ssyncadd.s32 $0xFFFFF000  }
0x47: {  	[tilespmem:s18], [sflag:$0x3] =	stream.indirect.gather [hbm4b:s4+s14], $0x20, s5, s14, $0xb8;
	[tilespmem:$0x11F00] =	vst v63  }
0x48: {  	_ =	swait.ge [sflag:s0], $0x1000  }
0x49: {  	[sflag:s0] =	ssyncset.done $0x0  }
0x4a: {  	s5 =	simm.s32 $0x2900;
	[sflag:s0] =	ssyncadd.s32 $0xFFFFF000  }
0x4b: {  	[spmem:s2] =	stream.indirect.scatter.add.f32 [tilespmem:s20], [sflag:$0x9], $0x20, s5, s14, $0xb8;
	[tilespmem:$0x11F00] =	vst v63  }
0x4c: {  	_ =	swait.ge [sflag:s12], $0x1000  }
0x4d: {  	[sflag:s12] =	ssyncset.done $0x0  }
0x4e: {  	s5 =	simm.s32 $0x580;
	[sflag:s12] =	ssyncadd.s32 $0xFFFFF000  }
0x4f: {  	[tilespmem:s20], [sflag:$0x4] =	stream.indirect.gather [hbm4b:s4+s14], $0x20, s5, s14, $0xb8;
	[tilespmem:$0x11F00] =	vst v63  }
0x50: {  	_ =	swait.ge [sflag:s13], $0x1000  }
0x51: {  	[sflag:s13] =	ssyncset.done $0x0  }
0x52: {  	s5 =	simm.s32 $0x2980;
	[sflag:s13] =	ssyncadd.s32 $0xFFFFF000  }
0x53: {  	[spmem:s2] =	stream.indirect.scatter.add.f32 [tilespmem:s22], [sflag:$0x9], $0x20, s5, s14, $0xb8;
	[tilespmem:$0x11F00] =	vst v63  }
0x54: {  	_ =	swait.ge [sflag:s12], $0x1000  }
0x55: {  	[sflag:s12] =	ssyncset.done $0x0  }
0x56: {  	s5 =	simm.s32 $0x600;
	[sflag:s12] =	ssyncadd.s32 $0xFFFFF000  }
0x57: {  	[tilespmem:s22], [sflag:$0x5] =	stream.indirect.gather [hbm4b:s4+s14], $0x20, s5, s14, $0xb8;
	[tilespmem:$0x11F00] =	vst v63  }
0x58: {  	_ =	swait.ge [sflag:s17], $0x1000  }
0x59: {  	[sflag:s17] =	ssyncset.done $0x0  }
0x5a: {  	s5 =	simm.s32 $0x2A00;
	[sflag:s17] =	ssyncadd.s32 $0xFFFFF000  }
0x5b: {  	[spmem:s2] =	stream.indirect.scatter.add.f32 [tilespmem:s24], [sflag:$0x9], $0x20, s5, s14, $0xb8;
	[tilespmem:$0x11F00] =	vst v63  }
0x5c: {  	_ =	swait.ge [sflag:s12], $0x1000  }
0x5d: {  	[sflag:s12] =	ssyncset.done $0x0  }
0x5e: {  	s5 =	simm.s32 $0x680;
	[sflag:s12] =	ssyncadd.s32 $0xFFFFF000  }
0x5f: {  	[tilespmem:s24], [sflag:$0x6] =	stream.indirect.gather [hbm4b:s4+s14], $0x20, s5, s14, $0xb8;
	[tilespmem:$0x11F00] =	vst v63  }
0x60: {  	_ =	swait.ge [sflag:s19], $0x1000  }
0x61: {  	[sflag:s19] =	ssyncset.done $0x0  }
0x62: {  	s5 =	simm.s32 $0x2A80;
	[sflag:s19] =	ssyncadd.s32 $0xFFFFF000  }
0x63: {  	[spmem:s2] =	stream.indirect.scatter.add.f32 [tilespmem:s26], [sflag:$0x9], $0x20, s5, s14, $0xb8;
	[tilespmem:$0x11F00] =	vst v63  }
0x64: {  	_ =	swait.ge [sflag:s12], $0x1000  }
0x65: {  	[sflag:s12] =	ssyncset.done $0x0  }
0x66: {  	s5 =	simm.s32 $0x700;
	[sflag:s12] =	ssyncadd.s32 $0xFFFFF000  }
0x67: {  	[tilespmem:s26], [sflag:$0x7] =	stream.indirect.gather [hbm4b:s4+s14], $0x20, s5, s14, $0xb8;
	[tilespmem:$0x11F00] =	vst v63  }
0x68: {  	_ =	swait.ge [sflag:s21], $0x1000  }
0x69: {  	[sflag:s21] =	ssyncset.done $0x0  }
0x6a: {  	s5 =	simm.s32 $0x2B00;
	[sflag:s21] =	ssyncadd.s32 $0xFFFFF000  }
0x6b: {  	[spmem:s2] =	stream.indirect.scatter.add.f32 [tilespmem:s29], [sflag:$0x9], $0x20, s5, s14, $0xb8;
	[tilespmem:$0x11F00] =	vst v63  }
0x6c: {  	_ =	swait.ge [sflag:s12], $0x1000  }
0x6d: {  	[sflag:s12] =	ssyncset.done $0x0  }
0x6e: {  	s28 =	simm.s32 $0x1000;
	s23 =	simm.s32 $0x780;
	[sflag:s12] =	ssyncadd.s32 $0xFFFFF000  }
.LBB2_2:
0x6f: {  	[tilespmem:s29], [sflag:$0x8] =	stream.indirect.gather [hbm4b:s4+s14], $0x20, s23, s14, $0xb8;
	[tilespmem:$0x11F00] =	vst v63  }
0x70: {  	s23 =	smov.u32 s28  }
0x71: {  	p0 =	sne.s32 s28, $0x7000;
	s28 =	sadd.s32 $0x1000, s28;
	_ =	swait.ge [sflag:s30], $0x1000  }
0x72: {  	s23 =	sshra.s32 s23, $0x2;
	[sflag:s30] =	ssyncset.done $0x0  }
0x73: {  	s5 =	sadd.s32 $0x2780, s23;
	[sflag:s30] =	ssyncadd.s32 $0xFFFFF000  }
0x74: {  	[spmem:s2] =	stream.indirect.scatter.add.f32 [tilespmem:s15], [sflag:$0x9], $0x20, s5, s14, $0xb8;
	[tilespmem:$0x11F00] =	vst v63  }
0x75: {  	_ =	swait.ge [sflag:s12], $0x1000  }
0x76: {  	[sflag:s12] =	ssyncset.done $0x0  }
0x77: {  	s5 =	sadd.s32 $0x400, s23;
	[sflag:s12] =	ssyncadd.s32 $0xFFFFF000  }
0x78: {  	[tilespmem:s15], [sflag:$0x1] =	stream.indirect.gather [hbm4b:s4+s14], $0x20, s5, s14, $0xb8;
	[tilespmem:$0x11F00] =	vst v63  }
0x79: {  	_ =	swait.ge [sflag:s31], $0x1000  }
0x7a: {  	[sflag:s31] =	ssyncset.done $0x0  }
0x7b: {  	s5 =	sadd.s32 $0x2800, s23;
	[sflag:s31] =	ssyncadd.s32 $0xFFFFF000  }
0x7c: {  	[spmem:s2] =	stream.indirect.scatter.add.f32 [tilespmem:s16], [sflag:$0x9], $0x20, s5, s14, $0xb8;
	[tilespmem:$0x11F00] =	vst v63  }
0x7d: {  	_ =	swait.ge [sflag:s12], $0x1000  }
0x7e: {  	[sflag:s12] =	ssyncset.done $0x0  }
0x7f: {  	s5 =	sadd.s32 $0x480, s23;
	[sflag:s12] =	ssyncadd.s32 $0xFFFFF000  }
0x80: {  	[tilespmem:s16], [sflag:$0x2] =	stream.indirect.gather [hbm4b:s4+s14], $0x20, s5, s14, $0xb8;
	[tilespmem:$0x11F00] =	vst v63  }
0x81: {  	_ =	swait.ge [sflag:s1], $0x1000  }
0x82: {  	[sflag:s1] =	ssyncset.done $0x0  }
0x83: {  	s5 =	sadd.s32 $0x2880, s23;
	[sflag:s1] =	ssyncadd.s32 $0xFFFFF000  }
0x84: {  	[spmem:s2] =	stream.indirect.scatter.add.f32 [tilespmem:s18], [sflag:$0x9], $0x20, s5, s14, $0xb8;
	[tilespmem:$0x11F00] =	vst v63  }
0x85: {  	_ =	swait.ge [sflag:s12], $0x1000  }
0x86: {  	[sflag:s12] =	ssyncset.done $0x0  }
0x87: {  	s5 =	sadd.s32 $0x500, s23;
	[sflag:s12] =	ssyncadd.s32 $0xFFFFF000  }
0x88: {  	[tilespmem:s18], [sflag:$0x3] =	stream.indirect.gather [hbm4b:s4+s14], $0x20, s5, s14, $0xb8;
	[tilespmem:$0x11F00] =	vst v63  }
0x89: {  	_ =	swait.ge [sflag:s0], $0x1000  }
0x8a: {  	[sflag:s0] =	ssyncset.done $0x0  }
0x8b: {  	s5 =	sadd.s32 $0x2900, s23;
	[sflag:s0] =	ssyncadd.s32 $0xFFFFF000  }
0x8c: {  	[spmem:s2] =	stream.indirect.scatter.add.f32 [tilespmem:s20], [sflag:$0x9], $0x20, s5, s14, $0xb8;
	[tilespmem:$0x11F00] =	vst v63  }
0x8d: {  	_ =	swait.ge [sflag:s12], $0x1000  }
0x8e: {  	[sflag:s12] =	ssyncset.done $0x0  }
0x8f: {  	s5 =	sadd.s32 $0x580, s23;
	[sflag:s12] =	ssyncadd.s32 $0xFFFFF000  }
0x90: {  	[tilespmem:s20], [sflag:$0x4] =	stream.indirect.gather [hbm4b:s4+s14], $0x20, s5, s14, $0xb8;
	[tilespmem:$0x11F00] =	vst v63  }
0x91: {  	_ =	swait.ge [sflag:s13], $0x1000  }
0x92: {  	[sflag:s13] =	ssyncset.done $0x0  }
0x93: {  	s5 =	sadd.s32 $0x2980, s23;
	[sflag:s13] =	ssyncadd.s32 $0xFFFFF000  }
0x94: {  	[spmem:s2] =	stream.indirect.scatter.add.f32 [tilespmem:s22], [sflag:$0x9], $0x20, s5, s14, $0xb8;
	[tilespmem:$0x11F00] =	vst v63  }
0x95: {  	_ =	swait.ge [sflag:s12], $0x1000  }
0x96: {  	[sflag:s12] =	ssyncset.done $0x0  }
0x97: {  	s5 =	sadd.s32 $0x600, s23;
	[sflag:s12] =	ssyncadd.s32 $0xFFFFF000  }
0x98: {  	[tilespmem:s22], [sflag:$0x5] =	stream.indirect.gather [hbm4b:s4+s14], $0x20, s5, s14, $0xb8;
	[tilespmem:$0x11F00] =	vst v63  }
0x99: {  	_ =	swait.ge [sflag:s17], $0x1000  }
0x9a: {  	[sflag:s17] =	ssyncset.done $0x0  }
0x9b: {  	s5 =	sadd.s32 $0x2A00, s23;
	[sflag:s17] =	ssyncadd.s32 $0xFFFFF000  }
0x9c: {  	[spmem:s2] =	stream.indirect.scatter.add.f32 [tilespmem:s24], [sflag:$0x9], $0x20, s5, s14, $0xb8;
	[tilespmem:$0x11F00] =	vst v63  }
0x9d: {  	_ =	swait.ge [sflag:s12], $0x1000  }
0x9e: {  	[sflag:s12] =	ssyncset.done $0x0  }
0x9f: {  	s5 =	sadd.s32 $0x680, s23;
	[sflag:s12] =	ssyncadd.s32 $0xFFFFF000  }
0xa0: {  	[tilespmem:s24], [sflag:$0x6] =	stream.indirect.gather [hbm4b:s4+s14], $0x20, s5, s14, $0xb8;
	[tilespmem:$0x11F00] =	vst v63  }
0xa1: {  	_ =	swait.ge [sflag:s19], $0x1000  }
0xa2: {  	[sflag:s19] =	ssyncset.done $0x0  }
0xa3: {  	s5 =	sadd.s32 $0x2A80, s23;
	[sflag:s19] =	ssyncadd.s32 $0xFFFFF000  }
0xa4: {  	[spmem:s2] =	stream.indirect.scatter.add.f32 [tilespmem:s26], [sflag:$0x9], $0x20, s5, s14, $0xb8;
	[tilespmem:$0x11F00] =	vst v63  }
0xa5: {  	_ =	swait.ge [sflag:s12], $0x1000  }
0xa6: {  	[sflag:s12] =	ssyncset.done $0x0  }
0xa7: {  	s5 =	sadd.s32 $0x700, s23;
	[sflag:s12] =	ssyncadd.s32 $0xFFFFF000  }
0xa8: {  	[tilespmem:s26], [sflag:$0x7] =	stream.indirect.gather [hbm4b:s4+s14], $0x20, s5, s14, $0xb8;
	[tilespmem:$0x11F00] =	vst v63  }
0xa9: {  	_ =	swait.ge [sflag:s21], $0x1000  }
0xaa: {  	[sflag:s21] =	ssyncset.done $0x0  }
.Ltmp0:
0xab: {  	s5 =	sadd.s32 $0x2B00, s23;
	[sflag:s21] =	ssyncadd.s32 $0xFFFFF000;
	(pc) =	sbr.rel @p0 .LBB2_2-.Ltmp0, $4  }
0xac: {  	[spmem:s2] =	stream.indirect.scatter.add.f32 [tilespmem:s29], [sflag:$0x9], $0x20, s5, s14, $0xb8;
	[tilespmem:$0x11F00] =	vst v63  }
0xad: {  	_ =	swait.ge [sflag:s12], $0x1000  }
0xae: {  	[sflag:s12] =	ssyncset.done $0x0  }
0xaf: {  	s23 =	sadd.s32 $0x780, s23;
	[sflag:s12] =	ssyncadd.s32 $0xFFFFF000  }
0xb0: {  	[tilespmem:s29], [sflag:$0x8] =	stream.indirect.gather [hbm4b:s4+s14], $0x20, s23, s14, $0xb8;
	[tilespmem:$0x11F00] =	vst v63  }
0xb1: {  	_ =	swait.ge [sflag:s30], $0x1000  }
0xb2: {  	[sflag:s30] =	ssyncset.done $0x0  }
0xb3: {  	s5 =	simm.s32 $0x4780;
	[sflag:s30] =	ssyncadd.s32 $0xFFFFF000  }
0xb4: {  	[spmem:s2] =	stream.indirect.scatter.add.f32 [tilespmem:s15], [sflag:$0x9], $0x20, s5, s14, $0xb8;
	[tilespmem:$0x11F00] =	vst v63  }
0xb5: {  	_ =	swait.ge [sflag:s12], $0x1000  }
0xb6: {  	[sflag:s12] =	ssyncset.done $0x0  }
0xb7: {  	s28 =	simm.s32 $0x2400;
	[sflag:s12] =	ssyncadd.s32 $0xFFFFF000  }
0xb8: {  	[tilespmem:s15], [sflag:$0x1] =	stream.indirect.gather [hbm4b:s4+s14], $0x20, s28, s14, $0xb8;
	[tilespmem:$0x11F00] =	vst v63  }
0xb9: {  	_ =	swait.ge [sflag:s31], $0x1000  }
0xba: {  	[sflag:s31] =	ssyncset.done $0x0  }
0xbb: {  	s23 =	simm.s32 $0x4800;
	[sflag:s31] =	ssyncadd.s32 $0xFFFFF000  }
0xbc: {  	[spmem:s2] =	stream.indirect.scatter.add.f32 [tilespmem:s16], [sflag:$0x9], $0x20, s23, s14, $0xb8;
	[tilespmem:$0x11F00] =	vst v63  }
0xbd: {  	_ =	swait.ge [sflag:s12], $0x1000  }
0xbe: {  	[sflag:s12] =	ssyncset.done $0x0  }
0xbf: {  	s28 =	simm.s32 $0x2480;
	[sflag:s12] =	ssyncadd.s32 $0xFFFFF000  }
0xc0: {  	[tilespmem:s16], [sflag:$0x2] =	stream.indirect.gather [hbm4b:s4+s14], $0x20, s28, s14, $0xb8;
	[tilespmem:$0x11F00] =	vst v63  }
0xc1: {  	_ =	swait.ge [sflag:s1], $0x1000  }
0xc2: {  	[sflag:s1] =	ssyncset.done $0x0  }
0xc3: {  	s23 =	simm.s32 $0x4880;
	[sflag:s1] =	ssyncadd.s32 $0xFFFFF000  }
0xc4: {  	[spmem:s2] =	stream.indirect.scatter.add.f32 [tilespmem:s18], [sflag:$0x9], $0x20, s23, s14, $0xb8;
	[tilespmem:$0x11F00] =	vst v63  }
0xc5: {  	_ =	swait.ge [sflag:s12], $0x1000  }
0xc6: {  	[sflag:s12] =	ssyncset.done $0x0  }
0xc7: {  	s28 =	simm.s32 $0x2500;
	[sflag:s12] =	ssyncadd.s32 $0xFFFFF000  }
0xc8: {  	[tilespmem:s18], [sflag:$0x3] =	stream.indirect.gather [hbm4b:s4+s14], $0x20, s28, s14, $0xb8;
	[tilespmem:$0x11F00] =	vst v63  }
0xc9: {  	_ =	swait.ge [sflag:s0], $0x1000  }
0xca: {  	[sflag:s0] =	ssyncset.done $0x0  }
0xcb: {  	s23 =	simm.s32 $0x4900;
	[sflag:s0] =	ssyncadd.s32 $0xFFFFF000  }
0xcc: {  	[spmem:s2] =	stream.indirect.scatter.add.f32 [tilespmem:s20], [sflag:$0x9], $0x20, s23, s14, $0xb8;
	[tilespmem:$0x11F00] =	vst v63  }
0xcd: {  	_ =	swait.ge [sflag:s12], $0x1000  }
0xce: {  	[sflag:s12] =	ssyncset.done $0x0  }
0xcf: {  	s28 =	simm.s32 $0x2580;
	[sflag:s12] =	ssyncadd.s32 $0xFFFFF000  }
0xd0: {  	[tilespmem:s20], [sflag:$0x4] =	stream.indirect.gather [hbm4b:s4+s14], $0x20, s28, s14, $0xb8;
	[tilespmem:$0x11F00] =	vst v63  }
0xd1: {  	_ =	swait.ge [sflag:s13], $0x1000  }
0xd2: {  	[sflag:s13] =	ssyncset.done $0x0  }
0xd3: {  	s23 =	simm.s32 $0x4980;
	[sflag:s13] =	ssyncadd.s32 $0xFFFFF000  }
0xd4: {  	[spmem:s2] =	stream.indirect.scatter.add.f32 [tilespmem:s22], [sflag:$0x9], $0x20, s23, s14, $0xb8;
	[tilespmem:$0x11F00] =	vst v63  }
0xd5: {  	_ =	swait.ge [sflag:s12], $0x1000  }
0xd6: {  	[sflag:s12] =	ssyncset.done $0x0  }
0xd7: {  	s28 =	simm.s32 $0x2600;
	[sflag:s12] =	ssyncadd.s32 $0xFFFFF000  }
0xd8: {  	[tilespmem:s22], [sflag:$0x5] =	stream.indirect.gather [hbm4b:s4+s14], $0x20, s28, s14, $0xb8;
	[tilespmem:$0x11F00] =	vst v63  }
0xd9: {  	_ =	swait.ge [sflag:s17], $0x1000  }
0xda: {  	[sflag:s17] =	ssyncset.done $0x0  }
0xdb: {  	s23 =	simm.s32 $0x4A00;
	[sflag:s17] =	ssyncadd.s32 $0xFFFFF000  }
0xdc: {  	[spmem:s2] =	stream.indirect.scatter.add.f32 [tilespmem:s24], [sflag:$0x9], $0x20, s23, s14, $0xb8;
	[tilespmem:$0x11F00] =	vst v63  }
0xdd: {  	_ =	swait.ge [sflag:s12], $0x1000  }
0xde: {  	[sflag:s12] =	ssyncset.done $0x0  }
0xdf: {  	s28 =	simm.s32 $0x2680;
	[sflag:s12] =	ssyncadd.s32 $0xFFFFF000  }
0xe0: {  	[tilespmem:s24], [sflag:$0x6] =	stream.indirect.gather [hbm4b:s4+s14], $0x20, s28, s14, $0xb8;
	[tilespmem:$0x11F00] =	vst v63  }
0xe1: {  	_ =	swait.ge [sflag:s19], $0x1000  }
0xe2: {  	[sflag:s19] =	ssyncset.done $0x0  }
0xe3: {  	s23 =	simm.s32 $0x4A80;
	[sflag:s19] =	ssyncadd.s32 $0xFFFFF000  }
0xe4: {  	[spmem:s2] =	stream.indirect.scatter.add.f32 [tilespmem:s26], [sflag:$0x9], $0x20, s23, s14, $0xb8;
	[tilespmem:$0x11F00] =	vst v63  }
0xe5: {  	_ =	swait.ge [sflag:s12], $0x1000  }
0xe6: {  	[sflag:s12] =	ssyncset.done $0x0  }
0xe7: {  	s28 =	simm.s32 $0x2700;
	[sflag:s12] =	ssyncadd.s32 $0xFFFFF000  }
0xe8: {  	[tilespmem:s26], [sflag:$0x7] =	stream.indirect.gather [hbm4b:s4+s14], $0x20, s28, s14, $0xb8;
	[tilespmem:$0x11F00] =	vst v63  }
0xe9: {  	_ =	swait.ge [sflag:s21], $0x1000  }
0xea: {  	[sflag:s21] =	ssyncset.done $0x0  }
0xeb: {  	s23 =	simm.s32 $0x4B00;
	[sflag:s21] =	ssyncadd.s32 $0xFFFFF000  }
0xec: {  	[spmem:s2] =	stream.indirect.scatter.add.f32 [tilespmem:s29], [sflag:$0x9], $0x20, s23, s14, $0xb8;
	[tilespmem:$0x11F00] =	vst v63  }
0xed: {  	_ =	swait.ge [sflag:s12], $0x1000  }
0xee: {  	[sflag:s12] =	ssyncset.done $0x0  }
0xef: {  	[sflag:s12] =	ssyncadd.s32 $0xFFFFF000  }
0xf0: {  	_ =	swait.ge [sflag:s30], $0x1000  }
0xf1: {  	[sflag:s30] =	ssyncset.done $0x0  }
0xf2: {  	s28 =	simm.s32 $0x4B80;
	[sflag:s30] =	ssyncadd.s32 $0xFFFFF000  }
0xf3: {  	[spmem:s2] =	stream.indirect.scatter.add.f32 [tilespmem:s15], [sflag:$0x9], $0x20, s28, s14, $0xb8;
	[tilespmem:$0x11F00] =	vst v63  }
0xf4: {  	_ =	swait.ge [sflag:s12], $0x1000  }
0xf5: {  	[sflag:s12] =	ssyncset.done $0x0  }
0xf6: {  	[sflag:s12] =	ssyncadd.s32 $0xFFFFF000  }
0xf7: {  	_ =	swait.ge [sflag:s31], $0x1000  }
0xf8: {  	[sflag:s31] =	ssyncset.done $0x0  }
0xf9: {  	s23 =	simm.s32 $0x4C00;
	[sflag:s31] =	ssyncadd.s32 $0xFFFFF000  }
0xfa: {  	[spmem:s2] =	stream.indirect.scatter.add.f32 [tilespmem:s16], [sflag:$0x9], $0x20, s23, s14, $0xb8;
	[tilespmem:$0x11F00] =	vst v63  }
0xfb: {  	_ =	swait.ge [sflag:s12], $0x1000  }
0xfc: {  	[sflag:s12] =	ssyncset.done $0x0  }
0xfd: {  	[sflag:s12] =	ssyncadd.s32 $0xFFFFF000  }
0xfe: {  	_ =	swait.ge [sflag:s1], $0x1000  }
0xff: {  	[sflag:s1] =	ssyncset.done $0x0  }
0x100: {  	s28 =	simm.s32 $0x4C80;
	[sflag:s1] =	ssyncadd.s32 $0xFFFFF000  }
0x101: {  	[spmem:s2] =	stream.indirect.scatter.add.f32 [tilespmem:s18], [sflag:$0x9], $0x20, s28, s14, $0xb8;
	[tilespmem:$0x11F00] =	vst v63  }
0x102: {  	_ =	swait.ge [sflag:s12], $0x1000  }
0x103: {  	[sflag:s12] =	ssyncset.done $0x0  }
0x104: {  	[sflag:s12] =	ssyncadd.s32 $0xFFFFF000  }
0x105: {  	_ =	swait.ge [sflag:s0], $0x1000  }
0x106: {  	[sflag:s0] =	ssyncset.done $0x0  }
0x107: {  	s23 =	simm.s32 $0x4D00;
	[sflag:s0] =	ssyncadd.s32 $0xFFFFF000  }
0x108: {  	[spmem:s2] =	stream.indirect.scatter.add.f32 [tilespmem:s20], [sflag:$0x9], $0x20, s23, s14, $0xb8;
	[tilespmem:$0x11F00] =	vst v63  }
0x109: {  	_ =	swait.ge [sflag:s12], $0x1000  }
0x10a: {  	[sflag:s12] =	ssyncset.done $0x0  }
0x10b: {  	[sflag:s12] =	ssyncadd.s32 $0xFFFFF000  }
0x10c: {  	_ =	swait.ge [sflag:s13], $0x1000  }
0x10d: {  	[sflag:s13] =	ssyncset.done $0x0  }
0x10e: {  	s28 =	simm.s32 $0x4D80;
	[sflag:s13] =	ssyncadd.s32 $0xFFFFF000  }
0x10f: {  	[spmem:s2] =	stream.indirect.scatter.add.f32 [tilespmem:s22], [sflag:$0x9], $0x20, s28, s14, $0xb8;
	[tilespmem:$0x11F00] =	vst v63  }
0x110: {  	_ =	swait.ge [sflag:s12], $0x1000  }
0x111: {  	[sflag:s12] =	ssyncset.done $0x0  }
0x112: {  	[sflag:s12] =	ssyncadd.s32 $0xFFFFF000  }
0x113: {  	_ =	swait.ge [sflag:s17], $0x1000  }
0x114: {  	[sflag:s17] =	ssyncset.done $0x0  }
0x115: {  	s23 =	simm.s32 $0x4E00;
	[sflag:s17] =	ssyncadd.s32 $0xFFFFF000  }
0x116: {  	[spmem:s2] =	stream.indirect.scatter.add.f32 [tilespmem:s24], [sflag:$0x9], $0x20, s23, s14, $0xb8;
	[tilespmem:$0x11F00] =	vst v63  }
0x117: {  	_ =	swait.ge [sflag:s12], $0x1000  }
0x118: {  	[sflag:s12] =	ssyncset.done $0x0  }
0x119: {  	[sflag:s12] =	ssyncadd.s32 $0xFFFFF000  }
0x11a: {  	_ =	swait.ge [sflag:s19], $0x1000  }
0x11b: {  	[sflag:s19] =	ssyncset.done $0x0  }
0x11c: {  	s28 =	simm.s32 $0x4E80;
	[sflag:s19] =	ssyncadd.s32 $0xFFFFF000  }
0x11d: {  	[spmem:s2] =	stream.indirect.scatter.add.f32 [tilespmem:s26], [sflag:$0x9], $0x20, s28, s14, $0xb8;
	[tilespmem:$0x11F00] =	vst v63  }
0x11e: {  	_ =	swait.ge [sflag:s12], $0x1000  }
0x11f: {  	s25 =	sadd.s32 $0x1, s25;
	[sflag:s12] =	ssyncset.done $0x0  }
0x120: {  	p0 =	sne.s32 s25, s10;
	[sflag:s12] =	ssyncadd.s32 $0xFFFFF000  }
.Ltmp1:
0x121: {  	[bflag:$0x0] =	sbarrier.arrive $0xFFFF;
	(pc) =	sbr.rel @p0 .LBB2_1-.Ltmp1, $4  }
0x122: {  	[hbm:s9], [sflag:s6] =	dma.local [spmem:s11], $0xA00  }
0x123: {  	_ =	swait.ge [sflag:s12], $0xA00  }
0x124: {  	[sflag:s12] =	ssyncset.done $0x0  }
0x125: {  	[sflag:s12] =	ssyncadd.s32 $0xFFFFF600  }
0x126: {  	_ =	sfence.sel $0x180000  }
0x127: {  	[bflag:$0x0] =	sbarrier.arrive $0xFFFF  }
0x128: {  	_ =	strace $0x90000047  }
0x129: {  	s0 =	stileid.u32;
	[bflag:$0x2] =	sbarrier.arrive $0xFFFF  }
0x12a: {  	p0 =	sne.s32 s0, $0x0;
	s0 =	rddreg [dreg:$0x2]  }
0x12b: {  	s0 =	sadd.s32 @!p0 $0x100000, s0  }
0x12c: {  	[sflag:s0] =	ssyncadd.tile.s32 @!p0 $0x1;
	_ =	shalt  }
.Lfunc_end2:
_tile_overlayer_lowered:
.L_overlay_start_2:
0x12d: {  	(tag) =	ssettag $0x2  }
0x12e: {  	s0 =	rddreg [dreg:$0x0];
	s2 =	stileid.u32  }
0x12f: {  	s1 =	rddreg [dreg:$0x1];
	p0 =	sne.s32 s2, $0x0  }
0x130: {  	s3 =	rddreg [dreg:$0x2];
	[bflag:$0x3] =	sbarrier.arrive $0xFFFF;
	s2 =	simm.s32 @!p0 $0x1C09  }
0x131: {  	[timem:s3], [sflag:s2] =	dma.local @!p0 [hbm:s0], s1  }
0x132: {  	s0 =	simm.s32 @!p0 $0x9  }
0x133: {  	_ =	swait.ge @!p0 [sflag:s0], s1  }
0x134: {  	s1 =	ssub.s32 @!p0 $0x0, s1;
	[sflag:s0] =	ssyncset.done @!p0 $0x0  }
0x135: {  	[sflag:s0] =	ssyncadd.s32 @!p0 s1  }
0x136: {  	[bflag:$0x3] =	sbarrier.arrive $0xFFFF  }
0x137: {  	_ =	shalt  }

</sc_bundles>
